<compile_context>
chip_gen: v7x
topology: tpu7x:2x2x1
jax: 0.10.2.dev20260603
libtpu: 0.0.44.dev20260713+nightly
codegen_flags: <defaults>
</compile_context>

<pallas_src>
import functools

import jax
import jax.numpy as jnp
from jax import lax
from jax.experimental import pallas as pl
from jax.experimental.pallas import tpu as pltpu
from jax.experimental.pallas import tpu_sc as plsc

N = 10000
E = 320000
F = 128
NEG_SLOPE = 0.2

NC = 2
NS = 16
L = 16

CH = 80
RPT = 125
E_ROWS = E // CH
NZ = 1000

MMB = 1000
GRID1 = N // MMB


def _mm_body(x_ref, w_ref, a1_ref, a2_ref, wh_ref, s1_ref, s2_ref, m_ref):
    i = pl.program_id(0)
    wh = jnp.dot(x_ref[...], w_ref[...], preferred_element_type=jnp.float32)
    wh_ref[...] = wh
    s1 = jnp.dot(wh, a1_ref[...], preferred_element_type=jnp.float32)
    s2 = jnp.dot(wh, a2_ref[...], preferred_element_type=jnp.float32)
    s1_ref[...] = s1
    s2_ref[...] = s2

    @pl.when(i == 0)
    def _():
        m_ref[...] = jnp.full((8, 128), -jnp.inf, jnp.float32)

    cur = jnp.maximum(jnp.max(s1), jnp.max(s2))
    m_ref[...] = jnp.maximum(m_ref[...], cur)


def _elu_body(h0_ref, h1_ref, o_ref):
    o = h0_ref[...] + h1_ref[...]
    o_ref[...] = jnp.where(o > 0.0, o, jnp.exp(o) - 1.0)


CR = 25
NCHUNK = RPT // CR


def _sc_body(wh_hbm, s1_hbm, s2_hbm, src_hbm, dst_hbm, shift_hbm, zh_hbm,
             zn_hbm, hpart_hbm, expout_hbm,
             s1_t, s2_t, csrc, cdst, cexp, shift_t, rb0, rb1, shsum, shh,
             sem, gs0, gs1, ss0, ss1):
    c = lax.axis_index("c")
    s = lax.axis_index("s")

    @pl.when(s < 10)
    def _():
        pltpu.sync_copy(zh_hbm, shh.at[pl.ds(s * NZ, NZ)])
        pltpu.sync_copy(zn_hbm, shsum.at[pl.ds(s * NZ, NZ)])

    pltpu.sync_copy(s1_hbm, s1_t)
    pltpu.sync_copy(s2_hbm, s2_t)
    pltpu.sync_copy(shift_hbm, shift_t)
    aidx = c * NS + s
    bidx = (1 - c) * NS + s
    plsc.subcore_barrier()

    shift_v = shift_t[...]

    def p1_body(j, carry):
        gidx = jnp.where(j < NCHUNK, aidx, bidx)
        row = (j % NCHUNK) * CR
        pltpu.sync_copy(src_hbm.at[gidx, pl.ds(row, CR)], csrc)
        pltpu.sync_copy(dst_hbm.at[gidx, pl.ds(row, CR)], cdst)

        def body(i, carry2):
            for k in range(CH // L):
                sl = pl.ds(k * L, L)
                sv = csrc[i, sl]
                dv = cdst[i, sl]
                z = plsc.load_gather(s1_t, [sv]) + plsc.load_gather(s2_t, [dv])
                e = jnp.maximum(z, NEG_SLOPE * z) - shift_v
                cexp[i, sl] = jnp.exp(e)
            return carry2
        lax.fori_loop(0, CR, body, 0, unroll=False)

        @pl.when(j < NCHUNK)
        def _():
            pltpu.sync_copy(cexp, expout_hbm.at[aidx, pl.ds(row, CR)])

        def sbody(i, carry2):
            pltpu.async_copy(cexp.at[i], shsum.at[cdst.at[i]], sem, add=True)
            return carry2
        lax.fori_loop(0, CR, sbody, 0, unroll=False)

        def dbody(i, carry2):
            pltpu.make_async_copy(cexp.at[0], shsum.at[cdst.at[0]], sem).wait()
            return carry2
        lax.fori_loop(0, CR, dbody, 0, unroll=False)
        return carry
    lax.fori_loop(0, 2 * NCHUNK, p1_body, 0, unroll=False)
    plsc.subcore_barrier()

    pltpu.sync_copy(shsum, s1_t)

    def scale_rows(rb, r):
        def scale_body(g, carry3):
            av16 = cexp[r, pl.ds(g * L, L)]
            for jj in range(L):
                av = jnp.full((L,), av16[jj], jnp.float32)
                rr = g * L + jj
                for k in range(F // L):
                    sl = pl.ds(k * L, L)
                    rb[rr, sl] = rb[rr, sl] * av
            return carry3
        lax.fori_loop(0, CH // L, scale_body, 0, unroll=False)

    def pipe_step(r, cur, nxt, gcur, gnxt, snxt, scur):
        pltpu.make_async_copy(wh_hbm.at[csrc.at[r]], cur, gcur).wait()

        @pl.when(r >= 1)
        def _():
            pltpu.make_async_copy(nxt, shh.at[cdst.at[0]], snxt).wait()

        @pl.when(r < CR - 1)
        def _():
            pltpu.async_copy(wh_hbm.at[csrc.at[r + 1]], nxt, gnxt)

        scale_rows(cur, r)
        pltpu.async_copy(cur, shh.at[cdst.at[r]], scur, add=True)

    def p3_body(j, carry):
        row = j * CR
        pltpu.sync_copy(src_hbm.at[aidx, pl.ds(row, CR)], csrc)
        pltpu.sync_copy(dst_hbm.at[aidx, pl.ds(row, CR)], cdst)
        pltpu.sync_copy(expout_hbm.at[aidx, pl.ds(row, CR)], cexp)

        def alpha_body(i, carry2):
            for k in range(CH // L):
                sl = pl.ds(k * L, L)
                dv = cdst[i, sl]
                den = plsc.load_gather(s1_t, [dv]) + 1e-16
                cexp[i, sl] = cexp[i, sl] / den
            return carry2
        lax.fori_loop(0, CR, alpha_body, 0, unroll=False)

        pltpu.async_copy(wh_hbm.at[csrc.at[0]], rb0, gs0)

        def row_body(r, carry2):
            @pl.when(r % 2 == 0)
            def _():
                pipe_step(r, rb0, rb1, gs0, gs1, ss1, ss0)

            @pl.when(r % 2 == 1)
            def _():
                pipe_step(r, rb1, rb0, gs1, gs0, ss0, ss1)
            return carry2
        lax.fori_loop(0, CR, row_body, 0, unroll=False)
        pltpu.make_async_copy(rb0, shh.at[cdst.at[0]], ss0).wait()
        return carry
    lax.fori_loop(0, NCHUNK, p3_body, 0, unroll=False)
    plsc.subcore_barrier()

    @pl.when(s < 10)
    def _():
        rs = s * NZ
        pltpu.sync_copy(shh.at[pl.ds(rs, NZ)], hpart_hbm.at[c, pl.ds(rs, NZ)])


_sc_call = pl.kernel(
    _sc_body,
    out_type=[
        jax.ShapeDtypeStruct((NC, N, F), jnp.float32),
        jax.ShapeDtypeStruct((NC * NS, RPT, CH), jnp.float32),
    ],
    mesh=plsc.VectorSubcoreMesh(core_axis_name="c", subcore_axis_name="s"),
    scratch_types=[
        pltpu.VMEM((N,), jnp.float32),
        pltpu.VMEM((N,), jnp.float32),
        pltpu.VMEM((CR, CH), jnp.int32),
        pltpu.VMEM((CR, CH), jnp.int32),
        pltpu.VMEM((CR, CH), jnp.float32),
        pltpu.VMEM((L,), jnp.float32),
        pltpu.VMEM((CH, F), jnp.float32),
        pltpu.VMEM((CH, F), jnp.float32),
        pltpu.VMEM_SHARED((N,), jnp.float32),
        pltpu.VMEM_SHARED((N, F), jnp.float32),
        pltpu.SemaphoreType.DMA,
        pltpu.SemaphoreType.DMA,
        pltpu.SemaphoreType.DMA,
        pltpu.SemaphoreType.DMA,
        pltpu.SemaphoreType.DMA,
    ],
    compiler_params=pltpu.CompilerParams(
        use_tc_tiling_on_sc=False, needs_layout_passes=False),
)


@functools.partial(jax.jit, static_argnames=())
def kernel(x, edge_index, W, a):
    a1 = a[:F].reshape(F, 1)
    a2 = a[F:].reshape(F, 1)

    wh, s1, s2, m = pl.pallas_call(
        _mm_body,
        grid=(GRID1,),
        in_specs=[
            pl.BlockSpec((MMB, F), lambda i: (i, 0)),
            pl.BlockSpec((F, F), lambda i: (0, 0)),
            pl.BlockSpec((F, 1), lambda i: (0, 0)),
            pl.BlockSpec((F, 1), lambda i: (0, 0)),
        ],
        out_specs=[
            pl.BlockSpec((MMB, F), lambda i: (i, 0)),
            pl.BlockSpec((MMB, 1), lambda i: (i, 0)),
            pl.BlockSpec((MMB, 1), lambda i: (i, 0)),
            pl.BlockSpec((8, 128), lambda i: (0, 0)),
        ],
        out_shape=[
            jax.ShapeDtypeStruct((N, F), jnp.float32),
            jax.ShapeDtypeStruct((N, 1), jnp.float32),
            jax.ShapeDtypeStruct((N, 1), jnp.float32),
            jax.ShapeDtypeStruct((8, 128), jnp.float32),
        ],
    )(x, W, a1, a2)

    ei = edge_index.astype(jnp.int32)
    src2 = ei[0].reshape(NC * NS, RPT, CH)
    dst2 = ei[1].reshape(NC * NS, RPT, CH)
    mx = jnp.max(m)
    shift = jnp.maximum(2.0 * mx, NEG_SLOPE * 2.0 * mx)
    shift_arr = jnp.full((L,), shift, jnp.float32)
    zh = jnp.zeros((NZ, F), jnp.float32)
    zn = jnp.zeros((NZ,), jnp.float32)

    hpart, _ = _sc_call(wh, s1.reshape(N), s2.reshape(N), src2, dst2,
                        shift_arr, zh, zn)

    out = pl.pallas_call(
        _elu_body,
        grid=(GRID1,),
        in_specs=[
            pl.BlockSpec((MMB, F), lambda i: (i, 0)),
            pl.BlockSpec((MMB, F), lambda i: (i, 0)),
        ],
        out_specs=pl.BlockSpec((MMB, F), lambda i: (i, 0)),
        out_shape=jax.ShapeDtypeStruct((N, F), jnp.float32),
    )(hpart[0], hpart[1])
    return out

# --- scband reference (transcript-rebuilt; emitter-appended) ---
"""Pipeline reference for scband-sparse-graph-attention-layer-51333449121925 (READ-ONLY COPY).

The authoritative reference and input builder live on the scoring server;
editing this copy changes nothing except your own understanding.
"""

import jax, jax.numpy as jnp
import numpy as np

N_NODES = 10000
N_EDGES = 320000
IN_F = 128
OUT_F = 128
ALPHA = 0.2


def setup_inputs(seed: int = 0) -> dict:
    key = jax.random.key(seed)
    k1, k2, k3, k4 = jax.random.split(key, 4)
    x = jax.random.normal(k1, (N_NODES, IN_F), dtype=jnp.float32)
    edge_index = jax.random.randint(k2, (2, N_EDGES), 0, N_NODES, dtype=jnp.int64)
    # xavier_uniform with gain=1.414
    gain = 1.414
    limit_W = gain * np.sqrt(6.0 / (IN_F + OUT_F))
    W = jax.random.uniform(k3, (IN_F, OUT_F), dtype=jnp.float32, minval=-limit_W, maxval=limit_W)
    limit_a = gain * np.sqrt(6.0 / (2 * OUT_F + 1))
    a = jax.random.uniform(k4, (2 * OUT_F, 1), dtype=jnp.float32, minval=-limit_a, maxval=limit_a)
    return {"x": x, "edge_index": edge_index, "W": W, "a": a}


def softmax_sparse(src, index, num_nodes):
    # torch index_reduce_ amax with include_self=False: unindexed rows stay 0
    e_max = jax.ops.segment_max(src, index, num_segments=num_nodes)
    e_max = jnp.where(jnp.isneginf(e_max), 0.0, e_max)
    e_exp = jnp.exp(src - e_max[index])
    e_sum = jax.ops.segment_sum(e_exp, index, num_segments=num_nodes)
    return e_exp / (e_sum[index] + 1e-16)


def reference(x, edge_index, W, a):
    N = x.shape[0]
    Wh = x @ W
    source_nodes = edge_index[0]
    target_nodes = edge_index[1]
    edge_h = jnp.concatenate((Wh[source_nodes], Wh[target_nodes]), axis=1)
    e = jax.nn.leaky_relu(jnp.squeeze(edge_h @ a), negative_slope=ALPHA)
    alpha = softmax_sparse(e, target_nodes, N)
    # F.dropout with training=False is identity (eval mode)
    v_weighted = Wh[source_nodes] * alpha[:, None]
    h_prime = jnp.zeros_like(Wh).at[target_nodes].add(v_weighted)
    # concat=True -> elu
    return jax.nn.elu(h_prime)

if __name__ == "__main__":
    import jax
    _d = setup_inputs()
    print(jax.jit(kernel)(*tuple(_d.values())))

</pallas_src>

<mosaic_0001>
#map = affine_map<(d0, d1) -> (0, 0)>
#map1 = affine_map<(d0, d1) -> (0)>
#map2 = affine_map<(d0, d1) -> (0, 0, 0)>
module attributes {stable_mosaic.version = 14 : i64} {
  func.func @_sc_body(%arg0: i32, %arg1: i32, %arg2: memref<10000x128xf32, #tpu.memory_space<hbm>>, %arg3: memref<10000xf32, #tpu.memory_space<hbm>>, %arg4: memref<10000xf32, #tpu.memory_space<hbm>>, %arg5: memref<32x125x80xi32, #tpu.memory_space<hbm>>, %arg6: memref<32x125x80xi32, #tpu.memory_space<hbm>>, %arg7: memref<16xf32, #tpu.memory_space<hbm>>, %arg8: memref<1000x128xf32, #tpu.memory_space<hbm>>, %arg9: memref<1000xf32, #tpu.memory_space<hbm>>, %arg10: memref<2x10000x128xf32, #tpu.memory_space<hbm>>, %arg11: memref<32x125x80xf32, #tpu.memory_space<hbm>>, %arg12: memref<10000xf32, #tpu.memory_space<vmem>>, %arg13: memref<10000xf32, #tpu.memory_space<vmem>>, %arg14: memref<25x80xi32, #tpu.memory_space<vmem>>, %arg15: memref<25x80xi32, #tpu.memory_space<vmem>>, %arg16: memref<25x80xf32, #tpu.memory_space<vmem>>, %arg17: memref<16xf32, #tpu.memory_space<vmem>>, %arg18: memref<80x128xf32, #tpu.memory_space<vmem>>, %arg19: memref<80x128xf32, #tpu.memory_space<vmem>>, %arg20: memref<10000xf32, #tpu.memory_space<vmem_shared>>, %arg21: memref<10000x128xf32, #tpu.memory_space<vmem_shared>>, %arg22: memref<!tpu.dma_semaphore, #tpu.memory_space<semaphore_mem>>, %arg23: memref<!tpu.dma_semaphore, #tpu.memory_space<semaphore_mem>>, %arg24: memref<!tpu.dma_semaphore, #tpu.memory_space<semaphore_mem>>, %arg25: memref<!tpu.dma_semaphore, #tpu.memory_space<semaphore_mem>>, %arg26: memref<!tpu.dma_semaphore, #tpu.memory_space<semaphore_mem>>) attributes {dimension_semantics = [#tpu.dimension_semantics<core_parallel>, #tpu.dimension_semantics<subcore_parallel>], iteration_bounds = array<i64: 2, 16>, scalar_prefetch = 0 : i64, scratch_operands = 15 : i64, tpu.core_type = #tpu.core_type<sc_vector_subcore>, window_params = [{transform_indices = #map}, {transform_indices = #map1}, {transform_indices = #map1}, {transform_indices = #map2}, {transform_indices = #map2}, {transform_indices = #map1}, {transform_indices = #map}, {transform_indices = #map1}, {transform_indices = #map2}, {transform_indices = #map2}]} {
    %lt3A = arith.constant 10 : i32
    %lt3A_0 = arith.cmpi slt, %arg1, %lt3A : i32
    %convert_element_type3A = arith.extui %lt3A_0 : i1 to i32
    %cond3A = arith.constant 0 : i32
    %cond3A_1 = arith.cmpi ne, %convert_element_type3A, %cond3A : i32
    scf.if %cond3A_1 {
      %mul3A_26 = arith.constant 1000 : i32
      %mul3A_27 = arith.muli %arg1, %mul3A_26 : i32
      "tpu.region"() ({
        %run_scoped3A = tpu.sem_alloc : memref<!tpu.dma_semaphore, #tpu.memory_space<semaphore_mem>>
        %dma_start3A = arith.constant 0 : i32
        %dma_start3A_30 = tpu.memref_slice %arg21[%mul3A_27, %dma_start3A] : memref<10000x128xf32, #tpu.memory_space<vmem_shared>> -> memref<1000x128xf32, #tpu.memory_space<vmem_shared>>
        tpu.enqueue_dma source(%arg8 : memref<1000x128xf32, #tpu.memory_space<hbm>>) target(%dma_start3A_30 : memref<1000x128xf32, #tpu.memory_space<vmem_shared>>) target_semaphore(%run_scoped3A : memref<!tpu.dma_semaphore, #tpu.memory_space<semaphore_mem>>)
        %dma_wait3A = arith.constant 0 : i32
        %dma_wait3A_31 = tpu.memref_slice %arg21[%mul3A_27, %dma_wait3A] : memref<10000x128xf32, #tpu.memory_space<vmem_shared>> -> memref<1000x128xf32, #tpu.memory_space<vmem_shared>>
        tpu.wait_dma2 semaphore(%run_scoped3A : memref<!tpu.dma_semaphore, #tpu.memory_space<semaphore_mem>>) src(%arg8 : memref<1000x128xf32, #tpu.memory_space<hbm>>) dst(%dma_wait3A_31 : memref<1000x128xf32, #tpu.memory_space<vmem_shared>>)
        tpu.yield
      }) : () -> ()
      %mul3A_28 = arith.constant 1000 : i32
      %mul3A_29 = arith.muli %arg1, %mul3A_28 : i32
      "tpu.region"() ({
        %run_scoped3A = tpu.sem_alloc : memref<!tpu.dma_semaphore, #tpu.memory_space<semaphore_mem>>
        %dma_start3A = tpu.memref_slice %arg20[%mul3A_29] : memref<10000xf32, #tpu.memory_space<vmem_shared>> -> memref<1000xf32, #tpu.memory_space<vmem_shared>>
        tpu.enqueue_dma source(%arg9 : memref<1000xf32, #tpu.memory_space<hbm>>) target(%dma_start3A : memref<1000xf32, #tpu.memory_space<vmem_shared>>) target_semaphore(%run_scoped3A : memref<!tpu.dma_semaphore, #tpu.memory_space<semaphore_mem>>)
        %dma_wait3A = tpu.memref_slice %arg20[%mul3A_29] : memref<10000xf32, #tpu.memory_space<vmem_shared>> -> memref<1000xf32, #tpu.memory_space<vmem_shared>>
        tpu.wait_dma2 semaphore(%run_scoped3A : memref<!tpu.dma_semaphore, #tpu.memory_space<semaphore_mem>>) src(%arg9 : memref<1000xf32, #tpu.memory_space<hbm>>) dst(%dma_wait3A : memref<1000xf32, #tpu.memory_space<vmem_shared>>)
        tpu.yield
      }) : () -> ()
    } else {
    }
    "tpu.region"() ({
      %run_scoped3A = tpu.sem_alloc : memref<!tpu.dma_semaphore, #tpu.memory_space<semaphore_mem>>
      tpu.enqueue_dma source(%arg3 : memref<10000xf32, #tpu.memory_space<hbm>>) target(%arg12 : memref<10000xf32, #tpu.memory_space<vmem>>) target_semaphore(%run_scoped3A : memref<!tpu.dma_semaphore, #tpu.memory_space<semaphore_mem>>)
      tpu.wait_dma2 semaphore(%run_scoped3A : memref<!tpu.dma_semaphore, #tpu.memory_space<semaphore_mem>>) src(%arg3 : memref<10000xf32, #tpu.memory_space<hbm>>) dst(%arg12 : memref<10000xf32, #tpu.memory_space<vmem>>)
      tpu.yield
    }) : () -> ()
    "tpu.region"() ({
      %run_scoped3A = tpu.sem_alloc : memref<!tpu.dma_semaphore, #tpu.memory_space<semaphore_mem>>
      tpu.enqueue_dma source(%arg4 : memref<10000xf32, #tpu.memory_space<hbm>>) target(%arg13 : memref<10000xf32, #tpu.memory_space<vmem>>) target_semaphore(%run_scoped3A : memref<!tpu.dma_semaphore, #tpu.memory_space<semaphore_mem>>)
      tpu.wait_dma2 semaphore(%run_scoped3A : memref<!tpu.dma_semaphore, #tpu.memory_space<semaphore_mem>>) src(%arg4 : memref<10000xf32, #tpu.memory_space<hbm>>) dst(%arg13 : memref<10000xf32, #tpu.memory_space<vmem>>)
      tpu.yield
    }) : () -> ()
    "tpu.region"() ({
      %run_scoped3A = tpu.sem_alloc : memref<!tpu.dma_semaphore, #tpu.memory_space<semaphore_mem>>
      tpu.enqueue_dma source(%arg7 : memref<16xf32, #tpu.memory_space<hbm>>) target(%arg17 : memref<16xf32, #tpu.memory_space<vmem>>) target_semaphore(%run_scoped3A : memref<!tpu.dma_semaphore, #tpu.memory_space<semaphore_mem>>)
      tpu.wait_dma2 semaphore(%run_scoped3A : memref<!tpu.dma_semaphore, #tpu.memory_space<semaphore_mem>>) src(%arg7 : memref<16xf32, #tpu.memory_space<hbm>>) dst(%arg17 : memref<16xf32, #tpu.memory_space<vmem>>)
      tpu.yield
    }) : () -> ()
    %mul3A = arith.constant 16 : i32
    %mul3A_2 = arith.muli %arg0, %mul3A : i32
    %add3A = arith.addi %mul3A_2, %arg1 : i32
    %sub3A = arith.constant 1 : i32
    %sub3A_3 = arith.subi %sub3A, %arg0 : i32
    %mul3A_4 = arith.constant 16 : i32
    %mul3A_5 = arith.muli %sub3A_3, %mul3A_4 : i32
    %add3A_6 = arith.addi %mul3A_5, %arg1 : i32
    %barrier3A = arith.constant 0 : index
    tpu.barrier barrier_id(%barrier3A)
    %get3A = arith.constant 0 : index
    %get3A_7 = tpu.vector_load %arg17[%get3A] {strides = array<i32>} : memref<16xf32, #tpu.memory_space<vmem>>, vector<16xf32>,
    %scan3A = arith.constant 0 : i32
    %scan3A_8 = arith.constant 0 : i32
    %scan3A_9 = arith.constant 10 : i32
    %scan3A_10 = arith.addi %scan3A_8, %scan3A_9 : i32
    %scan3A_11 = arith.constant 1 : i32
    scf.for %scan3A_26 = %scan3A_8 to %scan3A_10 step %scan3A_11  : i32 {
      %lt3A_27 = arith.constant 5 : i32
      %lt3A_28 = arith.cmpi slt, %scan3A_26, %lt3A_27 : i32
      %select_n3A = arith.select %lt3A_28, %add3A, %add3A_6 : i32
      %jit3A = arith.constant 5 : i32
      %eq3A = arith.constant 0 : i32
      %eq3A_29 = arith.cmpi eq, %jit3A, %eq3A : i32
      %jit3A_30 = arith.constant 1 : i32
      %select_n3A_31 = arith.select %eq3A_29, %jit3A_30, %jit3A : i32
      %rem3A = arith.remsi %scan3A_26, %select_n3A_31 : i32
      %ne3A = arith.constant 0 : i32
      %ne3A_32 = arith.cmpi ne, %rem3A, %ne3A : i32
      %lt3A_33 = arith.constant 0 : i32
      %lt3A_34 = arith.cmpi slt, %rem3A, %lt3A_33 : i32
      %lt3A_35 = arith.constant 0 : i32
      %lt3A_36 = arith.cmpi slt, %select_n3A_31, %lt3A_35 : i32
      %ne3A_37 = arith.xori %lt3A_34, %lt3A_36 : i1
      %and3A = arith.andi %ne3A_37, %ne3A_32 : i1
      %add3A_38 = arith.addi %rem3A, %select_n3A_31 : i32
      %select_n3A_39 = arith.select %and3A, %add3A_38, %rem3A : i32
      %mul3A_40 = arith.constant 25 : i32
      %mul3A_41 = arith.muli %select_n3A_39, %mul3A_40 : i32
      "tpu.region"() ({
        %run_scoped3A = tpu.sem_alloc : memref<!tpu.dma_semaphore, #tpu.memory_space<semaphore_mem>>
        %dma_start3A = arith.constant 0 : i32
        %dma_start3A_65 = tpu.memref_slice %arg5[%select_n3A, %mul3A_41, %dma_start3A] : memref<32x125x80xi32, #tpu.memory_space<hbm>> -> memref<1x25x80xi32, #tpu.memory_space<hbm>>
        %dma_start3A_66 = tpu.memref_squeeze %dma_start3A_65 : memref<1x25x80xi32, #tpu.memory_space<hbm>> -> memref<25x80xi32, #tpu.memory_space<hbm>>
        %dma_start3A_67 = arith.constant 0 : i32
        %dma_start3A_68 = tpu.memref_slice %arg5[%select_n3A, %mul3A_41, %dma_start3A_67] : memref<32x125x80xi32, #tpu.memory_space<hbm>> -> memref<1x25x80xi32, #tpu.memory_space<hbm>>
        %dma_start3A_69 = tpu.memref_squeeze %dma_start3A_68 : memref<1x25x80xi32, #tpu.memory_space<hbm>> -> memref<25x80xi32, #tpu.memory_space<hbm>>
        tpu.enqueue_dma source(%dma_start3A_69 : memref<25x80xi32, #tpu.memory_space<hbm>>) target(%arg14 : memref<25x80xi32, #tpu.memory_space<vmem>>) target_semaphore(%run_scoped3A : memref<!tpu.dma_semaphore, #tpu.memory_space<semaphore_mem>>)
        %dma_wait3A = arith.constant 0 : i32
        %dma_wait3A_70 = tpu.memref_slice %arg5[%select_n3A, %mul3A_41, %dma_wait3A] : memref<32x125x80xi32, #tpu.memory_space<hbm>> -> memref<1x25x80xi32, #tpu.memory_space<hbm>>
        %dma_wait3A_71 = tpu.memref_squeeze %dma_wait3A_70 : memref<1x25x80xi32, #tpu.memory_space<hbm>> -> memref<25x80xi32, #tpu.memory_space<hbm>>
        %dma_wait3A_72 = arith.constant 0 : i32
        %dma_wait3A_73 = tpu.memref_slice %arg5[%select_n3A, %mul3A_41, %dma_wait3A_72] : memref<32x125x80xi32, #tpu.memory_space<hbm>> -> memref<1x25x80xi32, #tpu.memory_space<hbm>>
        %dma_wait3A_74 = tpu.memref_squeeze %dma_wait3A_73 : memref<1x25x80xi32, #tpu.memory_space<hbm>> -> memref<25x80xi32, #tpu.memory_space<hbm>>
        tpu.wait_dma2 semaphore(%run_scoped3A : memref<!tpu.dma_semaphore, #tpu.memory_space<semaphore_mem>>) src(%dma_wait3A_74 : memref<25x80xi32, #tpu.memory_space<hbm>>) dst(%arg14 : memref<25x80xi32, #tpu.memory_space<vmem>>)
        tpu.yield
      }) : () -> ()
      "tpu.region"() ({
        %run_scoped3A = tpu.sem_alloc : memref<!tpu.dma_semaphore, #tpu.memory_space<semaphore_mem>>
        %dma_start3A = arith.constant 0 : i32
        %dma_start3A_65 = tpu.memref_slice %arg6[%select_n3A, %mul3A_41, %dma_start3A] : memref<32x125x80xi32, #tpu.memory_space<hbm>> -> memref<1x25x80xi32, #tpu.memory_space<hbm>>
        %dma_start3A_66 = tpu.memref_squeeze %dma_start3A_65 : memref<1x25x80xi32, #tpu.memory_space<hbm>> -> memref<25x80xi32, #tpu.memory_space<hbm>>
        %dma_start3A_67 = arith.constant 0 : i32
        %dma_start3A_68 = tpu.memref_slice %arg6[%select_n3A, %mul3A_41, %dma_start3A_67] : memref<32x125x80xi32, #tpu.memory_space<hbm>> -> memref<1x25x80xi32, #tpu.memory_space<hbm>>
        %dma_start3A_69 = tpu.memref_squeeze %dma_start3A_68 : memref<1x25x80xi32, #tpu.memory_space<hbm>> -> memref<25x80xi32, #tpu.memory_space<hbm>>
        tpu.enqueue_dma source(%dma_start3A_69 : memref<25x80xi32, #tpu.memory_space<hbm>>) target(%arg15 : memref<25x80xi32, #tpu.memory_space<vmem>>) target_semaphore(%run_scoped3A : memref<!tpu.dma_semaphore, #tpu.memory_space<semaphore_mem>>)
        %dma_wait3A = arith.constant 0 : i32
        %dma_wait3A_70 = tpu.memref_slice %arg6[%select_n3A, %mul3A_41, %dma_wait3A] : memref<32x125x80xi32, #tpu.memory_space<hbm>> -> memref<1x25x80xi32, #tpu.memory_space<hbm>>
        %dma_wait3A_71 = tpu.memref_squeeze %dma_wait3A_70 : memref<1x25x80xi32, #tpu.memory_space<hbm>> -> memref<25x80xi32, #tpu.memory_space<hbm>>
        %dma_wait3A_72 = arith.constant 0 : i32
        %dma_wait3A_73 = tpu.memref_slice %arg6[%select_n3A, %mul3A_41, %dma_wait3A_72] : memref<32x125x80xi32, #tpu.memory_space<hbm>> -> memref<1x25x80xi32, #tpu.memory_space<hbm>>
        %dma_wait3A_74 = tpu.memref_squeeze %dma_wait3A_73 : memref<1x25x80xi32, #tpu.memory_space<hbm>> -> memref<25x80xi32, #tpu.memory_space<hbm>>
        tpu.wait_dma2 semaphore(%run_scoped3A : memref<!tpu.dma_semaphore, #tpu.memory_space<semaphore_mem>>) src(%dma_wait3A_74 : memref<25x80xi32, #tpu.memory_space<hbm>>) dst(%arg15 : memref<25x80xi32, #tpu.memory_space<vmem>>)
        tpu.yield
      }) : () -> ()
      %scan3A_42 = arith.constant 0 : i32
      %scan3A_43 = arith.constant 0 : i32
      %scan3A_44 = arith.constant 25 : i32
      %scan3A_45 = arith.addi %scan3A_43, %scan3A_44 : i32
      %scan3A_46 = arith.constant 1 : i32
      scf.for %scan3A_65 = %scan3A_43 to %scan3A_45 step %scan3A_46  : i32 {
        %get3A_66 = arith.index_cast %scan3A_65 : i32 to index
        %get3A_67 = arith.constant 0 : index
        %get3A_68 = tpu.vector_load %arg14[%get3A_66, %get3A_67] {strides = array<i32>} : memref<25x80xi32, #tpu.memory_space<vmem>>, vector<16xi32>,
        %get3A_69 = arith.index_cast %scan3A_65 : i32 to index
        %get3A_70 = arith.constant 0 : index
        %get3A_71 = tpu.vector_load %arg15[%get3A_69, %get3A_70] {strides = array<i32>} : memref<25x80xi32, #tpu.memory_space<vmem>>, vector<16xi32>,
        %gather3A = tpu.vector_load_idx %arg12[%get3A_68] : memref<10000xf32, #tpu.memory_space<vmem>>[vector<16xi32>], vector<16xf32>,
        %gather3A_72 = tpu.vector_load_idx %arg13[%get3A_71] : memref<10000xf32, #tpu.memory_space<vmem>>[vector<16xi32>], vector<16xf32>,
        %add3A_73 = arith.addf %gather3A, %gather3A_72 : vector<16xf32>
        %mul3A_74 = arith.constant 2.000000e-01 : f32
        %mul3A_75 = vector.broadcast %mul3A_74 : f32 to vector<16xf32>
        %mul3A_76 = arith.mulf %mul3A_75, %add3A_73 : vector<16xf32>
        %max3A = arith.maximumf %add3A_73, %mul3A_76 : vector<16xf32>
        %sub3A_77 = arith.subf %max3A, %get3A_7 : vector<16xf32>
        %exp3A = math.exp %sub3A_77 : vector<16xf32>
        %swap3A = arith.index_cast %scan3A_65 : i32 to index
        %swap3A_78 = arith.constant 0 : index
        %swap3A_79 = tpu.vector_load %arg16[%swap3A, %swap3A_78] {strides = array<i32>} : memref<25x80xf32, #tpu.memory_space<vmem>>, vector<16xf32>,
        tpu.vector_store %arg16[%swap3A, %swap3A_78], %exp3A {strides = array<i32>} : memref<25x80xf32, #tpu.memory_space<vmem>>, vector<16xf32>,
        %get3A_80 = arith.index_cast %scan3A_65 : i32 to index
        %get3A_81 = arith.constant 16 : index
        %get3A_82 = tpu.vector_load %arg14[%get3A_80, %get3A_81] {strides = array<i32>} : memref<25x80xi32, #tpu.memory_space<vmem>>, vector<16xi32>,
        %get3A_83 = arith.index_cast %scan3A_65 : i32 to index
        %get3A_84 = arith.constant 16 : index
        %get3A_85 = tpu.vector_load %arg15[%get3A_83, %get3A_84] {strides = array<i32>} : memref<25x80xi32, #tpu.memory_space<vmem>>, vector<16xi32>,
        %gather3A_86 = tpu.vector_load_idx %arg12[%get3A_82] : memref<10000xf32, #tpu.memory_space<vmem>>[vector<16xi32>], vector<16xf32>,
        %gather3A_87 = tpu.vector_load_idx %arg13[%get3A_85] : memref<10000xf32, #tpu.memory_space<vmem>>[vector<16xi32>], vector<16xf32>,
        %add3A_88 = arith.addf %gather3A_86, %gather3A_87 : vector<16xf32>
        %mul3A_89 = arith.constant 2.000000e-01 : f32
        %mul3A_90 = vector.broadcast %mul3A_89 : f32 to vector<16xf32>
        %mul3A_91 = arith.mulf %mul3A_90, %add3A_88 : vector<16xf32>
        %max3A_92 = arith.maximumf %add3A_88, %mul3A_91 : vector<16xf32>
        %sub3A_93 = arith.subf %max3A_92, %get3A_7 : vector<16xf32>
        %exp3A_94 = math.exp %sub3A_93 : vector<16xf32>
        %swap3A_95 = arith.index_cast %scan3A_65 : i32 to index
        %swap3A_96 = arith.constant 16 : index
        %swap3A_97 = tpu.vector_load %arg16[%swap3A_95, %swap3A_96] {strides = array<i32>} : memref<25x80xf32, #tpu.memory_space<vmem>>, vector<16xf32>,
        tpu.vector_store %arg16[%swap3A_95, %swap3A_96], %exp3A_94 {strides = array<i32>} : memref<25x80xf32, #tpu.memory_space<vmem>>, vector<16xf32>,
        %get3A_98 = arith.index_cast %scan3A_65 : i32 to index
        %get3A_99 = arith.constant 32 : index
        %get3A_100 = tpu.vector_load %arg14[%get3A_98, %get3A_99] {strides = array<i32>} : memref<25x80xi32, #tpu.memory_space<vmem>>, vector<16xi32>,
        %get3A_101 = arith.index_cast %scan3A_65 : i32 to index
        %get3A_102 = arith.constant 32 : index
        %get3A_103 = tpu.vector_load %arg15[%get3A_101, %get3A_102] {strides = array<i32>} : memref<25x80xi32, #tpu.memory_space<vmem>>, vector<16xi32>,
        %gather3A_104 = tpu.vector_load_idx %arg12[%get3A_100] : memref<10000xf32, #tpu.memory_space<vmem>>[vector<16xi32>], vector<16xf32>,
        %gather3A_105 = tpu.vector_load_idx %arg13[%get3A_103] : memref<10000xf32, #tpu.memory_space<vmem>>[vector<16xi32>], vector<16xf32>,
        %add3A_106 = arith.addf %gather3A_104, %gather3A_105 : vector<16xf32>
        %mul3A_107 = arith.constant 2.000000e-01 : f32
        %mul3A_108 = vector.broadcast %mul3A_107 : f32 to vector<16xf32>
        %mul3A_109 = arith.mulf %mul3A_108, %add3A_106 : vector<16xf32>
        %max3A_110 = arith.maximumf %add3A_106, %mul3A_109 : vector<16xf32>
        %sub3A_111 = arith.subf %max3A_110, %get3A_7 : vector<16xf32>
        %exp3A_112 = math.exp %sub3A_111 : vector<16xf32>
        %swap3A_113 = arith.index_cast %scan3A_65 : i32 to index
        %swap3A_114 = arith.constant 32 : index
        %swap3A_115 = tpu.vector_load %arg16[%swap3A_113, %swap3A_114] {strides = array<i32>} : memref<25x80xf32, #tpu.memory_space<vmem>>, vector<16xf32>,
        tpu.vector_store %arg16[%swap3A_113, %swap3A_114], %exp3A_112 {strides = array<i32>} : memref<25x80xf32, #tpu.memory_space<vmem>>, vector<16xf32>,
        %get3A_116 = arith.index_cast %scan3A_65 : i32 to index
        %get3A_117 = arith.constant 48 : index
        %get3A_118 = tpu.vector_load %arg14[%get3A_116, %get3A_117] {strides = array<i32>} : memref<25x80xi32, #tpu.memory_space<vmem>>, vector<16xi32>,
        %get3A_119 = arith.index_cast %scan3A_65 : i32 to index
        %get3A_120 = arith.constant 48 : index
        %get3A_121 = tpu.vector_load %arg15[%get3A_119, %get3A_120] {strides = array<i32>} : memref<25x80xi32, #tpu.memory_space<vmem>>, vector<16xi32>,
        %gather3A_122 = tpu.vector_load_idx %arg12[%get3A_118] : memref<10000xf32, #tpu.memory_space<vmem>>[vector<16xi32>], vector<16xf32>,
        %gather3A_123 = tpu.vector_load_idx %arg13[%get3A_121] : memref<10000xf32, #tpu.memory_space<vmem>>[vector<16xi32>], vector<16xf32>,
        %add3A_124 = arith.addf %gather3A_122, %gather3A_123 : vector<16xf32>
        %mul3A_125 = arith.constant 2.000000e-01 : f32
        %mul3A_126 = vector.broadcast %mul3A_125 : f32 to vector<16xf32>
        %mul3A_127 = arith.mulf %mul3A_126, %add3A_124 : vector<16xf32>
        %max3A_128 = arith.maximumf %add3A_124, %mul3A_127 : vector<16xf32>
        %sub3A_129 = arith.subf %max3A_128, %get3A_7 : vector<16xf32>
        %exp3A_130 = math.exp %sub3A_129 : vector<16xf32>
        %swap3A_131 = arith.index_cast %scan3A_65 : i32 to index
        %swap3A_132 = arith.constant 48 : index
        %swap3A_133 = tpu.vector_load %arg16[%swap3A_131, %swap3A_132] {strides = array<i32>} : memref<25x80xf32, #tpu.memory_space<vmem>>, vector<16xf32>,
        tpu.vector_store %arg16[%swap3A_131, %swap3A_132], %exp3A_130 {strides = array<i32>} : memref<25x80xf32, #tpu.memory_space<vmem>>, vector<16xf32>,
        %get3A_134 = arith.index_cast %scan3A_65 : i32 to index
        %get3A_135 = arith.constant 64 : index
        %get3A_136 = tpu.vector_load %arg14[%get3A_134, %get3A_135] {strides = array<i32>} : memref<25x80xi32, #tpu.memory_space<vmem>>, vector<16xi32>,
        %get3A_137 = arith.index_cast %scan3A_65 : i32 to index
        %get3A_138 = arith.constant 64 : index
        %get3A_139 = tpu.vector_load %arg15[%get3A_137, %get3A_138] {strides = array<i32>} : memref<25x80xi32, #tpu.memory_space<vmem>>, vector<16xi32>,
        %gather3A_140 = tpu.vector_load_idx %arg12[%get3A_136] : memref<10000xf32, #tpu.memory_space<vmem>>[vector<16xi32>], vector<16xf32>,
        %gather3A_141 = tpu.vector_load_idx %arg13[%get3A_139] : memref<10000xf32, #tpu.memory_space<vmem>>[vector<16xi32>], vector<16xf32>,
        %add3A_142 = arith.addf %gather3A_140, %gather3A_141 : vector<16xf32>
        %mul3A_143 = arith.constant 2.000000e-01 : f32
        %mul3A_144 = vector.broadcast %mul3A_143 : f32 to vector<16xf32>
        %mul3A_145 = arith.mulf %mul3A_144, %add3A_142 : vector<16xf32>
        %max3A_146 = arith.maximumf %add3A_142, %mul3A_145 : vector<16xf32>
        %sub3A_147 = arith.subf %max3A_146, %get3A_7 : vector<16xf32>
        %exp3A_148 = math.exp %sub3A_147 : vector<16xf32>
        %swap3A_149 = arith.index_cast %scan3A_65 : i32 to index
        %swap3A_150 = arith.constant 64 : index
        %swap3A_151 = tpu.vector_load %arg16[%swap3A_149, %swap3A_150] {strides = array<i32>} : memref<25x80xf32, #tpu.memory_space<vmem>>, vector<16xf32>,
        tpu.vector_store %arg16[%swap3A_149, %swap3A_150], %exp3A_148 {strides = array<i32>} : memref<25x80xf32, #tpu.memory_space<vmem>>, vector<16xf32>,
      }
      %scan3A_47 = arith.constant 25 : i32
      %lt3A_48 = arith.constant 5 : i32
      %lt3A_49 = arith.cmpi slt, %scan3A_26, %lt3A_48 : i32
      %convert_element_type3A_50 = arith.extui %lt3A_49 : i1 to i32
      %cond3A_51 = arith.constant 0 : i32
      %cond3A_52 = arith.cmpi ne, %convert_element_type3A_50, %cond3A_51 : i32
      scf.if %cond3A_52 {
        "tpu.region"() ({
          %run_scoped3A = tpu.sem_alloc : memref<!tpu.dma_semaphore, #tpu.memory_space<semaphore_mem>>
          %dma_start3A = arith.constant 0 : i32
          %dma_start3A_65 = tpu.memref_slice %arg11[%add3A, %mul3A_41, %dma_start3A] : memref<32x125x80xf32, #tpu.memory_space<hbm>> -> memref<1x25x80xf32, #tpu.memory_space<hbm>>
          %dma_start3A_66 = tpu.memref_squeeze %dma_start3A_65 : memref<1x25x80xf32, #tpu.memory_space<hbm>> -> memref<25x80xf32, #tpu.memory_space<hbm>>
          %dma_start3A_67 = arith.constant 0 : i32
          %dma_start3A_68 = tpu.memref_slice %arg11[%add3A, %mul3A_41, %dma_start3A_67] : memref<32x125x80xf32, #tpu.memory_space<hbm>> -> memref<1x25x80xf32, #tpu.memory_space<hbm>>
          %dma_start3A_69 = tpu.memref_squeeze %dma_start3A_68 : memref<1x25x80xf32, #tpu.memory_space<hbm>> -> memref<25x80xf32, #tpu.memory_space<hbm>>
          tpu.enqueue_dma source(%arg16 : memref<25x80xf32, #tpu.memory_space<vmem>>) target(%dma_start3A_69 : memref<25x80xf32, #tpu.memory_space<hbm>>) target_semaphore(%run_scoped3A : memref<!tpu.dma_semaphore, #tpu.memory_space<semaphore_mem>>)
          %dma_wait3A = arith.constant 0 : i32
          %dma_wait3A_70 = tpu.memref_slice %arg11[%add3A, %mul3A_41, %dma_wait3A] : memref<32x125x80xf32, #tpu.memory_space<hbm>> -> memref<1x25x80xf32, #tpu.memory_space<hbm>>
          %dma_wait3A_71 = tpu.memref_squeeze %dma_wait3A_70 : memref<1x25x80xf32, #tpu.memory_space<hbm>> -> memref<25x80xf32, #tpu.memory_space<hbm>>
          %dma_wait3A_72 = arith.constant 0 : i32
          %dma_wait3A_73 = tpu.memref_slice %arg11[%add3A, %mul3A_41, %dma_wait3A_72] : memref<32x125x80xf32, #tpu.memory_space<hbm>> -> memref<1x25x80xf32, #tpu.memory_space<hbm>>
          %dma_wait3A_74 = tpu.memref_squeeze %dma_wait3A_73 : memref<1x25x80xf32, #tpu.memory_space<hbm>> -> memref<25x80xf32, #tpu.memory_space<hbm>>
          tpu.wait_dma2 semaphore(%run_scoped3A : memref<!tpu.dma_semaphore, #tpu.memory_space<semaphore_mem>>) src(%arg16 : memref<25x80xf32, #tpu.memory_space<vmem>>) dst(%dma_wait3A_74 : memref<25x80xf32, #tpu.memory_space<hbm>>)
          tpu.yield
        }) : () -> ()
      } else {
      }
      %scan3A_53 = arith.constant 0 : i32
      %scan3A_54 = arith.constant 0 : i32
      %scan3A_55 = arith.constant 25 : i32
      %scan3A_56 = arith.addi %scan3A_54, %scan3A_55 : i32
      %scan3A_57 = arith.constant 1 : i32
      scf.for %scan3A_65 = %scan3A_54 to %scan3A_56 step %scan3A_57  : i32 {
        %dma_start3A = arith.constant 0 : i32
        %dma_start3A_66 = tpu.memref_slice %arg16[%scan3A_65, %dma_start3A] : memref<25x80xf32, #tpu.memory_space<vmem>> -> memref<1x80xf32, #tpu.memory_space<vmem>>
        %dma_start3A_67 = tpu.memref_squeeze %dma_start3A_66 : memref<1x80xf32, #tpu.memory_space<vmem>> -> memref<80xf32, #tpu.memory_space<vmem>>
        %dma_start3A_68 = arith.constant 0 : i32
        %dma_start3A_69 = tpu.memref_slice %arg15[%scan3A_65, %dma_start3A_68] : memref<25x80xi32, #tpu.memory_space<vmem>> -> memref<1x80xi32, #tpu.memory_space<vmem>>
        %dma_start3A_70 = tpu.memref_squeeze %dma_start3A_69 : memref<1x80xi32, #tpu.memory_space<vmem>> -> memref<80xi32, #tpu.memory_space<vmem>>
        %dma_start3A_71 = arith.constant 0 : i32
        %dma_start3A_72 = tpu.memref_slice %arg20[%dma_start3A_71] : memref<10000xf32, #tpu.memory_space<vmem_shared>> -> memref<10000xf32, #tpu.memory_space<vmem_shared>>
        tpu.enqueue_indirect_dma source(%dma_start3A_67 : memref<80xf32, #tpu.memory_space<vmem>>) target(%dma_start3A_72 : memref<10000xf32, #tpu.memory_space<vmem_shared>>) offsets(%dma_start3A_70 : memref<80xi32, #tpu.memory_space<vmem>>) semaphore(%arg22 : memref<!tpu.dma_semaphore, #tpu.memory_space<semaphore_mem>>) {add = true}
      }
      %scan3A_58 = arith.constant 25 : i32
      %scan3A_59 = arith.constant 0 : i32
      %scan3A_60 = arith.constant 0 : i32
      %scan3A_61 = arith.constant 25 : i32
      %scan3A_62 = arith.addi %scan3A_60, %scan3A_61 : i32
      %scan3A_63 = arith.constant 1 : i32
      scf.for %scan3A_65 = %scan3A_60 to %scan3A_62 step %scan3A_63  : i32 {
        %dma_wait3A = arith.constant 0 : i32
        %dma_wait3A_66 = arith.constant 0 : i32
        %dma_wait3A_67 = arith.constant 0 : i32
        %dma_wait3A_68 = tpu.memref_slice %arg16[%dma_wait3A, %dma_wait3A_67] : memref<25x80xf32, #tpu.memory_space<vmem>> -> memref<1x80xf32, #tpu.memory_space<vmem>>
        %dma_wait3A_69 = tpu.memref_squeeze %dma_wait3A_68 : memref<1x80xf32, #tpu.memory_space<vmem>> -> memref<80xf32, #tpu.memory_space<vmem>>
        %dma_wait3A_70 = arith.constant 0 : i32
        %dma_wait3A_71 = tpu.memref_slice %arg15[%dma_wait3A_66, %dma_wait3A_70] : memref<25x80xi32, #tpu.memory_space<vmem>> -> memref<1x80xi32, #tpu.memory_space<vmem>>
        %dma_wait3A_72 = tpu.memref_squeeze %dma_wait3A_71 : memref<1x80xi32, #tpu.memory_space<vmem>> -> memref<80xi32, #tpu.memory_space<vmem>>
        %dma_wait3A_73 = arith.constant 0 : i32
        %dma_wait3A_74 = tpu.memref_slice %arg20[%dma_wait3A_73] : memref<10000xf32, #tpu.memory_space<vmem_shared>> -> memref<10000xf32, #tpu.memory_space<vmem_shared>>
        tpu.wait_indirect_dma semaphore(%arg22 : memref<!tpu.dma_semaphore, #tpu.memory_space<semaphore_mem>>) src(%dma_wait3A_69 : memref<80xf32, #tpu.memory_space<vmem>>) dst(%dma_wait3A_74 : memref<10000xf32, #tpu.memory_space<vmem_shared>>)
      }
      %scan3A_64 = arith.constant 25 : i32
    }
    %scan3A_12 = arith.constant 10 : i32
    %barrier3A_13 = arith.constant 0 : index
    tpu.barrier barrier_id(%barrier3A_13)
    "tpu.region"() ({
      %run_scoped3A = tpu.sem_alloc : memref<!tpu.dma_semaphore, #tpu.memory_space<semaphore_mem>>
      tpu.enqueue_dma source(%arg20 : memref<10000xf32, #tpu.memory_space<vmem_shared>>) target(%arg12 : memref<10000xf32, #tpu.memory_space<vmem>>) target_semaphore(%run_scoped3A : memref<!tpu.dma_semaphore, #tpu.memory_space<semaphore_mem>>)
      tpu.wait_dma2 semaphore(%run_scoped3A : memref<!tpu.dma_semaphore, #tpu.memory_space<semaphore_mem>>) src(%arg20 : memref<10000xf32, #tpu.memory_space<vmem_shared>>) dst(%arg12 : memref<10000xf32, #tpu.memory_space<vmem>>)
      tpu.yield
    }) : () -> ()
    %scan3A_14 = arith.constant 0 : i32
    %scan3A_15 = arith.constant 0 : i32
    %scan3A_16 = arith.constant 5 : i32
    %scan3A_17 = arith.addi %scan3A_15, %scan3A_16 : i32
    %scan3A_18 = arith.constant 1 : i32
    scf.for %scan3A_26 = %scan3A_15 to %scan3A_17 step %scan3A_18  : i32 {
      %mul3A_27 = arith.constant 25 : i32
      %mul3A_28 = arith.muli %scan3A_26, %mul3A_27 : i32
      "tpu.region"() ({
        %run_scoped3A = tpu.sem_alloc : memref<!tpu.dma_semaphore, #tpu.memory_space<semaphore_mem>>
        %dma_start3A_53 = arith.constant 0 : i32
        %dma_start3A_54 = tpu.memref_slice %arg5[%add3A, %mul3A_28, %dma_start3A_53] : memref<32x125x80xi32, #tpu.memory_space<hbm>> -> memref<1x25x80xi32, #tpu.memory_space<hbm>>
        %dma_start3A_55 = tpu.memref_squeeze %dma_start3A_54 : memref<1x25x80xi32, #tpu.memory_space<hbm>> -> memref<25x80xi32, #tpu.memory_space<hbm>>
        %dma_start3A_56 = arith.constant 0 : i32
        %dma_start3A_57 = tpu.memref_slice %arg5[%add3A, %mul3A_28, %dma_start3A_56] : memref<32x125x80xi32, #tpu.memory_space<hbm>> -> memref<1x25x80xi32, #tpu.memory_space<hbm>>
        %dma_start3A_58 = tpu.memref_squeeze %dma_start3A_57 : memref<1x25x80xi32, #tpu.memory_space<hbm>> -> memref<25x80xi32, #tpu.memory_space<hbm>>
        tpu.enqueue_dma source(%dma_start3A_58 : memref<25x80xi32, #tpu.memory_space<hbm>>) target(%arg14 : memref<25x80xi32, #tpu.memory_space<vmem>>) target_semaphore(%run_scoped3A : memref<!tpu.dma_semaphore, #tpu.memory_space<semaphore_mem>>)
        %dma_wait3A_59 = arith.constant 0 : i32
        %dma_wait3A_60 = tpu.memref_slice %arg5[%add3A, %mul3A_28, %dma_wait3A_59] : memref<32x125x80xi32, #tpu.memory_space<hbm>> -> memref<1x25x80xi32, #tpu.memory_space<hbm>>
        %dma_wait3A_61 = tpu.memref_squeeze %dma_wait3A_60 : memref<1x25x80xi32, #tpu.memory_space<hbm>> -> memref<25x80xi32, #tpu.memory_space<hbm>>
        %dma_wait3A_62 = arith.constant 0 : i32
        %dma_wait3A_63 = tpu.memref_slice %arg5[%add3A, %mul3A_28, %dma_wait3A_62] : memref<32x125x80xi32, #tpu.memory_space<hbm>> -> memref<1x25x80xi32, #tpu.memory_space<hbm>>
        %dma_wait3A_64 = tpu.memref_squeeze %dma_wait3A_63 : memref<1x25x80xi32, #tpu.memory_space<hbm>> -> memref<25x80xi32, #tpu.memory_space<hbm>>
        tpu.wait_dma2 semaphore(%run_scoped3A : memref<!tpu.dma_semaphore, #tpu.memory_space<semaphore_mem>>) src(%dma_wait3A_64 : memref<25x80xi32, #tpu.memory_space<hbm>>) dst(%arg14 : memref<25x80xi32, #tpu.memory_space<vmem>>)
        tpu.yield
      }) : () -> ()
      "tpu.region"() ({
        %run_scoped3A = tpu.sem_alloc : memref<!tpu.dma_semaphore, #tpu.memory_space<semaphore_mem>>
        %dma_start3A_53 = arith.constant 0 : i32
        %dma_start3A_54 = tpu.memref_slice %arg6[%add3A, %mul3A_28, %dma_start3A_53] : memref<32x125x80xi32, #tpu.memory_space<hbm>> -> memref<1x25x80xi32, #tpu.memory_space<hbm>>
        %dma_start3A_55 = tpu.memref_squeeze %dma_start3A_54 : memref<1x25x80xi32, #tpu.memory_space<hbm>> -> memref<25x80xi32, #tpu.memory_space<hbm>>
        %dma_start3A_56 = arith.constant 0 : i32
        %dma_start3A_57 = tpu.memref_slice %arg6[%add3A, %mul3A_28, %dma_start3A_56] : memref<32x125x80xi32, #tpu.memory_space<hbm>> -> memref<1x25x80xi32, #tpu.memory_space<hbm>>
        %dma_start3A_58 = tpu.memref_squeeze %dma_start3A_57 : memref<1x25x80xi32, #tpu.memory_space<hbm>> -> memref<25x80xi32, #tpu.memory_space<hbm>>
        tpu.enqueue_dma source(%dma_start3A_58 : memref<25x80xi32, #tpu.memory_space<hbm>>) target(%arg15 : memref<25x80xi32, #tpu.memory_space<vmem>>) target_semaphore(%run_scoped3A : memref<!tpu.dma_semaphore, #tpu.memory_space<semaphore_mem>>)
        %dma_wait3A_59 = arith.constant 0 : i32
        %dma_wait3A_60 = tpu.memref_slice %arg6[%add3A, %mul3A_28, %dma_wait3A_59] : memref<32x125x80xi32, #tpu.memory_space<hbm>> -> memref<1x25x80xi32, #tpu.memory_space<hbm>>
        %dma_wait3A_61 = tpu.memref_squeeze %dma_wait3A_60 : memref<1x25x80xi32, #tpu.memory_space<hbm>> -> memref<25x80xi32, #tpu.memory_space<hbm>>
        %dma_wait3A_62 = arith.constant 0 : i32
        %dma_wait3A_63 = tpu.memref_slice %arg6[%add3A, %mul3A_28, %dma_wait3A_62] : memref<32x125x80xi32, #tpu.memory_space<hbm>> -> memref<1x25x80xi32, #tpu.memory_space<hbm>>
        %dma_wait3A_64 = tpu.memref_squeeze %dma_wait3A_63 : memref<1x25x80xi32, #tpu.memory_space<hbm>> -> memref<25x80xi32, #tpu.memory_space<hbm>>
        tpu.wait_dma2 semaphore(%run_scoped3A : memref<!tpu.dma_semaphore, #tpu.memory_space<semaphore_mem>>) src(%dma_wait3A_64 : memref<25x80xi32, #tpu.memory_space<hbm>>) dst(%arg15 : memref<25x80xi32, #tpu.memory_space<vmem>>)
        tpu.yield
      }) : () -> ()
      "tpu.region"() ({
        %run_scoped3A = tpu.sem_alloc : memref<!tpu.dma_semaphore, #tpu.memory_space<semaphore_mem>>
        %dma_start3A_53 = arith.constant 0 : i32
        %dma_start3A_54 = tpu.memref_slice %arg11[%add3A, %mul3A_28, %dma_start3A_53] : memref<32x125x80xf32, #tpu.memory_space<hbm>> -> memref<1x25x80xf32, #tpu.memory_space<hbm>>
        %dma_start3A_55 = tpu.memref_squeeze %dma_start3A_54 : memref<1x25x80xf32, #tpu.memory_space<hbm>> -> memref<25x80xf32, #tpu.memory_space<hbm>>
        %dma_start3A_56 = arith.constant 0 : i32
        %dma_start3A_57 = tpu.memref_slice %arg11[%add3A, %mul3A_28, %dma_start3A_56] : memref<32x125x80xf32, #tpu.memory_space<hbm>> -> memref<1x25x80xf32, #tpu.memory_space<hbm>>
        %dma_start3A_58 = tpu.memref_squeeze %dma_start3A_57 : memref<1x25x80xf32, #tpu.memory_space<hbm>> -> memref<25x80xf32, #tpu.memory_space<hbm>>
        tpu.enqueue_dma source(%dma_start3A_58 : memref<25x80xf32, #tpu.memory_space<hbm>>) target(%arg16 : memref<25x80xf32, #tpu.memory_space<vmem>>) target_semaphore(%run_scoped3A : memref<!tpu.dma_semaphore, #tpu.memory_space<semaphore_mem>>)
        %dma_wait3A_59 = arith.constant 0 : i32
        %dma_wait3A_60 = tpu.memref_slice %arg11[%add3A, %mul3A_28, %dma_wait3A_59] : memref<32x125x80xf32, #tpu.memory_space<hbm>> -> memref<1x25x80xf32, #tpu.memory_space<hbm>>
        %dma_wait3A_61 = tpu.memref_squeeze %dma_wait3A_60 : memref<1x25x80xf32, #tpu.memory_space<hbm>> -> memref<25x80xf32, #tpu.memory_space<hbm>>
        %dma_wait3A_62 = arith.constant 0 : i32
        %dma_wait3A_63 = tpu.memref_slice %arg11[%add3A, %mul3A_28, %dma_wait3A_62] : memref<32x125x80xf32, #tpu.memory_space<hbm>> -> memref<1x25x80xf32, #tpu.memory_space<hbm>>
        %dma_wait3A_64 = tpu.memref_squeeze %dma_wait3A_63 : memref<1x25x80xf32, #tpu.memory_space<hbm>> -> memref<25x80xf32, #tpu.memory_space<hbm>>
        tpu.wait_dma2 semaphore(%run_scoped3A : memref<!tpu.dma_semaphore, #tpu.memory_space<semaphore_mem>>) src(%dma_wait3A_64 : memref<25x80xf32, #tpu.memory_space<hbm>>) dst(%arg16 : memref<25x80xf32, #tpu.memory_space<vmem>>)
        tpu.yield
      }) : () -> ()
      %scan3A_29 = arith.constant 0 : i32
      %scan3A_30 = arith.constant 0 : i32
      %scan3A_31 = arith.constant 25 : i32
      %scan3A_32 = arith.addi %scan3A_30, %scan3A_31 : i32
      %scan3A_33 = arith.constant 1 : i32
      scf.for %scan3A_53 = %scan3A_30 to %scan3A_32 step %scan3A_33  : i32 {
        %get3A_54 = arith.index_cast %scan3A_53 : i32 to index
        %get3A_55 = arith.constant 0 : index
        %get3A_56 = tpu.vector_load %arg15[%get3A_54, %get3A_55] {strides = array<i32>} : memref<25x80xi32, #tpu.memory_space<vmem>>, vector<16xi32>,
        %gather3A = tpu.vector_load_idx %arg12[%get3A_56] : memref<10000xf32, #tpu.memory_space<vmem>>[vector<16xi32>], vector<16xf32>,
        %add3A_57 = arith.constant 1.000000e-16 : f32
        %add3A_58 = vector.broadcast %add3A_57 : f32 to vector<16xf32>
        %add3A_59 = arith.addf %gather3A, %add3A_58 : vector<16xf32>
        %get3A_60 = arith.index_cast %scan3A_53 : i32 to index
        %get3A_61 = arith.constant 0 : index
        %get3A_62 = tpu.vector_load %arg16[%get3A_60, %get3A_61] {strides = array<i32>} : memref<25x80xf32, #tpu.memory_space<vmem>>, vector<16xf32>,
        %div3A = arith.divf %get3A_62, %add3A_59 : vector<16xf32>
        %swap3A = arith.index_cast %scan3A_53 : i32 to index
        %swap3A_63 = arith.constant 0 : index
        %swap3A_64 = tpu.vector_load %arg16[%swap3A, %swap3A_63] {strides = array<i32>} : memref<25x80xf32, #tpu.memory_space<vmem>>, vector<16xf32>,
        tpu.vector_store %arg16[%swap3A, %swap3A_63], %div3A {strides = array<i32>} : memref<25x80xf32, #tpu.memory_space<vmem>>, vector<16xf32>,
        %get3A_65 = arith.index_cast %scan3A_53 : i32 to index
        %get3A_66 = arith.constant 16 : index
        %get3A_67 = tpu.vector_load %arg15[%get3A_65, %get3A_66] {strides = array<i32>} : memref<25x80xi32, #tpu.memory_space<vmem>>, vector<16xi32>,
        %gather3A_68 = tpu.vector_load_idx %arg12[%get3A_67] : memref<10000xf32, #tpu.memory_space<vmem>>[vector<16xi32>], vector<16xf32>,
        %add3A_69 = arith.constant 1.000000e-16 : f32
        %add3A_70 = vector.broadcast %add3A_69 : f32 to vector<16xf32>
        %add3A_71 = arith.addf %gather3A_68, %add3A_70 : vector<16xf32>
        %get3A_72 = arith.index_cast %scan3A_53 : i32 to index
        %get3A_73 = arith.constant 16 : index
        %get3A_74 = tpu.vector_load %arg16[%get3A_72, %get3A_73] {strides = array<i32>} : memref<25x80xf32, #tpu.memory_space<vmem>>, vector<16xf32>,
        %div3A_75 = arith.divf %get3A_74, %add3A_71 : vector<16xf32>
        %swap3A_76 = arith.index_cast %scan3A_53 : i32 to index
        %swap3A_77 = arith.constant 16 : index
        %swap3A_78 = tpu.vector_load %arg16[%swap3A_76, %swap3A_77] {strides = array<i32>} : memref<25x80xf32, #tpu.memory_space<vmem>>, vector<16xf32>,
        tpu.vector_store %arg16[%swap3A_76, %swap3A_77], %div3A_75 {strides = array<i32>} : memref<25x80xf32, #tpu.memory_space<vmem>>, vector<16xf32>,
        %get3A_79 = arith.index_cast %scan3A_53 : i32 to index
        %get3A_80 = arith.constant 32 : index
        %get3A_81 = tpu.vector_load %arg15[%get3A_79, %get3A_80] {strides = array<i32>} : memref<25x80xi32, #tpu.memory_space<vmem>>, vector<16xi32>,
        %gather3A_82 = tpu.vector_load_idx %arg12[%get3A_81] : memref<10000xf32, #tpu.memory_space<vmem>>[vector<16xi32>], vector<16xf32>,
        %add3A_83 = arith.constant 1.000000e-16 : f32
        %add3A_84 = vector.broadcast %add3A_83 : f32 to vector<16xf32>
        %add3A_85 = arith.addf %gather3A_82, %add3A_84 : vector<16xf32>
        %get3A_86 = arith.index_cast %scan3A_53 : i32 to index
        %get3A_87 = arith.constant 32 : index
        %get3A_88 = tpu.vector_load %arg16[%get3A_86, %get3A_87] {strides = array<i32>} : memref<25x80xf32, #tpu.memory_space<vmem>>, vector<16xf32>,
        %div3A_89 = arith.divf %get3A_88, %add3A_85 : vector<16xf32>
        %swap3A_90 = arith.index_cast %scan3A_53 : i32 to index
        %swap3A_91 = arith.constant 32 : index
        %swap3A_92 = tpu.vector_load %arg16[%swap3A_90, %swap3A_91] {strides = array<i32>} : memref<25x80xf32, #tpu.memory_space<vmem>>, vector<16xf32>,
        tpu.vector_store %arg16[%swap3A_90, %swap3A_91], %div3A_89 {strides = array<i32>} : memref<25x80xf32, #tpu.memory_space<vmem>>, vector<16xf32>,
        %get3A_93 = arith.index_cast %scan3A_53 : i32 to index
        %get3A_94 = arith.constant 48 : index
        %get3A_95 = tpu.vector_load %arg15[%get3A_93, %get3A_94] {strides = array<i32>} : memref<25x80xi32, #tpu.memory_space<vmem>>, vector<16xi32>,
        %gather3A_96 = tpu.vector_load_idx %arg12[%get3A_95] : memref<10000xf32, #tpu.memory_space<vmem>>[vector<16xi32>], vector<16xf32>,
        %add3A_97 = arith.constant 1.000000e-16 : f32
        %add3A_98 = vector.broadcast %add3A_97 : f32 to vector<16xf32>
        %add3A_99 = arith.addf %gather3A_96, %add3A_98 : vector<16xf32>
        %get3A_100 = arith.index_cast %scan3A_53 : i32 to index
        %get3A_101 = arith.constant 48 : index
        %get3A_102 = tpu.vector_load %arg16[%get3A_100, %get3A_101] {strides = array<i32>} : memref<25x80xf32, #tpu.memory_space<vmem>>, vector<16xf32>,
        %div3A_103 = arith.divf %get3A_102, %add3A_99 : vector<16xf32>
        %swap3A_104 = arith.index_cast %scan3A_53 : i32 to index
        %swap3A_105 = arith.constant 48 : index
        %swap3A_106 = tpu.vector_load %arg16[%swap3A_104, %swap3A_105] {strides = array<i32>} : memref<25x80xf32, #tpu.memory_space<vmem>>, vector<16xf32>,
        tpu.vector_store %arg16[%swap3A_104, %swap3A_105], %div3A_103 {strides = array<i32>} : memref<25x80xf32, #tpu.memory_space<vmem>>, vector<16xf32>,
        %get3A_107 = arith.index_cast %scan3A_53 : i32 to index
        %get3A_108 = arith.constant 64 : index
        %get3A_109 = tpu.vector_load %arg15[%get3A_107, %get3A_108] {strides = array<i32>} : memref<25x80xi32, #tpu.memory_space<vmem>>, vector<16xi32>,
        %gather3A_110 = tpu.vector_load_idx %arg12[%get3A_109] : memref<10000xf32, #tpu.memory_space<vmem>>[vector<16xi32>], vector<16xf32>,
        %add3A_111 = arith.constant 1.000000e-16 : f32
        %add3A_112 = vector.broadcast %add3A_111 : f32 to vector<16xf32>
        %add3A_113 = arith.addf %gather3A_110, %add3A_112 : vector<16xf32>
        %get3A_114 = arith.index_cast %scan3A_53 : i32 to index
        %get3A_115 = arith.constant 64 : index
        %get3A_116 = tpu.vector_load %arg16[%get3A_114, %get3A_115] {strides = array<i32>} : memref<25x80xf32, #tpu.memory_space<vmem>>, vector<16xf32>,
        %div3A_117 = arith.divf %get3A_116, %add3A_113 : vector<16xf32>
        %swap3A_118 = arith.index_cast %scan3A_53 : i32 to index
        %swap3A_119 = arith.constant 64 : index
        %swap3A_120 = tpu.vector_load %arg16[%swap3A_118, %swap3A_119] {strides = array<i32>} : memref<25x80xf32, #tpu.memory_space<vmem>>, vector<16xf32>,
        tpu.vector_store %arg16[%swap3A_118, %swap3A_119], %div3A_117 {strides = array<i32>} : memref<25x80xf32, #tpu.memory_space<vmem>>, vector<16xf32>,
      }
      %scan3A_34 = arith.constant 25 : i32
      %dma_start3A = arith.constant 0 : i32
      %dma_start3A_35 = arith.constant 0 : i32
      %dma_start3A_36 = tpu.memref_slice %arg14[%dma_start3A, %dma_start3A_35] : memref<25x80xi32, #tpu.memory_space<vmem>> -> memref<1x80xi32, #tpu.memory_space<vmem>>
      %dma_start3A_37 = tpu.memref_squeeze %dma_start3A_36 : memref<1x80xi32, #tpu.memory_space<vmem>> -> memref<80xi32, #tpu.memory_space<vmem>>
      %dma_start3A_38 = arith.constant 0 : i32
      %dma_start3A_39 = arith.constant 0 : i32
      %dma_start3A_40 = tpu.memref_slice %arg2[%dma_start3A_38, %dma_start3A_39] : memref<10000x128xf32, #tpu.memory_space<hbm>> -> memref<10000x128xf32, #tpu.memory_space<hbm>>
      tpu.enqueue_indirect_dma source(%dma_start3A_40 : memref<10000x128xf32, #tpu.memory_space<hbm>>) target(%arg18 : memref<80x128xf32, #tpu.memory_space<vmem>>) offsets(%dma_start3A_37 : memref<80xi32, #tpu.memory_space<vmem>>) semaphore(%arg23 : memref<!tpu.dma_semaphore, #tpu.memory_space<semaphore_mem>>)
      %scan3A_41 = arith.constant 0 : i32
      %scan3A_42 = arith.constant 0 : i32
      %scan3A_43 = arith.constant 25 : i32
      %scan3A_44 = arith.addi %scan3A_42, %scan3A_43 : i32
      %scan3A_45 = arith.constant 1 : i32
      scf.for %scan3A_53 = %scan3A_42 to %scan3A_44 step %scan3A_45  : i32 {
        %jit3A = arith.constant 2 : i32
        %eq3A = arith.constant 0 : i32
        %eq3A_54 = arith.cmpi eq, %jit3A, %eq3A : i32
        %jit3A_55 = arith.constant 1 : i32
        %select_n3A = arith.select %eq3A_54, %jit3A_55, %jit3A : i32
        %rem3A = arith.remsi %scan3A_53, %select_n3A : i32
        %ne3A = arith.constant 0 : i32
        %ne3A_56 = arith.cmpi ne, %rem3A, %ne3A : i32
        %lt3A_57 = arith.constant 0 : i32
        %lt3A_58 = arith.cmpi slt, %rem3A, %lt3A_57 : i32
        %lt3A_59 = arith.constant 0 : i32
        %lt3A_60 = arith.cmpi slt, %select_n3A, %lt3A_59 : i32
        %ne3A_61 = arith.xori %lt3A_58, %lt3A_60 : i1
        %and3A = arith.andi %ne3A_61, %ne3A_56 : i1
        %add3A_62 = arith.addi %rem3A, %select_n3A : i32
        %select_n3A_63 = arith.select %and3A, %add3A_62, %rem3A : i32
        %eq3A_64 = arith.constant 0 : i32
        %eq3A_65 = arith.cmpi eq, %select_n3A_63, %eq3A_64 : i32
        %convert_element_type3A_66 = arith.extui %eq3A_65 : i1 to i32
        %cond3A_67 = arith.constant 0 : i32
        %cond3A_68 = arith.cmpi ne, %convert_element_type3A_66, %cond3A_67 : i32
        scf.if %cond3A_68 {
          %dma_wait3A_90 = arith.constant 0 : i32
          %dma_wait3A_91 = tpu.memref_slice %arg14[%scan3A_53, %dma_wait3A_90] : memref<25x80xi32, #tpu.memory_space<vmem>> -> memref<1x80xi32, #tpu.memory_space<vmem>>
          %dma_wait3A_92 = tpu.memref_squeeze %dma_wait3A_91 : memref<1x80xi32, #tpu.memory_space<vmem>> -> memref<80xi32, #tpu.memory_space<vmem>>
          %dma_wait3A_93 = arith.constant 0 : i32
          %dma_wait3A_94 = arith.constant 0 : i32
          %dma_wait3A_95 = tpu.memref_slice %arg2[%dma_wait3A_93, %dma_wait3A_94] : memref<10000x128xf32, #tpu.memory_space<hbm>> -> memref<10000x128xf32, #tpu.memory_space<hbm>>
          tpu.wait_indirect_dma semaphore(%arg23 : memref<!tpu.dma_semaphore, #tpu.memory_space<semaphore_mem>>) src(%dma_wait3A_95 : memref<10000x128xf32, #tpu.memory_space<hbm>>) dst(%arg18 : memref<80x128xf32, #tpu.memory_space<vmem>>)
          %ge3A = arith.constant 1 : i32
          %ge3A_96 = arith.cmpi sge, %scan3A_53, %ge3A : i32
          %convert_element_type3A_97 = arith.extui %ge3A_96 : i1 to i32
          %cond3A_98 = arith.constant 0 : i32
          %cond3A_99 = arith.cmpi ne, %convert_element_type3A_97, %cond3A_98 : i32
          scf.if %cond3A_99 {
            %dma_wait3A_117 = arith.constant 0 : i32
            %dma_wait3A_118 = arith.constant 0 : i32
            %dma_wait3A_119 = tpu.memref_slice %arg15[%dma_wait3A_117, %dma_wait3A_118] : memref<25x80xi32, #tpu.memory_space<vmem>> -> memref<1x80xi32, #tpu.memory_space<vmem>>
            %dma_wait3A_120 = tpu.memref_squeeze %dma_wait3A_119 : memref<1x80xi32, #tpu.memory_space<vmem>> -> memref<80xi32, #tpu.memory_space<vmem>>
            %dma_wait3A_121 = arith.constant 0 : i32
            %dma_wait3A_122 = arith.constant 0 : i32
            %dma_wait3A_123 = tpu.memref_slice %arg21[%dma_wait3A_121, %dma_wait3A_122] : memref<10000x128xf32, #tpu.memory_space<vmem_shared>> -> memref<10000x128xf32, #tpu.memory_space<vmem_shared>>
            tpu.wait_indirect_dma semaphore(%arg26 : memref<!tpu.dma_semaphore, #tpu.memory_space<semaphore_mem>>) src(%arg19 : memref<80x128xf32, #tpu.memory_space<vmem>>) dst(%dma_wait3A_123 : memref<10000x128xf32, #tpu.memory_space<vmem_shared>>)
          } else {
          }
          %lt3A_100 = arith.constant 24 : i32
          %lt3A_101 = arith.cmpi slt, %scan3A_53, %lt3A_100 : i32
          %convert_element_type3A_102 = arith.extui %lt3A_101 : i1 to i32
          %cond3A_103 = arith.constant 0 : i32
          %cond3A_104 = arith.cmpi ne, %convert_element_type3A_102, %cond3A_103 : i32
          scf.if %cond3A_104 {
            %add3A_117 = arith.constant 1 : i32
            %add3A_118 = arith.addi %scan3A_53, %add3A_117 : i32
            %dma_start3A_119 = arith.constant 0 : i32
            %dma_start3A_120 = tpu.memref_slice %arg14[%add3A_118, %dma_start3A_119] : memref<25x80xi32, #tpu.memory_space<vmem>> -> memref<1x80xi32, #tpu.memory_space<vmem>>
            %dma_start3A_121 = tpu.memref_squeeze %dma_start3A_120 : memref<1x80xi32, #tpu.memory_space<vmem>> -> memref<80xi32, #tpu.memory_space<vmem>>
            %dma_start3A_122 = arith.constant 0 : i32
            %dma_start3A_123 = arith.constant 0 : i32
            %dma_start3A_124 = tpu.memref_slice %arg2[%dma_start3A_122, %dma_start3A_123] : memref<10000x128xf32, #tpu.memory_space<hbm>> -> memref<10000x128xf32, #tpu.memory_space<hbm>>
            tpu.enqueue_indirect_dma source(%dma_start3A_124 : memref<10000x128xf32, #tpu.memory_space<hbm>>) target(%arg19 : memref<80x128xf32, #tpu.memory_space<vmem>>) offsets(%dma_start3A_121 : memref<80xi32, #tpu.memory_space<vmem>>) semaphore(%arg24 : memref<!tpu.dma_semaphore, #tpu.memory_space<semaphore_mem>>)
          } else {
          }
          %scan3A_105 = arith.constant 0 : i32
          %scan3A_106 = arith.constant 0 : i32
          %scan3A_107 = arith.constant 5 : i32
          %scan3A_108 = arith.addi %scan3A_106, %scan3A_107 : i32
          %scan3A_109 = arith.constant 1 : i32
          scf.for %scan3A_117 = %scan3A_106 to %scan3A_108 step %scan3A_109  : i32 {
            %mul3A_118 = arith.constant 16 : i32
            %mul3A_119 = arith.muli %scan3A_117, %mul3A_118 : i32
            %get3A_120 = arith.index_cast %scan3A_53 : i32 to index
            %get3A_121 = arith.index_cast %mul3A_119 : i32 to index
            %get3A_122 = tpu.vector_load %arg16[%get3A_120, %get3A_121] {strides = array<i32>} : memref<25x80xf32, #tpu.memory_space<vmem>>, vector<16xf32>,
            %slice3A = vector.extract_strided_slice %get3A_122 {offsets = [0], sizes = [1], strides = [1]} : vector<16xf32> to vector<1xf32>
            %squeeze3A = vector.extract %slice3A[0] : f32 from vector<1xf32>
            %broadcast_in_dim3A = vector.broadcast %squeeze3A : f32 to vector<16xf32>
            %mul3A_123 = arith.constant 16 : i32
            %mul3A_124 = arith.muli %scan3A_117, %mul3A_123 : i32
            %add3A_125 = arith.constant 0 : i32
            %add3A_126 = arith.addi %mul3A_124, %add3A_125 : i32
            %get3A_127 = arith.index_cast %add3A_126 : i32 to index
            %get3A_128 = arith.constant 0 : index
            %get3A_129 = tpu.vector_load %arg18[%get3A_127, %get3A_128] {strides = array<i32>} : memref<80x128xf32, #tpu.memory_space<vmem>>, vector<16xf32>,
            %mul3A_130 = arith.mulf %get3A_129, %broadcast_in_dim3A : vector<16xf32>
            %swap3A = arith.index_cast %add3A_126 : i32 to index
            %swap3A_131 = arith.constant 0 : index
            %swap3A_132 = tpu.vector_load %arg18[%swap3A, %swap3A_131] {strides = array<i32>} : memref<80x128xf32, #tpu.memory_space<vmem>>, vector<16xf32>,
            tpu.vector_store %arg18[%swap3A, %swap3A_131], %mul3A_130 {strides = array<i32>} : memref<80x128xf32, #tpu.memory_space<vmem>>, vector<16xf32>,
            %get3A_133 = arith.index_cast %add3A_126 : i32 to index
            %get3A_134 = arith.constant 16 : index
            %get3A_135 = tpu.vector_load %arg18[%get3A_133, %get3A_134] {strides = array<i32>} : memref<80x128xf32, #tpu.memory_space<vmem>>, vector<16xf32>,
            %mul3A_136 = arith.mulf %get3A_135, %broadcast_in_dim3A : vector<16xf32>
            %swap3A_137 = arith.index_cast %add3A_126 : i32 to index
            %swap3A_138 = arith.constant 16 : index
            %swap3A_139 = tpu.vector_load %arg18[%swap3A_137, %swap3A_138] {strides = array<i32>} : memref<80x128xf32, #tpu.memory_space<vmem>>, vector<16xf32>,
            tpu.vector_store %arg18[%swap3A_137, %swap3A_138], %mul3A_136 {strides = array<i32>} : memref<80x128xf32, #tpu.memory_space<vmem>>, vector<16xf32>,
            %get3A_140 = arith.index_cast %add3A_126 : i32 to index
            %get3A_141 = arith.constant 32 : index
            %get3A_142 = tpu.vector_load %arg18[%get3A_140, %get3A_141] {strides = array<i32>} : memref<80x128xf32, #tpu.memory_space<vmem>>, vector<16xf32>,
            %mul3A_143 = arith.mulf %get3A_142, %broadcast_in_dim3A : vector<16xf32>
            %swap3A_144 = arith.index_cast %add3A_126 : i32 to index
            %swap3A_145 = arith.constant 32 : index
            %swap3A_146 = tpu.vector_load %arg18[%swap3A_144, %swap3A_145] {strides = array<i32>} : memref<80x128xf32, #tpu.memory_space<vmem>>, vector<16xf32>,
            tpu.vector_store %arg18[%swap3A_144, %swap3A_145], %mul3A_143 {strides = array<i32>} : memref<80x128xf32, #tpu.memory_space<vmem>>, vector<16xf32>,
            %get3A_147 = arith.index_cast %add3A_126 : i32 to index
            %get3A_148 = arith.constant 48 : index
            %get3A_149 = tpu.vector_load %arg18[%get3A_147, %get3A_148] {strides = array<i32>} : memref<80x128xf32, #tpu.memory_space<vmem>>, vector<16xf32>,
            %mul3A_150 = arith.mulf %get3A_149, %broadcast_in_dim3A : vector<16xf32>
            %swap3A_151 = arith.index_cast %add3A_126 : i32 to index
            %swap3A_152 = arith.constant 48 : index
            %swap3A_153 = tpu.vector_load %arg18[%swap3A_151, %swap3A_152] {strides = array<i32>} : memref<80x128xf32, #tpu.memory_space<vmem>>, vector<16xf32>,
            tpu.vector_store %arg18[%swap3A_151, %swap3A_152], %mul3A_150 {strides = array<i32>} : memref<80x128xf32, #tpu.memory_space<vmem>>, vector<16xf32>,
            %get3A_154 = arith.index_cast %add3A_126 : i32 to index
            %get3A_155 = arith.constant 64 : index
            %get3A_156 = tpu.vector_load %arg18[%get3A_154, %get3A_155] {strides = array<i32>} : memref<80x128xf32, #tpu.memory_space<vmem>>, vector<16xf32>,
            %mul3A_157 = arith.mulf %get3A_156, %broadcast_in_dim3A : vector<16xf32>
            %swap3A_158 = arith.index_cast %add3A_126 : i32 to index
            %swap3A_159 = arith.constant 64 : index
            %swap3A_160 = tpu.vector_load %arg18[%swap3A_158, %swap3A_159] {strides = array<i32>} : memref<80x128xf32, #tpu.memory_space<vmem>>, vector<16xf32>,
            tpu.vector_store %arg18[%swap3A_158, %swap3A_159], %mul3A_157 {strides = array<i32>} : memref<80x128xf32, #tpu.memory_space<vmem>>, vector<16xf32>,
            %get3A_161 = arith.index_cast %add3A_126 : i32 to index
            %get3A_162 = arith.constant 80 : index
            %get3A_163 = tpu.vector_load %arg18[%get3A_161, %get3A_162] {strides = array<i32>} : memref<80x128xf32, #tpu.memory_space<vmem>>, vector<16xf32>,
            %mul3A_164 = arith.mulf %get3A_163, %broadcast_in_dim3A : vector<16xf32>
            %swap3A_165 = arith.index_cast %add3A_126 : i32 to index
            %swap3A_166 = arith.constant 80 : index
            %swap3A_167 = tpu.vector_load %arg18[%swap3A_165, %swap3A_166] {strides = array<i32>} : memref<80x128xf32, #tpu.memory_space<vmem>>, vector<16xf32>,
            tpu.vector_store %arg18[%swap3A_165, %swap3A_166], %mul3A_164 {strides = array<i32>} : memref<80x128xf32, #tpu.memory_space<vmem>>, vector<16xf32>,
            %get3A_168 = arith.index_cast %add3A_126 : i32 to index
            %get3A_169 = arith.constant 96 : index
            %get3A_170 = tpu.vector_load %arg18[%get3A_168, %get3A_169] {strides = array<i32>} : memref<80x128xf32, #tpu.memory_space<vmem>>, vector<16xf32>,
            %mul3A_171 = arith.mulf %get3A_170, %broadcast_in_dim3A : vector<16xf32>
            %swap3A_172 = arith.index_cast %add3A_126 : i32 to index
            %swap3A_173 = arith.constant 96 : index
            %swap3A_174 = tpu.vector_load %arg18[%swap3A_172, %swap3A_173] {strides = array<i32>} : memref<80x128xf32, #tpu.memory_space<vmem>>, vector<16xf32>,
            tpu.vector_store %arg18[%swap3A_172, %swap3A_173], %mul3A_171 {strides = array<i32>} : memref<80x128xf32, #tpu.memory_space<vmem>>, vector<16xf32>,
            %get3A_175 = arith.index_cast %add3A_126 : i32 to index
            %get3A_176 = arith.constant 112 : index
            %get3A_177 = tpu.vector_load %arg18[%get3A_175, %get3A_176] {strides = array<i32>} : memref<80x128xf32, #tpu.memory_space<vmem>>, vector<16xf32>,
            %mul3A_178 = arith.mulf %get3A_177, %broadcast_in_dim3A : vector<16xf32>
            %swap3A_179 = arith.index_cast %add3A_126 : i32 to index
            %swap3A_180 = arith.constant 112 : index
            %swap3A_181 = tpu.vector_load %arg18[%swap3A_179, %swap3A_180] {strides = array<i32>} : memref<80x128xf32, #tpu.memory_space<vmem>>, vector<16xf32>,
            tpu.vector_store %arg18[%swap3A_179, %swap3A_180], %mul3A_178 {strides = array<i32>} : memref<80x128xf32, #tpu.memory_space<vmem>>, vector<16xf32>,
            %slice3A_182 = vector.extract_strided_slice %get3A_122 {offsets = [1], sizes = [1], strides = [1]} : vector<16xf32> to vector<1xf32>
            %squeeze3A_183 = vector.extract %slice3A_182[0] : f32 from vector<1xf32>
            %broadcast_in_dim3A_184 = vector.broadcast %squeeze3A_183 : f32 to vector<16xf32>
            %mul3A_185 = arith.constant 16 : i32
            %mul3A_186 = arith.muli %scan3A_117, %mul3A_185 : i32
            %add3A_187 = arith.constant 1 : i32
            %add3A_188 = arith.addi %mul3A_186, %add3A_187 : i32
            %get3A_189 = arith.index_cast %add3A_188 : i32 to index
            %get3A_190 = arith.constant 0 : index
            %get3A_191 = tpu.vector_load %arg18[%get3A_189, %get3A_190] {strides = array<i32>} : memref<80x128xf32, #tpu.memory_space<vmem>>, vector<16xf32>,
            %mul3A_192 = arith.mulf %get3A_191, %broadcast_in_dim3A_184 : vector<16xf32>
            %swap3A_193 = arith.index_cast %add3A_188 : i32 to index
            %swap3A_194 = arith.constant 0 : index
            %swap3A_195 = tpu.vector_load %arg18[%swap3A_193, %swap3A_194] {strides = array<i32>} : memref<80x128xf32, #tpu.memory_space<vmem>>, vector<16xf32>,
            tpu.vector_store %arg18[%swap3A_193, %swap3A_194], %mul3A_192 {strides = array<i32>} : memref<80x128xf32, #tpu.memory_space<vmem>>, vector<16xf32>,
            %get3A_196 = arith.index_cast %add3A_188 : i32 to index
            %get3A_197 = arith.constant 16 : index
            %get3A_198 = tpu.vector_load %arg18[%get3A_196, %get3A_197] {strides = array<i32>} : memref<80x128xf32, #tpu.memory_space<vmem>>, vector<16xf32>,
            %mul3A_199 = arith.mulf %get3A_198, %broadcast_in_dim3A_184 : vector<16xf32>
            %swap3A_200 = arith.index_cast %add3A_188 : i32 to index
            %swap3A_201 = arith.constant 16 : index
            %swap3A_202 = tpu.vector_load %arg18[%swap3A_200, %swap3A_201] {strides = array<i32>} : memref<80x128xf32, #tpu.memory_space<vmem>>, vector<16xf32>,
            tpu.vector_store %arg18[%swap3A_200, %swap3A_201], %mul3A_199 {strides = array<i32>} : memref<80x128xf32, #tpu.memory_space<vmem>>, vector<16xf32>,
            %get3A_203 = arith.index_cast %add3A_188 : i32 to index
            %get3A_204 = arith.constant 32 : index
            %get3A_205 = tpu.vector_load %arg18[%get3A_203, %get3A_204] {strides = array<i32>} : memref<80x128xf32, #tpu.memory_space<vmem>>, vector<16xf32>,
            %mul3A_206 = arith.mulf %get3A_205, %broadcast_in_dim3A_184 : vector<16xf32>
            %swap3A_207 = arith.index_cast %add3A_188 : i32 to index
            %swap3A_208 = arith.constant 32 : index
            %swap3A_209 = tpu.vector_load %arg18[%swap3A_207, %swap3A_208] {strides = array<i32>} : memref<80x128xf32, #tpu.memory_space<vmem>>, vector<16xf32>,
            tpu.vector_store %arg18[%swap3A_207, %swap3A_208], %mul3A_206 {strides = array<i32>} : memref<80x128xf32, #tpu.memory_space<vmem>>, vector<16xf32>,
            %get3A_210 = arith.index_cast %add3A_188 : i32 to index
            %get3A_211 = arith.constant 48 : index
            %get3A_212 = tpu.vector_load %arg18[%get3A_210, %get3A_211] {strides = array<i32>} : memref<80x128xf32, #tpu.memory_space<vmem>>, vector<16xf32>,
            %mul3A_213 = arith.mulf %get3A_212, %broadcast_in_dim3A_184 : vector<16xf32>
            %swap3A_214 = arith.index_cast %add3A_188 : i32 to index
            %swap3A_215 = arith.constant 48 : index
            %swap3A_216 = tpu.vector_load %arg18[%swap3A_214, %swap3A_215] {strides = array<i32>} : memref<80x128xf32, #tpu.memory_space<vmem>>, vector<16xf32>,
            tpu.vector_store %arg18[%swap3A_214, %swap3A_215], %mul3A_213 {strides = array<i32>} : memref<80x128xf32, #tpu.memory_space<vmem>>, vector<16xf32>,
            %get3A_217 = arith.index_cast %add3A_188 : i32 to index
            %get3A_218 = arith.constant 64 : index
            %get3A_219 = tpu.vector_load %arg18[%get3A_217, %get3A_218] {strides = array<i32>} : memref<80x128xf32, #tpu.memory_space<vmem>>, vector<16xf32>,
            %mul3A_220 = arith.mulf %get3A_219, %broadcast_in_dim3A_184 : vector<16xf32>
            %swap3A_221 = arith.index_cast %add3A_188 : i32 to index
            %swap3A_222 = arith.constant 64 : index
            %swap3A_223 = tpu.vector_load %arg18[%swap3A_221, %swap3A_222] {strides = array<i32>} : memref<80x128xf32, #tpu.memory_space<vmem>>, vector<16xf32>,
            tpu.vector_store %arg18[%swap3A_221, %swap3A_222], %mul3A_220 {strides = array<i32>} : memref<80x128xf32, #tpu.memory_space<vmem>>, vector<16xf32>,
            %get3A_224 = arith.index_cast %add3A_188 : i32 to index
            %get3A_225 = arith.constant 80 : index
            %get3A_226 = tpu.vector_load %arg18[%get3A_224, %get3A_225] {strides = array<i32>} : memref<80x128xf32, #tpu.memory_space<vmem>>, vector<16xf32>,
            %mul3A_227 = arith.mulf %get3A_226, %broadcast_in_dim3A_184 : vector<16xf32>
            %swap3A_228 = arith.index_cast %add3A_188 : i32 to index
            %swap3A_229 = arith.constant 80 : index
            %swap3A_230 = tpu.vector_load %arg18[%swap3A_228, %swap3A_229] {strides = array<i32>} : memref<80x128xf32, #tpu.memory_space<vmem>>, vector<16xf32>,
            tpu.vector_store %arg18[%swap3A_228, %swap3A_229], %mul3A_227 {strides = array<i32>} : memref<80x128xf32, #tpu.memory_space<vmem>>, vector<16xf32>,
            %get3A_231 = arith.index_cast %add3A_188 : i32 to index
            %get3A_232 = arith.constant 96 : index
            %get3A_233 = tpu.vector_load %arg18[%get3A_231, %get3A_232] {strides = array<i32>} : memref<80x128xf32, #tpu.memory_space<vmem>>, vector<16xf32>,
            %mul3A_234 = arith.mulf %get3A_233, %broadcast_in_dim3A_184 : vector<16xf32>
            %swap3A_235 = arith.index_cast %add3A_188 : i32 to index
            %swap3A_236 = arith.constant 96 : index
            %swap3A_237 = tpu.vector_load %arg18[%swap3A_235, %swap3A_236] {strides = array<i32>} : memref<80x128xf32, #tpu.memory_space<vmem>>, vector<16xf32>,
            tpu.vector_store %arg18[%swap3A_235, %swap3A_236], %mul3A_234 {strides = array<i32>} : memref<80x128xf32, #tpu.memory_space<vmem>>, vector<16xf32>,
            %get3A_238 = arith.index_cast %add3A_188 : i32 to index
            %get3A_239 = arith.constant 112 : index
            %get3A_240 = tpu.vector_load %arg18[%get3A_238, %get3A_239] {strides = array<i32>} : memref<80x128xf32, #tpu.memory_space<vmem>>, vector<16xf32>,
            %mul3A_241 = arith.mulf %get3A_240, %broadcast_in_dim3A_184 : vector<16xf32>
            %swap3A_242 = arith.index_cast %add3A_188 : i32 to index
            %swap3A_243 = arith.constant 112 : index
            %swap3A_244 = tpu.vector_load %arg18[%swap3A_242, %swap3A_243] {strides = array<i32>} : memref<80x128xf32, #tpu.memory_space<vmem>>, vector<16xf32>,
            tpu.vector_store %arg18[%swap3A_242, %swap3A_243], %mul3A_241 {strides = array<i32>} : memref<80x128xf32, #tpu.memory_space<vmem>>, vector<16xf32>,
            %slice3A_245 = vector.extract_strided_slice %get3A_122 {offsets = [2], sizes = [1], strides = [1]} : vector<16xf32> to vector<1xf32>
            %squeeze3A_246 = vector.extract %slice3A_245[0] : f32 from vector<1xf32>
            %broadcast_in_dim3A_247 = vector.broadcast %squeeze3A_246 : f32 to vector<16xf32>
            %mul3A_248 = arith.constant 16 : i32
            %mul3A_249 = arith.muli %scan3A_117, %mul3A_248 : i32
            %add3A_250 = arith.constant 2 : i32
            %add3A_251 = arith.addi %mul3A_249, %add3A_250 : i32
            %get3A_252 = arith.index_cast %add3A_251 : i32 to index
            %get3A_253 = arith.constant 0 : index
            %get3A_254 = tpu.vector_load %arg18[%get3A_252, %get3A_253] {strides = array<i32>} : memref<80x128xf32, #tpu.memory_space<vmem>>, vector<16xf32>,
            %mul3A_255 = arith.mulf %get3A_254, %broadcast_in_dim3A_247 : vector<16xf32>
            %swap3A_256 = arith.index_cast %add3A_251 : i32 to index
            %swap3A_257 = arith.constant 0 : index
            %swap3A_258 = tpu.vector_load %arg18[%swap3A_256, %swap3A_257] {strides = array<i32>} : memref<80x128xf32, #tpu.memory_space<vmem>>, vector<16xf32>,
            tpu.vector_store %arg18[%swap3A_256, %swap3A_257], %mul3A_255 {strides = array<i32>} : memref<80x128xf32, #tpu.memory_space<vmem>>, vector<16xf32>,
            %get3A_259 = arith.index_cast %add3A_251 : i32 to index
            %get3A_260 = arith.constant 16 : index
            %get3A_261 = tpu.vector_load %arg18[%get3A_259, %get3A_260] {strides = array<i32>} : memref<80x128xf32, #tpu.memory_space<vmem>>, vector<16xf32>,
            %mul3A_262 = arith.mulf %get3A_261, %broadcast_in_dim3A_247 : vector<16xf32>
            %swap3A_263 = arith.index_cast %add3A_251 : i32 to index
            %swap3A_264 = arith.constant 16 : index
            %swap3A_265 = tpu.vector_load %arg18[%swap3A_263, %swap3A_264] {strides = array<i32>} : memref<80x128xf32, #tpu.memory_space<vmem>>, vector<16xf32>,
            tpu.vector_store %arg18[%swap3A_263, %swap3A_264], %mul3A_262 {strides = array<i32>} : memref<80x128xf32, #tpu.memory_space<vmem>>, vector<16xf32>,
            %get3A_266 = arith.index_cast %add3A_251 : i32 to index
            %get3A_267 = arith.constant 32 : index
            %get3A_268 = tpu.vector_load %arg18[%get3A_266, %get3A_267] {strides = array<i32>} : memref<80x128xf32, #tpu.memory_space<vmem>>, vector<16xf32>,
            %mul3A_269 = arith.mulf %get3A_268, %broadcast_in_dim3A_247 : vector<16xf32>
            %swap3A_270 = arith.index_cast %add3A_251 : i32 to index
            %swap3A_271 = arith.constant 32 : index
            %swap3A_272 = tpu.vector_load %arg18[%swap3A_270, %swap3A_271] {strides = array<i32>} : memref<80x128xf32, #tpu.memory_space<vmem>>, vector<16xf32>,
            tpu.vector_store %arg18[%swap3A_270, %swap3A_271], %mul3A_269 {strides = array<i32>} : memref<80x128xf32, #tpu.memory_space<vmem>>, vector<16xf32>,
            %get3A_273 = arith.index_cast %add3A_251 : i32 to index
            %get3A_274 = arith.constant 48 : index
            %get3A_275 = tpu.vector_load %arg18[%get3A_273, %get3A_274] {strides = array<i32>} : memref<80x128xf32, #tpu.memory_space<vmem>>, vector<16xf32>,
            %mul3A_276 = arith.mulf %get3A_275, %broadcast_in_dim3A_247 : vector<16xf32>
            %swap3A_277 = arith.index_cast %add3A_251 : i32 to index
            %swap3A_278 = arith.constant 48 : index
            %swap3A_279 = tpu.vector_load %arg18[%swap3A_277, %swap3A_278] {strides = array<i32>} : memref<80x128xf32, #tpu.memory_space<vmem>>, vector<16xf32>,
            tpu.vector_store %arg18[%swap3A_277, %swap3A_278], %mul3A_276 {strides = array<i32>} : memref<80x128xf32, #tpu.memory_space<vmem>>, vector<16xf32>,
            %get3A_280 = arith.index_cast %add3A_251 : i32 to index
            %get3A_281 = arith.constant 64 : index
            %get3A_282 = tpu.vector_load %arg18[%get3A_280, %get3A_281] {strides = array<i32>} : memref<80x128xf32, #tpu.memory_space<vmem>>, vector<16xf32>,
            %mul3A_283 = arith.mulf %get3A_282, %broadcast_in_dim3A_247 : vector<16xf32>
            %swap3A_284 = arith.index_cast %add3A_251 : i32 to index
            %swap3A_285 = arith.constant 64 : index
            %swap3A_286 = tpu.vector_load %arg18[%swap3A_284, %swap3A_285] {strides = array<i32>} : memref<80x128xf32, #tpu.memory_space<vmem>>, vector<16xf32>,
            tpu.vector_store %arg18[%swap3A_284, %swap3A_285], %mul3A_283 {strides = array<i32>} : memref<80x128xf32, #tpu.memory_space<vmem>>, vector<16xf32>,
            %get3A_287 = arith.index_cast %add3A_251 : i32 to index
            %get3A_288 = arith.constant 80 : index
            %get3A_289 = tpu.vector_load %arg18[%get3A_287, %get3A_288] {strides = array<i32>} : memref<80x128xf32, #tpu.memory_space<vmem>>, vector<16xf32>,
            %mul3A_290 = arith.mulf %get3A_289, %broadcast_in_dim3A_247 : vector<16xf32>
            %swap3A_291 = arith.index_cast %add3A_251 : i32 to index
            %swap3A_292 = arith.constant 80 : index
            %swap3A_293 = tpu.vector_load %arg18[%swap3A_291, %swap3A_292] {strides = array<i32>} : memref<80x128xf32, #tpu.memory_space<vmem>>, vector<16xf32>,
            tpu.vector_store %arg18[%swap3A_291, %swap3A_292], %mul3A_290 {strides = array<i32>} : memref<80x128xf32, #tpu.memory_space<vmem>>, vector<16xf32>,
            %get3A_294 = arith.index_cast %add3A_251 : i32 to index
            %get3A_295 = arith.constant 96 : index
            %get3A_296 = tpu.vector_load %arg18[%get3A_294, %get3A_295] {strides = array<i32>} : memref<80x128xf32, #tpu.memory_space<vmem>>, vector<16xf32>,
            %mul3A_297 = arith.mulf %get3A_296, %broadcast_in_dim3A_247 : vector<16xf32>
            %swap3A_298 = arith.index_cast %add3A_251 : i32 to index
            %swap3A_299 = arith.constant 96 : index
            %swap3A_300 = tpu.vector_load %arg18[%swap3A_298, %swap3A_299] {strides = array<i32>} : memref<80x128xf32, #tpu.memory_space<vmem>>, vector<16xf32>,
            tpu.vector_store %arg18[%swap3A_298, %swap3A_299], %mul3A_297 {strides = array<i32>} : memref<80x128xf32, #tpu.memory_space<vmem>>, vector<16xf32>,
            %get3A_301 = arith.index_cast %add3A_251 : i32 to index
            %get3A_302 = arith.constant 112 : index
            %get3A_303 = tpu.vector_load %arg18[%get3A_301, %get3A_302] {strides = array<i32>} : memref<80x128xf32, #tpu.memory_space<vmem>>, vector<16xf32>,
            %mul3A_304 = arith.mulf %get3A_303, %broadcast_in_dim3A_247 : vector<16xf32>
            %swap3A_305 = arith.index_cast %add3A_251 : i32 to index
            %swap3A_306 = arith.constant 112 : index
            %swap3A_307 = tpu.vector_load %arg18[%swap3A_305, %swap3A_306] {strides = array<i32>} : memref<80x128xf32, #tpu.memory_space<vmem>>, vector<16xf32>,
            tpu.vector_store %arg18[%swap3A_305, %swap3A_306], %mul3A_304 {strides = array<i32>} : memref<80x128xf32, #tpu.memory_space<vmem>>, vector<16xf32>,
            %slice3A_308 = vector.extract_strided_slice %get3A_122 {offsets = [3], sizes = [1], strides = [1]} : vector<16xf32> to vector<1xf32>
            %squeeze3A_309 = vector.extract %slice3A_308[0] : f32 from vector<1xf32>
            %broadcast_in_dim3A_310 = vector.broadcast %squeeze3A_309 : f32 to vector<16xf32>
            %mul3A_311 = arith.constant 16 : i32
            %mul3A_312 = arith.muli %scan3A_117, %mul3A_311 : i32
            %add3A_313 = arith.constant 3 : i32
            %add3A_314 = arith.addi %mul3A_312, %add3A_313 : i32
            %get3A_315 = arith.index_cast %add3A_314 : i32 to index
            %get3A_316 = arith.constant 0 : index
            %get3A_317 = tpu.vector_load %arg18[%get3A_315, %get3A_316] {strides = array<i32>} : memref<80x128xf32, #tpu.memory_space<vmem>>, vector<16xf32>,
            %mul3A_318 = arith.mulf %get3A_317, %broadcast_in_dim3A_310 : vector<16xf32>
            %swap3A_319 = arith.index_cast %add3A_314 : i32 to index
            %swap3A_320 = arith.constant 0 : index
            %swap3A_321 = tpu.vector_load %arg18[%swap3A_319, %swap3A_320] {strides = array<i32>} : memref<80x128xf32, #tpu.memory_space<vmem>>, vector<16xf32>,
            tpu.vector_store %arg18[%swap3A_319, %swap3A_320], %mul3A_318 {strides = array<i32>} : memref<80x128xf32, #tpu.memory_space<vmem>>, vector<16xf32>,
            %get3A_322 = arith.index_cast %add3A_314 : i32 to index
            %get3A_323 = arith.constant 16 : index
            %get3A_324 = tpu.vector_load %arg18[%get3A_322, %get3A_323] {strides = array<i32>} : memref<80x128xf32, #tpu.memory_space<vmem>>, vector<16xf32>,
            %mul3A_325 = arith.mulf %get3A_324, %broadcast_in_dim3A_310 : vector<16xf32>
            %swap3A_326 = arith.index_cast %add3A_314 : i32 to index
            %swap3A_327 = arith.constant 16 : index
            %swap3A_328 = tpu.vector_load %arg18[%swap3A_326, %swap3A_327] {strides = array<i32>} : memref<80x128xf32, #tpu.memory_space<vmem>>, vector<16xf32>,
            tpu.vector_store %arg18[%swap3A_326, %swap3A_327], %mul3A_325 {strides = array<i32>} : memref<80x128xf32, #tpu.memory_space<vmem>>, vector<16xf32>,
            %get3A_329 = arith.index_cast %add3A_314 : i32 to index
            %get3A_330 = arith.constant 32 : index
            %get3A_331 = tpu.vector_load %arg18[%get3A_329, %get3A_330] {strides = array<i32>} : memref<80x128xf32, #tpu.memory_space<vmem>>, vector<16xf32>,
            %mul3A_332 = arith.mulf %get3A_331, %broadcast_in_dim3A_310 : vector<16xf32>
            %swap3A_333 = arith.index_cast %add3A_314 : i32 to index
            %swap3A_334 = arith.constant 32 : index
            %swap3A_335 = tpu.vector_load %arg18[%swap3A_333, %swap3A_334] {strides = array<i32>} : memref<80x128xf32, #tpu.memory_space<vmem>>, vector<16xf32>,
            tpu.vector_store %arg18[%swap3A_333, %swap3A_334], %mul3A_332 {strides = array<i32>} : memref<80x128xf32, #tpu.memory_space<vmem>>, vector<16xf32>,
            %get3A_336 = arith.index_cast %add3A_314 : i32 to index
            %get3A_337 = arith.constant 48 : index
            %get3A_338 = tpu.vector_load %arg18[%get3A_336, %get3A_337] {strides = array<i32>} : memref<80x128xf32, #tpu.memory_space<vmem>>, vector<16xf32>,
            %mul3A_339 = arith.mulf %get3A_338, %broadcast_in_dim3A_310 : vector<16xf32>
            %swap3A_340 = arith.index_cast %add3A_314 : i32 to index
            %swap3A_341 = arith.constant 48 : index
            %swap3A_342 = tpu.vector_load %arg18[%swap3A_340, %swap3A_341] {strides = array<i32>} : memref<80x128xf32, #tpu.memory_space<vmem>>, vector<16xf32>,
            tpu.vector_store %arg18[%swap3A_340, %swap3A_341], %mul3A_339 {strides = array<i32>} : memref<80x128xf32, #tpu.memory_space<vmem>>, vector<16xf32>,
            %get3A_343 = arith.index_cast %add3A_314 : i32 to index
            %get3A_344 = arith.constant 64 : index
            %get3A_345 = tpu.vector_load %arg18[%get3A_343, %get3A_344] {strides = array<i32>} : memref<80x128xf32, #tpu.memory_space<vmem>>, vector<16xf32>,
            %mul3A_346 = arith.mulf %get3A_345, %broadcast_in_dim3A_310 : vector<16xf32>
            %swap3A_347 = arith.index_cast %add3A_314 : i32 to index
            %swap3A_348 = arith.constant 64 : index
            %swap3A_349 = tpu.vector_load %arg18[%swap3A_347, %swap3A_348] {strides = array<i32>} : memref<80x128xf32, #tpu.memory_space<vmem>>, vector<16xf32>,
            tpu.vector_store %arg18[%swap3A_347, %swap3A_348], %mul3A_346 {strides = array<i32>} : memref<80x128xf32, #tpu.memory_space<vmem>>, vector<16xf32>,
            %get3A_350 = arith.index_cast %add3A_314 : i32 to index
            %get3A_351 = arith.constant 80 : index
            %get3A_352 = tpu.vector_load %arg18[%get3A_350, %get3A_351] {strides = array<i32>} : memref<80x128xf32, #tpu.memory_space<vmem>>, vector<16xf32>,
            %mul3A_353 = arith.mulf %get3A_352, %broadcast_in_dim3A_310 : vector<16xf32>
            %swap3A_354 = arith.index_cast %add3A_314 : i32 to index
            %swap3A_355 = arith.constant 80 : index
            %swap3A_356 = tpu.vector_load %arg18[%swap3A_354, %swap3A_355] {strides = array<i32>} : memref<80x128xf32, #tpu.memory_space<vmem>>, vector<16xf32>,
            tpu.vector_store %arg18[%swap3A_354, %swap3A_355], %mul3A_353 {strides = array<i32>} : memref<80x128xf32, #tpu.memory_space<vmem>>, vector<16xf32>,
            %get3A_357 = arith.index_cast %add3A_314 : i32 to index
            %get3A_358 = arith.constant 96 : index
            %get3A_359 = tpu.vector_load %arg18[%get3A_357, %get3A_358] {strides = array<i32>} : memref<80x128xf32, #tpu.memory_space<vmem>>, vector<16xf32>,
            %mul3A_360 = arith.mulf %get3A_359, %broadcast_in_dim3A_310 : vector<16xf32>
            %swap3A_361 = arith.index_cast %add3A_314 : i32 to index
            %swap3A_362 = arith.constant 96 : index
            %swap3A_363 = tpu.vector_load %arg18[%swap3A_361, %swap3A_362] {strides = array<i32>} : memref<80x128xf32, #tpu.memory_space<vmem>>, vector<16xf32>,
            tpu.vector_store %arg18[%swap3A_361, %swap3A_362], %mul3A_360 {strides = array<i32>} : memref<80x128xf32, #tpu.memory_space<vmem>>, vector<16xf32>,
            %get3A_364 = arith.index_cast %add3A_314 : i32 to index
            %get3A_365 = arith.constant 112 : index
            %get3A_366 = tpu.vector_load %arg18[%get3A_364, %get3A_365] {strides = array<i32>} : memref<80x128xf32, #tpu.memory_space<vmem>>, vector<16xf32>,
            %mul3A_367 = arith.mulf %get3A_366, %broadcast_in_dim3A_310 : vector<16xf32>
            %swap3A_368 = arith.index_cast %add3A_314 : i32 to index
            %swap3A_369 = arith.constant 112 : index
            %swap3A_370 = tpu.vector_load %arg18[%swap3A_368, %swap3A_369] {strides = array<i32>} : memref<80x128xf32, #tpu.memory_space<vmem>>, vector<16xf32>,
            tpu.vector_store %arg18[%swap3A_368, %swap3A_369], %mul3A_367 {strides = array<i32>} : memref<80x128xf32, #tpu.memory_space<vmem>>, vector<16xf32>,
            %slice3A_371 = vector.extract_strided_slice %get3A_122 {offsets = [4], sizes = [1], strides = [1]} : vector<16xf32> to vector<1xf32>
            %squeeze3A_372 = vector.extract %slice3A_371[0] : f32 from vector<1xf32>
            %broadcast_in_dim3A_373 = vector.broadcast %squeeze3A_372 : f32 to vector<16xf32>
            %mul3A_374 = arith.constant 16 : i32
            %mul3A_375 = arith.muli %scan3A_117, %mul3A_374 : i32
            %add3A_376 = arith.constant 4 : i32
            %add3A_377 = arith.addi %mul3A_375, %add3A_376 : i32
            %get3A_378 = arith.index_cast %add3A_377 : i32 to index
            %get3A_379 = arith.constant 0 : index
            %get3A_380 = tpu.vector_load %arg18[%get3A_378, %get3A_379] {strides = array<i32>} : memref<80x128xf32, #tpu.memory_space<vmem>>, vector<16xf32>,
            %mul3A_381 = arith.mulf %get3A_380, %broadcast_in_dim3A_373 : vector<16xf32>
            %swap3A_382 = arith.index_cast %add3A_377 : i32 to index
            %swap3A_383 = arith.constant 0 : index
            %swap3A_384 = tpu.vector_load %arg18[%swap3A_382, %swap3A_383] {strides = array<i32>} : memref<80x128xf32, #tpu.memory_space<vmem>>, vector<16xf32>,
            tpu.vector_store %arg18[%swap3A_382, %swap3A_383], %mul3A_381 {strides = array<i32>} : memref<80x128xf32, #tpu.memory_space<vmem>>, vector<16xf32>,
            %get3A_385 = arith.index_cast %add3A_377 : i32 to index
            %get3A_386 = arith.constant 16 : index
            %get3A_387 = tpu.vector_load %arg18[%get3A_385, %get3A_386] {strides = array<i32>} : memref<80x128xf32, #tpu.memory_space<vmem>>, vector<16xf32>,
            %mul3A_388 = arith.mulf %get3A_387, %broadcast_in_dim3A_373 : vector<16xf32>
            %swap3A_389 = arith.index_cast %add3A_377 : i32 to index
            %swap3A_390 = arith.constant 16 : index
            %swap3A_391 = tpu.vector_load %arg18[%swap3A_389, %swap3A_390] {strides = array<i32>} : memref<80x128xf32, #tpu.memory_space<vmem>>, vector<16xf32>,
            tpu.vector_store %arg18[%swap3A_389, %swap3A_390], %mul3A_388 {strides = array<i32>} : memref<80x128xf32, #tpu.memory_space<vmem>>, vector<16xf32>,
            %get3A_392 = arith.index_cast %add3A_377 : i32 to index
            %get3A_393 = arith.constant 32 : index
            %get3A_394 = tpu.vector_load %arg18[%get3A_392, %get3A_393] {strides = array<i32>} : memref<80x128xf32, #tpu.memory_space<vmem>>, vector<16xf32>,
            %mul3A_395 = arith.mulf %get3A_394, %broadcast_in_dim3A_373 : vector<16xf32>
            %swap3A_396 = arith.index_cast %add3A_377 : i32 to index
            %swap3A_397 = arith.constant 32 : index
            %swap3A_398 = tpu.vector_load %arg18[%swap3A_396, %swap3A_397] {strides = array<i32>} : memref<80x128xf32, #tpu.memory_space<vmem>>, vector<16xf32>,
            tpu.vector_store %arg18[%swap3A_396, %swap3A_397], %mul3A_395 {strides = array<i32>} : memref<80x128xf32, #tpu.memory_space<vmem>>, vector<16xf32>,
            %get3A_399 = arith.index_cast %add3A_377 : i32 to index
            %get3A_400 = arith.constant 48 : index
            %get3A_401 = tpu.vector_load %arg18[%get3A_399, %get3A_400] {strides = array<i32>} : memref<80x128xf32, #tpu.memory_space<vmem>>, vector<16xf32>,
            %mul3A_402 = arith.mulf %get3A_401, %broadcast_in_dim3A_373 : vector<16xf32>
            %swap3A_403 = arith.index_cast %add3A_377 : i32 to index
            %swap3A_404 = arith.constant 48 : index
            %swap3A_405 = tpu.vector_load %arg18[%swap3A_403, %swap3A_404] {strides = array<i32>} : memref<80x128xf32, #tpu.memory_space<vmem>>, vector<16xf32>,
            tpu.vector_store %arg18[%swap3A_403, %swap3A_404], %mul3A_402 {strides = array<i32>} : memref<80x128xf32, #tpu.memory_space<vmem>>, vector<16xf32>,
            %get3A_406 = arith.index_cast %add3A_377 : i32 to index
            %get3A_407 = arith.constant 64 : index
            %get3A_408 = tpu.vector_load %arg18[%get3A_406, %get3A_407] {strides = array<i32>} : memref<80x128xf32, #tpu.memory_space<vmem>>, vector<16xf32>,
            %mul3A_409 = arith.mulf %get3A_408, %broadcast_in_dim3A_373 : vector<16xf32>
            %swap3A_410 = arith.index_cast %add3A_377 : i32 to index
            %swap3A_411 = arith.constant 64 : index
            %swap3A_412 = tpu.vector_load %arg18[%swap3A_410, %swap3A_411] {strides = array<i32>} : memref<80x128xf32, #tpu.memory_space<vmem>>, vector<16xf32>,
            tpu.vector_store %arg18[%swap3A_410, %swap3A_411], %mul3A_409 {strides = array<i32>} : memref<80x128xf32, #tpu.memory_space<vmem>>, vector<16xf32>,
            %get3A_413 = arith.index_cast %add3A_377 : i32 to index
            %get3A_414 = arith.constant 80 : index
            %get3A_415 = tpu.vector_load %arg18[%get3A_413, %get3A_414] {strides = array<i32>} : memref<80x128xf32, #tpu.memory_space<vmem>>, vector<16xf32>,
            %mul3A_416 = arith.mulf %get3A_415, %broadcast_in_dim3A_373 : vector<16xf32>
            %swap3A_417 = arith.index_cast %add3A_377 : i32 to index
            %swap3A_418 = arith.constant 80 : index
            %swap3A_419 = tpu.vector_load %arg18[%swap3A_417, %swap3A_418] {strides = array<i32>} : memref<80x128xf32, #tpu.memory_space<vmem>>, vector<16xf32>,
            tpu.vector_store %arg18[%swap3A_417, %swap3A_418], %mul3A_416 {strides = array<i32>} : memref<80x128xf32, #tpu.memory_space<vmem>>, vector<16xf32>,
            %get3A_420 = arith.index_cast %add3A_377 : i32 to index
            %get3A_421 = arith.constant 96 : index
            %get3A_422 = tpu.vector_load %arg18[%get3A_420, %get3A_421] {strides = array<i32>} : memref<80x128xf32, #tpu.memory_space<vmem>>, vector<16xf32>,
            %mul3A_423 = arith.mulf %get3A_422, %broadcast_in_dim3A_373 : vector<16xf32>
            %swap3A_424 = arith.index_cast %add3A_377 : i32 to index
            %swap3A_425 = arith.constant 96 : index
            %swap3A_426 = tpu.vector_load %arg18[%swap3A_424, %swap3A_425] {strides = array<i32>} : memref<80x128xf32, #tpu.memory_space<vmem>>, vector<16xf32>,
            tpu.vector_store %arg18[%swap3A_424, %swap3A_425], %mul3A_423 {strides = array<i32>} : memref<80x128xf32, #tpu.memory_space<vmem>>, vector<16xf32>,
            %get3A_427 = arith.index_cast %add3A_377 : i32 to index
            %get3A_428 = arith.constant 112 : index
            %get3A_429 = tpu.vector_load %arg18[%get3A_427, %get3A_428] {strides = array<i32>} : memref<80x128xf32, #tpu.memory_space<vmem>>, vector<16xf32>,
            %mul3A_430 = arith.mulf %get3A_429, %broadcast_in_dim3A_373 : vector<16xf32>
            %swap3A_431 = arith.index_cast %add3A_377 : i32 to index
            %swap3A_432 = arith.constant 112 : index
            %swap3A_433 = tpu.vector_load %arg18[%swap3A_431, %swap3A_432] {strides = array<i32>} : memref<80x128xf32, #tpu.memory_space<vmem>>, vector<16xf32>,
            tpu.vector_store %arg18[%swap3A_431, %swap3A_432], %mul3A_430 {strides = array<i32>} : memref<80x128xf32, #tpu.memory_space<vmem>>, vector<16xf32>,
            %slice3A_434 = vector.extract_strided_slice %get3A_122 {offsets = [5], sizes = [1], strides = [1]} : vector<16xf32> to vector<1xf32>
            %squeeze3A_435 = vector.extract %slice3A_434[0] : f32 from vector<1xf32>
            %broadcast_in_dim3A_436 = vector.broadcast %squeeze3A_435 : f32 to vector<16xf32>
            %mul3A_437 = arith.constant 16 : i32
            %mul3A_438 = arith.muli %scan3A_117, %mul3A_437 : i32
            %add3A_439 = arith.constant 5 : i32
            %add3A_440 = arith.addi %mul3A_438, %add3A_439 : i32
            %get3A_441 = arith.index_cast %add3A_440 : i32 to index
            %get3A_442 = arith.constant 0 : index
            %get3A_443 = tpu.vector_load %arg18[%get3A_441, %get3A_442] {strides = array<i32>} : memref<80x128xf32, #tpu.memory_space<vmem>>, vector<16xf32>,
            %mul3A_444 = arith.mulf %get3A_443, %broadcast_in_dim3A_436 : vector<16xf32>
            %swap3A_445 = arith.index_cast %add3A_440 : i32 to index
            %swap3A_446 = arith.constant 0 : index
            %swap3A_447 = tpu.vector_load %arg18[%swap3A_445, %swap3A_446] {strides = array<i32>} : memref<80x128xf32, #tpu.memory_space<vmem>>, vector<16xf32>,
            tpu.vector_store %arg18[%swap3A_445, %swap3A_446], %mul3A_444 {strides = array<i32>} : memref<80x128xf32, #tpu.memory_space<vmem>>, vector<16xf32>,
            %get3A_448 = arith.index_cast %add3A_440 : i32 to index
            %get3A_449 = arith.constant 16 : index
            %get3A_450 = tpu.vector_load %arg18[%get3A_448, %get3A_449] {strides = array<i32>} : memref<80x128xf32, #tpu.memory_space<vmem>>, vector<16xf32>,
            %mul3A_451 = arith.mulf %get3A_450, %broadcast_in_dim3A_436 : vector<16xf32>
            %swap3A_452 = arith.index_cast %add3A_440 : i32 to index
            %swap3A_453 = arith.constant 16 : index
            %swap3A_454 = tpu.vector_load %arg18[%swap3A_452, %swap3A_453] {strides = array<i32>} : memref<80x128xf32, #tpu.memory_space<vmem>>, vector<16xf32>,
            tpu.vector_store %arg18[%swap3A_452, %swap3A_453], %mul3A_451 {strides = array<i32>} : memref<80x128xf32, #tpu.memory_space<vmem>>, vector<16xf32>,
            %get3A_455 = arith.index_cast %add3A_440 : i32 to index
            %get3A_456 = arith.constant 32 : index
            %get3A_457 = tpu.vector_load %arg18[%get3A_455, %get3A_456] {strides = array<i32>} : memref<80x128xf32, #tpu.memory_space<vmem>>, vector<16xf32>,
            %mul3A_458 = arith.mulf %get3A_457, %broadcast_in_dim3A_436 : vector<16xf32>
            %swap3A_459 = arith.index_cast %add3A_440 : i32 to index
            %swap3A_460 = arith.constant 32 : index
            %swap3A_461 = tpu.vector_load %arg18[%swap3A_459, %swap3A_460] {strides = array<i32>} : memref<80x128xf32, #tpu.memory_space<vmem>>, vector<16xf32>,
            tpu.vector_store %arg18[%swap3A_459, %swap3A_460], %mul3A_458 {strides = array<i32>} : memref<80x128xf32, #tpu.memory_space<vmem>>, vector<16xf32>,
            %get3A_462 = arith.index_cast %add3A_440 : i32 to index
            %get3A_463 = arith.constant 48 : index
            %get3A_464 = tpu.vector_load %arg18[%get3A_462, %get3A_463] {strides = array<i32>} : memref<80x128xf32, #tpu.memory_space<vmem>>, vector<16xf32>,
            %mul3A_465 = arith.mulf %get3A_464, %broadcast_in_dim3A_436 : vector<16xf32>
            %swap3A_466 = arith.index_cast %add3A_440 : i32 to index
            %swap3A_467 = arith.constant 48 : index
            %swap3A_468 = tpu.vector_load %arg18[%swap3A_466, %swap3A_467] {strides = array<i32>} : memref<80x128xf32, #tpu.memory_space<vmem>>, vector<16xf32>,
            tpu.vector_store %arg18[%swap3A_466, %swap3A_467], %mul3A_465 {strides = array<i32>} : memref<80x128xf32, #tpu.memory_space<vmem>>, vector<16xf32>,
            %get3A_469 = arith.index_cast %add3A_440 : i32 to index
            %get3A_470 = arith.constant 64 : index
            %get3A_471 = tpu.vector_load %arg18[%get3A_469, %get3A_470] {strides = array<i32>} : memref<80x128xf32, #tpu.memory_space<vmem>>, vector<16xf32>,
            %mul3A_472 = arith.mulf %get3A_471, %broadcast_in_dim3A_436 : vector<16xf32>
            %swap3A_473 = arith.index_cast %add3A_440 : i32 to index
            %swap3A_474 = arith.constant 64 : index
            %swap3A_475 = tpu.vector_load %arg18[%swap3A_473, %swap3A_474] {strides = array<i32>} : memref<80x128xf32, #tpu.memory_space<vmem>>, vector<16xf32>,
            tpu.vector_store %arg18[%swap3A_473, %swap3A_474], %mul3A_472 {strides = array<i32>} : memref<80x128xf32, #tpu.memory_space<vmem>>, vector<16xf32>,
            %get3A_476 = arith.index_cast %add3A_440 : i32 to index
            %get3A_477 = arith.constant 80 : index
            %get3A_478 = tpu.vector_load %arg18[%get3A_476, %get3A_477] {strides = array<i32>} : memref<80x128xf32, #tpu.memory_space<vmem>>, vector<16xf32>,
            %mul3A_479 = arith.mulf %get3A_478, %broadcast_in_dim3A_436 : vector<16xf32>
            %swap3A_480 = arith.index_cast %add3A_440 : i32 to index
            %swap3A_481 = arith.constant 80 : index
            %swap3A_482 = tpu.vector_load %arg18[%swap3A_480, %swap3A_481] {strides = array<i32>} : memref<80x128xf32, #tpu.memory_space<vmem>>, vector<16xf32>,
            tpu.vector_store %arg18[%swap3A_480, %swap3A_481], %mul3A_479 {strides = array<i32>} : memref<80x128xf32, #tpu.memory_space<vmem>>, vector<16xf32>,
            %get3A_483 = arith.index_cast %add3A_440 : i32 to index
            %get3A_484 = arith.constant 96 : index
            %get3A_485 = tpu.vector_load %arg18[%get3A_483, %get3A_484] {strides = array<i32>} : memref<80x128xf32, #tpu.memory_space<vmem>>, vector<16xf32>,
            %mul3A_486 = arith.mulf %get3A_485, %broadcast_in_dim3A_436 : vector<16xf32>
            %swap3A_487 = arith.index_cast %add3A_440 : i32 to index
            %swap3A_488 = arith.constant 96 : index
            %swap3A_489 = tpu.vector_load %arg18[%swap3A_487, %swap3A_488] {strides = array<i32>} : memref<80x128xf32, #tpu.memory_space<vmem>>, vector<16xf32>,
            tpu.vector_store %arg18[%swap3A_487, %swap3A_488], %mul3A_486 {strides = array<i32>} : memref<80x128xf32, #tpu.memory_space<vmem>>, vector<16xf32>,
            %get3A_490 = arith.index_cast %add3A_440 : i32 to index
            %get3A_491 = arith.constant 112 : index
            %get3A_492 = tpu.vector_load %arg18[%get3A_490, %get3A_491] {strides = array<i32>} : memref<80x128xf32, #tpu.memory_space<vmem>>, vector<16xf32>,
            %mul3A_493 = arith.mulf %get3A_492, %broadcast_in_dim3A_436 : vector<16xf32>
            %swap3A_494 = arith.index_cast %add3A_440 : i32 to index
            %swap3A_495 = arith.constant 112 : index
            %swap3A_496 = tpu.vector_load %arg18[%swap3A_494, %swap3A_495] {strides = array<i32>} : memref<80x128xf32, #tpu.memory_space<vmem>>, vector<16xf32>,
            tpu.vector_store %arg18[%swap3A_494, %swap3A_495], %mul3A_493 {strides = array<i32>} : memref<80x128xf32, #tpu.memory_space<vmem>>, vector<16xf32>,
            %slice3A_497 = vector.extract_strided_slice %get3A_122 {offsets = [6], sizes = [1], strides = [1]} : vector<16xf32> to vector<1xf32>
            %squeeze3A_498 = vector.extract %slice3A_497[0] : f32 from vector<1xf32>
            %broadcast_in_dim3A_499 = vector.broadcast %squeeze3A_498 : f32 to vector<16xf32>
            %mul3A_500 = arith.constant 16 : i32
            %mul3A_501 = arith.muli %scan3A_117, %mul3A_500 : i32
            %add3A_502 = arith.constant 6 : i32
            %add3A_503 = arith.addi %mul3A_501, %add3A_502 : i32
            %get3A_504 = arith.index_cast %add3A_503 : i32 to index
            %get3A_505 = arith.constant 0 : index
            %get3A_506 = tpu.vector_load %arg18[%get3A_504, %get3A_505] {strides = array<i32>} : memref<80x128xf32, #tpu.memory_space<vmem>>, vector<16xf32>,
            %mul3A_507 = arith.mulf %get3A_506, %broadcast_in_dim3A_499 : vector<16xf32>
            %swap3A_508 = arith.index_cast %add3A_503 : i32 to index
            %swap3A_509 = arith.constant 0 : index
            %swap3A_510 = tpu.vector_load %arg18[%swap3A_508, %swap3A_509] {strides = array<i32>} : memref<80x128xf32, #tpu.memory_space<vmem>>, vector<16xf32>,
            tpu.vector_store %arg18[%swap3A_508, %swap3A_509], %mul3A_507 {strides = array<i32>} : memref<80x128xf32, #tpu.memory_space<vmem>>, vector<16xf32>,
            %get3A_511 = arith.index_cast %add3A_503 : i32 to index
            %get3A_512 = arith.constant 16 : index
            %get3A_513 = tpu.vector_load %arg18[%get3A_511, %get3A_512] {strides = array<i32>} : memref<80x128xf32, #tpu.memory_space<vmem>>, vector<16xf32>,
            %mul3A_514 = arith.mulf %get3A_513, %broadcast_in_dim3A_499 : vector<16xf32>
            %swap3A_515 = arith.index_cast %add3A_503 : i32 to index
            %swap3A_516 = arith.constant 16 : index
            %swap3A_517 = tpu.vector_load %arg18[%swap3A_515, %swap3A_516] {strides = array<i32>} : memref<80x128xf32, #tpu.memory_space<vmem>>, vector<16xf32>,
            tpu.vector_store %arg18[%swap3A_515, %swap3A_516], %mul3A_514 {strides = array<i32>} : memref<80x128xf32, #tpu.memory_space<vmem>>, vector<16xf32>,
            %get3A_518 = arith.index_cast %add3A_503 : i32 to index
            %get3A_519 = arith.constant 32 : index
            %get3A_520 = tpu.vector_load %arg18[%get3A_518, %get3A_519] {strides = array<i32>} : memref<80x128xf32, #tpu.memory_space<vmem>>, vector<16xf32>,
            %mul3A_521 = arith.mulf %get3A_520, %broadcast_in_dim3A_499 : vector<16xf32>
            %swap3A_522 = arith.index_cast %add3A_503 : i32 to index
            %swap3A_523 = arith.constant 32 : index
            %swap3A_524 = tpu.vector_load %arg18[%swap3A_522, %swap3A_523] {strides = array<i32>} : memref<80x128xf32, #tpu.memory_space<vmem>>, vector<16xf32>,
            tpu.vector_store %arg18[%swap3A_522, %swap3A_523], %mul3A_521 {strides = array<i32>} : memref<80x128xf32, #tpu.memory_space<vmem>>, vector<16xf32>,
            %get3A_525 = arith.index_cast %add3A_503 : i32 to index
            %get3A_526 = arith.constant 48 : index
            %get3A_527 = tpu.vector_load %arg18[%get3A_525, %get3A_526] {strides = array<i32>} : memref<80x128xf32, #tpu.memory_space<vmem>>, vector<16xf32>,
            %mul3A_528 = arith.mulf %get3A_527, %broadcast_in_dim3A_499 : vector<16xf32>
            %swap3A_529 = arith.index_cast %add3A_503 : i32 to index
            %swap3A_530 = arith.constant 48 : index
            %swap3A_531 = tpu.vector_load %arg18[%swap3A_529, %swap3A_530] {strides = array<i32>} : memref<80x128xf32, #tpu.memory_space<vmem>>, vector<16xf32>,
            tpu.vector_store %arg18[%swap3A_529, %swap3A_530], %mul3A_528 {strides = array<i32>} : memref<80x128xf32, #tpu.memory_space<vmem>>, vector<16xf32>,
            %get3A_532 = arith.index_cast %add3A_503 : i32 to index
            %get3A_533 = arith.constant 64 : index
            %get3A_534 = tpu.vector_load %arg18[%get3A_532, %get3A_533] {strides = array<i32>} : memref<80x128xf32, #tpu.memory_space<vmem>>, vector<16xf32>,
            %mul3A_535 = arith.mulf %get3A_534, %broadcast_in_dim3A_499 : vector<16xf32>
            %swap3A_536 = arith.index_cast %add3A_503 : i32 to index
            %swap3A_537 = arith.constant 64 : index
            %swap3A_538 = tpu.vector_load %arg18[%swap3A_536, %swap3A_537] {strides = array<i32>} : memref<80x128xf32, #tpu.memory_space<vmem>>, vector<16xf32>,
            tpu.vector_store %arg18[%swap3A_536, %swap3A_537], %mul3A_535 {strides = array<i32>} : memref<80x128xf32, #tpu.memory_space<vmem>>, vector<16xf32>,
            %get3A_539 = arith.index_cast %add3A_503 : i32 to index
            %get3A_540 = arith.constant 80 : index
            %get3A_541 = tpu.vector_load %arg18[%get3A_539, %get3A_540] {strides = array<i32>} : memref<80x128xf32, #tpu.memory_space<vmem>>, vector<16xf32>,
            %mul3A_542 = arith.mulf %get3A_541, %broadcast_in_dim3A_499 : vector<16xf32>
            %swap3A_543 = arith.index_cast %add3A_503 : i32 to index
            %swap3A_544 = arith.constant 80 : index
            %swap3A_545 = tpu.vector_load %arg18[%swap3A_543, %swap3A_544] {strides = array<i32>} : memref<80x128xf32, #tpu.memory_space<vmem>>, vector<16xf32>,
            tpu.vector_store %arg18[%swap3A_543, %swap3A_544], %mul3A_542 {strides = array<i32>} : memref<80x128xf32, #tpu.memory_space<vmem>>, vector<16xf32>,
            %get3A_546 = arith.index_cast %add3A_503 : i32 to index
            %get3A_547 = arith.constant 96 : index
            %get3A_548 = tpu.vector_load %arg18[%get3A_546, %get3A_547] {strides = array<i32>} : memref<80x128xf32, #tpu.memory_space<vmem>>, vector<16xf32>,
            %mul3A_549 = arith.mulf %get3A_548, %broadcast_in_dim3A_499 : vector<16xf32>
            %swap3A_550 = arith.index_cast %add3A_503 : i32 to index
            %swap3A_551 = arith.constant 96 : index
            %swap3A_552 = tpu.vector_load %arg18[%swap3A_550, %swap3A_551] {strides = array<i32>} : memref<80x128xf32, #tpu.memory_space<vmem>>, vector<16xf32>,
            tpu.vector_store %arg18[%swap3A_550, %swap3A_551], %mul3A_549 {strides = array<i32>} : memref<80x128xf32, #tpu.memory_space<vmem>>, vector<16xf32>,
            %get3A_553 = arith.index_cast %add3A_503 : i32 to index
            %get3A_554 = arith.constant 112 : index
            %get3A_555 = tpu.vector_load %arg18[%get3A_553, %get3A_554] {strides = array<i32>} : memref<80x128xf32, #tpu.memory_space<vmem>>, vector<16xf32>,
            %mul3A_556 = arith.mulf %get3A_555, %broadcast_in_dim3A_499 : vector<16xf32>
            %swap3A_557 = arith.index_cast %add3A_503 : i32 to index
            %swap3A_558 = arith.constant 112 : index
            %swap3A_559 = tpu.vector_load %arg18[%swap3A_557, %swap3A_558] {strides = array<i32>} : memref<80x128xf32, #tpu.memory_space<vmem>>, vector<16xf32>,
            tpu.vector_store %arg18[%swap3A_557, %swap3A_558], %mul3A_556 {strides = array<i32>} : memref<80x128xf32, #tpu.memory_space<vmem>>, vector<16xf32>,
            %slice3A_560 = vector.extract_strided_slice %get3A_122 {offsets = [7], sizes = [1], strides = [1]} : vector<16xf32> to vector<1xf32>
            %squeeze3A_561 = vector.extract %slice3A_560[0] : f32 from vector<1xf32>
            %broadcast_in_dim3A_562 = vector.broadcast %squeeze3A_561 : f32 to vector<16xf32>
            %mul3A_563 = arith.constant 16 : i32
            %mul3A_564 = arith.muli %scan3A_117, %mul3A_563 : i32
            %add3A_565 = arith.constant 7 : i32
            %add3A_566 = arith.addi %mul3A_564, %add3A_565 : i32
            %get3A_567 = arith.index_cast %add3A_566 : i32 to index
            %get3A_568 = arith.constant 0 : index
            %get3A_569 = tpu.vector_load %arg18[%get3A_567, %get3A_568] {strides = array<i32>} : memref<80x128xf32, #tpu.memory_space<vmem>>, vector<16xf32>,
            %mul3A_570 = arith.mulf %get3A_569, %broadcast_in_dim3A_562 : vector<16xf32>
            %swap3A_571 = arith.index_cast %add3A_566 : i32 to index
            %swap3A_572 = arith.constant 0 : index
            %swap3A_573 = tpu.vector_load %arg18[%swap3A_571, %swap3A_572] {strides = array<i32>} : memref<80x128xf32, #tpu.memory_space<vmem>>, vector<16xf32>,
            tpu.vector_store %arg18[%swap3A_571, %swap3A_572], %mul3A_570 {strides = array<i32>} : memref<80x128xf32, #tpu.memory_space<vmem>>, vector<16xf32>,
            %get3A_574 = arith.index_cast %add3A_566 : i32 to index
            %get3A_575 = arith.constant 16 : index
            %get3A_576 = tpu.vector_load %arg18[%get3A_574, %get3A_575] {strides = array<i32>} : memref<80x128xf32, #tpu.memory_space<vmem>>, vector<16xf32>,
            %mul3A_577 = arith.mulf %get3A_576, %broadcast_in_dim3A_562 : vector<16xf32>
            %swap3A_578 = arith.index_cast %add3A_566 : i32 to index
            %swap3A_579 = arith.constant 16 : index
            %swap3A_580 = tpu.vector_load %arg18[%swap3A_578, %swap3A_579] {strides = array<i32>} : memref<80x128xf32, #tpu.memory_space<vmem>>, vector<16xf32>,
            tpu.vector_store %arg18[%swap3A_578, %swap3A_579], %mul3A_577 {strides = array<i32>} : memref<80x128xf32, #tpu.memory_space<vmem>>, vector<16xf32>,
            %get3A_581 = arith.index_cast %add3A_566 : i32 to index
            %get3A_582 = arith.constant 32 : index
            %get3A_583 = tpu.vector_load %arg18[%get3A_581, %get3A_582] {strides = array<i32>} : memref<80x128xf32, #tpu.memory_space<vmem>>, vector<16xf32>,
            %mul3A_584 = arith.mulf %get3A_583, %broadcast_in_dim3A_562 : vector<16xf32>
            %swap3A_585 = arith.index_cast %add3A_566 : i32 to index
            %swap3A_586 = arith.constant 32 : index
            %swap3A_587 = tpu.vector_load %arg18[%swap3A_585, %swap3A_586] {strides = array<i32>} : memref<80x128xf32, #tpu.memory_space<vmem>>, vector<16xf32>,
            tpu.vector_store %arg18[%swap3A_585, %swap3A_586], %mul3A_584 {strides = array<i32>} : memref<80x128xf32, #tpu.memory_space<vmem>>, vector<16xf32>,
            %get3A_588 = arith.index_cast %add3A_566 : i32 to index
            %get3A_589 = arith.constant 48 : index
            %get3A_590 = tpu.vector_load %arg18[%get3A_588, %get3A_589] {strides = array<i32>} : memref<80x128xf32, #tpu.memory_space<vmem>>, vector<16xf32>,
            %mul3A_591 = arith.mulf %get3A_590, %broadcast_in_dim3A_562 : vector<16xf32>
            %swap3A_592 = arith.index_cast %add3A_566 : i32 to index
            %swap3A_593 = arith.constant 48 : index
            %swap3A_594 = tpu.vector_load %arg18[%swap3A_592, %swap3A_593] {strides = array<i32>} : memref<80x128xf32, #tpu.memory_space<vmem>>, vector<16xf32>,
            tpu.vector_store %arg18[%swap3A_592, %swap3A_593], %mul3A_591 {strides = array<i32>} : memref<80x128xf32, #tpu.memory_space<vmem>>, vector<16xf32>,
            %get3A_595 = arith.index_cast %add3A_566 : i32 to index
            %get3A_596 = arith.constant 64 : index
            %get3A_597 = tpu.vector_load %arg18[%get3A_595, %get3A_596] {strides = array<i32>} : memref<80x128xf32, #tpu.memory_space<vmem>>, vector<16xf32>,
            %mul3A_598 = arith.mulf %get3A_597, %broadcast_in_dim3A_562 : vector<16xf32>
            %swap3A_599 = arith.index_cast %add3A_566 : i32 to index
            %swap3A_600 = arith.constant 64 : index
            %swap3A_601 = tpu.vector_load %arg18[%swap3A_599, %swap3A_600] {strides = array<i32>} : memref<80x128xf32, #tpu.memory_space<vmem>>, vector<16xf32>,
            tpu.vector_store %arg18[%swap3A_599, %swap3A_600], %mul3A_598 {strides = array<i32>} : memref<80x128xf32, #tpu.memory_space<vmem>>, vector<16xf32>,
            %get3A_602 = arith.index_cast %add3A_566 : i32 to index
            %get3A_603 = arith.constant 80 : index
            %get3A_604 = tpu.vector_load %arg18[%get3A_602, %get3A_603] {strides = array<i32>} : memref<80x128xf32, #tpu.memory_space<vmem>>, vector<16xf32>,
            %mul3A_605 = arith.mulf %get3A_604, %broadcast_in_dim3A_562 : vector<16xf32>
            %swap3A_606 = arith.index_cast %add3A_566 : i32 to index
            %swap3A_607 = arith.constant 80 : index
            %swap3A_608 = tpu.vector_load %arg18[%swap3A_606, %swap3A_607] {strides = array<i32>} : memref<80x128xf32, #tpu.memory_space<vmem>>, vector<16xf32>,
            tpu.vector_store %arg18[%swap3A_606, %swap3A_607], %mul3A_605 {strides = array<i32>} : memref<80x128xf32, #tpu.memory_space<vmem>>, vector<16xf32>,
            %get3A_609 = arith.index_cast %add3A_566 : i32 to index
            %get3A_610 = arith.constant 96 : index
            %get3A_611 = tpu.vector_load %arg18[%get3A_609, %get3A_610] {strides = array<i32>} : memref<80x128xf32, #tpu.memory_space<vmem>>, vector<16xf32>,
            %mul3A_612 = arith.mulf %get3A_611, %broadcast_in_dim3A_562 : vector<16xf32>
            %swap3A_613 = arith.index_cast %add3A_566 : i32 to index
            %swap3A_614 = arith.constant 96 : index
            %swap3A_615 = tpu.vector_load %arg18[%swap3A_613, %swap3A_614] {strides = array<i32>} : memref<80x128xf32, #tpu.memory_space<vmem>>, vector<16xf32>,
            tpu.vector_store %arg18[%swap3A_613, %swap3A_614], %mul3A_612 {strides = array<i32>} : memref<80x128xf32, #tpu.memory_space<vmem>>, vector<16xf32>,
            %get3A_616 = arith.index_cast %add3A_566 : i32 to index
            %get3A_617 = arith.constant 112 : index
            %get3A_618 = tpu.vector_load %arg18[%get3A_616, %get3A_617] {strides = array<i32>} : memref<80x128xf32, #tpu.memory_space<vmem>>, vector<16xf32>,
            %mul3A_619 = arith.mulf %get3A_618, %broadcast_in_dim3A_562 : vector<16xf32>
            %swap3A_620 = arith.index_cast %add3A_566 : i32 to index
            %swap3A_621 = arith.constant 112 : index
            %swap3A_622 = tpu.vector_load %arg18[%swap3A_620, %swap3A_621] {strides = array<i32>} : memref<80x128xf32, #tpu.memory_space<vmem>>, vector<16xf32>,
            tpu.vector_store %arg18[%swap3A_620, %swap3A_621], %mul3A_619 {strides = array<i32>} : memref<80x128xf32, #tpu.memory_space<vmem>>, vector<16xf32>,
            %slice3A_623 = vector.extract_strided_slice %get3A_122 {offsets = [8], sizes = [1], strides = [1]} : vector<16xf32> to vector<1xf32>
            %squeeze3A_624 = vector.extract %slice3A_623[0] : f32 from vector<1xf32>
            %broadcast_in_dim3A_625 = vector.broadcast %squeeze3A_624 : f32 to vector<16xf32>
            %mul3A_626 = arith.constant 16 : i32
            %mul3A_627 = arith.muli %scan3A_117, %mul3A_626 : i32
            %add3A_628 = arith.constant 8 : i32
            %add3A_629 = arith.addi %mul3A_627, %add3A_628 : i32
            %get3A_630 = arith.index_cast %add3A_629 : i32 to index
            %get3A_631 = arith.constant 0 : index
            %get3A_632 = tpu.vector_load %arg18[%get3A_630, %get3A_631] {strides = array<i32>} : memref<80x128xf32, #tpu.memory_space<vmem>>, vector<16xf32>,
            %mul3A_633 = arith.mulf %get3A_632, %broadcast_in_dim3A_625 : vector<16xf32>
            %swap3A_634 = arith.index_cast %add3A_629 : i32 to index
            %swap3A_635 = arith.constant 0 : index
            %swap3A_636 = tpu.vector_load %arg18[%swap3A_634, %swap3A_635] {strides = array<i32>} : memref<80x128xf32, #tpu.memory_space<vmem>>, vector<16xf32>,
            tpu.vector_store %arg18[%swap3A_634, %swap3A_635], %mul3A_633 {strides = array<i32>} : memref<80x128xf32, #tpu.memory_space<vmem>>, vector<16xf32>,
            %get3A_637 = arith.index_cast %add3A_629 : i32 to index
            %get3A_638 = arith.constant 16 : index
            %get3A_639 = tpu.vector_load %arg18[%get3A_637, %get3A_638] {strides = array<i32>} : memref<80x128xf32, #tpu.memory_space<vmem>>, vector<16xf32>,
            %mul3A_640 = arith.mulf %get3A_639, %broadcast_in_dim3A_625 : vector<16xf32>
            %swap3A_641 = arith.index_cast %add3A_629 : i32 to index
            %swap3A_642 = arith.constant 16 : index
            %swap3A_643 = tpu.vector_load %arg18[%swap3A_641, %swap3A_642] {strides = array<i32>} : memref<80x128xf32, #tpu.memory_space<vmem>>, vector<16xf32>,
            tpu.vector_store %arg18[%swap3A_641, %swap3A_642], %mul3A_640 {strides = array<i32>} : memref<80x128xf32, #tpu.memory_space<vmem>>, vector<16xf32>,
            %get3A_644 = arith.index_cast %add3A_629 : i32 to index
            %get3A_645 = arith.constant 32 : index
            %get3A_646 = tpu.vector_load %arg18[%get3A_644, %get3A_645] {strides = array<i32>} : memref<80x128xf32, #tpu.memory_space<vmem>>, vector<16xf32>,
            %mul3A_647 = arith.mulf %get3A_646, %broadcast_in_dim3A_625 : vector<16xf32>
            %swap3A_648 = arith.index_cast %add3A_629 : i32 to index
            %swap3A_649 = arith.constant 32 : index
            %swap3A_650 = tpu.vector_load %arg18[%swap3A_648, %swap3A_649] {strides = array<i32>} : memref<80x128xf32, #tpu.memory_space<vmem>>, vector<16xf32>,
            tpu.vector_store %arg18[%swap3A_648, %swap3A_649], %mul3A_647 {strides = array<i32>} : memref<80x128xf32, #tpu.memory_space<vmem>>, vector<16xf32>,
            %get3A_651 = arith.index_cast %add3A_629 : i32 to index
            %get3A_652 = arith.constant 48 : index
            %get3A_653 = tpu.vector_load %arg18[%get3A_651, %get3A_652] {strides = array<i32>} : memref<80x128xf32, #tpu.memory_space<vmem>>, vector<16xf32>,
            %mul3A_654 = arith.mulf %get3A_653, %broadcast_in_dim3A_625 : vector<16xf32>
            %swap3A_655 = arith.index_cast %add3A_629 : i32 to index
            %swap3A_656 = arith.constant 48 : index
            %swap3A_657 = tpu.vector_load %arg18[%swap3A_655, %swap3A_656] {strides = array<i32>} : memref<80x128xf32, #tpu.memory_space<vmem>>, vector<16xf32>,
            tpu.vector_store %arg18[%swap3A_655, %swap3A_656], %mul3A_654 {strides = array<i32>} : memref<80x128xf32, #tpu.memory_space<vmem>>, vector<16xf32>,
            %get3A_658 = arith.index_cast %add3A_629 : i32 to index
            %get3A_659 = arith.constant 64 : index
            %get3A_660 = tpu.vector_load %arg18[%get3A_658, %get3A_659] {strides = array<i32>} : memref<80x128xf32, #tpu.memory_space<vmem>>, vector<16xf32>,
            %mul3A_661 = arith.mulf %get3A_660, %broadcast_in_dim3A_625 : vector<16xf32>
            %swap3A_662 = arith.index_cast %add3A_629 : i32 to index
            %swap3A_663 = arith.constant 64 : index
            %swap3A_664 = tpu.vector_load %arg18[%swap3A_662, %swap3A_663] {strides = array<i32>} : memref<80x128xf32, #tpu.memory_space<vmem>>, vector<16xf32>,
            tpu.vector_store %arg18[%swap3A_662, %swap3A_663], %mul3A_661 {strides = array<i32>} : memref<80x128xf32, #tpu.memory_space<vmem>>, vector<16xf32>,
            %get3A_665 = arith.index_cast %add3A_629 : i32 to index
            %get3A_666 = arith.constant 80 : index
            %get3A_667 = tpu.vector_load %arg18[%get3A_665, %get3A_666] {strides = array<i32>} : memref<80x128xf32, #tpu.memory_space<vmem>>, vector<16xf32>,
            %mul3A_668 = arith.mulf %get3A_667, %broadcast_in_dim3A_625 : vector<16xf32>
            %swap3A_669 = arith.index_cast %add3A_629 : i32 to index
            %swap3A_670 = arith.constant 80 : index
            %swap3A_671 = tpu.vector_load %arg18[%swap3A_669, %swap3A_670] {strides = array<i32>} : memref<80x128xf32, #tpu.memory_space<vmem>>, vector<16xf32>,
            tpu.vector_store %arg18[%swap3A_669, %swap3A_670], %mul3A_668 {strides = array<i32>} : memref<80x128xf32, #tpu.memory_space<vmem>>, vector<16xf32>,
            %get3A_672 = arith.index_cast %add3A_629 : i32 to index
            %get3A_673 = arith.constant 96 : index
            %get3A_674 = tpu.vector_load %arg18[%get3A_672, %get3A_673] {strides = array<i32>} : memref<80x128xf32, #tpu.memory_space<vmem>>, vector<16xf32>,
            %mul3A_675 = arith.mulf %get3A_674, %broadcast_in_dim3A_625 : vector<16xf32>
            %swap3A_676 = arith.index_cast %add3A_629 : i32 to index
            %swap3A_677 = arith.constant 96 : index
            %swap3A_678 = tpu.vector_load %arg18[%swap3A_676, %swap3A_677] {strides = array<i32>} : memref<80x128xf32, #tpu.memory_space<vmem>>, vector<16xf32>,
            tpu.vector_store %arg18[%swap3A_676, %swap3A_677], %mul3A_675 {strides = array<i32>} : memref<80x128xf32, #tpu.memory_space<vmem>>, vector<16xf32>,
            %get3A_679 = arith.index_cast %add3A_629 : i32 to index
            %get3A_680 = arith.constant 112 : index
            %get3A_681 = tpu.vector_load %arg18[%get3A_679, %get3A_680] {strides = array<i32>} : memref<80x128xf32, #tpu.memory_space<vmem>>, vector<16xf32>,
            %mul3A_682 = arith.mulf %get3A_681, %broadcast_in_dim3A_625 : vector<16xf32>
            %swap3A_683 = arith.index_cast %add3A_629 : i32 to index
            %swap3A_684 = arith.constant 112 : index
            %swap3A_685 = tpu.vector_load %arg18[%swap3A_683, %swap3A_684] {strides = array<i32>} : memref<80x128xf32, #tpu.memory_space<vmem>>, vector<16xf32>,
            tpu.vector_store %arg18[%swap3A_683, %swap3A_684], %mul3A_682 {strides = array<i32>} : memref<80x128xf32, #tpu.memory_space<vmem>>, vector<16xf32>,
            %slice3A_686 = vector.extract_strided_slice %get3A_122 {offsets = [9], sizes = [1], strides = [1]} : vector<16xf32> to vector<1xf32>
            %squeeze3A_687 = vector.extract %slice3A_686[0] : f32 from vector<1xf32>
            %broadcast_in_dim3A_688 = vector.broadcast %squeeze3A_687 : f32 to vector<16xf32>
            %mul3A_689 = arith.constant 16 : i32
            %mul3A_690 = arith.muli %scan3A_117, %mul3A_689 : i32
            %add3A_691 = arith.constant 9 : i32
            %add3A_692 = arith.addi %mul3A_690, %add3A_691 : i32
            %get3A_693 = arith.index_cast %add3A_692 : i32 to index
            %get3A_694 = arith.constant 0 : index
            %get3A_695 = tpu.vector_load %arg18[%get3A_693, %get3A_694] {strides = array<i32>} : memref<80x128xf32, #tpu.memory_space<vmem>>, vector<16xf32>,
            %mul3A_696 = arith.mulf %get3A_695, %broadcast_in_dim3A_688 : vector<16xf32>
            %swap3A_697 = arith.index_cast %add3A_692 : i32 to index
            %swap3A_698 = arith.constant 0 : index
            %swap3A_699 = tpu.vector_load %arg18[%swap3A_697, %swap3A_698] {strides = array<i32>} : memref<80x128xf32, #tpu.memory_space<vmem>>, vector<16xf32>,
            tpu.vector_store %arg18[%swap3A_697, %swap3A_698], %mul3A_696 {strides = array<i32>} : memref<80x128xf32, #tpu.memory_space<vmem>>, vector<16xf32>,
            %get3A_700 = arith.index_cast %add3A_692 : i32 to index
            %get3A_701 = arith.constant 16 : index
            %get3A_702 = tpu.vector_load %arg18[%get3A_700, %get3A_701] {strides = array<i32>} : memref<80x128xf32, #tpu.memory_space<vmem>>, vector<16xf32>,
            %mul3A_703 = arith.mulf %get3A_702, %broadcast_in_dim3A_688 : vector<16xf32>
            %swap3A_704 = arith.index_cast %add3A_692 : i32 to index
            %swap3A_705 = arith.constant 16 : index
            %swap3A_706 = tpu.vector_load %arg18[%swap3A_704, %swap3A_705] {strides = array<i32>} : memref<80x128xf32, #tpu.memory_space<vmem>>, vector<16xf32>,
            tpu.vector_store %arg18[%swap3A_704, %swap3A_705], %mul3A_703 {strides = array<i32>} : memref<80x128xf32, #tpu.memory_space<vmem>>, vector<16xf32>,
            %get3A_707 = arith.index_cast %add3A_692 : i32 to index
            %get3A_708 = arith.constant 32 : index
            %get3A_709 = tpu.vector_load %arg18[%get3A_707, %get3A_708] {strides = array<i32>} : memref<80x128xf32, #tpu.memory_space<vmem>>, vector<16xf32>,
            %mul3A_710 = arith.mulf %get3A_709, %broadcast_in_dim3A_688 : vector<16xf32>
            %swap3A_711 = arith.index_cast %add3A_692 : i32 to index
            %swap3A_712 = arith.constant 32 : index
            %swap3A_713 = tpu.vector_load %arg18[%swap3A_711, %swap3A_712] {strides = array<i32>} : memref<80x128xf32, #tpu.memory_space<vmem>>, vector<16xf32>,
            tpu.vector_store %arg18[%swap3A_711, %swap3A_712], %mul3A_710 {strides = array<i32>} : memref<80x128xf32, #tpu.memory_space<vmem>>, vector<16xf32>,
            %get3A_714 = arith.index_cast %add3A_692 : i32 to index
            %get3A_715 = arith.constant 48 : index
            %get3A_716 = tpu.vector_load %arg18[%get3A_714, %get3A_715] {strides = array<i32>} : memref<80x128xf32, #tpu.memory_space<vmem>>, vector<16xf32>,
            %mul3A_717 = arith.mulf %get3A_716, %broadcast_in_dim3A_688 : vector<16xf32>
            %swap3A_718 = arith.index_cast %add3A_692 : i32 to index
            %swap3A_719 = arith.constant 48 : index
            %swap3A_720 = tpu.vector_load %arg18[%swap3A_718, %swap3A_719] {strides = array<i32>} : memref<80x128xf32, #tpu.memory_space<vmem>>, vector<16xf32>,
            tpu.vector_store %arg18[%swap3A_718, %swap3A_719], %mul3A_717 {strides = array<i32>} : memref<80x128xf32, #tpu.memory_space<vmem>>, vector<16xf32>,
            %get3A_721 = arith.index_cast %add3A_692 : i32 to index
            %get3A_722 = arith.constant 64 : index
            %get3A_723 = tpu.vector_load %arg18[%get3A_721, %get3A_722] {strides = array<i32>} : memref<80x128xf32, #tpu.memory_space<vmem>>, vector<16xf32>,
            %mul3A_724 = arith.mulf %get3A_723, %broadcast_in_dim3A_688 : vector<16xf32>
            %swap3A_725 = arith.index_cast %add3A_692 : i32 to index
            %swap3A_726 = arith.constant 64 : index
            %swap3A_727 = tpu.vector_load %arg18[%swap3A_725, %swap3A_726] {strides = array<i32>} : memref<80x128xf32, #tpu.memory_space<vmem>>, vector<16xf32>,
            tpu.vector_store %arg18[%swap3A_725, %swap3A_726], %mul3A_724 {strides = array<i32>} : memref<80x128xf32, #tpu.memory_space<vmem>>, vector<16xf32>,
            %get3A_728 = arith.index_cast %add3A_692 : i32 to index
            %get3A_729 = arith.constant 80 : index
            %get3A_730 = tpu.vector_load %arg18[%get3A_728, %get3A_729] {strides = array<i32>} : memref<80x128xf32, #tpu.memory_space<vmem>>, vector<16xf32>,
            %mul3A_731 = arith.mulf %get3A_730, %broadcast_in_dim3A_688 : vector<16xf32>
            %swap3A_732 = arith.index_cast %add3A_692 : i32 to index
            %swap3A_733 = arith.constant 80 : index
            %swap3A_734 = tpu.vector_load %arg18[%swap3A_732, %swap3A_733] {strides = array<i32>} : memref<80x128xf32, #tpu.memory_space<vmem>>, vector<16xf32>,
            tpu.vector_store %arg18[%swap3A_732, %swap3A_733], %mul3A_731 {strides = array<i32>} : memref<80x128xf32, #tpu.memory_space<vmem>>, vector<16xf32>,
            %get3A_735 = arith.index_cast %add3A_692 : i32 to index
            %get3A_736 = arith.constant 96 : index
            %get3A_737 = tpu.vector_load %arg18[%get3A_735, %get3A_736] {strides = array<i32>} : memref<80x128xf32, #tpu.memory_space<vmem>>, vector<16xf32>,
            %mul3A_738 = arith.mulf %get3A_737, %broadcast_in_dim3A_688 : vector<16xf32>
            %swap3A_739 = arith.index_cast %add3A_692 : i32 to index
            %swap3A_740 = arith.constant 96 : index
            %swap3A_741 = tpu.vector_load %arg18[%swap3A_739, %swap3A_740] {strides = array<i32>} : memref<80x128xf32, #tpu.memory_space<vmem>>, vector<16xf32>,
            tpu.vector_store %arg18[%swap3A_739, %swap3A_740], %mul3A_738 {strides = array<i32>} : memref<80x128xf32, #tpu.memory_space<vmem>>, vector<16xf32>,
            %get3A_742 = arith.index_cast %add3A_692 : i32 to index
            %get3A_743 = arith.constant 112 : index
            %get3A_744 = tpu.vector_load %arg18[%get3A_742, %get3A_743] {strides = array<i32>} : memref<80x128xf32, #tpu.memory_space<vmem>>, vector<16xf32>,
            %mul3A_745 = arith.mulf %get3A_744, %broadcast_in_dim3A_688 : vector<16xf32>
            %swap3A_746 = arith.index_cast %add3A_692 : i32 to index
            %swap3A_747 = arith.constant 112 : index
            %swap3A_748 = tpu.vector_load %arg18[%swap3A_746, %swap3A_747] {strides = array<i32>} : memref<80x128xf32, #tpu.memory_space<vmem>>, vector<16xf32>,
            tpu.vector_store %arg18[%swap3A_746, %swap3A_747], %mul3A_745 {strides = array<i32>} : memref<80x128xf32, #tpu.memory_space<vmem>>, vector<16xf32>,
            %slice3A_749 = vector.extract_strided_slice %get3A_122 {offsets = [10], sizes = [1], strides = [1]} : vector<16xf32> to vector<1xf32>
            %squeeze3A_750 = vector.extract %slice3A_749[0] : f32 from vector<1xf32>
            %broadcast_in_dim3A_751 = vector.broadcast %squeeze3A_750 : f32 to vector<16xf32>
            %mul3A_752 = arith.constant 16 : i32
            %mul3A_753 = arith.muli %scan3A_117, %mul3A_752 : i32
            %add3A_754 = arith.constant 10 : i32
            %add3A_755 = arith.addi %mul3A_753, %add3A_754 : i32
            %get3A_756 = arith.index_cast %add3A_755 : i32 to index
            %get3A_757 = arith.constant 0 : index
            %get3A_758 = tpu.vector_load %arg18[%get3A_756, %get3A_757] {strides = array<i32>} : memref<80x128xf32, #tpu.memory_space<vmem>>, vector<16xf32>,
            %mul3A_759 = arith.mulf %get3A_758, %broadcast_in_dim3A_751 : vector<16xf32>
            %swap3A_760 = arith.index_cast %add3A_755 : i32 to index
            %swap3A_761 = arith.constant 0 : index
            %swap3A_762 = tpu.vector_load %arg18[%swap3A_760, %swap3A_761] {strides = array<i32>} : memref<80x128xf32, #tpu.memory_space<vmem>>, vector<16xf32>,
            tpu.vector_store %arg18[%swap3A_760, %swap3A_761], %mul3A_759 {strides = array<i32>} : memref<80x128xf32, #tpu.memory_space<vmem>>, vector<16xf32>,
            %get3A_763 = arith.index_cast %add3A_755 : i32 to index
            %get3A_764 = arith.constant 16 : index
            %get3A_765 = tpu.vector_load %arg18[%get3A_763, %get3A_764] {strides = array<i32>} : memref<80x128xf32, #tpu.memory_space<vmem>>, vector<16xf32>,
            %mul3A_766 = arith.mulf %get3A_765, %broadcast_in_dim3A_751 : vector<16xf32>
            %swap3A_767 = arith.index_cast %add3A_755 : i32 to index
            %swap3A_768 = arith.constant 16 : index
            %swap3A_769 = tpu.vector_load %arg18[%swap3A_767, %swap3A_768] {strides = array<i32>} : memref<80x128xf32, #tpu.memory_space<vmem>>, vector<16xf32>,
            tpu.vector_store %arg18[%swap3A_767, %swap3A_768], %mul3A_766 {strides = array<i32>} : memref<80x128xf32, #tpu.memory_space<vmem>>, vector<16xf32>,
            %get3A_770 = arith.index_cast %add3A_755 : i32 to index
            %get3A_771 = arith.constant 32 : index
            %get3A_772 = tpu.vector_load %arg18[%get3A_770, %get3A_771] {strides = array<i32>} : memref<80x128xf32, #tpu.memory_space<vmem>>, vector<16xf32>,
            %mul3A_773 = arith.mulf %get3A_772, %broadcast_in_dim3A_751 : vector<16xf32>
            %swap3A_774 = arith.index_cast %add3A_755 : i32 to index
            %swap3A_775 = arith.constant 32 : index
            %swap3A_776 = tpu.vector_load %arg18[%swap3A_774, %swap3A_775] {strides = array<i32>} : memref<80x128xf32, #tpu.memory_space<vmem>>, vector<16xf32>,
            tpu.vector_store %arg18[%swap3A_774, %swap3A_775], %mul3A_773 {strides = array<i32>} : memref<80x128xf32, #tpu.memory_space<vmem>>, vector<16xf32>,
            %get3A_777 = arith.index_cast %add3A_755 : i32 to index
            %get3A_778 = arith.constant 48 : index
            %get3A_779 = tpu.vector_load %arg18[%get3A_777, %get3A_778] {strides = array<i32>} : memref<80x128xf32, #tpu.memory_space<vmem>>, vector<16xf32>,
            %mul3A_780 = arith.mulf %get3A_779, %broadcast_in_dim3A_751 : vector<16xf32>
            %swap3A_781 = arith.index_cast %add3A_755 : i32 to index
            %swap3A_782 = arith.constant 48 : index
            %swap3A_783 = tpu.vector_load %arg18[%swap3A_781, %swap3A_782] {strides = array<i32>} : memref<80x128xf32, #tpu.memory_space<vmem>>, vector<16xf32>,
            tpu.vector_store %arg18[%swap3A_781, %swap3A_782], %mul3A_780 {strides = array<i32>} : memref<80x128xf32, #tpu.memory_space<vmem>>, vector<16xf32>,
            %get3A_784 = arith.index_cast %add3A_755 : i32 to index
            %get3A_785 = arith.constant 64 : index
            %get3A_786 = tpu.vector_load %arg18[%get3A_784, %get3A_785] {strides = array<i32>} : memref<80x128xf32, #tpu.memory_space<vmem>>, vector<16xf32>,
            %mul3A_787 = arith.mulf %get3A_786, %broadcast_in_dim3A_751 : vector<16xf32>
            %swap3A_788 = arith.index_cast %add3A_755 : i32 to index
            %swap3A_789 = arith.constant 64 : index
            %swap3A_790 = tpu.vector_load %arg18[%swap3A_788, %swap3A_789] {strides = array<i32>} : memref<80x128xf32, #tpu.memory_space<vmem>>, vector<16xf32>,
            tpu.vector_store %arg18[%swap3A_788, %swap3A_789], %mul3A_787 {strides = array<i32>} : memref<80x128xf32, #tpu.memory_space<vmem>>, vector<16xf32>,
            %get3A_791 = arith.index_cast %add3A_755 : i32 to index
            %get3A_792 = arith.constant 80 : index
            %get3A_793 = tpu.vector_load %arg18[%get3A_791, %get3A_792] {strides = array<i32>} : memref<80x128xf32, #tpu.memory_space<vmem>>, vector<16xf32>,
            %mul3A_794 = arith.mulf %get3A_793, %broadcast_in_dim3A_751 : vector<16xf32>
            %swap3A_795 = arith.index_cast %add3A_755 : i32 to index
            %swap3A_796 = arith.constant 80 : index
            %swap3A_797 = tpu.vector_load %arg18[%swap3A_795, %swap3A_796] {strides = array<i32>} : memref<80x128xf32, #tpu.memory_space<vmem>>, vector<16xf32>,
            tpu.vector_store %arg18[%swap3A_795, %swap3A_796], %mul3A_794 {strides = array<i32>} : memref<80x128xf32, #tpu.memory_space<vmem>>, vector<16xf32>,
            %get3A_798 = arith.index_cast %add3A_755 : i32 to index
            %get3A_799 = arith.constant 96 : index
            %get3A_800 = tpu.vector_load %arg18[%get3A_798, %get3A_799] {strides = array<i32>} : memref<80x128xf32, #tpu.memory_space<vmem>>, vector<16xf32>,
            %mul3A_801 = arith.mulf %get3A_800, %broadcast_in_dim3A_751 : vector<16xf32>
            %swap3A_802 = arith.index_cast %add3A_755 : i32 to index
            %swap3A_803 = arith.constant 96 : index
            %swap3A_804 = tpu.vector_load %arg18[%swap3A_802, %swap3A_803] {strides = array<i32>} : memref<80x128xf32, #tpu.memory_space<vmem>>, vector<16xf32>,
            tpu.vector_store %arg18[%swap3A_802, %swap3A_803], %mul3A_801 {strides = array<i32>} : memref<80x128xf32, #tpu.memory_space<vmem>>, vector<16xf32>,
            %get3A_805 = arith.index_cast %add3A_755 : i32 to index
            %get3A_806 = arith.constant 112 : index
            %get3A_807 = tpu.vector_load %arg18[%get3A_805, %get3A_806] {strides = array<i32>} : memref<80x128xf32, #tpu.memory_space<vmem>>, vector<16xf32>,
            %mul3A_808 = arith.mulf %get3A_807, %broadcast_in_dim3A_751 : vector<16xf32>
            %swap3A_809 = arith.index_cast %add3A_755 : i32 to index
            %swap3A_810 = arith.constant 112 : index
            %swap3A_811 = tpu.vector_load %arg18[%swap3A_809, %swap3A_810] {strides = array<i32>} : memref<80x128xf32, #tpu.memory_space<vmem>>, vector<16xf32>,
            tpu.vector_store %arg18[%swap3A_809, %swap3A_810], %mul3A_808 {strides = array<i32>} : memref<80x128xf32, #tpu.memory_space<vmem>>, vector<16xf32>,
            %slice3A_812 = vector.extract_strided_slice %get3A_122 {offsets = [11], sizes = [1], strides = [1]} : vector<16xf32> to vector<1xf32>
            %squeeze3A_813 = vector.extract %slice3A_812[0] : f32 from vector<1xf32>
            %broadcast_in_dim3A_814 = vector.broadcast %squeeze3A_813 : f32 to vector<16xf32>
            %mul3A_815 = arith.constant 16 : i32
            %mul3A_816 = arith.muli %scan3A_117, %mul3A_815 : i32
            %add3A_817 = arith.constant 11 : i32
            %add3A_818 = arith.addi %mul3A_816, %add3A_817 : i32
            %get3A_819 = arith.index_cast %add3A_818 : i32 to index
            %get3A_820 = arith.constant 0 : index
            %get3A_821 = tpu.vector_load %arg18[%get3A_819, %get3A_820] {strides = array<i32>} : memref<80x128xf32, #tpu.memory_space<vmem>>, vector<16xf32>,
            %mul3A_822 = arith.mulf %get3A_821, %broadcast_in_dim3A_814 : vector<16xf32>
            %swap3A_823 = arith.index_cast %add3A_818 : i32 to index
            %swap3A_824 = arith.constant 0 : index
            %swap3A_825 = tpu.vector_load %arg18[%swap3A_823, %swap3A_824] {strides = array<i32>} : memref<80x128xf32, #tpu.memory_space<vmem>>, vector<16xf32>,
            tpu.vector_store %arg18[%swap3A_823, %swap3A_824], %mul3A_822 {strides = array<i32>} : memref<80x128xf32, #tpu.memory_space<vmem>>, vector<16xf32>,
            %get3A_826 = arith.index_cast %add3A_818 : i32 to index
            %get3A_827 = arith.constant 16 : index
            %get3A_828 = tpu.vector_load %arg18[%get3A_826, %get3A_827] {strides = array<i32>} : memref<80x128xf32, #tpu.memory_space<vmem>>, vector<16xf32>,
            %mul3A_829 = arith.mulf %get3A_828, %broadcast_in_dim3A_814 : vector<16xf32>
            %swap3A_830 = arith.index_cast %add3A_818 : i32 to index
            %swap3A_831 = arith.constant 16 : index
            %swap3A_832 = tpu.vector_load %arg18[%swap3A_830, %swap3A_831] {strides = array<i32>} : memref<80x128xf32, #tpu.memory_space<vmem>>, vector<16xf32>,
            tpu.vector_store %arg18[%swap3A_830, %swap3A_831], %mul3A_829 {strides = array<i32>} : memref<80x128xf32, #tpu.memory_space<vmem>>, vector<16xf32>,
            %get3A_833 = arith.index_cast %add3A_818 : i32 to index
            %get3A_834 = arith.constant 32 : index
            %get3A_835 = tpu.vector_load %arg18[%get3A_833, %get3A_834] {strides = array<i32>} : memref<80x128xf32, #tpu.memory_space<vmem>>, vector<16xf32>,
            %mul3A_836 = arith.mulf %get3A_835, %broadcast_in_dim3A_814 : vector<16xf32>
            %swap3A_837 = arith.index_cast %add3A_818 : i32 to index
            %swap3A_838 = arith.constant 32 : index
            %swap3A_839 = tpu.vector_load %arg18[%swap3A_837, %swap3A_838] {strides = array<i32>} : memref<80x128xf32, #tpu.memory_space<vmem>>, vector<16xf32>,
            tpu.vector_store %arg18[%swap3A_837, %swap3A_838], %mul3A_836 {strides = array<i32>} : memref<80x128xf32, #tpu.memory_space<vmem>>, vector<16xf32>,
            %get3A_840 = arith.index_cast %add3A_818 : i32 to index
            %get3A_841 = arith.constant 48 : index
            %get3A_842 = tpu.vector_load %arg18[%get3A_840, %get3A_841] {strides = array<i32>} : memref<80x128xf32, #tpu.memory_space<vmem>>, vector<16xf32>,
            %mul3A_843 = arith.mulf %get3A_842, %broadcast_in_dim3A_814 : vector<16xf32>
            %swap3A_844 = arith.index_cast %add3A_818 : i32 to index
            %swap3A_845 = arith.constant 48 : index
            %swap3A_846 = tpu.vector_load %arg18[%swap3A_844, %swap3A_845] {strides = array<i32>} : memref<80x128xf32, #tpu.memory_space<vmem>>, vector<16xf32>,
            tpu.vector_store %arg18[%swap3A_844, %swap3A_845], %mul3A_843 {strides = array<i32>} : memref<80x128xf32, #tpu.memory_space<vmem>>, vector<16xf32>,
            %get3A_847 = arith.index_cast %add3A_818 : i32 to index
            %get3A_848 = arith.constant 64 : index
            %get3A_849 = tpu.vector_load %arg18[%get3A_847, %get3A_848] {strides = array<i32>} : memref<80x128xf32, #tpu.memory_space<vmem>>, vector<16xf32>,
            %mul3A_850 = arith.mulf %get3A_849, %broadcast_in_dim3A_814 : vector<16xf32>
            %swap3A_851 = arith.index_cast %add3A_818 : i32 to index
            %swap3A_852 = arith.constant 64 : index
            %swap3A_853 = tpu.vector_load %arg18[%swap3A_851, %swap3A_852] {strides = array<i32>} : memref<80x128xf32, #tpu.memory_space<vmem>>, vector<16xf32>,
            tpu.vector_store %arg18[%swap3A_851, %swap3A_852], %mul3A_850 {strides = array<i32>} : memref<80x128xf32, #tpu.memory_space<vmem>>, vector<16xf32>,
            %get3A_854 = arith.index_cast %add3A_818 : i32 to index
            %get3A_855 = arith.constant 80 : index
            %get3A_856 = tpu.vector_load %arg18[%get3A_854, %get3A_855] {strides = array<i32>} : memref<80x128xf32, #tpu.memory_space<vmem>>, vector<16xf32>,
            %mul3A_857 = arith.mulf %get3A_856, %broadcast_in_dim3A_814 : vector<16xf32>
            %swap3A_858 = arith.index_cast %add3A_818 : i32 to index
            %swap3A_859 = arith.constant 80 : index
            %swap3A_860 = tpu.vector_load %arg18[%swap3A_858, %swap3A_859] {strides = array<i32>} : memref<80x128xf32, #tpu.memory_space<vmem>>, vector<16xf32>,
            tpu.vector_store %arg18[%swap3A_858, %swap3A_859], %mul3A_857 {strides = array<i32>} : memref<80x128xf32, #tpu.memory_space<vmem>>, vector<16xf32>,
            %get3A_861 = arith.index_cast %add3A_818 : i32 to index
            %get3A_862 = arith.constant 96 : index
            %get3A_863 = tpu.vector_load %arg18[%get3A_861, %get3A_862] {strides = array<i32>} : memref<80x128xf32, #tpu.memory_space<vmem>>, vector<16xf32>,
            %mul3A_864 = arith.mulf %get3A_863, %broadcast_in_dim3A_814 : vector<16xf32>
            %swap3A_865 = arith.index_cast %add3A_818 : i32 to index
            %swap3A_866 = arith.constant 96 : index
            %swap3A_867 = tpu.vector_load %arg18[%swap3A_865, %swap3A_866] {strides = array<i32>} : memref<80x128xf32, #tpu.memory_space<vmem>>, vector<16xf32>,
            tpu.vector_store %arg18[%swap3A_865, %swap3A_866], %mul3A_864 {strides = array<i32>} : memref<80x128xf32, #tpu.memory_space<vmem>>, vector<16xf32>,
            %get3A_868 = arith.index_cast %add3A_818 : i32 to index
            %get3A_869 = arith.constant 112 : index
            %get3A_870 = tpu.vector_load %arg18[%get3A_868, %get3A_869] {strides = array<i32>} : memref<80x128xf32, #tpu.memory_space<vmem>>, vector<16xf32>,
            %mul3A_871 = arith.mulf %get3A_870, %broadcast_in_dim3A_814 : vector<16xf32>
            %swap3A_872 = arith.index_cast %add3A_818 : i32 to index
            %swap3A_873 = arith.constant 112 : index
            %swap3A_874 = tpu.vector_load %arg18[%swap3A_872, %swap3A_873] {strides = array<i32>} : memref<80x128xf32, #tpu.memory_space<vmem>>, vector<16xf32>,
            tpu.vector_store %arg18[%swap3A_872, %swap3A_873], %mul3A_871 {strides = array<i32>} : memref<80x128xf32, #tpu.memory_space<vmem>>, vector<16xf32>,
            %slice3A_875 = vector.extract_strided_slice %get3A_122 {offsets = [12], sizes = [1], strides = [1]} : vector<16xf32> to vector<1xf32>
            %squeeze3A_876 = vector.extract %slice3A_875[0] : f32 from vector<1xf32>
            %broadcast_in_dim3A_877 = vector.broadcast %squeeze3A_876 : f32 to vector<16xf32>
            %mul3A_878 = arith.constant 16 : i32
            %mul3A_879 = arith.muli %scan3A_117, %mul3A_878 : i32
            %add3A_880 = arith.constant 12 : i32
            %add3A_881 = arith.addi %mul3A_879, %add3A_880 : i32
            %get3A_882 = arith.index_cast %add3A_881 : i32 to index
            %get3A_883 = arith.constant 0 : index
            %get3A_884 = tpu.vector_load %arg18[%get3A_882, %get3A_883] {strides = array<i32>} : memref<80x128xf32, #tpu.memory_space<vmem>>, vector<16xf32>,
            %mul3A_885 = arith.mulf %get3A_884, %broadcast_in_dim3A_877 : vector<16xf32>
            %swap3A_886 = arith.index_cast %add3A_881 : i32 to index
            %swap3A_887 = arith.constant 0 : index
            %swap3A_888 = tpu.vector_load %arg18[%swap3A_886, %swap3A_887] {strides = array<i32>} : memref<80x128xf32, #tpu.memory_space<vmem>>, vector<16xf32>,
            tpu.vector_store %arg18[%swap3A_886, %swap3A_887], %mul3A_885 {strides = array<i32>} : memref<80x128xf32, #tpu.memory_space<vmem>>, vector<16xf32>,
            %get3A_889 = arith.index_cast %add3A_881 : i32 to index
            %get3A_890 = arith.constant 16 : index
            %get3A_891 = tpu.vector_load %arg18[%get3A_889, %get3A_890] {strides = array<i32>} : memref<80x128xf32, #tpu.memory_space<vmem>>, vector<16xf32>,
            %mul3A_892 = arith.mulf %get3A_891, %broadcast_in_dim3A_877 : vector<16xf32>
            %swap3A_893 = arith.index_cast %add3A_881 : i32 to index
            %swap3A_894 = arith.constant 16 : index
            %swap3A_895 = tpu.vector_load %arg18[%swap3A_893, %swap3A_894] {strides = array<i32>} : memref<80x128xf32, #tpu.memory_space<vmem>>, vector<16xf32>,
            tpu.vector_store %arg18[%swap3A_893, %swap3A_894], %mul3A_892 {strides = array<i32>} : memref<80x128xf32, #tpu.memory_space<vmem>>, vector<16xf32>,
            %get3A_896 = arith.index_cast %add3A_881 : i32 to index
            %get3A_897 = arith.constant 32 : index
            %get3A_898 = tpu.vector_load %arg18[%get3A_896, %get3A_897] {strides = array<i32>} : memref<80x128xf32, #tpu.memory_space<vmem>>, vector<16xf32>,
            %mul3A_899 = arith.mulf %get3A_898, %broadcast_in_dim3A_877 : vector<16xf32>
            %swap3A_900 = arith.index_cast %add3A_881 : i32 to index
            %swap3A_901 = arith.constant 32 : index
            %swap3A_902 = tpu.vector_load %arg18[%swap3A_900, %swap3A_901] {strides = array<i32>} : memref<80x128xf32, #tpu.memory_space<vmem>>, vector<16xf32>,
            tpu.vector_store %arg18[%swap3A_900, %swap3A_901], %mul3A_899 {strides = array<i32>} : memref<80x128xf32, #tpu.memory_space<vmem>>, vector<16xf32>,
            %get3A_903 = arith.index_cast %add3A_881 : i32 to index
            %get3A_904 = arith.constant 48 : index
            %get3A_905 = tpu.vector_load %arg18[%get3A_903, %get3A_904] {strides = array<i32>} : memref<80x128xf32, #tpu.memory_space<vmem>>, vector<16xf32>,
            %mul3A_906 = arith.mulf %get3A_905, %broadcast_in_dim3A_877 : vector<16xf32>
            %swap3A_907 = arith.index_cast %add3A_881 : i32 to index
            %swap3A_908 = arith.constant 48 : index
            %swap3A_909 = tpu.vector_load %arg18[%swap3A_907, %swap3A_908] {strides = array<i32>} : memref<80x128xf32, #tpu.memory_space<vmem>>, vector<16xf32>,
            tpu.vector_store %arg18[%swap3A_907, %swap3A_908], %mul3A_906 {strides = array<i32>} : memref<80x128xf32, #tpu.memory_space<vmem>>, vector<16xf32>,
            %get3A_910 = arith.index_cast %add3A_881 : i32 to index
            %get3A_911 = arith.constant 64 : index
            %get3A_912 = tpu.vector_load %arg18[%get3A_910, %get3A_911] {strides = array<i32>} : memref<80x128xf32, #tpu.memory_space<vmem>>, vector<16xf32>,
            %mul3A_913 = arith.mulf %get3A_912, %broadcast_in_dim3A_877 : vector<16xf32>
            %swap3A_914 = arith.index_cast %add3A_881 : i32 to index
            %swap3A_915 = arith.constant 64 : index
            %swap3A_916 = tpu.vector_load %arg18[%swap3A_914, %swap3A_915] {strides = array<i32>} : memref<80x128xf32, #tpu.memory_space<vmem>>, vector<16xf32>,
            tpu.vector_store %arg18[%swap3A_914, %swap3A_915], %mul3A_913 {strides = array<i32>} : memref<80x128xf32, #tpu.memory_space<vmem>>, vector<16xf32>,
            %get3A_917 = arith.index_cast %add3A_881 : i32 to index
            %get3A_918 = arith.constant 80 : index
            %get3A_919 = tpu.vector_load %arg18[%get3A_917, %get3A_918] {strides = array<i32>} : memref<80x128xf32, #tpu.memory_space<vmem>>, vector<16xf32>,
            %mul3A_920 = arith.mulf %get3A_919, %broadcast_in_dim3A_877 : vector<16xf32>
            %swap3A_921 = arith.index_cast %add3A_881 : i32 to index
            %swap3A_922 = arith.constant 80 : index
            %swap3A_923 = tpu.vector_load %arg18[%swap3A_921, %swap3A_922] {strides = array<i32>} : memref<80x128xf32, #tpu.memory_space<vmem>>, vector<16xf32>,
            tpu.vector_store %arg18[%swap3A_921, %swap3A_922], %mul3A_920 {strides = array<i32>} : memref<80x128xf32, #tpu.memory_space<vmem>>, vector<16xf32>,
            %get3A_924 = arith.index_cast %add3A_881 : i32 to index
            %get3A_925 = arith.constant 96 : index
            %get3A_926 = tpu.vector_load %arg18[%get3A_924, %get3A_925] {strides = array<i32>} : memref<80x128xf32, #tpu.memory_space<vmem>>, vector<16xf32>,
            %mul3A_927 = arith.mulf %get3A_926, %broadcast_in_dim3A_877 : vector<16xf32>
            %swap3A_928 = arith.index_cast %add3A_881 : i32 to index
            %swap3A_929 = arith.constant 96 : index
            %swap3A_930 = tpu.vector_load %arg18[%swap3A_928, %swap3A_929] {strides = array<i32>} : memref<80x128xf32, #tpu.memory_space<vmem>>, vector<16xf32>,
            tpu.vector_store %arg18[%swap3A_928, %swap3A_929], %mul3A_927 {strides = array<i32>} : memref<80x128xf32, #tpu.memory_space<vmem>>, vector<16xf32>,
            %get3A_931 = arith.index_cast %add3A_881 : i32 to index
            %get3A_932 = arith.constant 112 : index
            %get3A_933 = tpu.vector_load %arg18[%get3A_931, %get3A_932] {strides = array<i32>} : memref<80x128xf32, #tpu.memory_space<vmem>>, vector<16xf32>,
            %mul3A_934 = arith.mulf %get3A_933, %broadcast_in_dim3A_877 : vector<16xf32>
            %swap3A_935 = arith.index_cast %add3A_881 : i32 to index
            %swap3A_936 = arith.constant 112 : index
            %swap3A_937 = tpu.vector_load %arg18[%swap3A_935, %swap3A_936] {strides = array<i32>} : memref<80x128xf32, #tpu.memory_space<vmem>>, vector<16xf32>,
            tpu.vector_store %arg18[%swap3A_935, %swap3A_936], %mul3A_934 {strides = array<i32>} : memref<80x128xf32, #tpu.memory_space<vmem>>, vector<16xf32>,
            %slice3A_938 = vector.extract_strided_slice %get3A_122 {offsets = [13], sizes = [1], strides = [1]} : vector<16xf32> to vector<1xf32>
            %squeeze3A_939 = vector.extract %slice3A_938[0] : f32 from vector<1xf32>
            %broadcast_in_dim3A_940 = vector.broadcast %squeeze3A_939 : f32 to vector<16xf32>
            %mul3A_941 = arith.constant 16 : i32
            %mul3A_942 = arith.muli %scan3A_117, %mul3A_941 : i32
            %add3A_943 = arith.constant 13 : i32
            %add3A_944 = arith.addi %mul3A_942, %add3A_943 : i32
            %get3A_945 = arith.index_cast %add3A_944 : i32 to index
            %get3A_946 = arith.constant 0 : index
            %get3A_947 = tpu.vector_load %arg18[%get3A_945, %get3A_946] {strides = array<i32>} : memref<80x128xf32, #tpu.memory_space<vmem>>, vector<16xf32>,
            %mul3A_948 = arith.mulf %get3A_947, %broadcast_in_dim3A_940 : vector<16xf32>
            %swap3A_949 = arith.index_cast %add3A_944 : i32 to index
            %swap3A_950 = arith.constant 0 : index
            %swap3A_951 = tpu.vector_load %arg18[%swap3A_949, %swap3A_950] {strides = array<i32>} : memref<80x128xf32, #tpu.memory_space<vmem>>, vector<16xf32>,
            tpu.vector_store %arg18[%swap3A_949, %swap3A_950], %mul3A_948 {strides = array<i32>} : memref<80x128xf32, #tpu.memory_space<vmem>>, vector<16xf32>,
            %get3A_952 = arith.index_cast %add3A_944 : i32 to index
            %get3A_953 = arith.constant 16 : index
            %get3A_954 = tpu.vector_load %arg18[%get3A_952, %get3A_953] {strides = array<i32>} : memref<80x128xf32, #tpu.memory_space<vmem>>, vector<16xf32>,
            %mul3A_955 = arith.mulf %get3A_954, %broadcast_in_dim3A_940 : vector<16xf32>
            %swap3A_956 = arith.index_cast %add3A_944 : i32 to index
            %swap3A_957 = arith.constant 16 : index
            %swap3A_958 = tpu.vector_load %arg18[%swap3A_956, %swap3A_957] {strides = array<i32>} : memref<80x128xf32, #tpu.memory_space<vmem>>, vector<16xf32>,
            tpu.vector_store %arg18[%swap3A_956, %swap3A_957], %mul3A_955 {strides = array<i32>} : memref<80x128xf32, #tpu.memory_space<vmem>>, vector<16xf32>,
            %get3A_959 = arith.index_cast %add3A_944 : i32 to index
            %get3A_960 = arith.constant 32 : index
            %get3A_961 = tpu.vector_load %arg18[%get3A_959, %get3A_960] {strides = array<i32>} : memref<80x128xf32, #tpu.memory_space<vmem>>, vector<16xf32>,
            %mul3A_962 = arith.mulf %get3A_961, %broadcast_in_dim3A_940 : vector<16xf32>
            %swap3A_963 = arith.index_cast %add3A_944 : i32 to index
            %swap3A_964 = arith.constant 32 : index
            %swap3A_965 = tpu.vector_load %arg18[%swap3A_963, %swap3A_964] {strides = array<i32>} : memref<80x128xf32, #tpu.memory_space<vmem>>, vector<16xf32>,
            tpu.vector_store %arg18[%swap3A_963, %swap3A_964], %mul3A_962 {strides = array<i32>} : memref<80x128xf32, #tpu.memory_space<vmem>>, vector<16xf32>,
            %get3A_966 = arith.index_cast %add3A_944 : i32 to index
            %get3A_967 = arith.constant 48 : index
            %get3A_968 = tpu.vector_load %arg18[%get3A_966, %get3A_967] {strides = array<i32>} : memref<80x128xf32, #tpu.memory_space<vmem>>, vector<16xf32>,
            %mul3A_969 = arith.mulf %get3A_968, %broadcast_in_dim3A_940 : vector<16xf32>
            %swap3A_970 = arith.index_cast %add3A_944 : i32 to index
            %swap3A_971 = arith.constant 48 : index
            %swap3A_972 = tpu.vector_load %arg18[%swap3A_970, %swap3A_971] {strides = array<i32>} : memref<80x128xf32, #tpu.memory_space<vmem>>, vector<16xf32>,
            tpu.vector_store %arg18[%swap3A_970, %swap3A_971], %mul3A_969 {strides = array<i32>} : memref<80x128xf32, #tpu.memory_space<vmem>>, vector<16xf32>,
            %get3A_973 = arith.index_cast %add3A_944 : i32 to index
            %get3A_974 = arith.constant 64 : index
            %get3A_975 = tpu.vector_load %arg18[%get3A_973, %get3A_974] {strides = array<i32>} : memref<80x128xf32, #tpu.memory_space<vmem>>, vector<16xf32>,
            %mul3A_976 = arith.mulf %get3A_975, %broadcast_in_dim3A_940 : vector<16xf32>
            %swap3A_977 = arith.index_cast %add3A_944 : i32 to index
            %swap3A_978 = arith.constant 64 : index
            %swap3A_979 = tpu.vector_load %arg18[%swap3A_977, %swap3A_978] {strides = array<i32>} : memref<80x128xf32, #tpu.memory_space<vmem>>, vector<16xf32>,
            tpu.vector_store %arg18[%swap3A_977, %swap3A_978], %mul3A_976 {strides = array<i32>} : memref<80x128xf32, #tpu.memory_space<vmem>>, vector<16xf32>,
            %get3A_980 = arith.index_cast %add3A_944 : i32 to index
            %get3A_981 = arith.constant 80 : index
            %get3A_982 = tpu.vector_load %arg18[%get3A_980, %get3A_981] {strides = array<i32>} : memref<80x128xf32, #tpu.memory_space<vmem>>, vector<16xf32>,
            %mul3A_983 = arith.mulf %get3A_982, %broadcast_in_dim3A_940 : vector<16xf32>
            %swap3A_984 = arith.index_cast %add3A_944 : i32 to index
            %swap3A_985 = arith.constant 80 : index
            %swap3A_986 = tpu.vector_load %arg18[%swap3A_984, %swap3A_985] {strides = array<i32>} : memref<80x128xf32, #tpu.memory_space<vmem>>, vector<16xf32>,
            tpu.vector_store %arg18[%swap3A_984, %swap3A_985], %mul3A_983 {strides = array<i32>} : memref<80x128xf32, #tpu.memory_space<vmem>>, vector<16xf32>,
            %get3A_987 = arith.index_cast %add3A_944 : i32 to index
            %get3A_988 = arith.constant 96 : index
            %get3A_989 = tpu.vector_load %arg18[%get3A_987, %get3A_988] {strides = array<i32>} : memref<80x128xf32, #tpu.memory_space<vmem>>, vector<16xf32>,
            %mul3A_990 = arith.mulf %get3A_989, %broadcast_in_dim3A_940 : vector<16xf32>
            %swap3A_991 = arith.index_cast %add3A_944 : i32 to index
            %swap3A_992 = arith.constant 96 : index
            %swap3A_993 = tpu.vector_load %arg18[%swap3A_991, %swap3A_992] {strides = array<i32>} : memref<80x128xf32, #tpu.memory_space<vmem>>, vector<16xf32>,
            tpu.vector_store %arg18[%swap3A_991, %swap3A_992], %mul3A_990 {strides = array<i32>} : memref<80x128xf32, #tpu.memory_space<vmem>>, vector<16xf32>,
            %get3A_994 = arith.index_cast %add3A_944 : i32 to index
            %get3A_995 = arith.constant 112 : index
            %get3A_996 = tpu.vector_load %arg18[%get3A_994, %get3A_995] {strides = array<i32>} : memref<80x128xf32, #tpu.memory_space<vmem>>, vector<16xf32>,
            %mul3A_997 = arith.mulf %get3A_996, %broadcast_in_dim3A_940 : vector<16xf32>
            %swap3A_998 = arith.index_cast %add3A_944 : i32 to index
            %swap3A_999 = arith.constant 112 : index
            %swap3A_1000 = tpu.vector_load %arg18[%swap3A_998, %swap3A_999] {strides = array<i32>} : memref<80x128xf32, #tpu.memory_space<vmem>>, vector<16xf32>,
            tpu.vector_store %arg18[%swap3A_998, %swap3A_999], %mul3A_997 {strides = array<i32>} : memref<80x128xf32, #tpu.memory_space<vmem>>, vector<16xf32>,
            %slice3A_1001 = vector.extract_strided_slice %get3A_122 {offsets = [14], sizes = [1], strides = [1]} : vector<16xf32> to vector<1xf32>
            %squeeze3A_1002 = vector.extract %slice3A_1001[0] : f32 from vector<1xf32>
            %broadcast_in_dim3A_1003 = vector.broadcast %squeeze3A_1002 : f32 to vector<16xf32>
            %mul3A_1004 = arith.constant 16 : i32
            %mul3A_1005 = arith.muli %scan3A_117, %mul3A_1004 : i32
            %add3A_1006 = arith.constant 14 : i32
            %add3A_1007 = arith.addi %mul3A_1005, %add3A_1006 : i32
            %get3A_1008 = arith.index_cast %add3A_1007 : i32 to index
            %get3A_1009 = arith.constant 0 : index
            %get3A_1010 = tpu.vector_load %arg18[%get3A_1008, %get3A_1009] {strides = array<i32>} : memref<80x128xf32, #tpu.memory_space<vmem>>, vector<16xf32>,
            %mul3A_1011 = arith.mulf %get3A_1010, %broadcast_in_dim3A_1003 : vector<16xf32>
            %swap3A_1012 = arith.index_cast %add3A_1007 : i32 to index
            %swap3A_1013 = arith.constant 0 : index
            %swap3A_1014 = tpu.vector_load %arg18[%swap3A_1012, %swap3A_1013] {strides = array<i32>} : memref<80x128xf32, #tpu.memory_space<vmem>>, vector<16xf32>,
            tpu.vector_store %arg18[%swap3A_1012, %swap3A_1013], %mul3A_1011 {strides = array<i32>} : memref<80x128xf32, #tpu.memory_space<vmem>>, vector<16xf32>,
            %get3A_1015 = arith.index_cast %add3A_1007 : i32 to index
            %get3A_1016 = arith.constant 16 : index
            %get3A_1017 = tpu.vector_load %arg18[%get3A_1015, %get3A_1016] {strides = array<i32>} : memref<80x128xf32, #tpu.memory_space<vmem>>, vector<16xf32>,
            %mul3A_1018 = arith.mulf %get3A_1017, %broadcast_in_dim3A_1003 : vector<16xf32>
            %swap3A_1019 = arith.index_cast %add3A_1007 : i32 to index
            %swap3A_1020 = arith.constant 16 : index
            %swap3A_1021 = tpu.vector_load %arg18[%swap3A_1019, %swap3A_1020] {strides = array<i32>} : memref<80x128xf32, #tpu.memory_space<vmem>>, vector<16xf32>,
            tpu.vector_store %arg18[%swap3A_1019, %swap3A_1020], %mul3A_1018 {strides = array<i32>} : memref<80x128xf32, #tpu.memory_space<vmem>>, vector<16xf32>,
            %get3A_1022 = arith.index_cast %add3A_1007 : i32 to index
            %get3A_1023 = arith.constant 32 : index
            %get3A_1024 = tpu.vector_load %arg18[%get3A_1022, %get3A_1023] {strides = array<i32>} : memref<80x128xf32, #tpu.memory_space<vmem>>, vector<16xf32>,
            %mul3A_1025 = arith.mulf %get3A_1024, %broadcast_in_dim3A_1003 : vector<16xf32>
            %swap3A_1026 = arith.index_cast %add3A_1007 : i32 to index
            %swap3A_1027 = arith.constant 32 : index
            %swap3A_1028 = tpu.vector_load %arg18[%swap3A_1026, %swap3A_1027] {strides = array<i32>} : memref<80x128xf32, #tpu.memory_space<vmem>>, vector<16xf32>,
            tpu.vector_store %arg18[%swap3A_1026, %swap3A_1027], %mul3A_1025 {strides = array<i32>} : memref<80x128xf32, #tpu.memory_space<vmem>>, vector<16xf32>,
            %get3A_1029 = arith.index_cast %add3A_1007 : i32 to index
            %get3A_1030 = arith.constant 48 : index
            %get3A_1031 = tpu.vector_load %arg18[%get3A_1029, %get3A_1030] {strides = array<i32>} : memref<80x128xf32, #tpu.memory_space<vmem>>, vector<16xf32>,
            %mul3A_1032 = arith.mulf %get3A_1031, %broadcast_in_dim3A_1003 : vector<16xf32>
            %swap3A_1033 = arith.index_cast %add3A_1007 : i32 to index
            %swap3A_1034 = arith.constant 48 : index
            %swap3A_1035 = tpu.vector_load %arg18[%swap3A_1033, %swap3A_1034] {strides = array<i32>} : memref<80x128xf32, #tpu.memory_space<vmem>>, vector<16xf32>,
            tpu.vector_store %arg18[%swap3A_1033, %swap3A_1034], %mul3A_1032 {strides = array<i32>} : memref<80x128xf32, #tpu.memory_space<vmem>>, vector<16xf32>,
            %get3A_1036 = arith.index_cast %add3A_1007 : i32 to index
            %get3A_1037 = arith.constant 64 : index
            %get3A_1038 = tpu.vector_load %arg18[%get3A_1036, %get3A_1037] {strides = array<i32>} : memref<80x128xf32, #tpu.memory_space<vmem>>, vector<16xf32>,
            %mul3A_1039 = arith.mulf %get3A_1038, %broadcast_in_dim3A_1003 : vector<16xf32>
            %swap3A_1040 = arith.index_cast %add3A_1007 : i32 to index
            %swap3A_1041 = arith.constant 64 : index
            %swap3A_1042 = tpu.vector_load %arg18[%swap3A_1040, %swap3A_1041] {strides = array<i32>} : memref<80x128xf32, #tpu.memory_space<vmem>>, vector<16xf32>,
            tpu.vector_store %arg18[%swap3A_1040, %swap3A_1041], %mul3A_1039 {strides = array<i32>} : memref<80x128xf32, #tpu.memory_space<vmem>>, vector<16xf32>,
            %get3A_1043 = arith.index_cast %add3A_1007 : i32 to index
            %get3A_1044 = arith.constant 80 : index
            %get3A_1045 = tpu.vector_load %arg18[%get3A_1043, %get3A_1044] {strides = array<i32>} : memref<80x128xf32, #tpu.memory_space<vmem>>, vector<16xf32>,
            %mul3A_1046 = arith.mulf %get3A_1045, %broadcast_in_dim3A_1003 : vector<16xf32>
            %swap3A_1047 = arith.index_cast %add3A_1007 : i32 to index
            %swap3A_1048 = arith.constant 80 : index
            %swap3A_1049 = tpu.vector_load %arg18[%swap3A_1047, %swap3A_1048] {strides = array<i32>} : memref<80x128xf32, #tpu.memory_space<vmem>>, vector<16xf32>,
            tpu.vector_store %arg18[%swap3A_1047, %swap3A_1048], %mul3A_1046 {strides = array<i32>} : memref<80x128xf32, #tpu.memory_space<vmem>>, vector<16xf32>,
            %get3A_1050 = arith.index_cast %add3A_1007 : i32 to index
            %get3A_1051 = arith.constant 96 : index
            %get3A_1052 = tpu.vector_load %arg18[%get3A_1050, %get3A_1051] {strides = array<i32>} : memref<80x128xf32, #tpu.memory_space<vmem>>, vector<16xf32>,
            %mul3A_1053 = arith.mulf %get3A_1052, %broadcast_in_dim3A_1003 : vector<16xf32>
            %swap3A_1054 = arith.index_cast %add3A_1007 : i32 to index
            %swap3A_1055 = arith.constant 96 : index
            %swap3A_1056 = tpu.vector_load %arg18[%swap3A_1054, %swap3A_1055] {strides = array<i32>} : memref<80x128xf32, #tpu.memory_space<vmem>>, vector<16xf32>,
            tpu.vector_store %arg18[%swap3A_1054, %swap3A_1055], %mul3A_1053 {strides = array<i32>} : memref<80x128xf32, #tpu.memory_space<vmem>>, vector<16xf32>,
            %get3A_1057 = arith.index_cast %add3A_1007 : i32 to index
            %get3A_1058 = arith.constant 112 : index
            %get3A_1059 = tpu.vector_load %arg18[%get3A_1057, %get3A_1058] {strides = array<i32>} : memref<80x128xf32, #tpu.memory_space<vmem>>, vector<16xf32>,
            %mul3A_1060 = arith.mulf %get3A_1059, %broadcast_in_dim3A_1003 : vector<16xf32>
            %swap3A_1061 = arith.index_cast %add3A_1007 : i32 to index
            %swap3A_1062 = arith.constant 112 : index
            %swap3A_1063 = tpu.vector_load %arg18[%swap3A_1061, %swap3A_1062] {strides = array<i32>} : memref<80x128xf32, #tpu.memory_space<vmem>>, vector<16xf32>,
            tpu.vector_store %arg18[%swap3A_1061, %swap3A_1062], %mul3A_1060 {strides = array<i32>} : memref<80x128xf32, #tpu.memory_space<vmem>>, vector<16xf32>,
            %slice3A_1064 = vector.extract_strided_slice %get3A_122 {offsets = [15], sizes = [1], strides = [1]} : vector<16xf32> to vector<1xf32>
            %squeeze3A_1065 = vector.extract %slice3A_1064[0] : f32 from vector<1xf32>
            %broadcast_in_dim3A_1066 = vector.broadcast %squeeze3A_1065 : f32 to vector<16xf32>
            %mul3A_1067 = arith.constant 16 : i32
            %mul3A_1068 = arith.muli %scan3A_117, %mul3A_1067 : i32
            %add3A_1069 = arith.constant 15 : i32
            %add3A_1070 = arith.addi %mul3A_1068, %add3A_1069 : i32
            %get3A_1071 = arith.index_cast %add3A_1070 : i32 to index
            %get3A_1072 = arith.constant 0 : index
            %get3A_1073 = tpu.vector_load %arg18[%get3A_1071, %get3A_1072] {strides = array<i32>} : memref<80x128xf32, #tpu.memory_space<vmem>>, vector<16xf32>,
            %mul3A_1074 = arith.mulf %get3A_1073, %broadcast_in_dim3A_1066 : vector<16xf32>
            %swap3A_1075 = arith.index_cast %add3A_1070 : i32 to index
            %swap3A_1076 = arith.constant 0 : index
            %swap3A_1077 = tpu.vector_load %arg18[%swap3A_1075, %swap3A_1076] {strides = array<i32>} : memref<80x128xf32, #tpu.memory_space<vmem>>, vector<16xf32>,
            tpu.vector_store %arg18[%swap3A_1075, %swap3A_1076], %mul3A_1074 {strides = array<i32>} : memref<80x128xf32, #tpu.memory_space<vmem>>, vector<16xf32>,
            %get3A_1078 = arith.index_cast %add3A_1070 : i32 to index
            %get3A_1079 = arith.constant 16 : index
            %get3A_1080 = tpu.vector_load %arg18[%get3A_1078, %get3A_1079] {strides = array<i32>} : memref<80x128xf32, #tpu.memory_space<vmem>>, vector<16xf32>,
            %mul3A_1081 = arith.mulf %get3A_1080, %broadcast_in_dim3A_1066 : vector<16xf32>
            %swap3A_1082 = arith.index_cast %add3A_1070 : i32 to index
            %swap3A_1083 = arith.constant 16 : index
            %swap3A_1084 = tpu.vector_load %arg18[%swap3A_1082, %swap3A_1083] {strides = array<i32>} : memref<80x128xf32, #tpu.memory_space<vmem>>, vector<16xf32>,
            tpu.vector_store %arg18[%swap3A_1082, %swap3A_1083], %mul3A_1081 {strides = array<i32>} : memref<80x128xf32, #tpu.memory_space<vmem>>, vector<16xf32>,
            %get3A_1085 = arith.index_cast %add3A_1070 : i32 to index
            %get3A_1086 = arith.constant 32 : index
            %get3A_1087 = tpu.vector_load %arg18[%get3A_1085, %get3A_1086] {strides = array<i32>} : memref<80x128xf32, #tpu.memory_space<vmem>>, vector<16xf32>,
            %mul3A_1088 = arith.mulf %get3A_1087, %broadcast_in_dim3A_1066 : vector<16xf32>
            %swap3A_1089 = arith.index_cast %add3A_1070 : i32 to index
            %swap3A_1090 = arith.constant 32 : index
            %swap3A_1091 = tpu.vector_load %arg18[%swap3A_1089, %swap3A_1090] {strides = array<i32>} : memref<80x128xf32, #tpu.memory_space<vmem>>, vector<16xf32>,
            tpu.vector_store %arg18[%swap3A_1089, %swap3A_1090], %mul3A_1088 {strides = array<i32>} : memref<80x128xf32, #tpu.memory_space<vmem>>, vector<16xf32>,
            %get3A_1092 = arith.index_cast %add3A_1070 : i32 to index
            %get3A_1093 = arith.constant 48 : index
            %get3A_1094 = tpu.vector_load %arg18[%get3A_1092, %get3A_1093] {strides = array<i32>} : memref<80x128xf32, #tpu.memory_space<vmem>>, vector<16xf32>,
            %mul3A_1095 = arith.mulf %get3A_1094, %broadcast_in_dim3A_1066 : vector<16xf32>
            %swap3A_1096 = arith.index_cast %add3A_1070 : i32 to index
            %swap3A_1097 = arith.constant 48 : index
            %swap3A_1098 = tpu.vector_load %arg18[%swap3A_1096, %swap3A_1097] {strides = array<i32>} : memref<80x128xf32, #tpu.memory_space<vmem>>, vector<16xf32>,
            tpu.vector_store %arg18[%swap3A_1096, %swap3A_1097], %mul3A_1095 {strides = array<i32>} : memref<80x128xf32, #tpu.memory_space<vmem>>, vector<16xf32>,
            %get3A_1099 = arith.index_cast %add3A_1070 : i32 to index
            %get3A_1100 = arith.constant 64 : index
            %get3A_1101 = tpu.vector_load %arg18[%get3A_1099, %get3A_1100] {strides = array<i32>} : memref<80x128xf32, #tpu.memory_space<vmem>>, vector<16xf32>,
            %mul3A_1102 = arith.mulf %get3A_1101, %broadcast_in_dim3A_1066 : vector<16xf32>
            %swap3A_1103 = arith.index_cast %add3A_1070 : i32 to index
            %swap3A_1104 = arith.constant 64 : index
            %swap3A_1105 = tpu.vector_load %arg18[%swap3A_1103, %swap3A_1104] {strides = array<i32>} : memref<80x128xf32, #tpu.memory_space<vmem>>, vector<16xf32>,
            tpu.vector_store %arg18[%swap3A_1103, %swap3A_1104], %mul3A_1102 {strides = array<i32>} : memref<80x128xf32, #tpu.memory_space<vmem>>, vector<16xf32>,
            %get3A_1106 = arith.index_cast %add3A_1070 : i32 to index
            %get3A_1107 = arith.constant 80 : index
            %get3A_1108 = tpu.vector_load %arg18[%get3A_1106, %get3A_1107] {strides = array<i32>} : memref<80x128xf32, #tpu.memory_space<vmem>>, vector<16xf32>,
            %mul3A_1109 = arith.mulf %get3A_1108, %broadcast_in_dim3A_1066 : vector<16xf32>
            %swap3A_1110 = arith.index_cast %add3A_1070 : i32 to index
            %swap3A_1111 = arith.constant 80 : index
            %swap3A_1112 = tpu.vector_load %arg18[%swap3A_1110, %swap3A_1111] {strides = array<i32>} : memref<80x128xf32, #tpu.memory_space<vmem>>, vector<16xf32>,
            tpu.vector_store %arg18[%swap3A_1110, %swap3A_1111], %mul3A_1109 {strides = array<i32>} : memref<80x128xf32, #tpu.memory_space<vmem>>, vector<16xf32>,
            %get3A_1113 = arith.index_cast %add3A_1070 : i32 to index
            %get3A_1114 = arith.constant 96 : index
            %get3A_1115 = tpu.vector_load %arg18[%get3A_1113, %get3A_1114] {strides = array<i32>} : memref<80x128xf32, #tpu.memory_space<vmem>>, vector<16xf32>,
            %mul3A_1116 = arith.mulf %get3A_1115, %broadcast_in_dim3A_1066 : vector<16xf32>
            %swap3A_1117 = arith.index_cast %add3A_1070 : i32 to index
            %swap3A_1118 = arith.constant 96 : index
            %swap3A_1119 = tpu.vector_load %arg18[%swap3A_1117, %swap3A_1118] {strides = array<i32>} : memref<80x128xf32, #tpu.memory_space<vmem>>, vector<16xf32>,
            tpu.vector_store %arg18[%swap3A_1117, %swap3A_1118], %mul3A_1116 {strides = array<i32>} : memref<80x128xf32, #tpu.memory_space<vmem>>, vector<16xf32>,
            %get3A_1120 = arith.index_cast %add3A_1070 : i32 to index
            %get3A_1121 = arith.constant 112 : index
            %get3A_1122 = tpu.vector_load %arg18[%get3A_1120, %get3A_1121] {strides = array<i32>} : memref<80x128xf32, #tpu.memory_space<vmem>>, vector<16xf32>,
            %mul3A_1123 = arith.mulf %get3A_1122, %broadcast_in_dim3A_1066 : vector<16xf32>
            %swap3A_1124 = arith.index_cast %add3A_1070 : i32 to index
            %swap3A_1125 = arith.constant 112 : index
            %swap3A_1126 = tpu.vector_load %arg18[%swap3A_1124, %swap3A_1125] {strides = array<i32>} : memref<80x128xf32, #tpu.memory_space<vmem>>, vector<16xf32>,
            tpu.vector_store %arg18[%swap3A_1124, %swap3A_1125], %mul3A_1123 {strides = array<i32>} : memref<80x128xf32, #tpu.memory_space<vmem>>, vector<16xf32>,
          }
          %scan3A_110 = arith.constant 5 : i32
          %dma_start3A_111 = arith.constant 0 : i32
          %dma_start3A_112 = tpu.memref_slice %arg15[%scan3A_53, %dma_start3A_111] : memref<25x80xi32, #tpu.memory_space<vmem>> -> memref<1x80xi32, #tpu.memory_space<vmem>>
          %dma_start3A_113 = tpu.memref_squeeze %dma_start3A_112 : memref<1x80xi32, #tpu.memory_space<vmem>> -> memref<80xi32, #tpu.memory_space<vmem>>
          %dma_start3A_114 = arith.constant 0 : i32
          %dma_start3A_115 = arith.constant 0 : i32
          %dma_start3A_116 = tpu.memref_slice %arg21[%dma_start3A_114, %dma_start3A_115] : memref<10000x128xf32, #tpu.memory_space<vmem_shared>> -> memref<10000x128xf32, #tpu.memory_space<vmem_shared>>
          tpu.enqueue_indirect_dma source(%arg18 : memref<80x128xf32, #tpu.memory_space<vmem>>) target(%dma_start3A_116 : memref<10000x128xf32, #tpu.memory_space<vmem_shared>>) offsets(%dma_start3A_113 : memref<80xi32, #tpu.memory_space<vmem>>) semaphore(%arg25 : memref<!tpu.dma_semaphore, #tpu.memory_space<semaphore_mem>>) {add = true}
        } else {
        }
        %jit3A_69 = arith.constant 2 : i32
        %eq3A_70 = arith.constant 0 : i32
        %eq3A_71 = arith.cmpi eq, %jit3A_69, %eq3A_70 : i32
        %jit3A_72 = arith.constant 1 : i32
        %select_n3A_73 = arith.select %eq3A_71, %jit3A_72, %jit3A_69 : i32
        %rem3A_74 = arith.remsi %scan3A_53, %select_n3A_73 : i32
        %ne3A_75 = arith.constant 0 : i32
        %ne3A_76 = arith.cmpi ne, %rem3A_74, %ne3A_75 : i32
        %lt3A_77 = arith.constant 0 : i32
        %lt3A_78 = arith.cmpi slt, %rem3A_74, %lt3A_77 : i32
        %lt3A_79 = arith.constant 0 : i32
        %lt3A_80 = arith.cmpi slt, %select_n3A_73, %lt3A_79 : i32
        %ne3A_81 = arith.xori %lt3A_78, %lt3A_80 : i1
        %and3A_82 = arith.andi %ne3A_81, %ne3A_76 : i1
        %add3A_83 = arith.addi %rem3A_74, %select_n3A_73 : i32
        %select_n3A_84 = arith.select %and3A_82, %add3A_83, %rem3A_74 : i32
        %eq3A_85 = arith.constant 1 : i32
        %eq3A_86 = arith.cmpi eq, %select_n3A_84, %eq3A_85 : i32
        %convert_element_type3A_87 = arith.extui %eq3A_86 : i1 to i32
        %cond3A_88 = arith.constant 0 : i32
        %cond3A_89 = arith.cmpi ne, %convert_element_type3A_87, %cond3A_88 : i32
        scf.if %cond3A_89 {
          %dma_wait3A_90 = arith.constant 0 : i32
          %dma_wait3A_91 = tpu.memref_slice %arg14[%scan3A_53, %dma_wait3A_90] : memref<25x80xi32, #tpu.memory_space<vmem>> -> memref<1x80xi32, #tpu.memory_space<vmem>>
          %dma_wait3A_92 = tpu.memref_squeeze %dma_wait3A_91 : memref<1x80xi32, #tpu.memory_space<vmem>> -> memref<80xi32, #tpu.memory_space<vmem>>
          %dma_wait3A_93 = arith.constant 0 : i32
          %dma_wait3A_94 = arith.constant 0 : i32
          %dma_wait3A_95 = tpu.memref_slice %arg2[%dma_wait3A_93, %dma_wait3A_94] : memref<10000x128xf32, #tpu.memory_space<hbm>> -> memref<10000x128xf32, #tpu.memory_space<hbm>>
          tpu.wait_indirect_dma semaphore(%arg24 : memref<!tpu.dma_semaphore, #tpu.memory_space<semaphore_mem>>) src(%dma_wait3A_95 : memref<10000x128xf32, #tpu.memory_space<hbm>>) dst(%arg19 : memref<80x128xf32, #tpu.memory_space<vmem>>)
          %ge3A = arith.constant 1 : i32
          %ge3A_96 = arith.cmpi sge, %scan3A_53, %ge3A : i32
          %convert_element_type3A_97 = arith.extui %ge3A_96 : i1 to i32
          %cond3A_98 = arith.constant 0 : i32
          %cond3A_99 = arith.cmpi ne, %convert_element_type3A_97, %cond3A_98 : i32
          scf.if %cond3A_99 {
            %dma_wait3A_117 = arith.constant 0 : i32
            %dma_wait3A_118 = arith.constant 0 : i32
            %dma_wait3A_119 = tpu.memref_slice %arg15[%dma_wait3A_117, %dma_wait3A_118] : memref<25x80xi32, #tpu.memory_space<vmem>> -> memref<1x80xi32, #tpu.memory_space<vmem>>
            %dma_wait3A_120 = tpu.memref_squeeze %dma_wait3A_119 : memref<1x80xi32, #tpu.memory_space<vmem>> -> memref<80xi32, #tpu.memory_space<vmem>>
            %dma_wait3A_121 = arith.constant 0 : i32
            %dma_wait3A_122 = arith.constant 0 : i32
            %dma_wait3A_123 = tpu.memref_slice %arg21[%dma_wait3A_121, %dma_wait3A_122] : memref<10000x128xf32, #tpu.memory_space<vmem_shared>> -> memref<10000x128xf32, #tpu.memory_space<vmem_shared>>
            tpu.wait_indirect_dma semaphore(%arg25 : memref<!tpu.dma_semaphore, #tpu.memory_space<semaphore_mem>>) src(%arg18 : memref<80x128xf32, #tpu.memory_space<vmem>>) dst(%dma_wait3A_123 : memref<10000x128xf32, #tpu.memory_space<vmem_shared>>)
          } else {
          }
          %lt3A_100 = arith.constant 24 : i32
          %lt3A_101 = arith.cmpi slt, %scan3A_53, %lt3A_100 : i32
          %convert_element_type3A_102 = arith.extui %lt3A_101 : i1 to i32
          %cond3A_103 = arith.constant 0 : i32
          %cond3A_104 = arith.cmpi ne, %convert_element_type3A_102, %cond3A_103 : i32
          scf.if %cond3A_104 {
            %add3A_117 = arith.constant 1 : i32
            %add3A_118 = arith.addi %scan3A_53, %add3A_117 : i32
            %dma_start3A_119 = arith.constant 0 : i32
            %dma_start3A_120 = tpu.memref_slice %arg14[%add3A_118, %dma_start3A_119] : memref<25x80xi32, #tpu.memory_space<vmem>> -> memref<1x80xi32, #tpu.memory_space<vmem>>
            %dma_start3A_121 = tpu.memref_squeeze %dma_start3A_120 : memref<1x80xi32, #tpu.memory_space<vmem>> -> memref<80xi32, #tpu.memory_space<vmem>>
            %dma_start3A_122 = arith.constant 0 : i32
            %dma_start3A_123 = arith.constant 0 : i32
            %dma_start3A_124 = tpu.memref_slice %arg2[%dma_start3A_122, %dma_start3A_123] : memref<10000x128xf32, #tpu.memory_space<hbm>> -> memref<10000x128xf32, #tpu.memory_space<hbm>>
            tpu.enqueue_indirect_dma source(%dma_start3A_124 : memref<10000x128xf32, #tpu.memory_space<hbm>>) target(%arg18 : memref<80x128xf32, #tpu.memory_space<vmem>>) offsets(%dma_start3A_121 : memref<80xi32, #tpu.memory_space<vmem>>) semaphore(%arg23 : memref<!tpu.dma_semaphore, #tpu.memory_space<semaphore_mem>>)
          } else {
          }
          %scan3A_105 = arith.constant 0 : i32
          %scan3A_106 = arith.constant 0 : i32
          %scan3A_107 = arith.constant 5 : i32
          %scan3A_108 = arith.addi %scan3A_106, %scan3A_107 : i32
          %scan3A_109 = arith.constant 1 : i32
          scf.for %scan3A_117 = %scan3A_106 to %scan3A_108 step %scan3A_109  : i32 {
            %mul3A_118 = arith.constant 16 : i32
            %mul3A_119 = arith.muli %scan3A_117, %mul3A_118 : i32
            %get3A_120 = arith.index_cast %scan3A_53 : i32 to index
            %get3A_121 = arith.index_cast %mul3A_119 : i32 to index
            %get3A_122 = tpu.vector_load %arg16[%get3A_120, %get3A_121] {strides = array<i32>} : memref<25x80xf32, #tpu.memory_space<vmem>>, vector<16xf32>,
            %slice3A = vector.extract_strided_slice %get3A_122 {offsets = [0], sizes = [1], strides = [1]} : vector<16xf32> to vector<1xf32>
            %squeeze3A = vector.extract %slice3A[0] : f32 from vector<1xf32>
            %broadcast_in_dim3A = vector.broadcast %squeeze3A : f32 to vector<16xf32>
            %mul3A_123 = arith.constant 16 : i32
            %mul3A_124 = arith.muli %scan3A_117, %mul3A_123 : i32
            %add3A_125 = arith.constant 0 : i32
            %add3A_126 = arith.addi %mul3A_124, %add3A_125 : i32
            %get3A_127 = arith.index_cast %add3A_126 : i32 to index
            %get3A_128 = arith.constant 0 : index
            %get3A_129 = tpu.vector_load %arg19[%get3A_127, %get3A_128] {strides = array<i32>} : memref<80x128xf32, #tpu.memory_space<vmem>>, vector<16xf32>,
            %mul3A_130 = arith.mulf %get3A_129, %broadcast_in_dim3A : vector<16xf32>
            %swap3A = arith.index_cast %add3A_126 : i32 to index
            %swap3A_131 = arith.constant 0 : index
            %swap3A_132 = tpu.vector_load %arg19[%swap3A, %swap3A_131] {strides = array<i32>} : memref<80x128xf32, #tpu.memory_space<vmem>>, vector<16xf32>,
            tpu.vector_store %arg19[%swap3A, %swap3A_131], %mul3A_130 {strides = array<i32>} : memref<80x128xf32, #tpu.memory_space<vmem>>, vector<16xf32>,
            %get3A_133 = arith.index_cast %add3A_126 : i32 to index
            %get3A_134 = arith.constant 16 : index
            %get3A_135 = tpu.vector_load %arg19[%get3A_133, %get3A_134] {strides = array<i32>} : memref<80x128xf32, #tpu.memory_space<vmem>>, vector<16xf32>,
            %mul3A_136 = arith.mulf %get3A_135, %broadcast_in_dim3A : vector<16xf32>
            %swap3A_137 = arith.index_cast %add3A_126 : i32 to index
            %swap3A_138 = arith.constant 16 : index
            %swap3A_139 = tpu.vector_load %arg19[%swap3A_137, %swap3A_138] {strides = array<i32>} : memref<80x128xf32, #tpu.memory_space<vmem>>, vector<16xf32>,
            tpu.vector_store %arg19[%swap3A_137, %swap3A_138], %mul3A_136 {strides = array<i32>} : memref<80x128xf32, #tpu.memory_space<vmem>>, vector<16xf32>,
            %get3A_140 = arith.index_cast %add3A_126 : i32 to index
            %get3A_141 = arith.constant 32 : index
            %get3A_142 = tpu.vector_load %arg19[%get3A_140, %get3A_141] {strides = array<i32>} : memref<80x128xf32, #tpu.memory_space<vmem>>, vector<16xf32>,
            %mul3A_143 = arith.mulf %get3A_142, %broadcast_in_dim3A : vector<16xf32>
            %swap3A_144 = arith.index_cast %add3A_126 : i32 to index
            %swap3A_145 = arith.constant 32 : index
            %swap3A_146 = tpu.vector_load %arg19[%swap3A_144, %swap3A_145] {strides = array<i32>} : memref<80x128xf32, #tpu.memory_space<vmem>>, vector<16xf32>,
            tpu.vector_store %arg19[%swap3A_144, %swap3A_145], %mul3A_143 {strides = array<i32>} : memref<80x128xf32, #tpu.memory_space<vmem>>, vector<16xf32>,
            %get3A_147 = arith.index_cast %add3A_126 : i32 to index
            %get3A_148 = arith.constant 48 : index
            %get3A_149 = tpu.vector_load %arg19[%get3A_147, %get3A_148] {strides = array<i32>} : memref<80x128xf32, #tpu.memory_space<vmem>>, vector<16xf32>,
            %mul3A_150 = arith.mulf %get3A_149, %broadcast_in_dim3A : vector<16xf32>
            %swap3A_151 = arith.index_cast %add3A_126 : i32 to index
            %swap3A_152 = arith.constant 48 : index
            %swap3A_153 = tpu.vector_load %arg19[%swap3A_151, %swap3A_152] {strides = array<i32>} : memref<80x128xf32, #tpu.memory_space<vmem>>, vector<16xf32>,
            tpu.vector_store %arg19[%swap3A_151, %swap3A_152], %mul3A_150 {strides = array<i32>} : memref<80x128xf32, #tpu.memory_space<vmem>>, vector<16xf32>,
            %get3A_154 = arith.index_cast %add3A_126 : i32 to index
            %get3A_155 = arith.constant 64 : index
            %get3A_156 = tpu.vector_load %arg19[%get3A_154, %get3A_155] {strides = array<i32>} : memref<80x128xf32, #tpu.memory_space<vmem>>, vector<16xf32>,
            %mul3A_157 = arith.mulf %get3A_156, %broadcast_in_dim3A : vector<16xf32>
            %swap3A_158 = arith.index_cast %add3A_126 : i32 to index
            %swap3A_159 = arith.constant 64 : index
            %swap3A_160 = tpu.vector_load %arg19[%swap3A_158, %swap3A_159] {strides = array<i32>} : memref<80x128xf32, #tpu.memory_space<vmem>>, vector<16xf32>,
            tpu.vector_store %arg19[%swap3A_158, %swap3A_159], %mul3A_157 {strides = array<i32>} : memref<80x128xf32, #tpu.memory_space<vmem>>, vector<16xf32>,
            %get3A_161 = arith.index_cast %add3A_126 : i32 to index
            %get3A_162 = arith.constant 80 : index
            %get3A_163 = tpu.vector_load %arg19[%get3A_161, %get3A_162] {strides = array<i32>} : memref<80x128xf32, #tpu.memory_space<vmem>>, vector<16xf32>,
            %mul3A_164 = arith.mulf %get3A_163, %broadcast_in_dim3A : vector<16xf32>
            %swap3A_165 = arith.index_cast %add3A_126 : i32 to index
            %swap3A_166 = arith.constant 80 : index
            %swap3A_167 = tpu.vector_load %arg19[%swap3A_165, %swap3A_166] {strides = array<i32>} : memref<80x128xf32, #tpu.memory_space<vmem>>, vector<16xf32>,
            tpu.vector_store %arg19[%swap3A_165, %swap3A_166], %mul3A_164 {strides = array<i32>} : memref<80x128xf32, #tpu.memory_space<vmem>>, vector<16xf32>,
            %get3A_168 = arith.index_cast %add3A_126 : i32 to index
            %get3A_169 = arith.constant 96 : index
            %get3A_170 = tpu.vector_load %arg19[%get3A_168, %get3A_169] {strides = array<i32>} : memref<80x128xf32, #tpu.memory_space<vmem>>, vector<16xf32>,
            %mul3A_171 = arith.mulf %get3A_170, %broadcast_in_dim3A : vector<16xf32>
            %swap3A_172 = arith.index_cast %add3A_126 : i32 to index
            %swap3A_173 = arith.constant 96 : index
            %swap3A_174 = tpu.vector_load %arg19[%swap3A_172, %swap3A_173] {strides = array<i32>} : memref<80x128xf32, #tpu.memory_space<vmem>>, vector<16xf32>,
            tpu.vector_store %arg19[%swap3A_172, %swap3A_173], %mul3A_171 {strides = array<i32>} : memref<80x128xf32, #tpu.memory_space<vmem>>, vector<16xf32>,
            %get3A_175 = arith.index_cast %add3A_126 : i32 to index
            %get3A_176 = arith.constant 112 : index
            %get3A_177 = tpu.vector_load %arg19[%get3A_175, %get3A_176] {strides = array<i32>} : memref<80x128xf32, #tpu.memory_space<vmem>>, vector<16xf32>,
            %mul3A_178 = arith.mulf %get3A_177, %broadcast_in_dim3A : vector<16xf32>
            %swap3A_179 = arith.index_cast %add3A_126 : i32 to index
            %swap3A_180 = arith.constant 112 : index
            %swap3A_181 = tpu.vector_load %arg19[%swap3A_179, %swap3A_180] {strides = array<i32>} : memref<80x128xf32, #tpu.memory_space<vmem>>, vector<16xf32>,
            tpu.vector_store %arg19[%swap3A_179, %swap3A_180], %mul3A_178 {strides = array<i32>} : memref<80x128xf32, #tpu.memory_space<vmem>>, vector<16xf32>,
            %slice3A_182 = vector.extract_strided_slice %get3A_122 {offsets = [1], sizes = [1], strides = [1]} : vector<16xf32> to vector<1xf32>
            %squeeze3A_183 = vector.extract %slice3A_182[0] : f32 from vector<1xf32>
            %broadcast_in_dim3A_184 = vector.broadcast %squeeze3A_183 : f32 to vector<16xf32>
            %mul3A_185 = arith.constant 16 : i32
            %mul3A_186 = arith.muli %scan3A_117, %mul3A_185 : i32
            %add3A_187 = arith.constant 1 : i32
            %add3A_188 = arith.addi %mul3A_186, %add3A_187 : i32
            %get3A_189 = arith.index_cast %add3A_188 : i32 to index
            %get3A_190 = arith.constant 0 : index
            %get3A_191 = tpu.vector_load %arg19[%get3A_189, %get3A_190] {strides = array<i32>} : memref<80x128xf32, #tpu.memory_space<vmem>>, vector<16xf32>,
            %mul3A_192 = arith.mulf %get3A_191, %broadcast_in_dim3A_184 : vector<16xf32>
            %swap3A_193 = arith.index_cast %add3A_188 : i32 to index
            %swap3A_194 = arith.constant 0 : index
            %swap3A_195 = tpu.vector_load %arg19[%swap3A_193, %swap3A_194] {strides = array<i32>} : memref<80x128xf32, #tpu.memory_space<vmem>>, vector<16xf32>,
            tpu.vector_store %arg19[%swap3A_193, %swap3A_194], %mul3A_192 {strides = array<i32>} : memref<80x128xf32, #tpu.memory_space<vmem>>, vector<16xf32>,
            %get3A_196 = arith.index_cast %add3A_188 : i32 to index
            %get3A_197 = arith.constant 16 : index
            %get3A_198 = tpu.vector_load %arg19[%get3A_196, %get3A_197] {strides = array<i32>} : memref<80x128xf32, #tpu.memory_space<vmem>>, vector<16xf32>,
            %mul3A_199 = arith.mulf %get3A_198, %broadcast_in_dim3A_184 : vector<16xf32>
            %swap3A_200 = arith.index_cast %add3A_188 : i32 to index
            %swap3A_201 = arith.constant 16 : index
            %swap3A_202 = tpu.vector_load %arg19[%swap3A_200, %swap3A_201] {strides = array<i32>} : memref<80x128xf32, #tpu.memory_space<vmem>>, vector<16xf32>,
            tpu.vector_store %arg19[%swap3A_200, %swap3A_201], %mul3A_199 {strides = array<i32>} : memref<80x128xf32, #tpu.memory_space<vmem>>, vector<16xf32>,
            %get3A_203 = arith.index_cast %add3A_188 : i32 to index
            %get3A_204 = arith.constant 32 : index
            %get3A_205 = tpu.vector_load %arg19[%get3A_203, %get3A_204] {strides = array<i32>} : memref<80x128xf32, #tpu.memory_space<vmem>>, vector<16xf32>,
            %mul3A_206 = arith.mulf %get3A_205, %broadcast_in_dim3A_184 : vector<16xf32>
            %swap3A_207 = arith.index_cast %add3A_188 : i32 to index
            %swap3A_208 = arith.constant 32 : index
            %swap3A_209 = tpu.vector_load %arg19[%swap3A_207, %swap3A_208] {strides = array<i32>} : memref<80x128xf32, #tpu.memory_space<vmem>>, vector<16xf32>,
            tpu.vector_store %arg19[%swap3A_207, %swap3A_208], %mul3A_206 {strides = array<i32>} : memref<80x128xf32, #tpu.memory_space<vmem>>, vector<16xf32>,
            %get3A_210 = arith.index_cast %add3A_188 : i32 to index
            %get3A_211 = arith.constant 48 : index
            %get3A_212 = tpu.vector_load %arg19[%get3A_210, %get3A_211] {strides = array<i32>} : memref<80x128xf32, #tpu.memory_space<vmem>>, vector<16xf32>,
            %mul3A_213 = arith.mulf %get3A_212, %broadcast_in_dim3A_184 : vector<16xf32>
            %swap3A_214 = arith.index_cast %add3A_188 : i32 to index
            %swap3A_215 = arith.constant 48 : index
            %swap3A_216 = tpu.vector_load %arg19[%swap3A_214, %swap3A_215] {strides = array<i32>} : memref<80x128xf32, #tpu.memory_space<vmem>>, vector<16xf32>,
            tpu.vector_store %arg19[%swap3A_214, %swap3A_215], %mul3A_213 {strides = array<i32>} : memref<80x128xf32, #tpu.memory_space<vmem>>, vector<16xf32>,
            %get3A_217 = arith.index_cast %add3A_188 : i32 to index
            %get3A_218 = arith.constant 64 : index
            %get3A_219 = tpu.vector_load %arg19[%get3A_217, %get3A_218] {strides = array<i32>} : memref<80x128xf32, #tpu.memory_space<vmem>>, vector<16xf32>,
            %mul3A_220 = arith.mulf %get3A_219, %broadcast_in_dim3A_184 : vector<16xf32>
            %swap3A_221 = arith.index_cast %add3A_188 : i32 to index
            %swap3A_222 = arith.constant 64 : index
            %swap3A_223 = tpu.vector_load %arg19[%swap3A_221, %swap3A_222] {strides = array<i32>} : memref<80x128xf32, #tpu.memory_space<vmem>>, vector<16xf32>,
            tpu.vector_store %arg19[%swap3A_221, %swap3A_222], %mul3A_220 {strides = array<i32>} : memref<80x128xf32, #tpu.memory_space<vmem>>, vector<16xf32>,
            %get3A_224 = arith.index_cast %add3A_188 : i32 to index
            %get3A_225 = arith.constant 80 : index
            %get3A_226 = tpu.vector_load %arg19[%get3A_224, %get3A_225] {strides = array<i32>} : memref<80x128xf32, #tpu.memory_space<vmem>>, vector<16xf32>,
            %mul3A_227 = arith.mulf %get3A_226, %broadcast_in_dim3A_184 : vector<16xf32>
            %swap3A_228 = arith.index_cast %add3A_188 : i32 to index
            %swap3A_229 = arith.constant 80 : index
            %swap3A_230 = tpu.vector_load %arg19[%swap3A_228, %swap3A_229] {strides = array<i32>} : memref<80x128xf32, #tpu.memory_space<vmem>>, vector<16xf32>,
            tpu.vector_store %arg19[%swap3A_228, %swap3A_229], %mul3A_227 {strides = array<i32>} : memref<80x128xf32, #tpu.memory_space<vmem>>, vector<16xf32>,
            %get3A_231 = arith.index_cast %add3A_188 : i32 to index
            %get3A_232 = arith.constant 96 : index
            %get3A_233 = tpu.vector_load %arg19[%get3A_231, %get3A_232] {strides = array<i32>} : memref<80x128xf32, #tpu.memory_space<vmem>>, vector<16xf32>,
            %mul3A_234 = arith.mulf %get3A_233, %broadcast_in_dim3A_184 : vector<16xf32>
            %swap3A_235 = arith.index_cast %add3A_188 : i32 to index
            %swap3A_236 = arith.constant 96 : index
            %swap3A_237 = tpu.vector_load %arg19[%swap3A_235, %swap3A_236] {strides = array<i32>} : memref<80x128xf32, #tpu.memory_space<vmem>>, vector<16xf32>,
            tpu.vector_store %arg19[%swap3A_235, %swap3A_236], %mul3A_234 {strides = array<i32>} : memref<80x128xf32, #tpu.memory_space<vmem>>, vector<16xf32>,
            %get3A_238 = arith.index_cast %add3A_188 : i32 to index
            %get3A_239 = arith.constant 112 : index
            %get3A_240 = tpu.vector_load %arg19[%get3A_238, %get3A_239] {strides = array<i32>} : memref<80x128xf32, #tpu.memory_space<vmem>>, vector<16xf32>,
            %mul3A_241 = arith.mulf %get3A_240, %broadcast_in_dim3A_184 : vector<16xf32>
            %swap3A_242 = arith.index_cast %add3A_188 : i32 to index
            %swap3A_243 = arith.constant 112 : index
            %swap3A_244 = tpu.vector_load %arg19[%swap3A_242, %swap3A_243] {strides = array<i32>} : memref<80x128xf32, #tpu.memory_space<vmem>>, vector<16xf32>,
            tpu.vector_store %arg19[%swap3A_242, %swap3A_243], %mul3A_241 {strides = array<i32>} : memref<80x128xf32, #tpu.memory_space<vmem>>, vector<16xf32>,
            %slice3A_245 = vector.extract_strided_slice %get3A_122 {offsets = [2], sizes = [1], strides = [1]} : vector<16xf32> to vector<1xf32>
            %squeeze3A_246 = vector.extract %slice3A_245[0] : f32 from vector<1xf32>
            %broadcast_in_dim3A_247 = vector.broadcast %squeeze3A_246 : f32 to vector<16xf32>
            %mul3A_248 = arith.constant 16 : i32
            %mul3A_249 = arith.muli %scan3A_117, %mul3A_248 : i32
            %add3A_250 = arith.constant 2 : i32
            %add3A_251 = arith.addi %mul3A_249, %add3A_250 : i32
            %get3A_252 = arith.index_cast %add3A_251 : i32 to index
            %get3A_253 = arith.constant 0 : index
            %get3A_254 = tpu.vector_load %arg19[%get3A_252, %get3A_253] {strides = array<i32>} : memref<80x128xf32, #tpu.memory_space<vmem>>, vector<16xf32>,
            %mul3A_255 = arith.mulf %get3A_254, %broadcast_in_dim3A_247 : vector<16xf32>
            %swap3A_256 = arith.index_cast %add3A_251 : i32 to index
            %swap3A_257 = arith.constant 0 : index
            %swap3A_258 = tpu.vector_load %arg19[%swap3A_256, %swap3A_257] {strides = array<i32>} : memref<80x128xf32, #tpu.memory_space<vmem>>, vector<16xf32>,
            tpu.vector_store %arg19[%swap3A_256, %swap3A_257], %mul3A_255 {strides = array<i32>} : memref<80x128xf32, #tpu.memory_space<vmem>>, vector<16xf32>,
            %get3A_259 = arith.index_cast %add3A_251 : i32 to index
            %get3A_260 = arith.constant 16 : index
            %get3A_261 = tpu.vector_load %arg19[%get3A_259, %get3A_260] {strides = array<i32>} : memref<80x128xf32, #tpu.memory_space<vmem>>, vector<16xf32>,
            %mul3A_262 = arith.mulf %get3A_261, %broadcast_in_dim3A_247 : vector<16xf32>
            %swap3A_263 = arith.index_cast %add3A_251 : i32 to index
            %swap3A_264 = arith.constant 16 : index
            %swap3A_265 = tpu.vector_load %arg19[%swap3A_263, %swap3A_264] {strides = array<i32>} : memref<80x128xf32, #tpu.memory_space<vmem>>, vector<16xf32>,
            tpu.vector_store %arg19[%swap3A_263, %swap3A_264], %mul3A_262 {strides = array<i32>} : memref<80x128xf32, #tpu.memory_space<vmem>>, vector<16xf32>,
            %get3A_266 = arith.index_cast %add3A_251 : i32 to index
            %get3A_267 = arith.constant 32 : index
            %get3A_268 = tpu.vector_load %arg19[%get3A_266, %get3A_267] {strides = array<i32>} : memref<80x128xf32, #tpu.memory_space<vmem>>, vector<16xf32>,
            %mul3A_269 = arith.mulf %get3A_268, %broadcast_in_dim3A_247 : vector<16xf32>
            %swap3A_270 = arith.index_cast %add3A_251 : i32 to index
            %swap3A_271 = arith.constant 32 : index
            %swap3A_272 = tpu.vector_load %arg19[%swap3A_270, %swap3A_271] {strides = array<i32>} : memref<80x128xf32, #tpu.memory_space<vmem>>, vector<16xf32>,
            tpu.vector_store %arg19[%swap3A_270, %swap3A_271], %mul3A_269 {strides = array<i32>} : memref<80x128xf32, #tpu.memory_space<vmem>>, vector<16xf32>,
            %get3A_273 = arith.index_cast %add3A_251 : i32 to index
            %get3A_274 = arith.constant 48 : index
            %get3A_275 = tpu.vector_load %arg19[%get3A_273, %get3A_274] {strides = array<i32>} : memref<80x128xf32, #tpu.memory_space<vmem>>, vector<16xf32>,
            %mul3A_276 = arith.mulf %get3A_275, %broadcast_in_dim3A_247 : vector<16xf32>
            %swap3A_277 = arith.index_cast %add3A_251 : i32 to index
            %swap3A_278 = arith.constant 48 : index
            %swap3A_279 = tpu.vector_load %arg19[%swap3A_277, %swap3A_278] {strides = array<i32>} : memref<80x128xf32, #tpu.memory_space<vmem>>, vector<16xf32>,
            tpu.vector_store %arg19[%swap3A_277, %swap3A_278], %mul3A_276 {strides = array<i32>} : memref<80x128xf32, #tpu.memory_space<vmem>>, vector<16xf32>,
            %get3A_280 = arith.index_cast %add3A_251 : i32 to index
            %get3A_281 = arith.constant 64 : index
            %get3A_282 = tpu.vector_load %arg19[%get3A_280, %get3A_281] {strides = array<i32>} : memref<80x128xf32, #tpu.memory_space<vmem>>, vector<16xf32>,
            %mul3A_283 = arith.mulf %get3A_282, %broadcast_in_dim3A_247 : vector<16xf32>
            %swap3A_284 = arith.index_cast %add3A_251 : i32 to index
            %swap3A_285 = arith.constant 64 : index
            %swap3A_286 = tpu.vector_load %arg19[%swap3A_284, %swap3A_285] {strides = array<i32>} : memref<80x128xf32, #tpu.memory_space<vmem>>, vector<16xf32>,
            tpu.vector_store %arg19[%swap3A_284, %swap3A_285], %mul3A_283 {strides = array<i32>} : memref<80x128xf32, #tpu.memory_space<vmem>>, vector<16xf32>,
            %get3A_287 = arith.index_cast %add3A_251 : i32 to index
            %get3A_288 = arith.constant 80 : index
            %get3A_289 = tpu.vector_load %arg19[%get3A_287, %get3A_288] {strides = array<i32>} : memref<80x128xf32, #tpu.memory_space<vmem>>, vector<16xf32>,
            %mul3A_290 = arith.mulf %get3A_289, %broadcast_in_dim3A_247 : vector<16xf32>
            %swap3A_291 = arith.index_cast %add3A_251 : i32 to index
            %swap3A_292 = arith.constant 80 : index
            %swap3A_293 = tpu.vector_load %arg19[%swap3A_291, %swap3A_292] {strides = array<i32>} : memref<80x128xf32, #tpu.memory_space<vmem>>, vector<16xf32>,
            tpu.vector_store %arg19[%swap3A_291, %swap3A_292], %mul3A_290 {strides = array<i32>} : memref<80x128xf32, #tpu.memory_space<vmem>>, vector<16xf32>,
            %get3A_294 = arith.index_cast %add3A_251 : i32 to index
            %get3A_295 = arith.constant 96 : index
            %get3A_296 = tpu.vector_load %arg19[%get3A_294, %get3A_295] {strides = array<i32>} : memref<80x128xf32, #tpu.memory_space<vmem>>, vector<16xf32>,
            %mul3A_297 = arith.mulf %get3A_296, %broadcast_in_dim3A_247 : vector<16xf32>
            %swap3A_298 = arith.index_cast %add3A_251 : i32 to index
            %swap3A_299 = arith.constant 96 : index
            %swap3A_300 = tpu.vector_load %arg19[%swap3A_298, %swap3A_299] {strides = array<i32>} : memref<80x128xf32, #tpu.memory_space<vmem>>, vector<16xf32>,
            tpu.vector_store %arg19[%swap3A_298, %swap3A_299], %mul3A_297 {strides = array<i32>} : memref<80x128xf32, #tpu.memory_space<vmem>>, vector<16xf32>,
            %get3A_301 = arith.index_cast %add3A_251 : i32 to index
            %get3A_302 = arith.constant 112 : index
            %get3A_303 = tpu.vector_load %arg19[%get3A_301, %get3A_302] {strides = array<i32>} : memref<80x128xf32, #tpu.memory_space<vmem>>, vector<16xf32>,
            %mul3A_304 = arith.mulf %get3A_303, %broadcast_in_dim3A_247 : vector<16xf32>
            %swap3A_305 = arith.index_cast %add3A_251 : i32 to index
            %swap3A_306 = arith.constant 112 : index
            %swap3A_307 = tpu.vector_load %arg19[%swap3A_305, %swap3A_306] {strides = array<i32>} : memref<80x128xf32, #tpu.memory_space<vmem>>, vector<16xf32>,
            tpu.vector_store %arg19[%swap3A_305, %swap3A_306], %mul3A_304 {strides = array<i32>} : memref<80x128xf32, #tpu.memory_space<vmem>>, vector<16xf32>,
            %slice3A_308 = vector.extract_strided_slice %get3A_122 {offsets = [3], sizes = [1], strides = [1]} : vector<16xf32> to vector<1xf32>
            %squeeze3A_309 = vector.extract %slice3A_308[0] : f32 from vector<1xf32>
            %broadcast_in_dim3A_310 = vector.broadcast %squeeze3A_309 : f32 to vector<16xf32>
            %mul3A_311 = arith.constant 16 : i32
            %mul3A_312 = arith.muli %scan3A_117, %mul3A_311 : i32
            %add3A_313 = arith.constant 3 : i32
            %add3A_314 = arith.addi %mul3A_312, %add3A_313 : i32
            %get3A_315 = arith.index_cast %add3A_314 : i32 to index
            %get3A_316 = arith.constant 0 : index
            %get3A_317 = tpu.vector_load %arg19[%get3A_315, %get3A_316] {strides = array<i32>} : memref<80x128xf32, #tpu.memory_space<vmem>>, vector<16xf32>,
            %mul3A_318 = arith.mulf %get3A_317, %broadcast_in_dim3A_310 : vector<16xf32>
            %swap3A_319 = arith.index_cast %add3A_314 : i32 to index
            %swap3A_320 = arith.constant 0 : index
            %swap3A_321 = tpu.vector_load %arg19[%swap3A_319, %swap3A_320] {strides = array<i32>} : memref<80x128xf32, #tpu.memory_space<vmem>>, vector<16xf32>,
            tpu.vector_store %arg19[%swap3A_319, %swap3A_320], %mul3A_318 {strides = array<i32>} : memref<80x128xf32, #tpu.memory_space<vmem>>, vector<16xf32>,
            %get3A_322 = arith.index_cast %add3A_314 : i32 to index
            %get3A_323 = arith.constant 16 : index
            %get3A_324 = tpu.vector_load %arg19[%get3A_322, %get3A_323] {strides = array<i32>} : memref<80x128xf32, #tpu.memory_space<vmem>>, vector<16xf32>,
            %mul3A_325 = arith.mulf %get3A_324, %broadcast_in_dim3A_310 : vector<16xf32>
            %swap3A_326 = arith.index_cast %add3A_314 : i32 to index
            %swap3A_327 = arith.constant 16 : index
            %swap3A_328 = tpu.vector_load %arg19[%swap3A_326, %swap3A_327] {strides = array<i32>} : memref<80x128xf32, #tpu.memory_space<vmem>>, vector<16xf32>,
            tpu.vector_store %arg19[%swap3A_326, %swap3A_327], %mul3A_325 {strides = array<i32>} : memref<80x128xf32, #tpu.memory_space<vmem>>, vector<16xf32>,
            %get3A_329 = arith.index_cast %add3A_314 : i32 to index
            %get3A_330 = arith.constant 32 : index
            %get3A_331 = tpu.vector_load %arg19[%get3A_329, %get3A_330] {strides = array<i32>} : memref<80x128xf32, #tpu.memory_space<vmem>>, vector<16xf32>,
            %mul3A_332 = arith.mulf %get3A_331, %broadcast_in_dim3A_310 : vector<16xf32>
            %swap3A_333 = arith.index_cast %add3A_314 : i32 to index
            %swap3A_334 = arith.constant 32 : index
            %swap3A_335 = tpu.vector_load %arg19[%swap3A_333, %swap3A_334] {strides = array<i32>} : memref<80x128xf32, #tpu.memory_space<vmem>>, vector<16xf32>,
            tpu.vector_store %arg19[%swap3A_333, %swap3A_334], %mul3A_332 {strides = array<i32>} : memref<80x128xf32, #tpu.memory_space<vmem>>, vector<16xf32>,
            %get3A_336 = arith.index_cast %add3A_314 : i32 to index
            %get3A_337 = arith.constant 48 : index
            %get3A_338 = tpu.vector_load %arg19[%get3A_336, %get3A_337] {strides = array<i32>} : memref<80x128xf32, #tpu.memory_space<vmem>>, vector<16xf32>,
            %mul3A_339 = arith.mulf %get3A_338, %broadcast_in_dim3A_310 : vector<16xf32>
            %swap3A_340 = arith.index_cast %add3A_314 : i32 to index
            %swap3A_341 = arith.constant 48 : index
            %swap3A_342 = tpu.vector_load %arg19[%swap3A_340, %swap3A_341] {strides = array<i32>} : memref<80x128xf32, #tpu.memory_space<vmem>>, vector<16xf32>,
            tpu.vector_store %arg19[%swap3A_340, %swap3A_341], %mul3A_339 {strides = array<i32>} : memref<80x128xf32, #tpu.memory_space<vmem>>, vector<16xf32>,
            %get3A_343 = arith.index_cast %add3A_314 : i32 to index
            %get3A_344 = arith.constant 64 : index
            %get3A_345 = tpu.vector_load %arg19[%get3A_343, %get3A_344] {strides = array<i32>} : memref<80x128xf32, #tpu.memory_space<vmem>>, vector<16xf32>,
            %mul3A_346 = arith.mulf %get3A_345, %broadcast_in_dim3A_310 : vector<16xf32>
            %swap3A_347 = arith.index_cast %add3A_314 : i32 to index
            %swap3A_348 = arith.constant 64 : index
            %swap3A_349 = tpu.vector_load %arg19[%swap3A_347, %swap3A_348] {strides = array<i32>} : memref<80x128xf32, #tpu.memory_space<vmem>>, vector<16xf32>,
            tpu.vector_store %arg19[%swap3A_347, %swap3A_348], %mul3A_346 {strides = array<i32>} : memref<80x128xf32, #tpu.memory_space<vmem>>, vector<16xf32>,
            %get3A_350 = arith.index_cast %add3A_314 : i32 to index
            %get3A_351 = arith.constant 80 : index
            %get3A_352 = tpu.vector_load %arg19[%get3A_350, %get3A_351] {strides = array<i32>} : memref<80x128xf32, #tpu.memory_space<vmem>>, vector<16xf32>,
            %mul3A_353 = arith.mulf %get3A_352, %broadcast_in_dim3A_310 : vector<16xf32>
            %swap3A_354 = arith.index_cast %add3A_314 : i32 to index
            %swap3A_355 = arith.constant 80 : index
            %swap3A_356 = tpu.vector_load %arg19[%swap3A_354, %swap3A_355] {strides = array<i32>} : memref<80x128xf32, #tpu.memory_space<vmem>>, vector<16xf32>,
            tpu.vector_store %arg19[%swap3A_354, %swap3A_355], %mul3A_353 {strides = array<i32>} : memref<80x128xf32, #tpu.memory_space<vmem>>, vector<16xf32>,
            %get3A_357 = arith.index_cast %add3A_314 : i32 to index
            %get3A_358 = arith.constant 96 : index
            %get3A_359 = tpu.vector_load %arg19[%get3A_357, %get3A_358] {strides = array<i32>} : memref<80x128xf32, #tpu.memory_space<vmem>>, vector<16xf32>,
            %mul3A_360 = arith.mulf %get3A_359, %broadcast_in_dim3A_310 : vector<16xf32>
            %swap3A_361 = arith.index_cast %add3A_314 : i32 to index
            %swap3A_362 = arith.constant 96 : index
            %swap3A_363 = tpu.vector_load %arg19[%swap3A_361, %swap3A_362] {strides = array<i32>} : memref<80x128xf32, #tpu.memory_space<vmem>>, vector<16xf32>,
            tpu.vector_store %arg19[%swap3A_361, %swap3A_362], %mul3A_360 {strides = array<i32>} : memref<80x128xf32, #tpu.memory_space<vmem>>, vector<16xf32>,
            %get3A_364 = arith.index_cast %add3A_314 : i32 to index
            %get3A_365 = arith.constant 112 : index
            %get3A_366 = tpu.vector_load %arg19[%get3A_364, %get3A_365] {strides = array<i32>} : memref<80x128xf32, #tpu.memory_space<vmem>>, vector<16xf32>,
            %mul3A_367 = arith.mulf %get3A_366, %broadcast_in_dim3A_310 : vector<16xf32>
            %swap3A_368 = arith.index_cast %add3A_314 : i32 to index
            %swap3A_369 = arith.constant 112 : index
            %swap3A_370 = tpu.vector_load %arg19[%swap3A_368, %swap3A_369] {strides = array<i32>} : memref<80x128xf32, #tpu.memory_space<vmem>>, vector<16xf32>,
            tpu.vector_store %arg19[%swap3A_368, %swap3A_369], %mul3A_367 {strides = array<i32>} : memref<80x128xf32, #tpu.memory_space<vmem>>, vector<16xf32>,
            %slice3A_371 = vector.extract_strided_slice %get3A_122 {offsets = [4], sizes = [1], strides = [1]} : vector<16xf32> to vector<1xf32>
            %squeeze3A_372 = vector.extract %slice3A_371[0] : f32 from vector<1xf32>
            %broadcast_in_dim3A_373 = vector.broadcast %squeeze3A_372 : f32 to vector<16xf32>
            %mul3A_374 = arith.constant 16 : i32
            %mul3A_375 = arith.muli %scan3A_117, %mul3A_374 : i32
            %add3A_376 = arith.constant 4 : i32
            %add3A_377 = arith.addi %mul3A_375, %add3A_376 : i32
            %get3A_378 = arith.index_cast %add3A_377 : i32 to index
            %get3A_379 = arith.constant 0 : index
            %get3A_380 = tpu.vector_load %arg19[%get3A_378, %get3A_379] {strides = array<i32>} : memref<80x128xf32, #tpu.memory_space<vmem>>, vector<16xf32>,
            %mul3A_381 = arith.mulf %get3A_380, %broadcast_in_dim3A_373 : vector<16xf32>
            %swap3A_382 = arith.index_cast %add3A_377 : i32 to index
            %swap3A_383 = arith.constant 0 : index
            %swap3A_384 = tpu.vector_load %arg19[%swap3A_382, %swap3A_383] {strides = array<i32>} : memref<80x128xf32, #tpu.memory_space<vmem>>, vector<16xf32>,
            tpu.vector_store %arg19[%swap3A_382, %swap3A_383], %mul3A_381 {strides = array<i32>} : memref<80x128xf32, #tpu.memory_space<vmem>>, vector<16xf32>,
            %get3A_385 = arith.index_cast %add3A_377 : i32 to index
            %get3A_386 = arith.constant 16 : index
            %get3A_387 = tpu.vector_load %arg19[%get3A_385, %get3A_386] {strides = array<i32>} : memref<80x128xf32, #tpu.memory_space<vmem>>, vector<16xf32>,
            %mul3A_388 = arith.mulf %get3A_387, %broadcast_in_dim3A_373 : vector<16xf32>
            %swap3A_389 = arith.index_cast %add3A_377 : i32 to index
            %swap3A_390 = arith.constant 16 : index
            %swap3A_391 = tpu.vector_load %arg19[%swap3A_389, %swap3A_390] {strides = array<i32>} : memref<80x128xf32, #tpu.memory_space<vmem>>, vector<16xf32>,
            tpu.vector_store %arg19[%swap3A_389, %swap3A_390], %mul3A_388 {strides = array<i32>} : memref<80x128xf32, #tpu.memory_space<vmem>>, vector<16xf32>,
            %get3A_392 = arith.index_cast %add3A_377 : i32 to index
            %get3A_393 = arith.constant 32 : index
            %get3A_394 = tpu.vector_load %arg19[%get3A_392, %get3A_393] {strides = array<i32>} : memref<80x128xf32, #tpu.memory_space<vmem>>, vector<16xf32>,
            %mul3A_395 = arith.mulf %get3A_394, %broadcast_in_dim3A_373 : vector<16xf32>
            %swap3A_396 = arith.index_cast %add3A_377 : i32 to index
            %swap3A_397 = arith.constant 32 : index
            %swap3A_398 = tpu.vector_load %arg19[%swap3A_396, %swap3A_397] {strides = array<i32>} : memref<80x128xf32, #tpu.memory_space<vmem>>, vector<16xf32>,
            tpu.vector_store %arg19[%swap3A_396, %swap3A_397], %mul3A_395 {strides = array<i32>} : memref<80x128xf32, #tpu.memory_space<vmem>>, vector<16xf32>,
            %get3A_399 = arith.index_cast %add3A_377 : i32 to index
            %get3A_400 = arith.constant 48 : index
            %get3A_401 = tpu.vector_load %arg19[%get3A_399, %get3A_400] {strides = array<i32>} : memref<80x128xf32, #tpu.memory_space<vmem>>, vector<16xf32>,
            %mul3A_402 = arith.mulf %get3A_401, %broadcast_in_dim3A_373 : vector<16xf32>
            %swap3A_403 = arith.index_cast %add3A_377 : i32 to index
            %swap3A_404 = arith.constant 48 : index
            %swap3A_405 = tpu.vector_load %arg19[%swap3A_403, %swap3A_404] {strides = array<i32>} : memref<80x128xf32, #tpu.memory_space<vmem>>, vector<16xf32>,
            tpu.vector_store %arg19[%swap3A_403, %swap3A_404], %mul3A_402 {strides = array<i32>} : memref<80x128xf32, #tpu.memory_space<vmem>>, vector<16xf32>,
            %get3A_406 = arith.index_cast %add3A_377 : i32 to index
            %get3A_407 = arith.constant 64 : index
            %get3A_408 = tpu.vector_load %arg19[%get3A_406, %get3A_407] {strides = array<i32>} : memref<80x128xf32, #tpu.memory_space<vmem>>, vector<16xf32>,
            %mul3A_409 = arith.mulf %get3A_408, %broadcast_in_dim3A_373 : vector<16xf32>
            %swap3A_410 = arith.index_cast %add3A_377 : i32 to index
            %swap3A_411 = arith.constant 64 : index
            %swap3A_412 = tpu.vector_load %arg19[%swap3A_410, %swap3A_411] {strides = array<i32>} : memref<80x128xf32, #tpu.memory_space<vmem>>, vector<16xf32>,
            tpu.vector_store %arg19[%swap3A_410, %swap3A_411], %mul3A_409 {strides = array<i32>} : memref<80x128xf32, #tpu.memory_space<vmem>>, vector<16xf32>,
            %get3A_413 = arith.index_cast %add3A_377 : i32 to index
            %get3A_414 = arith.constant 80 : index
            %get3A_415 = tpu.vector_load %arg19[%get3A_413, %get3A_414] {strides = array<i32>} : memref<80x128xf32, #tpu.memory_space<vmem>>, vector<16xf32>,
            %mul3A_416 = arith.mulf %get3A_415, %broadcast_in_dim3A_373 : vector<16xf32>
            %swap3A_417 = arith.index_cast %add3A_377 : i32 to index
            %swap3A_418 = arith.constant 80 : index
            %swap3A_419 = tpu.vector_load %arg19[%swap3A_417, %swap3A_418] {strides = array<i32>} : memref<80x128xf32, #tpu.memory_space<vmem>>, vector<16xf32>,
            tpu.vector_store %arg19[%swap3A_417, %swap3A_418], %mul3A_416 {strides = array<i32>} : memref<80x128xf32, #tpu.memory_space<vmem>>, vector<16xf32>,
            %get3A_420 = arith.index_cast %add3A_377 : i32 to index
            %get3A_421 = arith.constant 96 : index
            %get3A_422 = tpu.vector_load %arg19[%get3A_420, %get3A_421] {strides = array<i32>} : memref<80x128xf32, #tpu.memory_space<vmem>>, vector<16xf32>,
            %mul3A_423 = arith.mulf %get3A_422, %broadcast_in_dim3A_373 : vector<16xf32>
            %swap3A_424 = arith.index_cast %add3A_377 : i32 to index
            %swap3A_425 = arith.constant 96 : index
            %swap3A_426 = tpu.vector_load %arg19[%swap3A_424, %swap3A_425] {strides = array<i32>} : memref<80x128xf32, #tpu.memory_space<vmem>>, vector<16xf32>,
            tpu.vector_store %arg19[%swap3A_424, %swap3A_425], %mul3A_423 {strides = array<i32>} : memref<80x128xf32, #tpu.memory_space<vmem>>, vector<16xf32>,
            %get3A_427 = arith.index_cast %add3A_377 : i32 to index
            %get3A_428 = arith.constant 112 : index
            %get3A_429 = tpu.vector_load %arg19[%get3A_427, %get3A_428] {strides = array<i32>} : memref<80x128xf32, #tpu.memory_space<vmem>>, vector<16xf32>,
            %mul3A_430 = arith.mulf %get3A_429, %broadcast_in_dim3A_373 : vector<16xf32>
            %swap3A_431 = arith.index_cast %add3A_377 : i32 to index
            %swap3A_432 = arith.constant 112 : index
            %swap3A_433 = tpu.vector_load %arg19[%swap3A_431, %swap3A_432] {strides = array<i32>} : memref<80x128xf32, #tpu.memory_space<vmem>>, vector<16xf32>,
            tpu.vector_store %arg19[%swap3A_431, %swap3A_432], %mul3A_430 {strides = array<i32>} : memref<80x128xf32, #tpu.memory_space<vmem>>, vector<16xf32>,
            %slice3A_434 = vector.extract_strided_slice %get3A_122 {offsets = [5], sizes = [1], strides = [1]} : vector<16xf32> to vector<1xf32>
            %squeeze3A_435 = vector.extract %slice3A_434[0] : f32 from vector<1xf32>
            %broadcast_in_dim3A_436 = vector.broadcast %squeeze3A_435 : f32 to vector<16xf32>
            %mul3A_437 = arith.constant 16 : i32
            %mul3A_438 = arith.muli %scan3A_117, %mul3A_437 : i32
            %add3A_439 = arith.constant 5 : i32
            %add3A_440 = arith.addi %mul3A_438, %add3A_439 : i32
            %get3A_441 = arith.index_cast %add3A_440 : i32 to index
            %get3A_442 = arith.constant 0 : index
            %get3A_443 = tpu.vector_load %arg19[%get3A_441, %get3A_442] {strides = array<i32>} : memref<80x128xf32, #tpu.memory_space<vmem>>, vector<16xf32>,
            %mul3A_444 = arith.mulf %get3A_443, %broadcast_in_dim3A_436 : vector<16xf32>
            %swap3A_445 = arith.index_cast %add3A_440 : i32 to index
            %swap3A_446 = arith.constant 0 : index
            %swap3A_447 = tpu.vector_load %arg19[%swap3A_445, %swap3A_446] {strides = array<i32>} : memref<80x128xf32, #tpu.memory_space<vmem>>, vector<16xf32>,
            tpu.vector_store %arg19[%swap3A_445, %swap3A_446], %mul3A_444 {strides = array<i32>} : memref<80x128xf32, #tpu.memory_space<vmem>>, vector<16xf32>,
            %get3A_448 = arith.index_cast %add3A_440 : i32 to index
            %get3A_449 = arith.constant 16 : index
            %get3A_450 = tpu.vector_load %arg19[%get3A_448, %get3A_449] {strides = array<i32>} : memref<80x128xf32, #tpu.memory_space<vmem>>, vector<16xf32>,
            %mul3A_451 = arith.mulf %get3A_450, %broadcast_in_dim3A_436 : vector<16xf32>
            %swap3A_452 = arith.index_cast %add3A_440 : i32 to index
            %swap3A_453 = arith.constant 16 : index
            %swap3A_454 = tpu.vector_load %arg19[%swap3A_452, %swap3A_453] {strides = array<i32>} : memref<80x128xf32, #tpu.memory_space<vmem>>, vector<16xf32>,
            tpu.vector_store %arg19[%swap3A_452, %swap3A_453], %mul3A_451 {strides = array<i32>} : memref<80x128xf32, #tpu.memory_space<vmem>>, vector<16xf32>,
            %get3A_455 = arith.index_cast %add3A_440 : i32 to index
            %get3A_456 = arith.constant 32 : index
            %get3A_457 = tpu.vector_load %arg19[%get3A_455, %get3A_456] {strides = array<i32>} : memref<80x128xf32, #tpu.memory_space<vmem>>, vector<16xf32>,
            %mul3A_458 = arith.mulf %get3A_457, %broadcast_in_dim3A_436 : vector<16xf32>
            %swap3A_459 = arith.index_cast %add3A_440 : i32 to index
            %swap3A_460 = arith.constant 32 : index
            %swap3A_461 = tpu.vector_load %arg19[%swap3A_459, %swap3A_460] {strides = array<i32>} : memref<80x128xf32, #tpu.memory_space<vmem>>, vector<16xf32>,
            tpu.vector_store %arg19[%swap3A_459, %swap3A_460], %mul3A_458 {strides = array<i32>} : memref<80x128xf32, #tpu.memory_space<vmem>>, vector<16xf32>,
            %get3A_462 = arith.index_cast %add3A_440 : i32 to index
            %get3A_463 = arith.constant 48 : index
            %get3A_464 = tpu.vector_load %arg19[%get3A_462, %get3A_463] {strides = array<i32>} : memref<80x128xf32, #tpu.memory_space<vmem>>, vector<16xf32>,
            %mul3A_465 = arith.mulf %get3A_464, %broadcast_in_dim3A_436 : vector<16xf32>
            %swap3A_466 = arith.index_cast %add3A_440 : i32 to index
            %swap3A_467 = arith.constant 48 : index
            %swap3A_468 = tpu.vector_load %arg19[%swap3A_466, %swap3A_467] {strides = array<i32>} : memref<80x128xf32, #tpu.memory_space<vmem>>, vector<16xf32>,
            tpu.vector_store %arg19[%swap3A_466, %swap3A_467], %mul3A_465 {strides = array<i32>} : memref<80x128xf32, #tpu.memory_space<vmem>>, vector<16xf32>,
            %get3A_469 = arith.index_cast %add3A_440 : i32 to index
            %get3A_470 = arith.constant 64 : index
            %get3A_471 = tpu.vector_load %arg19[%get3A_469, %get3A_470] {strides = array<i32>} : memref<80x128xf32, #tpu.memory_space<vmem>>, vector<16xf32>,
            %mul3A_472 = arith.mulf %get3A_471, %broadcast_in_dim3A_436 : vector<16xf32>
            %swap3A_473 = arith.index_cast %add3A_440 : i32 to index
            %swap3A_474 = arith.constant 64 : index
            %swap3A_475 = tpu.vector_load %arg19[%swap3A_473, %swap3A_474] {strides = array<i32>} : memref<80x128xf32, #tpu.memory_space<vmem>>, vector<16xf32>,
            tpu.vector_store %arg19[%swap3A_473, %swap3A_474], %mul3A_472 {strides = array<i32>} : memref<80x128xf32, #tpu.memory_space<vmem>>, vector<16xf32>,
            %get3A_476 = arith.index_cast %add3A_440 : i32 to index
            %get3A_477 = arith.constant 80 : index
            %get3A_478 = tpu.vector_load %arg19[%get3A_476, %get3A_477] {strides = array<i32>} : memref<80x128xf32, #tpu.memory_space<vmem>>, vector<16xf32>,
            %mul3A_479 = arith.mulf %get3A_478, %broadcast_in_dim3A_436 : vector<16xf32>
            %swap3A_480 = arith.index_cast %add3A_440 : i32 to index
            %swap3A_481 = arith.constant 80 : index
            %swap3A_482 = tpu.vector_load %arg19[%swap3A_480, %swap3A_481] {strides = array<i32>} : memref<80x128xf32, #tpu.memory_space<vmem>>, vector<16xf32>,
            tpu.vector_store %arg19[%swap3A_480, %swap3A_481], %mul3A_479 {strides = array<i32>} : memref<80x128xf32, #tpu.memory_space<vmem>>, vector<16xf32>,
            %get3A_483 = arith.index_cast %add3A_440 : i32 to index
            %get3A_484 = arith.constant 96 : index
            %get3A_485 = tpu.vector_load %arg19[%get3A_483, %get3A_484] {strides = array<i32>} : memref<80x128xf32, #tpu.memory_space<vmem>>, vector<16xf32>,
            %mul3A_486 = arith.mulf %get3A_485, %broadcast_in_dim3A_436 : vector<16xf32>
            %swap3A_487 = arith.index_cast %add3A_440 : i32 to index
            %swap3A_488 = arith.constant 96 : index
            %swap3A_489 = tpu.vector_load %arg19[%swap3A_487, %swap3A_488] {strides = array<i32>} : memref<80x128xf32, #tpu.memory_space<vmem>>, vector<16xf32>,
            tpu.vector_store %arg19[%swap3A_487, %swap3A_488], %mul3A_486 {strides = array<i32>} : memref<80x128xf32, #tpu.memory_space<vmem>>, vector<16xf32>,
            %get3A_490 = arith.index_cast %add3A_440 : i32 to index
            %get3A_491 = arith.constant 112 : index
            %get3A_492 = tpu.vector_load %arg19[%get3A_490, %get3A_491] {strides = array<i32>} : memref<80x128xf32, #tpu.memory_space<vmem>>, vector<16xf32>,
            %mul3A_493 = arith.mulf %get3A_492, %broadcast_in_dim3A_436 : vector<16xf32>
            %swap3A_494 = arith.index_cast %add3A_440 : i32 to index
            %swap3A_495 = arith.constant 112 : index
            %swap3A_496 = tpu.vector_load %arg19[%swap3A_494, %swap3A_495] {strides = array<i32>} : memref<80x128xf32, #tpu.memory_space<vmem>>, vector<16xf32>,
            tpu.vector_store %arg19[%swap3A_494, %swap3A_495], %mul3A_493 {strides = array<i32>} : memref<80x128xf32, #tpu.memory_space<vmem>>, vector<16xf32>,
            %slice3A_497 = vector.extract_strided_slice %get3A_122 {offsets = [6], sizes = [1], strides = [1]} : vector<16xf32> to vector<1xf32>
            %squeeze3A_498 = vector.extract %slice3A_497[0] : f32 from vector<1xf32>
            %broadcast_in_dim3A_499 = vector.broadcast %squeeze3A_498 : f32 to vector<16xf32>
            %mul3A_500 = arith.constant 16 : i32
            %mul3A_501 = arith.muli %scan3A_117, %mul3A_500 : i32
            %add3A_502 = arith.constant 6 : i32
            %add3A_503 = arith.addi %mul3A_501, %add3A_502 : i32
            %get3A_504 = arith.index_cast %add3A_503 : i32 to index
            %get3A_505 = arith.constant 0 : index
            %get3A_506 = tpu.vector_load %arg19[%get3A_504, %get3A_505] {strides = array<i32>} : memref<80x128xf32, #tpu.memory_space<vmem>>, vector<16xf32>,
            %mul3A_507 = arith.mulf %get3A_506, %broadcast_in_dim3A_499 : vector<16xf32>
            %swap3A_508 = arith.index_cast %add3A_503 : i32 to index
            %swap3A_509 = arith.constant 0 : index
            %swap3A_510 = tpu.vector_load %arg19[%swap3A_508, %swap3A_509] {strides = array<i32>} : memref<80x128xf32, #tpu.memory_space<vmem>>, vector<16xf32>,
            tpu.vector_store %arg19[%swap3A_508, %swap3A_509], %mul3A_507 {strides = array<i32>} : memref<80x128xf32, #tpu.memory_space<vmem>>, vector<16xf32>,
            %get3A_511 = arith.index_cast %add3A_503 : i32 to index
            %get3A_512 = arith.constant 16 : index
            %get3A_513 = tpu.vector_load %arg19[%get3A_511, %get3A_512] {strides = array<i32>} : memref<80x128xf32, #tpu.memory_space<vmem>>, vector<16xf32>,
            %mul3A_514 = arith.mulf %get3A_513, %broadcast_in_dim3A_499 : vector<16xf32>
            %swap3A_515 = arith.index_cast %add3A_503 : i32 to index
            %swap3A_516 = arith.constant 16 : index
            %swap3A_517 = tpu.vector_load %arg19[%swap3A_515, %swap3A_516] {strides = array<i32>} : memref<80x128xf32, #tpu.memory_space<vmem>>, vector<16xf32>,
            tpu.vector_store %arg19[%swap3A_515, %swap3A_516], %mul3A_514 {strides = array<i32>} : memref<80x128xf32, #tpu.memory_space<vmem>>, vector<16xf32>,
            %get3A_518 = arith.index_cast %add3A_503 : i32 to index
            %get3A_519 = arith.constant 32 : index
            %get3A_520 = tpu.vector_load %arg19[%get3A_518, %get3A_519] {strides = array<i32>} : memref<80x128xf32, #tpu.memory_space<vmem>>, vector<16xf32>,
            %mul3A_521 = arith.mulf %get3A_520, %broadcast_in_dim3A_499 : vector<16xf32>
            %swap3A_522 = arith.index_cast %add3A_503 : i32 to index
            %swap3A_523 = arith.constant 32 : index
            %swap3A_524 = tpu.vector_load %arg19[%swap3A_522, %swap3A_523] {strides = array<i32>} : memref<80x128xf32, #tpu.memory_space<vmem>>, vector<16xf32>,
            tpu.vector_store %arg19[%swap3A_522, %swap3A_523], %mul3A_521 {strides = array<i32>} : memref<80x128xf32, #tpu.memory_space<vmem>>, vector<16xf32>,
            %get3A_525 = arith.index_cast %add3A_503 : i32 to index
            %get3A_526 = arith.constant 48 : index
            %get3A_527 = tpu.vector_load %arg19[%get3A_525, %get3A_526] {strides = array<i32>} : memref<80x128xf32, #tpu.memory_space<vmem>>, vector<16xf32>,
            %mul3A_528 = arith.mulf %get3A_527, %broadcast_in_dim3A_499 : vector<16xf32>
            %swap3A_529 = arith.index_cast %add3A_503 : i32 to index
            %swap3A_530 = arith.constant 48 : index
            %swap3A_531 = tpu.vector_load %arg19[%swap3A_529, %swap3A_530] {strides = array<i32>} : memref<80x128xf32, #tpu.memory_space<vmem>>, vector<16xf32>,
            tpu.vector_store %arg19[%swap3A_529, %swap3A_530], %mul3A_528 {strides = array<i32>} : memref<80x128xf32, #tpu.memory_space<vmem>>, vector<16xf32>,
            %get3A_532 = arith.index_cast %add3A_503 : i32 to index
            %get3A_533 = arith.constant 64 : index
            %get3A_534 = tpu.vector_load %arg19[%get3A_532, %get3A_533] {strides = array<i32>} : memref<80x128xf32, #tpu.memory_space<vmem>>, vector<16xf32>,
            %mul3A_535 = arith.mulf %get3A_534, %broadcast_in_dim3A_499 : vector<16xf32>
            %swap3A_536 = arith.index_cast %add3A_503 : i32 to index
            %swap3A_537 = arith.constant 64 : index
            %swap3A_538 = tpu.vector_load %arg19[%swap3A_536, %swap3A_537] {strides = array<i32>} : memref<80x128xf32, #tpu.memory_space<vmem>>, vector<16xf32>,
            tpu.vector_store %arg19[%swap3A_536, %swap3A_537], %mul3A_535 {strides = array<i32>} : memref<80x128xf32, #tpu.memory_space<vmem>>, vector<16xf32>,
            %get3A_539 = arith.index_cast %add3A_503 : i32 to index
            %get3A_540 = arith.constant 80 : index
            %get3A_541 = tpu.vector_load %arg19[%get3A_539, %get3A_540] {strides = array<i32>} : memref<80x128xf32, #tpu.memory_space<vmem>>, vector<16xf32>,
            %mul3A_542 = arith.mulf %get3A_541, %broadcast_in_dim3A_499 : vector<16xf32>
            %swap3A_543 = arith.index_cast %add3A_503 : i32 to index
            %swap3A_544 = arith.constant 80 : index
            %swap3A_545 = tpu.vector_load %arg19[%swap3A_543, %swap3A_544] {strides = array<i32>} : memref<80x128xf32, #tpu.memory_space<vmem>>, vector<16xf32>,
            tpu.vector_store %arg19[%swap3A_543, %swap3A_544], %mul3A_542 {strides = array<i32>} : memref<80x128xf32, #tpu.memory_space<vmem>>, vector<16xf32>,
            %get3A_546 = arith.index_cast %add3A_503 : i32 to index
            %get3A_547 = arith.constant 96 : index
            %get3A_548 = tpu.vector_load %arg19[%get3A_546, %get3A_547] {strides = array<i32>} : memref<80x128xf32, #tpu.memory_space<vmem>>, vector<16xf32>,
            %mul3A_549 = arith.mulf %get3A_548, %broadcast_in_dim3A_499 : vector<16xf32>
            %swap3A_550 = arith.index_cast %add3A_503 : i32 to index
            %swap3A_551 = arith.constant 96 : index
            %swap3A_552 = tpu.vector_load %arg19[%swap3A_550, %swap3A_551] {strides = array<i32>} : memref<80x128xf32, #tpu.memory_space<vmem>>, vector<16xf32>,
            tpu.vector_store %arg19[%swap3A_550, %swap3A_551], %mul3A_549 {strides = array<i32>} : memref<80x128xf32, #tpu.memory_space<vmem>>, vector<16xf32>,
            %get3A_553 = arith.index_cast %add3A_503 : i32 to index
            %get3A_554 = arith.constant 112 : index
            %get3A_555 = tpu.vector_load %arg19[%get3A_553, %get3A_554] {strides = array<i32>} : memref<80x128xf32, #tpu.memory_space<vmem>>, vector<16xf32>,
            %mul3A_556 = arith.mulf %get3A_555, %broadcast_in_dim3A_499 : vector<16xf32>
            %swap3A_557 = arith.index_cast %add3A_503 : i32 to index
            %swap3A_558 = arith.constant 112 : index
            %swap3A_559 = tpu.vector_load %arg19[%swap3A_557, %swap3A_558] {strides = array<i32>} : memref<80x128xf32, #tpu.memory_space<vmem>>, vector<16xf32>,
            tpu.vector_store %arg19[%swap3A_557, %swap3A_558], %mul3A_556 {strides = array<i32>} : memref<80x128xf32, #tpu.memory_space<vmem>>, vector<16xf32>,
            %slice3A_560 = vector.extract_strided_slice %get3A_122 {offsets = [7], sizes = [1], strides = [1]} : vector<16xf32> to vector<1xf32>
            %squeeze3A_561 = vector.extract %slice3A_560[0] : f32 from vector<1xf32>
            %broadcast_in_dim3A_562 = vector.broadcast %squeeze3A_561 : f32 to vector<16xf32>
            %mul3A_563 = arith.constant 16 : i32
            %mul3A_564 = arith.muli %scan3A_117, %mul3A_563 : i32
            %add3A_565 = arith.constant 7 : i32
            %add3A_566 = arith.addi %mul3A_564, %add3A_565 : i32
            %get3A_567 = arith.index_cast %add3A_566 : i32 to index
            %get3A_568 = arith.constant 0 : index
            %get3A_569 = tpu.vector_load %arg19[%get3A_567, %get3A_568] {strides = array<i32>} : memref<80x128xf32, #tpu.memory_space<vmem>>, vector<16xf32>,
            %mul3A_570 = arith.mulf %get3A_569, %broadcast_in_dim3A_562 : vector<16xf32>
            %swap3A_571 = arith.index_cast %add3A_566 : i32 to index
            %swap3A_572 = arith.constant 0 : index
            %swap3A_573 = tpu.vector_load %arg19[%swap3A_571, %swap3A_572] {strides = array<i32>} : memref<80x128xf32, #tpu.memory_space<vmem>>, vector<16xf32>,
            tpu.vector_store %arg19[%swap3A_571, %swap3A_572], %mul3A_570 {strides = array<i32>} : memref<80x128xf32, #tpu.memory_space<vmem>>, vector<16xf32>,
            %get3A_574 = arith.index_cast %add3A_566 : i32 to index
            %get3A_575 = arith.constant 16 : index
            %get3A_576 = tpu.vector_load %arg19[%get3A_574, %get3A_575] {strides = array<i32>} : memref<80x128xf32, #tpu.memory_space<vmem>>, vector<16xf32>,
            %mul3A_577 = arith.mulf %get3A_576, %broadcast_in_dim3A_562 : vector<16xf32>
            %swap3A_578 = arith.index_cast %add3A_566 : i32 to index
            %swap3A_579 = arith.constant 16 : index
            %swap3A_580 = tpu.vector_load %arg19[%swap3A_578, %swap3A_579] {strides = array<i32>} : memref<80x128xf32, #tpu.memory_space<vmem>>, vector<16xf32>,
            tpu.vector_store %arg19[%swap3A_578, %swap3A_579], %mul3A_577 {strides = array<i32>} : memref<80x128xf32, #tpu.memory_space<vmem>>, vector<16xf32>,
            %get3A_581 = arith.index_cast %add3A_566 : i32 to index
            %get3A_582 = arith.constant 32 : index
            %get3A_583 = tpu.vector_load %arg19[%get3A_581, %get3A_582] {strides = array<i32>} : memref<80x128xf32, #tpu.memory_space<vmem>>, vector<16xf32>,
            %mul3A_584 = arith.mulf %get3A_583, %broadcast_in_dim3A_562 : vector<16xf32>
            %swap3A_585 = arith.index_cast %add3A_566 : i32 to index
            %swap3A_586 = arith.constant 32 : index
            %swap3A_587 = tpu.vector_load %arg19[%swap3A_585, %swap3A_586] {strides = array<i32>} : memref<80x128xf32, #tpu.memory_space<vmem>>, vector<16xf32>,
            tpu.vector_store %arg19[%swap3A_585, %swap3A_586], %mul3A_584 {strides = array<i32>} : memref<80x128xf32, #tpu.memory_space<vmem>>, vector<16xf32>,
            %get3A_588 = arith.index_cast %add3A_566 : i32 to index
            %get3A_589 = arith.constant 48 : index
            %get3A_590 = tpu.vector_load %arg19[%get3A_588, %get3A_589] {strides = array<i32>} : memref<80x128xf32, #tpu.memory_space<vmem>>, vector<16xf32>,
            %mul3A_591 = arith.mulf %get3A_590, %broadcast_in_dim3A_562 : vector<16xf32>
            %swap3A_592 = arith.index_cast %add3A_566 : i32 to index
            %swap3A_593 = arith.constant 48 : index
            %swap3A_594 = tpu.vector_load %arg19[%swap3A_592, %swap3A_593] {strides = array<i32>} : memref<80x128xf32, #tpu.memory_space<vmem>>, vector<16xf32>,
            tpu.vector_store %arg19[%swap3A_592, %swap3A_593], %mul3A_591 {strides = array<i32>} : memref<80x128xf32, #tpu.memory_space<vmem>>, vector<16xf32>,
            %get3A_595 = arith.index_cast %add3A_566 : i32 to index
            %get3A_596 = arith.constant 64 : index
            %get3A_597 = tpu.vector_load %arg19[%get3A_595, %get3A_596] {strides = array<i32>} : memref<80x128xf32, #tpu.memory_space<vmem>>, vector<16xf32>,
            %mul3A_598 = arith.mulf %get3A_597, %broadcast_in_dim3A_562 : vector<16xf32>
            %swap3A_599 = arith.index_cast %add3A_566 : i32 to index
            %swap3A_600 = arith.constant 64 : index
            %swap3A_601 = tpu.vector_load %arg19[%swap3A_599, %swap3A_600] {strides = array<i32>} : memref<80x128xf32, #tpu.memory_space<vmem>>, vector<16xf32>,
            tpu.vector_store %arg19[%swap3A_599, %swap3A_600], %mul3A_598 {strides = array<i32>} : memref<80x128xf32, #tpu.memory_space<vmem>>, vector<16xf32>,
            %get3A_602 = arith.index_cast %add3A_566 : i32 to index
            %get3A_603 = arith.constant 80 : index
            %get3A_604 = tpu.vector_load %arg19[%get3A_602, %get3A_603] {strides = array<i32>} : memref<80x128xf32, #tpu.memory_space<vmem>>, vector<16xf32>,
            %mul3A_605 = arith.mulf %get3A_604, %broadcast_in_dim3A_562 : vector<16xf32>
            %swap3A_606 = arith.index_cast %add3A_566 : i32 to index
            %swap3A_607 = arith.constant 80 : index
            %swap3A_608 = tpu.vector_load %arg19[%swap3A_606, %swap3A_607] {strides = array<i32>} : memref<80x128xf32, #tpu.memory_space<vmem>>, vector<16xf32>,
            tpu.vector_store %arg19[%swap3A_606, %swap3A_607], %mul3A_605 {strides = array<i32>} : memref<80x128xf32, #tpu.memory_space<vmem>>, vector<16xf32>,
            %get3A_609 = arith.index_cast %add3A_566 : i32 to index
            %get3A_610 = arith.constant 96 : index
            %get3A_611 = tpu.vector_load %arg19[%get3A_609, %get3A_610] {strides = array<i32>} : memref<80x128xf32, #tpu.memory_space<vmem>>, vector<16xf32>,
            %mul3A_612 = arith.mulf %get3A_611, %broadcast_in_dim3A_562 : vector<16xf32>
            %swap3A_613 = arith.index_cast %add3A_566 : i32 to index
            %swap3A_614 = arith.constant 96 : index
            %swap3A_615 = tpu.vector_load %arg19[%swap3A_613, %swap3A_614] {strides = array<i32>} : memref<80x128xf32, #tpu.memory_space<vmem>>, vector<16xf32>,
            tpu.vector_store %arg19[%swap3A_613, %swap3A_614], %mul3A_612 {strides = array<i32>} : memref<80x128xf32, #tpu.memory_space<vmem>>, vector<16xf32>,
            %get3A_616 = arith.index_cast %add3A_566 : i32 to index
            %get3A_617 = arith.constant 112 : index
            %get3A_618 = tpu.vector_load %arg19[%get3A_616, %get3A_617] {strides = array<i32>} : memref<80x128xf32, #tpu.memory_space<vmem>>, vector<16xf32>,
            %mul3A_619 = arith.mulf %get3A_618, %broadcast_in_dim3A_562 : vector<16xf32>
            %swap3A_620 = arith.index_cast %add3A_566 : i32 to index
            %swap3A_621 = arith.constant 112 : index
            %swap3A_622 = tpu.vector_load %arg19[%swap3A_620, %swap3A_621] {strides = array<i32>} : memref<80x128xf32, #tpu.memory_space<vmem>>, vector<16xf32>,
            tpu.vector_store %arg19[%swap3A_620, %swap3A_621], %mul3A_619 {strides = array<i32>} : memref<80x128xf32, #tpu.memory_space<vmem>>, vector<16xf32>,
            %slice3A_623 = vector.extract_strided_slice %get3A_122 {offsets = [8], sizes = [1], strides = [1]} : vector<16xf32> to vector<1xf32>
            %squeeze3A_624 = vector.extract %slice3A_623[0] : f32 from vector<1xf32>
            %broadcast_in_dim3A_625 = vector.broadcast %squeeze3A_624 : f32 to vector<16xf32>
            %mul3A_626 = arith.constant 16 : i32
            %mul3A_627 = arith.muli %scan3A_117, %mul3A_626 : i32
            %add3A_628 = arith.constant 8 : i32
            %add3A_629 = arith.addi %mul3A_627, %add3A_628 : i32
            %get3A_630 = arith.index_cast %add3A_629 : i32 to index
            %get3A_631 = arith.constant 0 : index
            %get3A_632 = tpu.vector_load %arg19[%get3A_630, %get3A_631] {strides = array<i32>} : memref<80x128xf32, #tpu.memory_space<vmem>>, vector<16xf32>,
            %mul3A_633 = arith.mulf %get3A_632, %broadcast_in_dim3A_625 : vector<16xf32>
            %swap3A_634 = arith.index_cast %add3A_629 : i32 to index
            %swap3A_635 = arith.constant 0 : index
            %swap3A_636 = tpu.vector_load %arg19[%swap3A_634, %swap3A_635] {strides = array<i32>} : memref<80x128xf32, #tpu.memory_space<vmem>>, vector<16xf32>,
            tpu.vector_store %arg19[%swap3A_634, %swap3A_635], %mul3A_633 {strides = array<i32>} : memref<80x128xf32, #tpu.memory_space<vmem>>, vector<16xf32>,
            %get3A_637 = arith.index_cast %add3A_629 : i32 to index
            %get3A_638 = arith.constant 16 : index
            %get3A_639 = tpu.vector_load %arg19[%get3A_637, %get3A_638] {strides = array<i32>} : memref<80x128xf32, #tpu.memory_space<vmem>>, vector<16xf32>,
            %mul3A_640 = arith.mulf %get3A_639, %broadcast_in_dim3A_625 : vector<16xf32>
            %swap3A_641 = arith.index_cast %add3A_629 : i32 to index
            %swap3A_642 = arith.constant 16 : index
            %swap3A_643 = tpu.vector_load %arg19[%swap3A_641, %swap3A_642] {strides = array<i32>} : memref<80x128xf32, #tpu.memory_space<vmem>>, vector<16xf32>,
            tpu.vector_store %arg19[%swap3A_641, %swap3A_642], %mul3A_640 {strides = array<i32>} : memref<80x128xf32, #tpu.memory_space<vmem>>, vector<16xf32>,
            %get3A_644 = arith.index_cast %add3A_629 : i32 to index
            %get3A_645 = arith.constant 32 : index
            %get3A_646 = tpu.vector_load %arg19[%get3A_644, %get3A_645] {strides = array<i32>} : memref<80x128xf32, #tpu.memory_space<vmem>>, vector<16xf32>,
            %mul3A_647 = arith.mulf %get3A_646, %broadcast_in_dim3A_625 : vector<16xf32>
            %swap3A_648 = arith.index_cast %add3A_629 : i32 to index
            %swap3A_649 = arith.constant 32 : index
            %swap3A_650 = tpu.vector_load %arg19[%swap3A_648, %swap3A_649] {strides = array<i32>} : memref<80x128xf32, #tpu.memory_space<vmem>>, vector<16xf32>,
            tpu.vector_store %arg19[%swap3A_648, %swap3A_649], %mul3A_647 {strides = array<i32>} : memref<80x128xf32, #tpu.memory_space<vmem>>, vector<16xf32>,
            %get3A_651 = arith.index_cast %add3A_629 : i32 to index
            %get3A_652 = arith.constant 48 : index
            %get3A_653 = tpu.vector_load %arg19[%get3A_651, %get3A_652] {strides = array<i32>} : memref<80x128xf32, #tpu.memory_space<vmem>>, vector<16xf32>,
            %mul3A_654 = arith.mulf %get3A_653, %broadcast_in_dim3A_625 : vector<16xf32>
            %swap3A_655 = arith.index_cast %add3A_629 : i32 to index
            %swap3A_656 = arith.constant 48 : index
            %swap3A_657 = tpu.vector_load %arg19[%swap3A_655, %swap3A_656] {strides = array<i32>} : memref<80x128xf32, #tpu.memory_space<vmem>>, vector<16xf32>,
            tpu.vector_store %arg19[%swap3A_655, %swap3A_656], %mul3A_654 {strides = array<i32>} : memref<80x128xf32, #tpu.memory_space<vmem>>, vector<16xf32>,
            %get3A_658 = arith.index_cast %add3A_629 : i32 to index
            %get3A_659 = arith.constant 64 : index
            %get3A_660 = tpu.vector_load %arg19[%get3A_658, %get3A_659] {strides = array<i32>} : memref<80x128xf32, #tpu.memory_space<vmem>>, vector<16xf32>,
            %mul3A_661 = arith.mulf %get3A_660, %broadcast_in_dim3A_625 : vector<16xf32>
            %swap3A_662 = arith.index_cast %add3A_629 : i32 to index
            %swap3A_663 = arith.constant 64 : index
            %swap3A_664 = tpu.vector_load %arg19[%swap3A_662, %swap3A_663] {strides = array<i32>} : memref<80x128xf32, #tpu.memory_space<vmem>>, vector<16xf32>,
            tpu.vector_store %arg19[%swap3A_662, %swap3A_663], %mul3A_661 {strides = array<i32>} : memref<80x128xf32, #tpu.memory_space<vmem>>, vector<16xf32>,
            %get3A_665 = arith.index_cast %add3A_629 : i32 to index
            %get3A_666 = arith.constant 80 : index
            %get3A_667 = tpu.vector_load %arg19[%get3A_665, %get3A_666] {strides = array<i32>} : memref<80x128xf32, #tpu.memory_space<vmem>>, vector<16xf32>,
            %mul3A_668 = arith.mulf %get3A_667, %broadcast_in_dim3A_625 : vector<16xf32>
            %swap3A_669 = arith.index_cast %add3A_629 : i32 to index
            %swap3A_670 = arith.constant 80 : index
            %swap3A_671 = tpu.vector_load %arg19[%swap3A_669, %swap3A_670] {strides = array<i32>} : memref<80x128xf32, #tpu.memory_space<vmem>>, vector<16xf32>,
            tpu.vector_store %arg19[%swap3A_669, %swap3A_670], %mul3A_668 {strides = array<i32>} : memref<80x128xf32, #tpu.memory_space<vmem>>, vector<16xf32>,
            %get3A_672 = arith.index_cast %add3A_629 : i32 to index
            %get3A_673 = arith.constant 96 : index
            %get3A_674 = tpu.vector_load %arg19[%get3A_672, %get3A_673] {strides = array<i32>} : memref<80x128xf32, #tpu.memory_space<vmem>>, vector<16xf32>,
            %mul3A_675 = arith.mulf %get3A_674, %broadcast_in_dim3A_625 : vector<16xf32>
            %swap3A_676 = arith.index_cast %add3A_629 : i32 to index
            %swap3A_677 = arith.constant 96 : index
            %swap3A_678 = tpu.vector_load %arg19[%swap3A_676, %swap3A_677] {strides = array<i32>} : memref<80x128xf32, #tpu.memory_space<vmem>>, vector<16xf32>,
            tpu.vector_store %arg19[%swap3A_676, %swap3A_677], %mul3A_675 {strides = array<i32>} : memref<80x128xf32, #tpu.memory_space<vmem>>, vector<16xf32>,
            %get3A_679 = arith.index_cast %add3A_629 : i32 to index
            %get3A_680 = arith.constant 112 : index
            %get3A_681 = tpu.vector_load %arg19[%get3A_679, %get3A_680] {strides = array<i32>} : memref<80x128xf32, #tpu.memory_space<vmem>>, vector<16xf32>,
            %mul3A_682 = arith.mulf %get3A_681, %broadcast_in_dim3A_625 : vector<16xf32>
            %swap3A_683 = arith.index_cast %add3A_629 : i32 to index
            %swap3A_684 = arith.constant 112 : index
            %swap3A_685 = tpu.vector_load %arg19[%swap3A_683, %swap3A_684] {strides = array<i32>} : memref<80x128xf32, #tpu.memory_space<vmem>>, vector<16xf32>,
            tpu.vector_store %arg19[%swap3A_683, %swap3A_684], %mul3A_682 {strides = array<i32>} : memref<80x128xf32, #tpu.memory_space<vmem>>, vector<16xf32>,
            %slice3A_686 = vector.extract_strided_slice %get3A_122 {offsets = [9], sizes = [1], strides = [1]} : vector<16xf32> to vector<1xf32>
            %squeeze3A_687 = vector.extract %slice3A_686[0] : f32 from vector<1xf32>
            %broadcast_in_dim3A_688 = vector.broadcast %squeeze3A_687 : f32 to vector<16xf32>
            %mul3A_689 = arith.constant 16 : i32
            %mul3A_690 = arith.muli %scan3A_117, %mul3A_689 : i32
            %add3A_691 = arith.constant 9 : i32
            %add3A_692 = arith.addi %mul3A_690, %add3A_691 : i32
            %get3A_693 = arith.index_cast %add3A_692 : i32 to index
            %get3A_694 = arith.constant 0 : index
            %get3A_695 = tpu.vector_load %arg19[%get3A_693, %get3A_694] {strides = array<i32>} : memref<80x128xf32, #tpu.memory_space<vmem>>, vector<16xf32>,
            %mul3A_696 = arith.mulf %get3A_695, %broadcast_in_dim3A_688 : vector<16xf32>
            %swap3A_697 = arith.index_cast %add3A_692 : i32 to index
            %swap3A_698 = arith.constant 0 : index
            %swap3A_699 = tpu.vector_load %arg19[%swap3A_697, %swap3A_698] {strides = array<i32>} : memref<80x128xf32, #tpu.memory_space<vmem>>, vector<16xf32>,
            tpu.vector_store %arg19[%swap3A_697, %swap3A_698], %mul3A_696 {strides = array<i32>} : memref<80x128xf32, #tpu.memory_space<vmem>>, vector<16xf32>,
            %get3A_700 = arith.index_cast %add3A_692 : i32 to index
            %get3A_701 = arith.constant 16 : index
            %get3A_702 = tpu.vector_load %arg19[%get3A_700, %get3A_701] {strides = array<i32>} : memref<80x128xf32, #tpu.memory_space<vmem>>, vector<16xf32>,
            %mul3A_703 = arith.mulf %get3A_702, %broadcast_in_dim3A_688 : vector<16xf32>
            %swap3A_704 = arith.index_cast %add3A_692 : i32 to index
            %swap3A_705 = arith.constant 16 : index
            %swap3A_706 = tpu.vector_load %arg19[%swap3A_704, %swap3A_705] {strides = array<i32>} : memref<80x128xf32, #tpu.memory_space<vmem>>, vector<16xf32>,
            tpu.vector_store %arg19[%swap3A_704, %swap3A_705], %mul3A_703 {strides = array<i32>} : memref<80x128xf32, #tpu.memory_space<vmem>>, vector<16xf32>,
            %get3A_707 = arith.index_cast %add3A_692 : i32 to index
            %get3A_708 = arith.constant 32 : index
            %get3A_709 = tpu.vector_load %arg19[%get3A_707, %get3A_708] {strides = array<i32>} : memref<80x128xf32, #tpu.memory_space<vmem>>, vector<16xf32>,
            %mul3A_710 = arith.mulf %get3A_709, %broadcast_in_dim3A_688 : vector<16xf32>
            %swap3A_711 = arith.index_cast %add3A_692 : i32 to index
            %swap3A_712 = arith.constant 32 : index
            %swap3A_713 = tpu.vector_load %arg19[%swap3A_711, %swap3A_712] {strides = array<i32>} : memref<80x128xf32, #tpu.memory_space<vmem>>, vector<16xf32>,
            tpu.vector_store %arg19[%swap3A_711, %swap3A_712], %mul3A_710 {strides = array<i32>} : memref<80x128xf32, #tpu.memory_space<vmem>>, vector<16xf32>,
            %get3A_714 = arith.index_cast %add3A_692 : i32 to index
            %get3A_715 = arith.constant 48 : index
            %get3A_716 = tpu.vector_load %arg19[%get3A_714, %get3A_715] {strides = array<i32>} : memref<80x128xf32, #tpu.memory_space<vmem>>, vector<16xf32>,
            %mul3A_717 = arith.mulf %get3A_716, %broadcast_in_dim3A_688 : vector<16xf32>
            %swap3A_718 = arith.index_cast %add3A_692 : i32 to index
            %swap3A_719 = arith.constant 48 : index
            %swap3A_720 = tpu.vector_load %arg19[%swap3A_718, %swap3A_719] {strides = array<i32>} : memref<80x128xf32, #tpu.memory_space<vmem>>, vector<16xf32>,
            tpu.vector_store %arg19[%swap3A_718, %swap3A_719], %mul3A_717 {strides = array<i32>} : memref<80x128xf32, #tpu.memory_space<vmem>>, vector<16xf32>,
            %get3A_721 = arith.index_cast %add3A_692 : i32 to index
            %get3A_722 = arith.constant 64 : index
            %get3A_723 = tpu.vector_load %arg19[%get3A_721, %get3A_722] {strides = array<i32>} : memref<80x128xf32, #tpu.memory_space<vmem>>, vector<16xf32>,
            %mul3A_724 = arith.mulf %get3A_723, %broadcast_in_dim3A_688 : vector<16xf32>
            %swap3A_725 = arith.index_cast %add3A_692 : i32 to index
            %swap3A_726 = arith.constant 64 : index
            %swap3A_727 = tpu.vector_load %arg19[%swap3A_725, %swap3A_726] {strides = array<i32>} : memref<80x128xf32, #tpu.memory_space<vmem>>, vector<16xf32>,
            tpu.vector_store %arg19[%swap3A_725, %swap3A_726], %mul3A_724 {strides = array<i32>} : memref<80x128xf32, #tpu.memory_space<vmem>>, vector<16xf32>,
            %get3A_728 = arith.index_cast %add3A_692 : i32 to index
            %get3A_729 = arith.constant 80 : index
            %get3A_730 = tpu.vector_load %arg19[%get3A_728, %get3A_729] {strides = array<i32>} : memref<80x128xf32, #tpu.memory_space<vmem>>, vector<16xf32>,
            %mul3A_731 = arith.mulf %get3A_730, %broadcast_in_dim3A_688 : vector<16xf32>
            %swap3A_732 = arith.index_cast %add3A_692 : i32 to index
            %swap3A_733 = arith.constant 80 : index
            %swap3A_734 = tpu.vector_load %arg19[%swap3A_732, %swap3A_733] {strides = array<i32>} : memref<80x128xf32, #tpu.memory_space<vmem>>, vector<16xf32>,
            tpu.vector_store %arg19[%swap3A_732, %swap3A_733], %mul3A_731 {strides = array<i32>} : memref<80x128xf32, #tpu.memory_space<vmem>>, vector<16xf32>,
            %get3A_735 = arith.index_cast %add3A_692 : i32 to index
            %get3A_736 = arith.constant 96 : index
            %get3A_737 = tpu.vector_load %arg19[%get3A_735, %get3A_736] {strides = array<i32>} : memref<80x128xf32, #tpu.memory_space<vmem>>, vector<16xf32>,
            %mul3A_738 = arith.mulf %get3A_737, %broadcast_in_dim3A_688 : vector<16xf32>
            %swap3A_739 = arith.index_cast %add3A_692 : i32 to index
            %swap3A_740 = arith.constant 96 : index
            %swap3A_741 = tpu.vector_load %arg19[%swap3A_739, %swap3A_740] {strides = array<i32>} : memref<80x128xf32, #tpu.memory_space<vmem>>, vector<16xf32>,
            tpu.vector_store %arg19[%swap3A_739, %swap3A_740], %mul3A_738 {strides = array<i32>} : memref<80x128xf32, #tpu.memory_space<vmem>>, vector<16xf32>,
            %get3A_742 = arith.index_cast %add3A_692 : i32 to index
            %get3A_743 = arith.constant 112 : index
            %get3A_744 = tpu.vector_load %arg19[%get3A_742, %get3A_743] {strides = array<i32>} : memref<80x128xf32, #tpu.memory_space<vmem>>, vector<16xf32>,
            %mul3A_745 = arith.mulf %get3A_744, %broadcast_in_dim3A_688 : vector<16xf32>
            %swap3A_746 = arith.index_cast %add3A_692 : i32 to index
            %swap3A_747 = arith.constant 112 : index
            %swap3A_748 = tpu.vector_load %arg19[%swap3A_746, %swap3A_747] {strides = array<i32>} : memref<80x128xf32, #tpu.memory_space<vmem>>, vector<16xf32>,
            tpu.vector_store %arg19[%swap3A_746, %swap3A_747], %mul3A_745 {strides = array<i32>} : memref<80x128xf32, #tpu.memory_space<vmem>>, vector<16xf32>,
            %slice3A_749 = vector.extract_strided_slice %get3A_122 {offsets = [10], sizes = [1], strides = [1]} : vector<16xf32> to vector<1xf32>
            %squeeze3A_750 = vector.extract %slice3A_749[0] : f32 from vector<1xf32>
            %broadcast_in_dim3A_751 = vector.broadcast %squeeze3A_750 : f32 to vector<16xf32>
            %mul3A_752 = arith.constant 16 : i32
            %mul3A_753 = arith.muli %scan3A_117, %mul3A_752 : i32
            %add3A_754 = arith.constant 10 : i32
            %add3A_755 = arith.addi %mul3A_753, %add3A_754 : i32
            %get3A_756 = arith.index_cast %add3A_755 : i32 to index
            %get3A_757 = arith.constant 0 : index
            %get3A_758 = tpu.vector_load %arg19[%get3A_756, %get3A_757] {strides = array<i32>} : memref<80x128xf32, #tpu.memory_space<vmem>>, vector<16xf32>,
            %mul3A_759 = arith.mulf %get3A_758, %broadcast_in_dim3A_751 : vector<16xf32>
            %swap3A_760 = arith.index_cast %add3A_755 : i32 to index
            %swap3A_761 = arith.constant 0 : index
            %swap3A_762 = tpu.vector_load %arg19[%swap3A_760, %swap3A_761] {strides = array<i32>} : memref<80x128xf32, #tpu.memory_space<vmem>>, vector<16xf32>,
            tpu.vector_store %arg19[%swap3A_760, %swap3A_761], %mul3A_759 {strides = array<i32>} : memref<80x128xf32, #tpu.memory_space<vmem>>, vector<16xf32>,
            %get3A_763 = arith.index_cast %add3A_755 : i32 to index
            %get3A_764 = arith.constant 16 : index
            %get3A_765 = tpu.vector_load %arg19[%get3A_763, %get3A_764] {strides = array<i32>} : memref<80x128xf32, #tpu.memory_space<vmem>>, vector<16xf32>,
            %mul3A_766 = arith.mulf %get3A_765, %broadcast_in_dim3A_751 : vector<16xf32>
            %swap3A_767 = arith.index_cast %add3A_755 : i32 to index
            %swap3A_768 = arith.constant 16 : index
            %swap3A_769 = tpu.vector_load %arg19[%swap3A_767, %swap3A_768] {strides = array<i32>} : memref<80x128xf32, #tpu.memory_space<vmem>>, vector<16xf32>,
            tpu.vector_store %arg19[%swap3A_767, %swap3A_768], %mul3A_766 {strides = array<i32>} : memref<80x128xf32, #tpu.memory_space<vmem>>, vector<16xf32>,
            %get3A_770 = arith.index_cast %add3A_755 : i32 to index
            %get3A_771 = arith.constant 32 : index
            %get3A_772 = tpu.vector_load %arg19[%get3A_770, %get3A_771] {strides = array<i32>} : memref<80x128xf32, #tpu.memory_space<vmem>>, vector<16xf32>,
            %mul3A_773 = arith.mulf %get3A_772, %broadcast_in_dim3A_751 : vector<16xf32>
            %swap3A_774 = arith.index_cast %add3A_755 : i32 to index
            %swap3A_775 = arith.constant 32 : index
            %swap3A_776 = tpu.vector_load %arg19[%swap3A_774, %swap3A_775] {strides = array<i32>} : memref<80x128xf32, #tpu.memory_space<vmem>>, vector<16xf32>,
            tpu.vector_store %arg19[%swap3A_774, %swap3A_775], %mul3A_773 {strides = array<i32>} : memref<80x128xf32, #tpu.memory_space<vmem>>, vector<16xf32>,
            %get3A_777 = arith.index_cast %add3A_755 : i32 to index
            %get3A_778 = arith.constant 48 : index
            %get3A_779 = tpu.vector_load %arg19[%get3A_777, %get3A_778] {strides = array<i32>} : memref<80x128xf32, #tpu.memory_space<vmem>>, vector<16xf32>,
            %mul3A_780 = arith.mulf %get3A_779, %broadcast_in_dim3A_751 : vector<16xf32>
            %swap3A_781 = arith.index_cast %add3A_755 : i32 to index
            %swap3A_782 = arith.constant 48 : index
            %swap3A_783 = tpu.vector_load %arg19[%swap3A_781, %swap3A_782] {strides = array<i32>} : memref<80x128xf32, #tpu.memory_space<vmem>>, vector<16xf32>,
            tpu.vector_store %arg19[%swap3A_781, %swap3A_782], %mul3A_780 {strides = array<i32>} : memref<80x128xf32, #tpu.memory_space<vmem>>, vector<16xf32>,
            %get3A_784 = arith.index_cast %add3A_755 : i32 to index
            %get3A_785 = arith.constant 64 : index
            %get3A_786 = tpu.vector_load %arg19[%get3A_784, %get3A_785] {strides = array<i32>} : memref<80x128xf32, #tpu.memory_space<vmem>>, vector<16xf32>,
            %mul3A_787 = arith.mulf %get3A_786, %broadcast_in_dim3A_751 : vector<16xf32>
            %swap3A_788 = arith.index_cast %add3A_755 : i32 to index
            %swap3A_789 = arith.constant 64 : index
            %swap3A_790 = tpu.vector_load %arg19[%swap3A_788, %swap3A_789] {strides = array<i32>} : memref<80x128xf32, #tpu.memory_space<vmem>>, vector<16xf32>,
            tpu.vector_store %arg19[%swap3A_788, %swap3A_789], %mul3A_787 {strides = array<i32>} : memref<80x128xf32, #tpu.memory_space<vmem>>, vector<16xf32>,
            %get3A_791 = arith.index_cast %add3A_755 : i32 to index
            %get3A_792 = arith.constant 80 : index
            %get3A_793 = tpu.vector_load %arg19[%get3A_791, %get3A_792] {strides = array<i32>} : memref<80x128xf32, #tpu.memory_space<vmem>>, vector<16xf32>,
            %mul3A_794 = arith.mulf %get3A_793, %broadcast_in_dim3A_751 : vector<16xf32>
            %swap3A_795 = arith.index_cast %add3A_755 : i32 to index
            %swap3A_796 = arith.constant 80 : index
            %swap3A_797 = tpu.vector_load %arg19[%swap3A_795, %swap3A_796] {strides = array<i32>} : memref<80x128xf32, #tpu.memory_space<vmem>>, vector<16xf32>,
            tpu.vector_store %arg19[%swap3A_795, %swap3A_796], %mul3A_794 {strides = array<i32>} : memref<80x128xf32, #tpu.memory_space<vmem>>, vector<16xf32>,
            %get3A_798 = arith.index_cast %add3A_755 : i32 to index
            %get3A_799 = arith.constant 96 : index
            %get3A_800 = tpu.vector_load %arg19[%get3A_798, %get3A_799] {strides = array<i32>} : memref<80x128xf32, #tpu.memory_space<vmem>>, vector<16xf32>,
            %mul3A_801 = arith.mulf %get3A_800, %broadcast_in_dim3A_751 : vector<16xf32>
            %swap3A_802 = arith.index_cast %add3A_755 : i32 to index
            %swap3A_803 = arith.constant 96 : index
            %swap3A_804 = tpu.vector_load %arg19[%swap3A_802, %swap3A_803] {strides = array<i32>} : memref<80x128xf32, #tpu.memory_space<vmem>>, vector<16xf32>,
            tpu.vector_store %arg19[%swap3A_802, %swap3A_803], %mul3A_801 {strides = array<i32>} : memref<80x128xf32, #tpu.memory_space<vmem>>, vector<16xf32>,
            %get3A_805 = arith.index_cast %add3A_755 : i32 to index
            %get3A_806 = arith.constant 112 : index
            %get3A_807 = tpu.vector_load %arg19[%get3A_805, %get3A_806] {strides = array<i32>} : memref<80x128xf32, #tpu.memory_space<vmem>>, vector<16xf32>,
            %mul3A_808 = arith.mulf %get3A_807, %broadcast_in_dim3A_751 : vector<16xf32>
            %swap3A_809 = arith.index_cast %add3A_755 : i32 to index
            %swap3A_810 = arith.constant 112 : index
            %swap3A_811 = tpu.vector_load %arg19[%swap3A_809, %swap3A_810] {strides = array<i32>} : memref<80x128xf32, #tpu.memory_space<vmem>>, vector<16xf32>,
            tpu.vector_store %arg19[%swap3A_809, %swap3A_810], %mul3A_808 {strides = array<i32>} : memref<80x128xf32, #tpu.memory_space<vmem>>, vector<16xf32>,
            %slice3A_812 = vector.extract_strided_slice %get3A_122 {offsets = [11], sizes = [1], strides = [1]} : vector<16xf32> to vector<1xf32>
            %squeeze3A_813 = vector.extract %slice3A_812[0] : f32 from vector<1xf32>
            %broadcast_in_dim3A_814 = vector.broadcast %squeeze3A_813 : f32 to vector<16xf32>
            %mul3A_815 = arith.constant 16 : i32
            %mul3A_816 = arith.muli %scan3A_117, %mul3A_815 : i32
            %add3A_817 = arith.constant 11 : i32
            %add3A_818 = arith.addi %mul3A_816, %add3A_817 : i32
            %get3A_819 = arith.index_cast %add3A_818 : i32 to index
            %get3A_820 = arith.constant 0 : index
            %get3A_821 = tpu.vector_load %arg19[%get3A_819, %get3A_820] {strides = array<i32>} : memref<80x128xf32, #tpu.memory_space<vmem>>, vector<16xf32>,
            %mul3A_822 = arith.mulf %get3A_821, %broadcast_in_dim3A_814 : vector<16xf32>
            %swap3A_823 = arith.index_cast %add3A_818 : i32 to index
            %swap3A_824 = arith.constant 0 : index
            %swap3A_825 = tpu.vector_load %arg19[%swap3A_823, %swap3A_824] {strides = array<i32>} : memref<80x128xf32, #tpu.memory_space<vmem>>, vector<16xf32>,
            tpu.vector_store %arg19[%swap3A_823, %swap3A_824], %mul3A_822 {strides = array<i32>} : memref<80x128xf32, #tpu.memory_space<vmem>>, vector<16xf32>,
            %get3A_826 = arith.index_cast %add3A_818 : i32 to index
            %get3A_827 = arith.constant 16 : index
            %get3A_828 = tpu.vector_load %arg19[%get3A_826, %get3A_827] {strides = array<i32>} : memref<80x128xf32, #tpu.memory_space<vmem>>, vector<16xf32>,
            %mul3A_829 = arith.mulf %get3A_828, %broadcast_in_dim3A_814 : vector<16xf32>
            %swap3A_830 = arith.index_cast %add3A_818 : i32 to index
            %swap3A_831 = arith.constant 16 : index
            %swap3A_832 = tpu.vector_load %arg19[%swap3A_830, %swap3A_831] {strides = array<i32>} : memref<80x128xf32, #tpu.memory_space<vmem>>, vector<16xf32>,
            tpu.vector_store %arg19[%swap3A_830, %swap3A_831], %mul3A_829 {strides = array<i32>} : memref<80x128xf32, #tpu.memory_space<vmem>>, vector<16xf32>,
            %get3A_833 = arith.index_cast %add3A_818 : i32 to index
            %get3A_834 = arith.constant 32 : index
            %get3A_835 = tpu.vector_load %arg19[%get3A_833, %get3A_834] {strides = array<i32>} : memref<80x128xf32, #tpu.memory_space<vmem>>, vector<16xf32>,
            %mul3A_836 = arith.mulf %get3A_835, %broadcast_in_dim3A_814 : vector<16xf32>
            %swap3A_837 = arith.index_cast %add3A_818 : i32 to index
            %swap3A_838 = arith.constant 32 : index
            %swap3A_839 = tpu.vector_load %arg19[%swap3A_837, %swap3A_838] {strides = array<i32>} : memref<80x128xf32, #tpu.memory_space<vmem>>, vector<16xf32>,
            tpu.vector_store %arg19[%swap3A_837, %swap3A_838], %mul3A_836 {strides = array<i32>} : memref<80x128xf32, #tpu.memory_space<vmem>>, vector<16xf32>,
            %get3A_840 = arith.index_cast %add3A_818 : i32 to index
            %get3A_841 = arith.constant 48 : index
            %get3A_842 = tpu.vector_load %arg19[%get3A_840, %get3A_841] {strides = array<i32>} : memref<80x128xf32, #tpu.memory_space<vmem>>, vector<16xf32>,
            %mul3A_843 = arith.mulf %get3A_842, %broadcast_in_dim3A_814 : vector<16xf32>
            %swap3A_844 = arith.index_cast %add3A_818 : i32 to index
            %swap3A_845 = arith.constant 48 : index
            %swap3A_846 = tpu.vector_load %arg19[%swap3A_844, %swap3A_845] {strides = array<i32>} : memref<80x128xf32, #tpu.memory_space<vmem>>, vector<16xf32>,
            tpu.vector_store %arg19[%swap3A_844, %swap3A_845], %mul3A_843 {strides = array<i32>} : memref<80x128xf32, #tpu.memory_space<vmem>>, vector<16xf32>,
            %get3A_847 = arith.index_cast %add3A_818 : i32 to index
            %get3A_848 = arith.constant 64 : index
            %get3A_849 = tpu.vector_load %arg19[%get3A_847, %get3A_848] {strides = array<i32>} : memref<80x128xf32, #tpu.memory_space<vmem>>, vector<16xf32>,
            %mul3A_850 = arith.mulf %get3A_849, %broadcast_in_dim3A_814 : vector<16xf32>
            %swap3A_851 = arith.index_cast %add3A_818 : i32 to index
            %swap3A_852 = arith.constant 64 : index
            %swap3A_853 = tpu.vector_load %arg19[%swap3A_851, %swap3A_852] {strides = array<i32>} : memref<80x128xf32, #tpu.memory_space<vmem>>, vector<16xf32>,
            tpu.vector_store %arg19[%swap3A_851, %swap3A_852], %mul3A_850 {strides = array<i32>} : memref<80x128xf32, #tpu.memory_space<vmem>>, vector<16xf32>,
            %get3A_854 = arith.index_cast %add3A_818 : i32 to index
            %get3A_855 = arith.constant 80 : index
            %get3A_856 = tpu.vector_load %arg19[%get3A_854, %get3A_855] {strides = array<i32>} : memref<80x128xf32, #tpu.memory_space<vmem>>, vector<16xf32>,
            %mul3A_857 = arith.mulf %get3A_856, %broadcast_in_dim3A_814 : vector<16xf32>
            %swap3A_858 = arith.index_cast %add3A_818 : i32 to index
            %swap3A_859 = arith.constant 80 : index
            %swap3A_860 = tpu.vector_load %arg19[%swap3A_858, %swap3A_859] {strides = array<i32>} : memref<80x128xf32, #tpu.memory_space<vmem>>, vector<16xf32>,
            tpu.vector_store %arg19[%swap3A_858, %swap3A_859], %mul3A_857 {strides = array<i32>} : memref<80x128xf32, #tpu.memory_space<vmem>>, vector<16xf32>,
            %get3A_861 = arith.index_cast %add3A_818 : i32 to index
            %get3A_862 = arith.constant 96 : index
            %get3A_863 = tpu.vector_load %arg19[%get3A_861, %get3A_862] {strides = array<i32>} : memref<80x128xf32, #tpu.memory_space<vmem>>, vector<16xf32>,
            %mul3A_864 = arith.mulf %get3A_863, %broadcast_in_dim3A_814 : vector<16xf32>
            %swap3A_865 = arith.index_cast %add3A_818 : i32 to index
            %swap3A_866 = arith.constant 96 : index
            %swap3A_867 = tpu.vector_load %arg19[%swap3A_865, %swap3A_866] {strides = array<i32>} : memref<80x128xf32, #tpu.memory_space<vmem>>, vector<16xf32>,
            tpu.vector_store %arg19[%swap3A_865, %swap3A_866], %mul3A_864 {strides = array<i32>} : memref<80x128xf32, #tpu.memory_space<vmem>>, vector<16xf32>,
            %get3A_868 = arith.index_cast %add3A_818 : i32 to index
            %get3A_869 = arith.constant 112 : index
            %get3A_870 = tpu.vector_load %arg19[%get3A_868, %get3A_869] {strides = array<i32>} : memref<80x128xf32, #tpu.memory_space<vmem>>, vector<16xf32>,
            %mul3A_871 = arith.mulf %get3A_870, %broadcast_in_dim3A_814 : vector<16xf32>
            %swap3A_872 = arith.index_cast %add3A_818 : i32 to index
            %swap3A_873 = arith.constant 112 : index
            %swap3A_874 = tpu.vector_load %arg19[%swap3A_872, %swap3A_873] {strides = array<i32>} : memref<80x128xf32, #tpu.memory_space<vmem>>, vector<16xf32>,
            tpu.vector_store %arg19[%swap3A_872, %swap3A_873], %mul3A_871 {strides = array<i32>} : memref<80x128xf32, #tpu.memory_space<vmem>>, vector<16xf32>,
            %slice3A_875 = vector.extract_strided_slice %get3A_122 {offsets = [12], sizes = [1], strides = [1]} : vector<16xf32> to vector<1xf32>
            %squeeze3A_876 = vector.extract %slice3A_875[0] : f32 from vector<1xf32>
            %broadcast_in_dim3A_877 = vector.broadcast %squeeze3A_876 : f32 to vector<16xf32>
            %mul3A_878 = arith.constant 16 : i32
            %mul3A_879 = arith.muli %scan3A_117, %mul3A_878 : i32
            %add3A_880 = arith.constant 12 : i32
            %add3A_881 = arith.addi %mul3A_879, %add3A_880 : i32
            %get3A_882 = arith.index_cast %add3A_881 : i32 to index
            %get3A_883 = arith.constant 0 : index
            %get3A_884 = tpu.vector_load %arg19[%get3A_882, %get3A_883] {strides = array<i32>} : memref<80x128xf32, #tpu.memory_space<vmem>>, vector<16xf32>,
            %mul3A_885 = arith.mulf %get3A_884, %broadcast_in_dim3A_877 : vector<16xf32>
            %swap3A_886 = arith.index_cast %add3A_881 : i32 to index
            %swap3A_887 = arith.constant 0 : index
            %swap3A_888 = tpu.vector_load %arg19[%swap3A_886, %swap3A_887] {strides = array<i32>} : memref<80x128xf32, #tpu.memory_space<vmem>>, vector<16xf32>,
            tpu.vector_store %arg19[%swap3A_886, %swap3A_887], %mul3A_885 {strides = array<i32>} : memref<80x128xf32, #tpu.memory_space<vmem>>, vector<16xf32>,
            %get3A_889 = arith.index_cast %add3A_881 : i32 to index
            %get3A_890 = arith.constant 16 : index
            %get3A_891 = tpu.vector_load %arg19[%get3A_889, %get3A_890] {strides = array<i32>} : memref<80x128xf32, #tpu.memory_space<vmem>>, vector<16xf32>,
            %mul3A_892 = arith.mulf %get3A_891, %broadcast_in_dim3A_877 : vector<16xf32>
            %swap3A_893 = arith.index_cast %add3A_881 : i32 to index
            %swap3A_894 = arith.constant 16 : index
            %swap3A_895 = tpu.vector_load %arg19[%swap3A_893, %swap3A_894] {strides = array<i32>} : memref<80x128xf32, #tpu.memory_space<vmem>>, vector<16xf32>,
            tpu.vector_store %arg19[%swap3A_893, %swap3A_894], %mul3A_892 {strides = array<i32>} : memref<80x128xf32, #tpu.memory_space<vmem>>, vector<16xf32>,
            %get3A_896 = arith.index_cast %add3A_881 : i32 to index
            %get3A_897 = arith.constant 32 : index
            %get3A_898 = tpu.vector_load %arg19[%get3A_896, %get3A_897] {strides = array<i32>} : memref<80x128xf32, #tpu.memory_space<vmem>>, vector<16xf32>,
            %mul3A_899 = arith.mulf %get3A_898, %broadcast_in_dim3A_877 : vector<16xf32>
            %swap3A_900 = arith.index_cast %add3A_881 : i32 to index
            %swap3A_901 = arith.constant 32 : index
            %swap3A_902 = tpu.vector_load %arg19[%swap3A_900, %swap3A_901] {strides = array<i32>} : memref<80x128xf32, #tpu.memory_space<vmem>>, vector<16xf32>,
            tpu.vector_store %arg19[%swap3A_900, %swap3A_901], %mul3A_899 {strides = array<i32>} : memref<80x128xf32, #tpu.memory_space<vmem>>, vector<16xf32>,
            %get3A_903 = arith.index_cast %add3A_881 : i32 to index
            %get3A_904 = arith.constant 48 : index
            %get3A_905 = tpu.vector_load %arg19[%get3A_903, %get3A_904] {strides = array<i32>} : memref<80x128xf32, #tpu.memory_space<vmem>>, vector<16xf32>,
            %mul3A_906 = arith.mulf %get3A_905, %broadcast_in_dim3A_877 : vector<16xf32>
            %swap3A_907 = arith.index_cast %add3A_881 : i32 to index
            %swap3A_908 = arith.constant 48 : index
            %swap3A_909 = tpu.vector_load %arg19[%swap3A_907, %swap3A_908] {strides = array<i32>} : memref<80x128xf32, #tpu.memory_space<vmem>>, vector<16xf32>,
            tpu.vector_store %arg19[%swap3A_907, %swap3A_908], %mul3A_906 {strides = array<i32>} : memref<80x128xf32, #tpu.memory_space<vmem>>, vector<16xf32>,
            %get3A_910 = arith.index_cast %add3A_881 : i32 to index
            %get3A_911 = arith.constant 64 : index
            %get3A_912 = tpu.vector_load %arg19[%get3A_910, %get3A_911] {strides = array<i32>} : memref<80x128xf32, #tpu.memory_space<vmem>>, vector<16xf32>,
            %mul3A_913 = arith.mulf %get3A_912, %broadcast_in_dim3A_877 : vector<16xf32>
            %swap3A_914 = arith.index_cast %add3A_881 : i32 to index
            %swap3A_915 = arith.constant 64 : index
            %swap3A_916 = tpu.vector_load %arg19[%swap3A_914, %swap3A_915] {strides = array<i32>} : memref<80x128xf32, #tpu.memory_space<vmem>>, vector<16xf32>,
            tpu.vector_store %arg19[%swap3A_914, %swap3A_915], %mul3A_913 {strides = array<i32>} : memref<80x128xf32, #tpu.memory_space<vmem>>, vector<16xf32>,
            %get3A_917 = arith.index_cast %add3A_881 : i32 to index
            %get3A_918 = arith.constant 80 : index
            %get3A_919 = tpu.vector_load %arg19[%get3A_917, %get3A_918] {strides = array<i32>} : memref<80x128xf32, #tpu.memory_space<vmem>>, vector<16xf32>,
            %mul3A_920 = arith.mulf %get3A_919, %broadcast_in_dim3A_877 : vector<16xf32>
            %swap3A_921 = arith.index_cast %add3A_881 : i32 to index
            %swap3A_922 = arith.constant 80 : index
            %swap3A_923 = tpu.vector_load %arg19[%swap3A_921, %swap3A_922] {strides = array<i32>} : memref<80x128xf32, #tpu.memory_space<vmem>>, vector<16xf32>,
            tpu.vector_store %arg19[%swap3A_921, %swap3A_922], %mul3A_920 {strides = array<i32>} : memref<80x128xf32, #tpu.memory_space<vmem>>, vector<16xf32>,
            %get3A_924 = arith.index_cast %add3A_881 : i32 to index
            %get3A_925 = arith.constant 96 : index
            %get3A_926 = tpu.vector_load %arg19[%get3A_924, %get3A_925] {strides = array<i32>} : memref<80x128xf32, #tpu.memory_space<vmem>>, vector<16xf32>,
            %mul3A_927 = arith.mulf %get3A_926, %broadcast_in_dim3A_877 : vector<16xf32>
            %swap3A_928 = arith.index_cast %add3A_881 : i32 to index
            %swap3A_929 = arith.constant 96 : index
            %swap3A_930 = tpu.vector_load %arg19[%swap3A_928, %swap3A_929] {strides = array<i32>} : memref<80x128xf32, #tpu.memory_space<vmem>>, vector<16xf32>,
            tpu.vector_store %arg19[%swap3A_928, %swap3A_929], %mul3A_927 {strides = array<i32>} : memref<80x128xf32, #tpu.memory_space<vmem>>, vector<16xf32>,
            %get3A_931 = arith.index_cast %add3A_881 : i32 to index
            %get3A_932 = arith.constant 112 : index
            %get3A_933 = tpu.vector_load %arg19[%get3A_931, %get3A_932] {strides = array<i32>} : memref<80x128xf32, #tpu.memory_space<vmem>>, vector<16xf32>,
            %mul3A_934 = arith.mulf %get3A_933, %broadcast_in_dim3A_877 : vector<16xf32>
            %swap3A_935 = arith.index_cast %add3A_881 : i32 to index
            %swap3A_936 = arith.constant 112 : index
            %swap3A_937 = tpu.vector_load %arg19[%swap3A_935, %swap3A_936] {strides = array<i32>} : memref<80x128xf32, #tpu.memory_space<vmem>>, vector<16xf32>,
            tpu.vector_store %arg19[%swap3A_935, %swap3A_936], %mul3A_934 {strides = array<i32>} : memref<80x128xf32, #tpu.memory_space<vmem>>, vector<16xf32>,
            %slice3A_938 = vector.extract_strided_slice %get3A_122 {offsets = [13], sizes = [1], strides = [1]} : vector<16xf32> to vector<1xf32>
            %squeeze3A_939 = vector.extract %slice3A_938[0] : f32 from vector<1xf32>
            %broadcast_in_dim3A_940 = vector.broadcast %squeeze3A_939 : f32 to vector<16xf32>
            %mul3A_941 = arith.constant 16 : i32
            %mul3A_942 = arith.muli %scan3A_117, %mul3A_941 : i32
            %add3A_943 = arith.constant 13 : i32
            %add3A_944 = arith.addi %mul3A_942, %add3A_943 : i32
            %get3A_945 = arith.index_cast %add3A_944 : i32 to index
            %get3A_946 = arith.constant 0 : index
            %get3A_947 = tpu.vector_load %arg19[%get3A_945, %get3A_946] {strides = array<i32>} : memref<80x128xf32, #tpu.memory_space<vmem>>, vector<16xf32>,
            %mul3A_948 = arith.mulf %get3A_947, %broadcast_in_dim3A_940 : vector<16xf32>
            %swap3A_949 = arith.index_cast %add3A_944 : i32 to index
            %swap3A_950 = arith.constant 0 : index
            %swap3A_951 = tpu.vector_load %arg19[%swap3A_949, %swap3A_950] {strides = array<i32>} : memref<80x128xf32, #tpu.memory_space<vmem>>, vector<16xf32>,
            tpu.vector_store %arg19[%swap3A_949, %swap3A_950], %mul3A_948 {strides = array<i32>} : memref<80x128xf32, #tpu.memory_space<vmem>>, vector<16xf32>,
            %get3A_952 = arith.index_cast %add3A_944 : i32 to index
            %get3A_953 = arith.constant 16 : index
            %get3A_954 = tpu.vector_load %arg19[%get3A_952, %get3A_953] {strides = array<i32>} : memref<80x128xf32, #tpu.memory_space<vmem>>, vector<16xf32>,
            %mul3A_955 = arith.mulf %get3A_954, %broadcast_in_dim3A_940 : vector<16xf32>
            %swap3A_956 = arith.index_cast %add3A_944 : i32 to index
            %swap3A_957 = arith.constant 16 : index
            %swap3A_958 = tpu.vector_load %arg19[%swap3A_956, %swap3A_957] {strides = array<i32>} : memref<80x128xf32, #tpu.memory_space<vmem>>, vector<16xf32>,
            tpu.vector_store %arg19[%swap3A_956, %swap3A_957], %mul3A_955 {strides = array<i32>} : memref<80x128xf32, #tpu.memory_space<vmem>>, vector<16xf32>,
            %get3A_959 = arith.index_cast %add3A_944 : i32 to index
            %get3A_960 = arith.constant 32 : index
            %get3A_961 = tpu.vector_load %arg19[%get3A_959, %get3A_960] {strides = array<i32>} : memref<80x128xf32, #tpu.memory_space<vmem>>, vector<16xf32>,
            %mul3A_962 = arith.mulf %get3A_961, %broadcast_in_dim3A_940 : vector<16xf32>
            %swap3A_963 = arith.index_cast %add3A_944 : i32 to index
            %swap3A_964 = arith.constant 32 : index
            %swap3A_965 = tpu.vector_load %arg19[%swap3A_963, %swap3A_964] {strides = array<i32>} : memref<80x128xf32, #tpu.memory_space<vmem>>, vector<16xf32>,
            tpu.vector_store %arg19[%swap3A_963, %swap3A_964], %mul3A_962 {strides = array<i32>} : memref<80x128xf32, #tpu.memory_space<vmem>>, vector<16xf32>,
            %get3A_966 = arith.index_cast %add3A_944 : i32 to index
            %get3A_967 = arith.constant 48 : index
            %get3A_968 = tpu.vector_load %arg19[%get3A_966, %get3A_967] {strides = array<i32>} : memref<80x128xf32, #tpu.memory_space<vmem>>, vector<16xf32>,
            %mul3A_969 = arith.mulf %get3A_968, %broadcast_in_dim3A_940 : vector<16xf32>
            %swap3A_970 = arith.index_cast %add3A_944 : i32 to index
            %swap3A_971 = arith.constant 48 : index
            %swap3A_972 = tpu.vector_load %arg19[%swap3A_970, %swap3A_971] {strides = array<i32>} : memref<80x128xf32, #tpu.memory_space<vmem>>, vector<16xf32>,
            tpu.vector_store %arg19[%swap3A_970, %swap3A_971], %mul3A_969 {strides = array<i32>} : memref<80x128xf32, #tpu.memory_space<vmem>>, vector<16xf32>,
            %get3A_973 = arith.index_cast %add3A_944 : i32 to index
            %get3A_974 = arith.constant 64 : index
            %get3A_975 = tpu.vector_load %arg19[%get3A_973, %get3A_974] {strides = array<i32>} : memref<80x128xf32, #tpu.memory_space<vmem>>, vector<16xf32>,
            %mul3A_976 = arith.mulf %get3A_975, %broadcast_in_dim3A_940 : vector<16xf32>
            %swap3A_977 = arith.index_cast %add3A_944 : i32 to index
            %swap3A_978 = arith.constant 64 : index
            %swap3A_979 = tpu.vector_load %arg19[%swap3A_977, %swap3A_978] {strides = array<i32>} : memref<80x128xf32, #tpu.memory_space<vmem>>, vector<16xf32>,
            tpu.vector_store %arg19[%swap3A_977, %swap3A_978], %mul3A_976 {strides = array<i32>} : memref<80x128xf32, #tpu.memory_space<vmem>>, vector<16xf32>,
            %get3A_980 = arith.index_cast %add3A_944 : i32 to index
            %get3A_981 = arith.constant 80 : index
            %get3A_982 = tpu.vector_load %arg19[%get3A_980, %get3A_981] {strides = array<i32>} : memref<80x128xf32, #tpu.memory_space<vmem>>, vector<16xf32>,
            %mul3A_983 = arith.mulf %get3A_982, %broadcast_in_dim3A_940 : vector<16xf32>
            %swap3A_984 = arith.index_cast %add3A_944 : i32 to index
            %swap3A_985 = arith.constant 80 : index
            %swap3A_986 = tpu.vector_load %arg19[%swap3A_984, %swap3A_985] {strides = array<i32>} : memref<80x128xf32, #tpu.memory_space<vmem>>, vector<16xf32>,
            tpu.vector_store %arg19[%swap3A_984, %swap3A_985], %mul3A_983 {strides = array<i32>} : memref<80x128xf32, #tpu.memory_space<vmem>>, vector<16xf32>,
            %get3A_987 = arith.index_cast %add3A_944 : i32 to index
            %get3A_988 = arith.constant 96 : index
            %get3A_989 = tpu.vector_load %arg19[%get3A_987, %get3A_988] {strides = array<i32>} : memref<80x128xf32, #tpu.memory_space<vmem>>, vector<16xf32>,
            %mul3A_990 = arith.mulf %get3A_989, %broadcast_in_dim3A_940 : vector<16xf32>
            %swap3A_991 = arith.index_cast %add3A_944 : i32 to index
            %swap3A_992 = arith.constant 96 : index
            %swap3A_993 = tpu.vector_load %arg19[%swap3A_991, %swap3A_992] {strides = array<i32>} : memref<80x128xf32, #tpu.memory_space<vmem>>, vector<16xf32>,
            tpu.vector_store %arg19[%swap3A_991, %swap3A_992], %mul3A_990 {strides = array<i32>} : memref<80x128xf32, #tpu.memory_space<vmem>>, vector<16xf32>,
            %get3A_994 = arith.index_cast %add3A_944 : i32 to index
            %get3A_995 = arith.constant 112 : index
            %get3A_996 = tpu.vector_load %arg19[%get3A_994, %get3A_995] {strides = array<i32>} : memref<80x128xf32, #tpu.memory_space<vmem>>, vector<16xf32>,
            %mul3A_997 = arith.mulf %get3A_996, %broadcast_in_dim3A_940 : vector<16xf32>
            %swap3A_998 = arith.index_cast %add3A_944 : i32 to index
            %swap3A_999 = arith.constant 112 : index
            %swap3A_1000 = tpu.vector_load %arg19[%swap3A_998, %swap3A_999] {strides = array<i32>} : memref<80x128xf32, #tpu.memory_space<vmem>>, vector<16xf32>,
            tpu.vector_store %arg19[%swap3A_998, %swap3A_999], %mul3A_997 {strides = array<i32>} : memref<80x128xf32, #tpu.memory_space<vmem>>, vector<16xf32>,
            %slice3A_1001 = vector.extract_strided_slice %get3A_122 {offsets = [14], sizes = [1], strides = [1]} : vector<16xf32> to vector<1xf32>
            %squeeze3A_1002 = vector.extract %slice3A_1001[0] : f32 from vector<1xf32>
            %broadcast_in_dim3A_1003 = vector.broadcast %squeeze3A_1002 : f32 to vector<16xf32>
            %mul3A_1004 = arith.constant 16 : i32
            %mul3A_1005 = arith.muli %scan3A_117, %mul3A_1004 : i32
            %add3A_1006 = arith.constant 14 : i32
            %add3A_1007 = arith.addi %mul3A_1005, %add3A_1006 : i32
            %get3A_1008 = arith.index_cast %add3A_1007 : i32 to index
            %get3A_1009 = arith.constant 0 : index
            %get3A_1010 = tpu.vector_load %arg19[%get3A_1008, %get3A_1009] {strides = array<i32>} : memref<80x128xf32, #tpu.memory_space<vmem>>, vector<16xf32>,
            %mul3A_1011 = arith.mulf %get3A_1010, %broadcast_in_dim3A_1003 : vector<16xf32>
            %swap3A_1012 = arith.index_cast %add3A_1007 : i32 to index
            %swap3A_1013 = arith.constant 0 : index
            %swap3A_1014 = tpu.vector_load %arg19[%swap3A_1012, %swap3A_1013] {strides = array<i32>} : memref<80x128xf32, #tpu.memory_space<vmem>>, vector<16xf32>,
            tpu.vector_store %arg19[%swap3A_1012, %swap3A_1013], %mul3A_1011 {strides = array<i32>} : memref<80x128xf32, #tpu.memory_space<vmem>>, vector<16xf32>,
            %get3A_1015 = arith.index_cast %add3A_1007 : i32 to index
            %get3A_1016 = arith.constant 16 : index
            %get3A_1017 = tpu.vector_load %arg19[%get3A_1015, %get3A_1016] {strides = array<i32>} : memref<80x128xf32, #tpu.memory_space<vmem>>, vector<16xf32>,
            %mul3A_1018 = arith.mulf %get3A_1017, %broadcast_in_dim3A_1003 : vector<16xf32>
            %swap3A_1019 = arith.index_cast %add3A_1007 : i32 to index
            %swap3A_1020 = arith.constant 16 : index
            %swap3A_1021 = tpu.vector_load %arg19[%swap3A_1019, %swap3A_1020] {strides = array<i32>} : memref<80x128xf32, #tpu.memory_space<vmem>>, vector<16xf32>,
            tpu.vector_store %arg19[%swap3A_1019, %swap3A_1020], %mul3A_1018 {strides = array<i32>} : memref<80x128xf32, #tpu.memory_space<vmem>>, vector<16xf32>,
            %get3A_1022 = arith.index_cast %add3A_1007 : i32 to index
            %get3A_1023 = arith.constant 32 : index
            %get3A_1024 = tpu.vector_load %arg19[%get3A_1022, %get3A_1023] {strides = array<i32>} : memref<80x128xf32, #tpu.memory_space<vmem>>, vector<16xf32>,
            %mul3A_1025 = arith.mulf %get3A_1024, %broadcast_in_dim3A_1003 : vector<16xf32>
            %swap3A_1026 = arith.index_cast %add3A_1007 : i32 to index
            %swap3A_1027 = arith.constant 32 : index
            %swap3A_1028 = tpu.vector_load %arg19[%swap3A_1026, %swap3A_1027] {strides = array<i32>} : memref<80x128xf32, #tpu.memory_space<vmem>>, vector<16xf32>,
            tpu.vector_store %arg19[%swap3A_1026, %swap3A_1027], %mul3A_1025 {strides = array<i32>} : memref<80x128xf32, #tpu.memory_space<vmem>>, vector<16xf32>,
            %get3A_1029 = arith.index_cast %add3A_1007 : i32 to index
            %get3A_1030 = arith.constant 48 : index
            %get3A_1031 = tpu.vector_load %arg19[%get3A_1029, %get3A_1030] {strides = array<i32>} : memref<80x128xf32, #tpu.memory_space<vmem>>, vector<16xf32>,
            %mul3A_1032 = arith.mulf %get3A_1031, %broadcast_in_dim3A_1003 : vector<16xf32>
            %swap3A_1033 = arith.index_cast %add3A_1007 : i32 to index
            %swap3A_1034 = arith.constant 48 : index
            %swap3A_1035 = tpu.vector_load %arg19[%swap3A_1033, %swap3A_1034] {strides = array<i32>} : memref<80x128xf32, #tpu.memory_space<vmem>>, vector<16xf32>,
            tpu.vector_store %arg19[%swap3A_1033, %swap3A_1034], %mul3A_1032 {strides = array<i32>} : memref<80x128xf32, #tpu.memory_space<vmem>>, vector<16xf32>,
            %get3A_1036 = arith.index_cast %add3A_1007 : i32 to index
            %get3A_1037 = arith.constant 64 : index
            %get3A_1038 = tpu.vector_load %arg19[%get3A_1036, %get3A_1037] {strides = array<i32>} : memref<80x128xf32, #tpu.memory_space<vmem>>, vector<16xf32>,
            %mul3A_1039 = arith.mulf %get3A_1038, %broadcast_in_dim3A_1003 : vector<16xf32>
            %swap3A_1040 = arith.index_cast %add3A_1007 : i32 to index
            %swap3A_1041 = arith.constant 64 : index
            %swap3A_1042 = tpu.vector_load %arg19[%swap3A_1040, %swap3A_1041] {strides = array<i32>} : memref<80x128xf32, #tpu.memory_space<vmem>>, vector<16xf32>,
            tpu.vector_store %arg19[%swap3A_1040, %swap3A_1041], %mul3A_1039 {strides = array<i32>} : memref<80x128xf32, #tpu.memory_space<vmem>>, vector<16xf32>,
            %get3A_1043 = arith.index_cast %add3A_1007 : i32 to index
            %get3A_1044 = arith.constant 80 : index
            %get3A_1045 = tpu.vector_load %arg19[%get3A_1043, %get3A_1044] {strides = array<i32>} : memref<80x128xf32, #tpu.memory_space<vmem>>, vector<16xf32>,
            %mul3A_1046 = arith.mulf %get3A_1045, %broadcast_in_dim3A_1003 : vector<16xf32>
            %swap3A_1047 = arith.index_cast %add3A_1007 : i32 to index
            %swap3A_1048 = arith.constant 80 : index
            %swap3A_1049 = tpu.vector_load %arg19[%swap3A_1047, %swap3A_1048] {strides = array<i32>} : memref<80x128xf32, #tpu.memory_space<vmem>>, vector<16xf32>,
            tpu.vector_store %arg19[%swap3A_1047, %swap3A_1048], %mul3A_1046 {strides = array<i32>} : memref<80x128xf32, #tpu.memory_space<vmem>>, vector<16xf32>,
            %get3A_1050 = arith.index_cast %add3A_1007 : i32 to index
            %get3A_1051 = arith.constant 96 : index
            %get3A_1052 = tpu.vector_load %arg19[%get3A_1050, %get3A_1051] {strides = array<i32>} : memref<80x128xf32, #tpu.memory_space<vmem>>, vector<16xf32>,
            %mul3A_1053 = arith.mulf %get3A_1052, %broadcast_in_dim3A_1003 : vector<16xf32>
            %swap3A_1054 = arith.index_cast %add3A_1007 : i32 to index
            %swap3A_1055 = arith.constant 96 : index
            %swap3A_1056 = tpu.vector_load %arg19[%swap3A_1054, %swap3A_1055] {strides = array<i32>} : memref<80x128xf32, #tpu.memory_space<vmem>>, vector<16xf32>,
            tpu.vector_store %arg19[%swap3A_1054, %swap3A_1055], %mul3A_1053 {strides = array<i32>} : memref<80x128xf32, #tpu.memory_space<vmem>>, vector<16xf32>,
            %get3A_1057 = arith.index_cast %add3A_1007 : i32 to index
            %get3A_1058 = arith.constant 112 : index
            %get3A_1059 = tpu.vector_load %arg19[%get3A_1057, %get3A_1058] {strides = array<i32>} : memref<80x128xf32, #tpu.memory_space<vmem>>, vector<16xf32>,
            %mul3A_1060 = arith.mulf %get3A_1059, %broadcast_in_dim3A_1003 : vector<16xf32>
            %swap3A_1061 = arith.index_cast %add3A_1007 : i32 to index
            %swap3A_1062 = arith.constant 112 : index
            %swap3A_1063 = tpu.vector_load %arg19[%swap3A_1061, %swap3A_1062] {strides = array<i32>} : memref<80x128xf32, #tpu.memory_space<vmem>>, vector<16xf32>,
            tpu.vector_store %arg19[%swap3A_1061, %swap3A_1062], %mul3A_1060 {strides = array<i32>} : memref<80x128xf32, #tpu.memory_space<vmem>>, vector<16xf32>,
            %slice3A_1064 = vector.extract_strided_slice %get3A_122 {offsets = [15], sizes = [1], strides = [1]} : vector<16xf32> to vector<1xf32>
            %squeeze3A_1065 = vector.extract %slice3A_1064[0] : f32 from vector<1xf32>
            %broadcast_in_dim3A_1066 = vector.broadcast %squeeze3A_1065 : f32 to vector<16xf32>
            %mul3A_1067 = arith.constant 16 : i32
            %mul3A_1068 = arith.muli %scan3A_117, %mul3A_1067 : i32
            %add3A_1069 = arith.constant 15 : i32
            %add3A_1070 = arith.addi %mul3A_1068, %add3A_1069 : i32
            %get3A_1071 = arith.index_cast %add3A_1070 : i32 to index
            %get3A_1072 = arith.constant 0 : index
            %get3A_1073 = tpu.vector_load %arg19[%get3A_1071, %get3A_1072] {strides = array<i32>} : memref<80x128xf32, #tpu.memory_space<vmem>>, vector<16xf32>,
            %mul3A_1074 = arith.mulf %get3A_1073, %broadcast_in_dim3A_1066 : vector<16xf32>
            %swap3A_1075 = arith.index_cast %add3A_1070 : i32 to index
            %swap3A_1076 = arith.constant 0 : index
            %swap3A_1077 = tpu.vector_load %arg19[%swap3A_1075, %swap3A_1076] {strides = array<i32>} : memref<80x128xf32, #tpu.memory_space<vmem>>, vector<16xf32>,
            tpu.vector_store %arg19[%swap3A_1075, %swap3A_1076], %mul3A_1074 {strides = array<i32>} : memref<80x128xf32, #tpu.memory_space<vmem>>, vector<16xf32>,
            %get3A_1078 = arith.index_cast %add3A_1070 : i32 to index
            %get3A_1079 = arith.constant 16 : index
            %get3A_1080 = tpu.vector_load %arg19[%get3A_1078, %get3A_1079] {strides = array<i32>} : memref<80x128xf32, #tpu.memory_space<vmem>>, vector<16xf32>,
            %mul3A_1081 = arith.mulf %get3A_1080, %broadcast_in_dim3A_1066 : vector<16xf32>
            %swap3A_1082 = arith.index_cast %add3A_1070 : i32 to index
            %swap3A_1083 = arith.constant 16 : index
            %swap3A_1084 = tpu.vector_load %arg19[%swap3A_1082, %swap3A_1083] {strides = array<i32>} : memref<80x128xf32, #tpu.memory_space<vmem>>, vector<16xf32>,
            tpu.vector_store %arg19[%swap3A_1082, %swap3A_1083], %mul3A_1081 {strides = array<i32>} : memref<80x128xf32, #tpu.memory_space<vmem>>, vector<16xf32>,
            %get3A_1085 = arith.index_cast %add3A_1070 : i32 to index
            %get3A_1086 = arith.constant 32 : index
            %get3A_1087 = tpu.vector_load %arg19[%get3A_1085, %get3A_1086] {strides = array<i32>} : memref<80x128xf32, #tpu.memory_space<vmem>>, vector<16xf32>,
            %mul3A_1088 = arith.mulf %get3A_1087, %broadcast_in_dim3A_1066 : vector<16xf32>
            %swap3A_1089 = arith.index_cast %add3A_1070 : i32 to index
            %swap3A_1090 = arith.constant 32 : index
            %swap3A_1091 = tpu.vector_load %arg19[%swap3A_1089, %swap3A_1090] {strides = array<i32>} : memref<80x128xf32, #tpu.memory_space<vmem>>, vector<16xf32>,
            tpu.vector_store %arg19[%swap3A_1089, %swap3A_1090], %mul3A_1088 {strides = array<i32>} : memref<80x128xf32, #tpu.memory_space<vmem>>, vector<16xf32>,
            %get3A_1092 = arith.index_cast %add3A_1070 : i32 to index
            %get3A_1093 = arith.constant 48 : index
            %get3A_1094 = tpu.vector_load %arg19[%get3A_1092, %get3A_1093] {strides = array<i32>} : memref<80x128xf32, #tpu.memory_space<vmem>>, vector<16xf32>,
            %mul3A_1095 = arith.mulf %get3A_1094, %broadcast_in_dim3A_1066 : vector<16xf32>
            %swap3A_1096 = arith.index_cast %add3A_1070 : i32 to index
            %swap3A_1097 = arith.constant 48 : index
            %swap3A_1098 = tpu.vector_load %arg19[%swap3A_1096, %swap3A_1097] {strides = array<i32>} : memref<80x128xf32, #tpu.memory_space<vmem>>, vector<16xf32>,
            tpu.vector_store %arg19[%swap3A_1096, %swap3A_1097], %mul3A_1095 {strides = array<i32>} : memref<80x128xf32, #tpu.memory_space<vmem>>, vector<16xf32>,
            %get3A_1099 = arith.index_cast %add3A_1070 : i32 to index
            %get3A_1100 = arith.constant 64 : index
            %get3A_1101 = tpu.vector_load %arg19[%get3A_1099, %get3A_1100] {strides = array<i32>} : memref<80x128xf32, #tpu.memory_space<vmem>>, vector<16xf32>,
            %mul3A_1102 = arith.mulf %get3A_1101, %broadcast_in_dim3A_1066 : vector<16xf32>
            %swap3A_1103 = arith.index_cast %add3A_1070 : i32 to index
            %swap3A_1104 = arith.constant 64 : index
            %swap3A_1105 = tpu.vector_load %arg19[%swap3A_1103, %swap3A_1104] {strides = array<i32>} : memref<80x128xf32, #tpu.memory_space<vmem>>, vector<16xf32>,
            tpu.vector_store %arg19[%swap3A_1103, %swap3A_1104], %mul3A_1102 {strides = array<i32>} : memref<80x128xf32, #tpu.memory_space<vmem>>, vector<16xf32>,
            %get3A_1106 = arith.index_cast %add3A_1070 : i32 to index
            %get3A_1107 = arith.constant 80 : index
            %get3A_1108 = tpu.vector_load %arg19[%get3A_1106, %get3A_1107] {strides = array<i32>} : memref<80x128xf32, #tpu.memory_space<vmem>>, vector<16xf32>,
            %mul3A_1109 = arith.mulf %get3A_1108, %broadcast_in_dim3A_1066 : vector<16xf32>
            %swap3A_1110 = arith.index_cast %add3A_1070 : i32 to index
            %swap3A_1111 = arith.constant 80 : index
            %swap3A_1112 = tpu.vector_load %arg19[%swap3A_1110, %swap3A_1111] {strides = array<i32>} : memref<80x128xf32, #tpu.memory_space<vmem>>, vector<16xf32>,
            tpu.vector_store %arg19[%swap3A_1110, %swap3A_1111], %mul3A_1109 {strides = array<i32>} : memref<80x128xf32, #tpu.memory_space<vmem>>, vector<16xf32>,
            %get3A_1113 = arith.index_cast %add3A_1070 : i32 to index
            %get3A_1114 = arith.constant 96 : index
            %get3A_1115 = tpu.vector_load %arg19[%get3A_1113, %get3A_1114] {strides = array<i32>} : memref<80x128xf32, #tpu.memory_space<vmem>>, vector<16xf32>,
            %mul3A_1116 = arith.mulf %get3A_1115, %broadcast_in_dim3A_1066 : vector<16xf32>
            %swap3A_1117 = arith.index_cast %add3A_1070 : i32 to index
            %swap3A_1118 = arith.constant 96 : index
            %swap3A_1119 = tpu.vector_load %arg19[%swap3A_1117, %swap3A_1118] {strides = array<i32>} : memref<80x128xf32, #tpu.memory_space<vmem>>, vector<16xf32>,
            tpu.vector_store %arg19[%swap3A_1117, %swap3A_1118], %mul3A_1116 {strides = array<i32>} : memref<80x128xf32, #tpu.memory_space<vmem>>, vector<16xf32>,
            %get3A_1120 = arith.index_cast %add3A_1070 : i32 to index
            %get3A_1121 = arith.constant 112 : index
            %get3A_1122 = tpu.vector_load %arg19[%get3A_1120, %get3A_1121] {strides = array<i32>} : memref<80x128xf32, #tpu.memory_space<vmem>>, vector<16xf32>,
            %mul3A_1123 = arith.mulf %get3A_1122, %broadcast_in_dim3A_1066 : vector<16xf32>
            %swap3A_1124 = arith.index_cast %add3A_1070 : i32 to index
            %swap3A_1125 = arith.constant 112 : index
            %swap3A_1126 = tpu.vector_load %arg19[%swap3A_1124, %swap3A_1125] {strides = array<i32>} : memref<80x128xf32, #tpu.memory_space<vmem>>, vector<16xf32>,
            tpu.vector_store %arg19[%swap3A_1124, %swap3A_1125], %mul3A_1123 {strides = array<i32>} : memref<80x128xf32, #tpu.memory_space<vmem>>, vector<16xf32>,
          }
          %scan3A_110 = arith.constant 5 : i32
          %dma_start3A_111 = arith.constant 0 : i32
          %dma_start3A_112 = tpu.memref_slice %arg15[%scan3A_53, %dma_start3A_111] : memref<25x80xi32, #tpu.memory_space<vmem>> -> memref<1x80xi32, #tpu.memory_space<vmem>>
          %dma_start3A_113 = tpu.memref_squeeze %dma_start3A_112 : memref<1x80xi32, #tpu.memory_space<vmem>> -> memref<80xi32, #tpu.memory_space<vmem>>
          %dma_start3A_114 = arith.constant 0 : i32
          %dma_start3A_115 = arith.constant 0 : i32
          %dma_start3A_116 = tpu.memref_slice %arg21[%dma_start3A_114, %dma_start3A_115] : memref<10000x128xf32, #tpu.memory_space<vmem_shared>> -> memref<10000x128xf32, #tpu.memory_space<vmem_shared>>
          tpu.enqueue_indirect_dma source(%arg19 : memref<80x128xf32, #tpu.memory_space<vmem>>) target(%dma_start3A_116 : memref<10000x128xf32, #tpu.memory_space<vmem_shared>>) offsets(%dma_start3A_113 : memref<80xi32, #tpu.memory_space<vmem>>) semaphore(%arg26 : memref<!tpu.dma_semaphore, #tpu.memory_space<semaphore_mem>>) {add = true}
        } else {
        }
      }
      %scan3A_46 = arith.constant 25 : i32
      %dma_wait3A = arith.constant 0 : i32
      %dma_wait3A_47 = arith.constant 0 : i32
      %dma_wait3A_48 = tpu.memref_slice %arg15[%dma_wait3A, %dma_wait3A_47] : memref<25x80xi32, #tpu.memory_space<vmem>> -> memref<1x80xi32, #tpu.memory_space<vmem>>
      %dma_wait3A_49 = tpu.memref_squeeze %dma_wait3A_48 : memref<1x80xi32, #tpu.memory_space<vmem>> -> memref<80xi32, #tpu.memory_space<vmem>>
      %dma_wait3A_50 = arith.constant 0 : i32
      %dma_wait3A_51 = arith.constant 0 : i32
      %dma_wait3A_52 = tpu.memref_slice %arg21[%dma_wait3A_50, %dma_wait3A_51] : memref<10000x128xf32, #tpu.memory_space<vmem_shared>> -> memref<10000x128xf32, #tpu.memory_space<vmem_shared>>
      tpu.wait_indirect_dma semaphore(%arg25 : memref<!tpu.dma_semaphore, #tpu.memory_space<semaphore_mem>>) src(%arg18 : memref<80x128xf32, #tpu.memory_space<vmem>>) dst(%dma_wait3A_52 : memref<10000x128xf32, #tpu.memory_space<vmem_shared>>)
    }
    %scan3A_19 = arith.constant 5 : i32
    %barrier3A_20 = arith.constant 0 : index
    tpu.barrier barrier_id(%barrier3A_20)
    %lt3A_21 = arith.constant 10 : i32
    %lt3A_22 = arith.cmpi slt, %arg1, %lt3A_21 : i32
    %convert_element_type3A_23 = arith.extui %lt3A_22 : i1 to i32
    %cond3A_24 = arith.constant 0 : i32
    %cond3A_25 = arith.cmpi ne, %convert_element_type3A_23, %cond3A_24 : i32
    scf.if %cond3A_25 {
      %mul3A_26 = arith.constant 1000 : i32
      %mul3A_27 = arith.muli %arg1, %mul3A_26 : i32
      "tpu.region"() ({
        %run_scoped3A = tpu.sem_alloc : memref<!tpu.dma_semaphore, #tpu.memory_space<semaphore_mem>>
        %dma_start3A = arith.constant 0 : i32
        %dma_start3A_28 = tpu.memref_slice %arg10[%arg0, %mul3A_27, %dma_start3A] : memref<2x10000x128xf32, #tpu.memory_space<hbm>> -> memref<1x1000x128xf32, #tpu.memory_space<hbm>>
        %dma_start3A_29 = tpu.memref_squeeze %dma_start3A_28 : memref<1x1000x128xf32, #tpu.memory_space<hbm>> -> memref<1000x128xf32, #tpu.memory_space<hbm>>
        %dma_start3A_30 = arith.constant 0 : i32
        %dma_start3A_31 = tpu.memref_slice %arg21[%mul3A_27, %dma_start3A_30] : memref<10000x128xf32, #tpu.memory_space<vmem_shared>> -> memref<1000x128xf32, #tpu.memory_space<vmem_shared>>
        tpu.enqueue_dma source(%dma_start3A_31 : memref<1000x128xf32, #tpu.memory_space<vmem_shared>>) target(%dma_start3A_29 : memref<1000x128xf32, #tpu.memory_space<hbm>>) target_semaphore(%run_scoped3A : memref<!tpu.dma_semaphore, #tpu.memory_space<semaphore_mem>>)
        %dma_wait3A = arith.constant 0 : i32
        %dma_wait3A_32 = tpu.memref_slice %arg10[%arg0, %mul3A_27, %dma_wait3A] : memref<2x10000x128xf32, #tpu.memory_space<hbm>> -> memref<1x1000x128xf32, #tpu.memory_space<hbm>>
        %dma_wait3A_33 = tpu.memref_squeeze %dma_wait3A_32 : memref<1x1000x128xf32, #tpu.memory_space<hbm>> -> memref<1000x128xf32, #tpu.memory_space<hbm>>
        %dma_wait3A_34 = arith.constant 0 : i32
        %dma_wait3A_35 = tpu.memref_slice %arg21[%mul3A_27, %dma_wait3A_34] : memref<10000x128xf32, #tpu.memory_space<vmem_shared>> -> memref<1000x128xf32, #tpu.memory_space<vmem_shared>>
        tpu.wait_dma2 semaphore(%run_scoped3A : memref<!tpu.dma_semaphore, #tpu.memory_space<semaphore_mem>>) src(%dma_wait3A_35 : memref<1000x128xf32, #tpu.memory_space<vmem_shared>>) dst(%dma_wait3A_33 : memref<1000x128xf32, #tpu.memory_space<hbm>>)
        tpu.yield
      }) : () -> ()
    } else {
    }
    return
  }
}

module attributes {stable_mosaic.version = 14 : i64} {
  func.func @_mm_body(%arg0: i32, %arg1: memref<1000x128xf32, #tpu.memory_space<vmem>>, %arg2: memref<128x128xf32, #tpu.memory_space<vmem>>, %arg3: memref<128x1xf32, #tpu.memory_space<vmem>>, %arg4: memref<128x1xf32, #tpu.memory_space<vmem>>, %arg5: memref<1000x128xf32, #tpu.memory_space<vmem>>, %arg6: memref<1000x1xf32, #tpu.memory_space<vmem>>, %arg7: memref<1000x1xf32, #tpu.memory_space<vmem>>, %arg8: memref<8x128xf32, #tpu.memory_space<vmem>>) attributes {dimension_semantics = [#tpu.dimension_semantics<arbitrary>], iteration_bounds = array<i64: 10>, scalar_prefetch = 0 : i64, scratch_operands = 0 : i64, tpu.core_type = #tpu.core_type<tc>, window_params = [{transform_indices = @transform_0, window_bounds = array<i64: 1000, 128>}, {pipeline_mode = #tpu.pipeline_mode<synchronous>, transform_indices = @transform_1, window_bounds = array<i64: 128, 128>}, {pipeline_mode = #tpu.pipeline_mode<synchronous>, transform_indices = @transform_2, window_bounds = array<i64: 128, 1>}, {pipeline_mode = #tpu.pipeline_mode<synchronous>, transform_indices = @transform_3, window_bounds = array<i64: 128, 1>}, {transform_indices = @transform_4, window_bounds = array<i64: 1000, 128>}, {transform_indices = @transform_5, window_bounds = array<i64: 1000, 1>}, {transform_indices = @transform_6, window_bounds = array<i64: 1000, 1>}, {pipeline_mode = #tpu.pipeline_mode<synchronous>, transform_indices = @transform_7, window_bounds = array<i64: 8, 128>}]} {
    %get3A = arith.constant 0 : index
    %get3A_0 = arith.constant 0 : index
    %get3A_1 = vector.load %arg1[%get3A, %get3A_0] : memref<1000x128xf32, #tpu.memory_space<vmem>>, vector<1000x128xf32>
    %get3A_2 = arith.constant 0 : index
    %get3A_3 = arith.constant 0 : index
    %get3A_4 = vector.load %arg2[%get3A_2, %get3A_3] : memref<128x128xf32, #tpu.memory_space<vmem>>, vector<128x128xf32>
    %dot_general3A = arith.constant dense<0.000000e+00> : vector<1000x128xf32>
    %dot_general3A_5 = tpu.matmul %get3A_1, %get3A_4, %dot_general3A {dimension_numbers = #tpu.dot_dimension_numbers<[1], [0], [0], [1], [0, 0, 1, 1], [], []>, transpose_lhs_hint = false} : vector<1000x128xf32>, vector<128x128xf32>, vector<1000x128xf32> -> vector<1000x128xf32>
    %swap3A = arith.constant 0 : index
    %swap3A_6 = arith.constant 0 : index
    %swap3A_7 = vector.load %arg5[%swap3A, %swap3A_6] : memref<1000x128xf32, #tpu.memory_space<vmem>>, vector<1000x128xf32>
    tpu.vector_store %arg5[%swap3A, %swap3A_6], %dot_general3A_5 {strides = array<i32>} : memref<1000x128xf32, #tpu.memory_space<vmem>>, vector<1000x128xf32>,
    %get3A_8 = arith.constant 0 : index
    %get3A_9 = arith.constant 0 : index
    %get3A_10 = vector.load %arg3[%get3A_8, %get3A_9] : memref<128x1xf32, #tpu.memory_space<vmem>>, vector<128x1xf32>
    %dot_general3A_11 = arith.constant dense<0.000000e+00> : vector<1000x1xf32>
    %dot_general3A_12 = tpu.matmul %dot_general3A_5, %get3A_10, %dot_general3A_11 {dimension_numbers = #tpu.dot_dimension_numbers<[1], [0], [0], [1], [0, 0, 1, 1], [], []>, transpose_lhs_hint = false} : vector<1000x128xf32>, vector<128x1xf32>, vector<1000x1xf32> -> vector<1000x1xf32>
    %get3A_13 = arith.constant 0 : index
    %get3A_14 = arith.constant 0 : index
    %get3A_15 = vector.load %arg4[%get3A_13, %get3A_14] : memref<128x1xf32, #tpu.memory_space<vmem>>, vector<128x1xf32>
    %dot_general3A_16 = arith.constant dense<0.000000e+00> : vector<1000x1xf32>
    %dot_general3A_17 = tpu.matmul %dot_general3A_5, %get3A_15, %dot_general3A_16 {dimension_numbers = #tpu.dot_dimension_numbers<[1], [0], [0], [1], [0, 0, 1, 1], [], []>, transpose_lhs_hint = false} : vector<1000x128xf32>, vector<128x1xf32>, vector<1000x1xf32> -> vector<1000x1xf32>
    %swap3A_18 = arith.constant 0 : index
    %swap3A_19 = arith.constant 0 : index
    %swap3A_20 = vector.load %arg6[%swap3A_18, %swap3A_19] : memref<1000x1xf32, #tpu.memory_space<vmem>>, vector<1000x1xf32>
    tpu.vector_store %arg6[%swap3A_18, %swap3A_19], %dot_general3A_12 {strides = array<i32>} : memref<1000x1xf32, #tpu.memory_space<vmem>>, vector<1000x1xf32>,
    %swap3A_21 = arith.constant 0 : index
    %swap3A_22 = arith.constant 0 : index
    %swap3A_23 = vector.load %arg7[%swap3A_21, %swap3A_22] : memref<1000x1xf32, #tpu.memory_space<vmem>>, vector<1000x1xf32>
    tpu.vector_store %arg7[%swap3A_21, %swap3A_22], %dot_general3A_17 {strides = array<i32>} : memref<1000x1xf32, #tpu.memory_space<vmem>>, vector<1000x1xf32>,
    %eq3A = arith.constant 0 : i32
    %eq3A_24 = arith.cmpi eq, %arg0, %eq3A : i32
    %convert_element_type3A = arith.extui %eq3A_24 : i1 to i32
    %cond3A = arith.constant 0 : i32
    %cond3A_25 = arith.cmpi ne, %convert_element_type3A, %cond3A : i32
    scf.if %cond3A_25 {
      %broadcast_in_dim3A = arith.constant 0xFF800000 : f32
      %broadcast_in_dim3A_43 = vector.broadcast %broadcast_in_dim3A : f32 to vector<8x128xf32>
      %swap3A_44 = arith.constant 0 : index
      %swap3A_45 = arith.constant 0 : index
      %swap3A_46 = vector.load %arg8[%swap3A_44, %swap3A_45] : memref<8x128xf32, #tpu.memory_space<vmem>>, vector<8x128xf32>
      tpu.vector_store %arg8[%swap3A_44, %swap3A_45], %broadcast_in_dim3A_43 {strides = array<i32>} : memref<8x128xf32, #tpu.memory_space<vmem>>, vector<8x128xf32>,
    } else {
    }
    %reduce_max3A = vector.shape_cast %dot_general3A_12 : vector<1000x1xf32> to vector<1x1000x1xf32>
    %reduce_max3A_26 = arith.constant dense<0xFF800000> : vector<1xf32>
    %reduce_max3A_27 = vector.multi_reduction <maximumf>, %reduce_max3A, %reduce_max3A_26 [1, 2] : vector<1x1000x1xf32> to vector<1xf32>
    %reduce_max3A_28 = vector.shape_cast %reduce_max3A_27 : vector<1xf32> to vector<1x1x1xf32>
    %reduce_max3A_29 = vector.extract %reduce_max3A_28[0, 0, 0] : f32 from vector<1x1x1xf32>
    %reduce_max3A_30 = vector.shape_cast %dot_general3A_17 : vector<1000x1xf32> to vector<1x1000x1xf32>
    %reduce_max3A_31 = arith.constant dense<0xFF800000> : vector<1xf32>
    %reduce_max3A_32 = vector.multi_reduction <maximumf>, %reduce_max3A_30, %reduce_max3A_31 [1, 2] : vector<1x1000x1xf32> to vector<1xf32>
    %reduce_max3A_33 = vector.shape_cast %reduce_max3A_32 : vector<1xf32> to vector<1x1x1xf32>
    %reduce_max3A_34 = vector.extract %reduce_max3A_33[0, 0, 0] : f32 from vector<1x1x1xf32>
    %max3A = arith.maximumf %reduce_max3A_29, %reduce_max3A_34 : f32
    %get3A_35 = arith.constant 0 : index
    %get3A_36 = arith.constant 0 : index
    %get3A_37 = vector.load %arg8[%get3A_35, %get3A_36] : memref<8x128xf32, #tpu.memory_space<vmem>>, vector<8x128xf32>
    %max3A_38 = vector.broadcast %max3A : f32 to vector<8x128xf32>
    %max3A_39 = arith.maximumf %get3A_37, %max3A_38 : vector<8x128xf32>
    %swap3A_40 = arith.constant 0 : index
    %swap3A_41 = arith.constant 0 : index
    %swap3A_42 = vector.load %arg8[%swap3A_40, %swap3A_41] : memref<8x128xf32, #tpu.memory_space<vmem>>, vector<8x128xf32>
    tpu.vector_store %arg8[%swap3A_40, %swap3A_41], %max3A_39 {strides = array<i32>} : memref<8x128xf32, #tpu.memory_space<vmem>>, vector<8x128xf32>,
    return
  }
  func.func @transform_0(%arg0: i32) -> (i32, i32) {
    %c0_i32 = arith.constant 0 : i32
    %c0_i32_0 = arith.constant 0 : i32
    return %arg0, %c0_i32 : i32, i32
  }
  func.func @transform_1(%arg0: i32) -> (i32, i32) {
    %c0_i32 = arith.constant 0 : i32
    %c0_i32_0 = arith.constant 0 : i32
    %c0_i32_1 = arith.constant 0 : i32
    return %c0_i32, %c0_i32_0 : i32, i32
  }
  func.func @transform_2(%arg0: i32) -> (i32, i32) {
    %c0_i32 = arith.constant 0 : i32
    %c0_i32_0 = arith.constant 0 : i32
    %c0_i32_1 = arith.constant 0 : i32
    return %c0_i32, %c0_i32_0 : i32, i32
  }
  func.func @transform_3(%arg0: i32) -> (i32, i32) {
    %c0_i32 = arith.constant 0 : i32
    %c0_i32_0 = arith.constant 0 : i32
    %c0_i32_1 = arith.constant 0 : i32
    return %c0_i32, %c0_i32_0 : i32, i32
  }
  func.func @transform_4(%arg0: i32) -> (i32, i32) {
    %c0_i32 = arith.constant 0 : i32
    %c0_i32_0 = arith.constant 0 : i32
    return %arg0, %c0_i32 : i32, i32
  }
  func.func @transform_5(%arg0: i32) -> (i32, i32) {
    %c0_i32 = arith.constant 0 : i32
    %c0_i32_0 = arith.constant 0 : i32
    return %arg0, %c0_i32 : i32, i32
  }
  func.func @transform_6(%arg0: i32) -> (i32, i32) {
    %c0_i32 = arith.constant 0 : i32
    %c0_i32_0 = arith.constant 0 : i32
    return %arg0, %c0_i32 : i32, i32
  }
  func.func @transform_7(%arg0: i32) -> (i32, i32) {
    %c0_i32 = arith.constant 0 : i32
    %c0_i32_0 = arith.constant 0 : i32
    %c0_i32_1 = arith.constant 0 : i32
    return %c0_i32, %c0_i32_0 : i32, i32
  }
}

module attributes {stable_mosaic.version = 14 : i64} {
  func.func @_elu_body(%arg0: i32, %arg1: memref<1000x128xf32, #tpu.memory_space<vmem>>, %arg2: memref<1000x128xf32, #tpu.memory_space<vmem>>, %arg3: memref<1000x128xf32, #tpu.memory_space<vmem>>) attributes {dimension_semantics = [#tpu.dimension_semantics<arbitrary>], iteration_bounds = array<i64: 10>, scalar_prefetch = 0 : i64, scratch_operands = 0 : i64, tpu.core_type = #tpu.core_type<tc>, window_params = [{transform_indices = @transform_0, window_bounds = array<i64: 1000, 128>}, {transform_indices = @transform_1, window_bounds = array<i64: 1000, 128>}, {transform_indices = @transform_2, window_bounds = array<i64: 1000, 128>}]} {
    %get3A = arith.constant 0 : index
    %get3A_0 = arith.constant 0 : index
    %get3A_1 = vector.load %arg1[%get3A, %get3A_0] : memref<1000x128xf32, #tpu.memory_space<vmem>>, vector<1000x128xf32>
    %get3A_2 = arith.constant 0 : index
    %get3A_3 = arith.constant 0 : index
    %get3A_4 = vector.load %arg2[%get3A_2, %get3A_3] : memref<1000x128xf32, #tpu.memory_space<vmem>>, vector<1000x128xf32>
    %add3A = arith.addf %get3A_1, %get3A_4 : vector<1000x128xf32>
    %gt3A = arith.constant 0.000000e+00 : f32
    %gt3A_5 = vector.broadcast %gt3A : f32 to vector<1000x128xf32>
    %gt3A_6 = arith.cmpf ogt, %add3A, %gt3A_5 : vector<1000x128xf32>
    %exp3A = math.exp %add3A : vector<1000x128xf32>
    %sub3A = arith.constant 1.000000e+00 : f32
    %sub3A_7 = vector.broadcast %sub3A : f32 to vector<1000x128xf32>
    %sub3A_8 = arith.subf %exp3A, %sub3A_7 : vector<1000x128xf32>
    %select_n3A = arith.select %gt3A_6, %add3A, %sub3A_8 : vector<1000x128xi1>, vector<1000x128xf32>
    %swap3A = arith.constant 0 : index
    %swap3A_9 = arith.constant 0 : index
    %swap3A_10 = vector.load %arg3[%swap3A, %swap3A_9] : memref<1000x128xf32, #tpu.memory_space<vmem>>, vector<1000x128xf32>
    tpu.vector_store %arg3[%swap3A, %swap3A_9], %select_n3A {strides = array<i32>} : memref<1000x128xf32, #tpu.memory_space<vmem>>, vector<1000x128xf32>,
    return
  }
  func.func @transform_0(%arg0: i32) -> (i32, i32) {
    %c0_i32 = arith.constant 0 : i32
    %c0_i32_0 = arith.constant 0 : i32
    return %arg0, %c0_i32 : i32, i32
  }
  func.func @transform_1(%arg0: i32) -> (i32, i32) {
    %c0_i32 = arith.constant 0 : i32
    %c0_i32_0 = arith.constant 0 : i32
    return %arg0, %c0_i32 : i32, i32
  }
  func.func @transform_2(%arg0: i32) -> (i32, i32) {
    %c0_i32 = arith.constant 0 : i32
    %c0_i32_0 = arith.constant 0 : i32
    return %arg0, %c0_i32 : i32, i32
  }
}

</mosaic_0001>

<sc_bundles>
// kernel: kernel.5.cloned.1.call-start
scs
__scs_entry_jumppad:
0x0: {  	(pc) =	sbr.rel $0x88, $3  }
0x1: {  	(tag) =	ssettag $0x0;
	lr =	simm.s32 $0x1  }
0x2: {  	[smem:$0x3F9D] =	sst lr;
	_ =	strace $0xD0000000  }
0x3: {  	_ = 	snop  }
0x4: {  	_ = 	snop  }
0x5: {  	_ = 	snop  }
0x6: {  	_ = 	snop  }
0x7: {  	_ = 	snop  }
__scs_overlays_trampoline_lowered:
0x8: {  	[smem:$0x3FAC] =	sst s0  }
0x9: {  	[smem:$0x3FAD] =	sst s1  }
0xa: {  	[smem:$0x3FAE] =	sst s2  }
0xb: {  	[smem:$0x3FAF] =	sst s3  }
0xc: {  	[smem:$0x3FB0] =	sst s4  }
0xd: {  	[smem:$0x3FB1] =	sst s5  }
0xe: {  	[smem:$0x3FB2] =	sst s6  }
0xf: {  	[smem:$0x3FB3] =	sst s7  }
0x10: {  	[smem:$0x3FB4] =	sst s8  }
0x11: {  	[smem:$0x3FB5] =	sst s9;
	s0 =	simm.s32 @!p0 $0x0  }
0x12: {  	s1 =	sld [smem:$0x3F9B];
	s0 =	simm.s32 @p0 $0x1  }
0x13: {  	[smem:$0x3FB6] =	sst s0;
	s0 =	simm.s32 @!p1 $0x0  }
0x14: {  	s2 =	sld [smem:$0x3F9A];
	s0 =	simm.s32 @p1 $0x1  }
0x15: {  	[smem:$0x3FB7] =	sst s0;
	s0 =	simm.s32 @!p2 $0x0  }
0x16: {  	s3 =	sld [smem:$0x3FDB];
	s0 =	simm.s32 @p2 $0x1  }
0x17: {  	s4 =	simm.s32 $0x1BF5;
	[smem:$0x3FB9] =	sst s0  }
0x18: {  	s0 =	sld [smem:$0x3F9C];
	_ =	swait.ge [sflag:s4], $0x0  }
0x19: {  	s7 =	sld [smem:$0x3F9D]  }
0x1a: {  	s8 =	sadd.s32 $0xFFFFE003, lr  }
0x1b: {  	s9 =	sadd.s32 $0xFFFFFEF7, lr;
	s5 =	simm.s32 $0xFFFFFFFF;
	p2 =	slt.u32 s8, $0xFFFFF086  }
0x1c: {  	p1 =	slt.u32 s9, $0xF7A;
	s5 =	simm.s32 @!p2 $0x0  }
0x1d: {  	s5 =	simm.s32 @p1 $0x1;
	p0 =	seq.s32 s7, s2  }
0x1e: {  	s7 =	smul.u32 @!p0 $0xF7A, s2;
	p2 =	seq.s32 @!p0 s5, $0x0  }
0x1f: {  	s9 =	smul.u32 $0xF7A, s1;
	s8 =	simm.s32 @!p0 $0x1BF5;
	p2 =	por !p2, p0  }
0x20: {  	[sflag:s8] =	ssyncset.s32 @!p0 $0xFFFFF086;
	s6 =	sadd.s32 @!p0 s3, s7;
	s7 =	simm.s32 @!p0 $0x108  }
0x21: {  	s3 =	sadd.s32 s3, s9;
	s6 =	sadd.s32 @!p0 $0x88, s6;
	s7 =	simm.s32 @p2 $0x1082  }
0x22: {  	[simem:s7], [sflag:s8] =	dma.local @!p0 [hbm:s6], $0xF7A  }
0x23: {  	s9 =	sor.u32 $0xD0000000, s2;
	s6 =	simm.s32 $0x108;
	_ =	swait.ge @!p0 [sflag:s8], $0x0  }
0x24: {  	s3 =	sadd.s32 $0x88, s3;
	s6 =	simm.s32 @!p1 $0x1082;
	[sflag:s4] =	ssyncset.s32 $0xFFFFF086  }
0x25: {  	[simem:s6], [sflag:s4] =	dma.local [hbm:s3], $0xF7A  }
0x26: {  	[smem:$0x3F9D] =	sst s1;
	(tag) =	ssettag s2;
	_ =	strace s9  }
0x27: {  	s1 =	sld [smem:$0x3FAD]  }
0x28: {  	s2 =	sld [smem:$0x3FAE]  }
0x29: {  	s4 =	sld [smem:$0x3FB0]  }
0x2a: {  	p0 =	seq.s32 s5, $0x0;
	s5 =	sld [smem:$0x3FB1]  }
0x2b: {  	s6 =	sld [smem:$0x3FB2]  }
0x2c: {  	s7 =	sld [smem:$0x3FB3]  }
0x2d: {  	s3 =	simm.s32 $0x108;
	s8 =	sld [smem:$0x3FB4]  }
0x2e: {  	s3 =	simm.s32 @!p0 $0x1082;
	s9 =	sld [smem:$0x3FB5]  }
0x2f: {  	lr =	sadd.s32 s0, s3;
	s0 =	sld [smem:$0x3FAC]  }
0x30: {  	s3 =	sld [smem:$0x3FAF]  }
0x31: {  	[smem:$0x3FB8] =	sst s10  }
0x32: {  	s10 =	sld [smem:$0x3FB6];
	_ =	sdelay $0x3  }
0x33: {  	p0 =	seq.s32 s10, $0x1;
	s10 =	sld [smem:$0x3FB8];
	_ =	sdelay $0x3  }
0x34: {  	[smem:$0x3FB8] =	sst s10  }
0x35: {  	s10 =	sld [smem:$0x3FB7];
	_ =	sdelay $0x3  }
0x36: {  	p1 =	seq.s32 s10, $0x1;
	s10 =	sld [smem:$0x3FB8];
	_ =	sdelay $0x3  }
0x37: {  	[smem:$0x3FB8] =	sst s10  }
0x38: {  	s10 =	sld [smem:$0x3FB9]  }
0x39: {  	_ = 	snop;
	(pc) =	sbr.ind lr, $3  }
0x3a: {  	_ = 	snop  }
0x3b: {  	_ = 	snop  }
0x3c: {  	p2 =	seq.s32 s10, $0x1;
	s10 =	sld [smem:$0x3FB8]  }
0x3d: {  	_ =	shalt  }
0x3e: {  	_ =	shalt  }
0x3f: {  	_ =	shalt  }
0x40: {  	_ =	shalt  }
0x41: {  	_ =	shalt  }
0x42: {  	_ =	shalt  }
0x43: {  	_ =	shalt  }
0x44: {  	_ =	shalt  }
0x45: {  	_ =	shalt  }
0x46: {  	_ =	shalt  }
0x47: {  	_ =	shalt  }
0x48: {  	_ =	shalt  }
0x49: {  	_ =	shalt  }
0x4a: {  	_ =	shalt  }
0x4b: {  	_ =	shalt  }
0x4c: {  	_ =	shalt  }
0x4d: {  	_ =	shalt  }
0x4e: {  	_ =	shalt  }
0x4f: {  	_ =	shalt  }
0x50: {  	_ =	shalt  }
0x51: {  	_ =	shalt  }
0x52: {  	_ =	shalt  }
0x53: {  	_ =	shalt  }
0x54: {  	_ =	shalt  }
0x55: {  	_ =	shalt  }
0x56: {  	_ =	shalt  }
0x57: {  	_ =	shalt  }
0x58: {  	_ =	shalt  }
0x59: {  	_ =	shalt  }
0x5a: {  	_ =	shalt  }
0x5b: {  	_ =	shalt  }
0x5c: {  	_ =	shalt  }
0x5d: {  	_ =	shalt  }
0x5e: {  	_ =	shalt  }
0x5f: {  	_ =	shalt  }
0x60: {  	_ =	shalt  }
0x61: {  	_ =	shalt  }
0x62: {  	_ =	shalt  }
0x63: {  	_ =	shalt  }
0x64: {  	_ =	shalt  }
0x65: {  	_ =	shalt  }
0x66: {  	_ =	shalt  }
0x67: {  	_ =	shalt  }
0x68: {  	_ =	shalt  }
0x69: {  	_ =	shalt  }
0x6a: {  	_ =	shalt  }
0x6b: {  	_ =	shalt  }
0x6c: {  	_ =	shalt  }
0x6d: {  	_ =	shalt  }
0x6e: {  	_ =	shalt  }
0x6f: {  	_ =	shalt  }
0x70: {  	_ =	shalt  }
0x71: {  	_ =	shalt  }
0x72: {  	_ =	shalt  }
0x73: {  	_ =	shalt  }
0x74: {  	_ =	shalt  }
0x75: {  	_ =	shalt  }
0x76: {  	_ =	shalt  }
0x77: {  	_ =	shalt  }
0x78: {  	_ =	shalt  }
0x79: {  	_ =	shalt  }
0x7a: {  	_ =	shalt  }
0x7b: {  	_ =	shalt  }
0x7c: {  	_ =	shalt  }
0x7d: {  	_ =	shalt  }
0x7e: {  	_ =	shalt  }
0x7f: {  	_ =	shalt  }
0x80: {  	_ =	shalt  }
0x81: {  	_ =	shalt  }
0x82: {  	_ =	shalt  }
0x83: {  	_ =	shalt  }
0x84: {  	_ =	shalt  }
0x85: {  	_ =	shalt  }
0x86: {  	_ =	shalt  }
0x87: {  	_ =	shalt  }
.Lfunc_end0:
.L_simem_size_0:
called_computation_lowered:
.L_overlay_start_0:
0x88: {  	s2 =	sld [smem:$0x3FD9]  }
0x89: {  	s3 =	sld [smem:$0x3FFE];
	_ =	sdelay $0x1  }
0x8a: {  	s1 =	srdreg.scid  }
0x8b: {  	s0 =	sand.u32 $0x1, s1  }
0x8c: {  	s17 =	sshll.u32 s0, $0xA;
	s2 =	sadd.s32 s3, s2  }
0x8d: {  	s2 =	sadd.s32 s2, s17  }
0x8e: {  	[smem:$0x3FC4] =	sst s2  }
0x8f: {  	_ = 	snop  }
0x90: {  	s2 =	sld [smem:$0x3FD0];
	(tm) =	ssettm $0x1  }
0x91: {  	s18 =	sld [smem:$0x3FFB];
	_ =	sdelay $0x3  }
0x92: {  	_ =	strace s18  }
0x93: {  	s3 =	sld [smem:$0x3FFC];
	_ =	sdelay $0x3  }
0x94: {  	_ =	strace s3  }
0x95: {  	s3 =	sld [smem:$0x3FFD];
	_ =	sdelay $0x3  }
0x96: {  	_ =	strace s3  }
0x97: {  	_ =	strace $0x8FFFFFFF  }
0x98: {  	s19 =	sld [smem:$0x3FDB];
	_ =	sdelay $0x1  }
0x99: {  	s4 =	simm.s32 $_scs_section_size  }
0x9a: {  	s5 =	simm.s32 $_size__tile_overlayer_lowered;
	s6 =	simm.s32 $_tile_overlayer_lowered  }
0x9b: {  	s22 =	simm.s32 $0x1BFF;
	s21 =	sshll.u32 s6, $0x1;
	s3 =	sadd.s32 s4, s19  }
0x9c: {  	s7 =	simm.s32 $0x0;
	s20 =	sshll.u32 s5, $0x1;
	s5 =	sadd.s32 s21, s3  }
0x9d: {  	[timem:s7], [sflag:s22] =	dma.local [hbm:s5], s20  }
0x9e: {  	_ =	swait.ge [sflag:s22], s20  }
0x9f: {  	s4 =	ssub.s32 $0x0, s20;
	[sflag:s22] =	ssyncset.done $0x0  }
0xa0: {  	[sflag:s22] =	ssyncadd.s32 s4;
	_ =	sdelay $0x1  }
0xa1: {  	s23 =	simm.s32 $0x1B8B  }
0xa2: {  	_ =	swait.ge [sflag:s23], $0x1  }
0xa3: {  	[sflag:s23] =	ssyncset.done $0x0  }
0xa4: {  	s25 =	simm.s32 $0x1B8E;
	s24 =	sld [smem:$0x3FFE];
	[sflag:s23] =	ssyncadd.s32 $0xFFFFFFFF  }
0xa5: {  	s26 =	simm.s32 $execute0_lowered;
	[smem:$0x3FD2] =	sst s25  }
0xa6: {  	s5 =	sshll.u32 s26, $0x1;
	_ =	strace $0x80000046;
	[dreg:$0x1] =	wrdreg $0xFFFFFFFF  }
0xa7: {  	s28 =	simm.s32 $_size_execute0_lowered;
	s3 =	sadd.s32 s3, s5;
	[dreg:$0x0] =	wrdreg $0x0  }
0xa8: {  	s5 =	sshll.u32 s28, $0x1;
	[dreg:$0x2] =	wrdreg s3  }
0xa9: {  	[dreg:$0x3] =	wrdreg s5  }
0xaa: {  	[dreg:$0x4] =	wrdreg $0xC0  }
0xab: {  	_ =	task [dreg:s7], $0x5FFFF  }
0xac: {  	[dreg:$0x1] =	wrdreg $0xFFFFFFFF  }
0xad: {  	[dreg:$0x0] =	wrdreg $0x60  }
0xae: {  	[dreg:$0x2] =	wrdreg s2  }
0xaf: {  	[dreg:$0x3] =	wrdreg s24  }
0xb0: {  	[dreg:$0x4] =	wrdreg $0xB8180  }
0xb1: {  	[dreg:$0x5] =	wrdreg $0xB5A00  }
0xb2: {  	[dreg:$0x6] =	wrdreg $0x9  }
0xb3: {  	_ =	task.clear_ibuf [dreg:s7], $0x7FFFF;
	_ =	strace $0x90000046  }
0xb4: {  	s29 =	simm.s32 $0x9;
	_ =	strace $0x80000048  }
0xb5: {  	_ =	swait.ge [sflag:s29], $0x1  }
0xb6: {  	[sflag:s29] =	ssyncadd.s32 $0xFFFFFFFF  }
0xb7: {  	_ =	strace $0x90000048  }
0xb8: {  	_ =	sfence  }
0xb9: {  	s30 =	sld [smem:$0x0];
	_ =	sdelay $0x2  }
0xba: {  	s31 =	sshll.u32 s1, $0xD;
	s1 =	sshrl.u32 s1, $0x2  }
0xbb: {  	s3 =	sand.u32 $0x4000, s31;
	s1 =	sadd.s32 s1, s30  }
0xbc: {  	s0 =	sor.u32 s3, s0;
	s1 =	sshll.u32 s1, $0x11  }
0xbd: {  	s0 =	sor.u32 s1, s0  }
0xbe: {  	s0 =	sadd.s32 $0x8F2B, s0  }
0xbf: {  	[sflag:s0] =	ssyncadd.remote.s32 $0x1  }
0xc0: {  	_ =	sfence.sel $0xFFFF  }
0xc1: {  	[dreg:$0x0] =	wrdreg $0xFFFFFFFF;
	(pc) =	sbr.abs _section_cstart, $3  }
0xc2: {  	[dreg:$0x1] =	wrdreg $0xFFFFFFFF  }
0xc3: {  	_ =	task.clear_ibuf [dreg:s7], $0x2FFFF;
	_ =	strace $0x9FFFFFFF  }
0xc4: {  	(tm) =	ssettm $0x7FFFFFFF  }
0xc5: {  	_ =	shalt  }
tec
execute0_lowered:
.L_overlay_start_1:
0x0: {  	(tag) =	ssettag $0x1  }
0x1: {  	s1 =	rddreg [dreg:$0x0]  }
0x2: {  	s2 =	rddreg [dreg:$0x1]  }
0x3: {  	s3 =	rddreg [dreg:$0x2]  }
0x4: {  	s4 =	rddreg [dreg:$0x3];
	s0 =	srdreg.scid;
	s6 =	simm.s32 $0x0  }
0x5: {  	s17 =	stileid.u32;
	s28 =	simm.s32 $0x55F0;
	s29 =	simm.s32 $0x50  }
0x6: {  	s30 =	simm.s32 $0x5DC0;
	s0 =	sand.u32 $0x1, s0;
	[smem:$0x7FF] =	sst s6  }
0x7: {  	s7 =	smul.u32 $0x1F400, s17;
	s8 =	sadd.s32 $0x13C00, s2;
	s19 =	sadd.s32 $0x14200, s2  }
0x8: {  	s9 =	sadd.s32 $0x9E00, s2;
	s20 =	sadd.s32 $0x18A00, s2;
	s21 =	sadd.s32 $0x14A00, s2  }
0x9: {  	s22 =	smul.u32 $0x7D000, s17;
	_ =	strace $0x80000047;
	[dreg:$0x5] =	wrdreg s8  }
0xa: {  	s10 =	sadd.s32 $0x14800, s2;
	s12 =	smul.u32 $0xFA0, s17;
	[dreg:$0x6] =	wrdreg s19  }
0xb: {  	s13 =	sadd.s32 $0x18C00, s2;
	s25 =	sor.u32 $0x10, s17;
	[dreg:$0x7] =	wrdreg s20  }
0xc: {  	p0 =	sgt.u32 s17, $0x9;
	s5 =	smul.u32 $0x138800, s0;
	[dreg:$0x8] =	wrdreg s21  }
0xd: {  	[dreg:$0x9] =	wrdreg s10;
	s23 =	ssub.s32 $0x2, s0;
	s0 =	sshll.u32 s0, $0x4  }
0xe: {  	s20 =	simm.s32 $0x0;
	s11 =	sshrl.u32 s23, $0x1;
	s8 =	sshrl.u32 s22, $0x2  }
0xf: {  	s24 =	sshrl.u32 s12, $0x2;
	s14 =	sor.u32 s17, s0;
	s15 =	ssub.s32 s25, s0  }
0x10: {  	s0 =	sadd.s32 s7, s3;
	s22 =	simm.s32 $0x6;
	s12 =	simm.s32 $0x2  }
0x11: {  	s5 =	sadd.s32 s7, s5;
	s10 =	ssub.s32 s23, s11;
	s8 =	sadd.s32 s8, s3  }
0x12: {  	s11 =	sadd.s32 s24, s4;
	s16 =	smul.u32 $0x2710, s14;
	s23 =	simm.s32 $0x2710  }
0x13: {  	s0 =	sshrl.u32 @!p0 s0, $0x3;
	s24 =	simm.s32 $0x1;
	s7 =	simm.s32 $0x65A0  }
0x14: {  	s5 =	sshrl.u32 s5, $0x3;
	s31 =	smax.u32 s10, $0x1;
	[dreg:$0xf] =	wrdreg s0  }
0x15: {  	s0 =	simm.s32 $0x5D70;
	s5 =	sadd.s32 s5, s2;
	[dreg:$0xb] =	wrdreg s31  }
.Ltmp0:
0x16: {  	s26 =	sadd.s32 $0x22A00, s5;
	s5 =	sshll.u32 @!p0 s17, $0x6;
	(pc) =	sbr.rel .LBB2_1-.Ltmp0, $4  }
0x17: {  	[dreg:$0xa] =	wrdreg s26;
	s19 =	sor.u32 @!p0 $0x1C06, s5;
	s5 =	sshrl.u32 @!p0 s8, $0x3  }
0x18: {  	s10 =	simm.s32 $0x4;
	s26 =	simm.s32 $0x4E20;
	[dreg:$0xd] =	wrdreg s5  }
0x19: {  	s8 =	simm.s32 $0x3;
	s5 =	sshrl.u32 @!p0 s11, $0x3;
	[dreg:$0xc] =	wrdreg s19  }
0x1a: {  	s11 =	simm.s32 $0x8DA0;
	[dreg:$0xe] =	wrdreg s5;
	s5 =	simm.s32 $0x6540  }
.LBB2_18:
0x1b: {  	[bflag:$0x0] =	sbarrier.arrive $0xFFFF  }
0x1c: {  	s17 =	rddreg [dreg:$0xa]  }
0x1d: {  	s19 =	rddreg [dreg:$0xc]  }
0x1e: {  	s18 =	rddreg [dreg:$0xf]  }
0x1f: {  	[hbm:s17], [sflag:s19] =	dma.local @!p0 [spmem:s18], $0x3E80  }
0x20: {  	s17 =	simm.s32 @!p0 $0x6  }
0x21: {  	_ =	swait.ge @!p0 [sflag:s17], $0x3E80  }
0x22: {  	s20 =	rddreg [dreg:$0x10]  }
0x23: {  	s31 =	rddreg [dreg:$0xb];
	s20 =	sadd.s32 $0x1, s20  }
0x24: {  	p1 =	sne.s32 s20, s31  }
.Ltmp1:
0x25: {  	_ = 	snop;
	(pc) =	sbr.rel @!p1 .LBB2_19-.Ltmp1, $3  }
0x26: {  	_ =	sdelay $0x1  }
0x27: {  	[sflag:s17] =	ssyncset.done @!p0 $0x0  }
0x28: {  	[sflag:s17] =	ssyncadd.s32 @!p0 $0xFFFFC180  }
.LBB2_1:
0x29: {  	[dreg:$0x10] =	wrdreg s20  }
0x2a: {  	s17 =	rddreg [dreg:$0x8]  }
0x2b: {  	s18 =	rddreg [dreg:$0xd]  }
0x2c: {  	[spmem:s18], [sflag:s19] =	dma.local @!p0 [hbm:s17], $0x3E80  }
0x2d: {  	s17 =	simm.s32 @!p0 $0x6  }
0x2e: {  	_ =	swait.ge @!p0 [sflag:s17], $0x3E80  }
0x2f: {  	[sflag:s17] =	ssyncset.done @!p0 $0x0;
	s18 =	rddreg [dreg:$0x9]  }
0x30: {  	s20 =	rddreg [dreg:$0xe];
	[sflag:s17] =	ssyncadd.s32 @!p0 $0xFFFFC180  }
0x31: {  	[spmem:s20], [sflag:s19] =	dma.local @!p0 [hbm:s18], $0x7D  }
0x32: {  	_ =	swait.ge @!p0 [sflag:s17], $0x7D  }
0x33: {  	[sflag:s17] =	ssyncset.done @!p0 $0x0  }
0x34: {  	s20 =	rddreg [dreg:$0x5];
	[sflag:s17] =	ssyncadd.s32 @!p0 $0xFFFFFF83  }
0x35: {  	[tilespmem:s6], [sflag:$0x6] =	stream.linear.gather [hbm4b:s20+s6], $0x2710, $0x38;
	[tilespmem:$0x1F098] =	vst v63  }
0x36: {  	_ =	swait.ge [sflag:s22], $0x2710  }
0x37: {  	[sflag:s22] =	ssyncset.done $0x0  }
0x38: {  	s21 =	rddreg [dreg:$0x6];
	[sflag:s22] =	ssyncadd.s32 $0xFFFFD8F0  }
0x39: {  	[tilespmem:s23], [sflag:$0x6] =	stream.linear.gather [hbm4b:s21+s6], $0x2710, $0x38;
	[tilespmem:$0x1F098] =	vst v63  }
0x3a: {  	_ =	swait.ge [sflag:s22], $0x2710  }
0x3b: {  	[sflag:s22] =	ssyncset.done $0x0  }
0x3c: {  	s31 =	simm.s32 $0x6590;
	s25 =	rddreg [dreg:$0x7];
	[sflag:s22] =	ssyncadd.s32 $0xFFFFD8F0  }
0x3d: {  	[tilespmem:s31], [sflag:$0x6] =	stream.linear.gather [hbm4b:s25+s6], $0x10, $0x38;
	[tilespmem:$0x1F098] =	vst v63  }
0x3e: {  	_ =	swait.ge [sflag:s22], $0x10  }
0x3f: {  	[sflag:s22] =	ssyncset.done $0x0  }
0x40: {  	[sflag:s22] =	ssyncadd.s32 $0xFFFFFFF0  }
0x41: {  	[bflag:$0x0] =	sbarrier.arrive $0xFFFF  }
0x42: {  	s17 =	simm.s32 $0x0;
	v0 =	vld [tilespmem:$0x6590]  }
.LBB2_2:
0x43: {  	s18 =	sadd.s32 $0xFFFFFFFB, s17  }
0x44: {  	p1 =	slt.u32 s17, $0x5;
	s19 =	smov.u32 s15;
	s18 =	smin.u32 s17, s18  }
0x45: {  	s19 =	smov.u32 @p1 s14;
	s18 =	smul.u32 $0x7D0, s18  }
0x46: {  	s19 =	smul.u32 $0x2710, s19;
	_ =	sdelay $0x1  }
0x47: {  	s19 =	sadd.s32 s18, s19  }
0x48: {  	s19 =	sshrl.u32 s19, $0x3  }
0x49: {  	s21 =	simm.s32 $0x0;
	s20 =	sadd.s32 s9, s19  }
0x4a: {  	[tilespmem:s26], [sflag:$0x6] =	stream.linear.gather [hbm4b:s20+s21], $0x7D0, $0x38;
	[tilespmem:$0x1F098] =	vst v63  }
0x4b: {  	_ =	swait.ge [sflag:s22], $0x7D0  }
0x4c: {  	[sflag:s22] =	ssyncset.done $0x0  }
0x4d: {  	s19 =	sadd.s32 s2, s19;
	[sflag:s22] =	ssyncadd.s32 $0xFFFFF830  }
0x4e: {  	[tilespmem:s28], [sflag:$0x6] =	stream.linear.gather [hbm4b:s19+s21], $0x7D0, $0x38;
	[tilespmem:$0x1F098] =	vst v63  }
0x4f: {  	_ =	swait.ge [sflag:s22], $0x7D0  }
0x50: {  	[sflag:s22] =	ssyncset.done $0x0  }
0x51: {  	s19 =	simm.s32 $0x0;
	[sflag:s22] =	ssyncadd.s32 $0xFFFFF830  }
0x52: {  	v1 =	vld [tilespmem:s19+$0x4E20]  }
0x53: {  	v2 =	vld [tilespmem:s19+$0x55F0];
	_ =	sdelay $0x6  }
0x54: {  	v1 =	vld.idx.msk [tilespmem:v1+s6+$0x0], $0xffff  }
0x55: {  	v2 =	vld.idx.msk [tilespmem:v2+s23+$0x0], $0xffff;
	_ =	sdelay $0x4  }
0x56: {  	v1 =	vadd.f32 v2, v1;
	_ =	sdelay $0x1  }
0x57: {  	v2 =	vmul.f32 $2.000000030e-01, v1;
	_ =	sdelay $0x1  }
0x58: {  	v1 =	vmax.f32 v1, v2  }
0x59: {  	v1 =	vsub.f32 v1, v0;
	_ =	sdelay $0x1  }
0x5a: {  	v1 =	vmul.f32 $1.442695020e+00, v1;
	_ =	sdelay $0x1  }
0x5b: {  	(erf) = vpow2.f32 v1;
	_ =	sdelay $0x2  }
0x5c: {  	v1 =	vld [tilespmem:s19+$0x4E30]  }
0x5d: {  	v2 =	vld [tilespmem:s19+$0x5600];
	_ =	sdelay $0x4  }
0x5e: {  	v3 =	vpop (erf)  }
0x5f: {  	[tilespmem:s19+$0x5DC0] =	vst v3  }
0x60: {  	v1 =	vld.idx.msk [tilespmem:v1+s6+$0x0], $0xffff  }
0x61: {  	v2 =	vld.idx.msk [tilespmem:v2+s23+$0x0], $0xffff;
	_ =	sdelay $0x4  }
0x62: {  	v1 =	vadd.f32 v2, v1;
	_ =	sdelay $0x1  }
0x63: {  	v2 =	vmul.f32 $2.000000030e-01, v1;
	_ =	sdelay $0x1  }
0x64: {  	v1 =	vmax.f32 v1, v2  }
0x65: {  	v1 =	vsub.f32 v1, v0;
	_ =	sdelay $0x1  }
0x66: {  	v1 =	vmul.f32 $1.442695020e+00, v1;
	_ =	sdelay $0x1  }
0x67: {  	(erf) = vpow2.f32 v1;
	_ =	sdelay $0x2  }
0x68: {  	v1 =	vld [tilespmem:s19+$0x4E40]  }
0x69: {  	v2 =	vld [tilespmem:s19+$0x5610];
	_ =	sdelay $0x4  }
0x6a: {  	v3 =	vpop (erf)  }
0x6b: {  	[tilespmem:s19+$0x5DD0] =	vst v3  }
0x6c: {  	v1 =	vld.idx.msk [tilespmem:v1+s6+$0x0], $0xffff  }
0x6d: {  	v2 =	vld.idx.msk [tilespmem:v2+s23+$0x0], $0xffff;
	_ =	sdelay $0x4  }
0x6e: {  	v1 =	vadd.f32 v2, v1;
	_ =	sdelay $0x1  }
0x6f: {  	v2 =	vmul.f32 $2.000000030e-01, v1;
	_ =	sdelay $0x1  }
0x70: {  	v1 =	vmax.f32 v1, v2  }
0x71: {  	v1 =	vsub.f32 v1, v0;
	_ =	sdelay $0x1  }
0x72: {  	v1 =	vmul.f32 $1.442695020e+00, v1;
	_ =	sdelay $0x1  }
0x73: {  	(erf) = vpow2.f32 v1;
	_ =	sdelay $0x2  }
0x74: {  	v1 =	vld [tilespmem:s19+$0x4E50]  }
0x75: {  	v2 =	vld [tilespmem:s19+$0x5620];
	_ =	sdelay $0x4  }
0x76: {  	v3 =	vpop (erf)  }
0x77: {  	[tilespmem:s19+$0x5DE0] =	vst v3  }
0x78: {  	v1 =	vld.idx.msk [tilespmem:v1+s6+$0x0], $0xffff  }
0x79: {  	v2 =	vld.idx.msk [tilespmem:v2+s23+$0x0], $0xffff;
	_ =	sdelay $0x4  }
0x7a: {  	v1 =	vadd.f32 v2, v1;
	_ =	sdelay $0x1  }
0x7b: {  	v2 =	vmul.f32 $2.000000030e-01, v1;
	_ =	sdelay $0x1  }
0x7c: {  	v1 =	vmax.f32 v1, v2  }
0x7d: {  	v1 =	vsub.f32 v1, v0;
	_ =	sdelay $0x1  }
0x7e: {  	v1 =	vmul.f32 $1.442695020e+00, v1;
	_ =	sdelay $0x1  }
0x7f: {  	(erf) = vpow2.f32 v1;
	_ =	sdelay $0x2  }
0x80: {  	v1 =	vld [tilespmem:s19+$0x4E60]  }
0x81: {  	v2 =	vld [tilespmem:s19+$0x5630];
	_ =	sdelay $0x4  }
0x82: {  	v3 =	vpop (erf)  }
0x83: {  	[tilespmem:s19+$0x5DF0] =	vst v3  }
0x84: {  	v1 =	vld.idx.msk [tilespmem:v1+s6+$0x0], $0xffff  }
0x85: {  	v2 =	vld.idx.msk [tilespmem:v2+s23+$0x0], $0xffff;
	_ =	sdelay $0x4  }
0x86: {  	v1 =	vadd.f32 v2, v1;
	_ =	sdelay $0x1  }
0x87: {  	v2 =	vmul.f32 $2.000000030e-01, v1;
	_ =	sdelay $0x1  }
0x88: {  	v1 =	vmax.f32 v1, v2  }
0x89: {  	v1 =	vsub.f32 v1, v0;
	_ =	sdelay $0x1  }
0x8a: {  	v2 =	vmul.f32 $1.442695020e+00, v1;
	_ =	sdelay $0x1  }
0x8b: {  	(erf) = vpow2.f32 v2;
	_ =	sdelay $0x1  }
0x8c: {  	s25 =	simm.s32 $0x50  }
0x8d: {  	v1 =	vld [tilespmem:s25+$0x4E20]  }
0x8e: {  	s20 =	simm.s32 $0x280;
	v2 =	vld [tilespmem:s25+$0x55F0]  }
.LBB2_3:
0x8f: {  	p1 =	sne.s32 s20, $0x1E00;
	s21 =	smov.u32 s20;
	s20 =	sadd.s32 $0x140, s20  }
0x90: {  	_ =	sdelay $0x2  }
0x91: {  	v3 =	vpop (erf)  }
0x92: {  	[tilespmem:s19+$0x5E00] =	vst v3;
	s19 =	smov.u32 s25  }
0x93: {  	v1 =	vld.idx.msk [tilespmem:v1+s6+$0x0], $0xffff  }
0x94: {  	v2 =	vld.idx.msk [tilespmem:v2+s23+$0x0], $0xffff;
	_ =	sdelay $0x5  }
0x95: {  	v1 =	vadd.f32 v2, v1;
	_ =	sdelay $0x1  }
0x96: {  	v2 =	vmul.f32 $2.000000030e-01, v1;
	_ =	sdelay $0x1  }
0x97: {  	v1 =	vmax.f32 v1, v2  }
0x98: {  	v1 =	vsub.f32 v1, v0;
	_ =	sdelay $0x1  }
0x99: {  	v1 =	vmul.f32 $1.442695020e+00, v1;
	_ =	sdelay $0x1  }
0x9a: {  	(erf) = vpow2.f32 v1;
	_ =	sdelay $0x1  }
0x9b: {  	v1 =	vld [tilespmem:s19+$0x5600]  }
0x9c: {  	v2 =	vld [tilespmem:s19+$0x4E30];
	_ =	sdelay $0x5  }
0x9d: {  	v3 =	vpop (erf)  }
0x9e: {  	[tilespmem:s19+$0x5DC0] =	vst v3  }
0x9f: {  	v2 =	vld.idx.msk [tilespmem:v2+s6+$0x0], $0xffff  }
0xa0: {  	v1 =	vld.idx.msk [tilespmem:v1+s23+$0x0], $0xffff;
	_ =	sdelay $0x5  }
0xa1: {  	v1 =	vadd.f32 v1, v2;
	_ =	sdelay $0x1  }
0xa2: {  	v2 =	vmul.f32 $2.000000030e-01, v1;
	_ =	sdelay $0x1  }
0xa3: {  	v1 =	vmax.f32 v1, v2  }
0xa4: {  	v1 =	vsub.f32 v1, v0;
	_ =	sdelay $0x1  }
0xa5: {  	v1 =	vmul.f32 $1.442695020e+00, v1;
	_ =	sdelay $0x1  }
0xa6: {  	(erf) = vpow2.f32 v1;
	_ =	sdelay $0x1  }
0xa7: {  	v1 =	vld [tilespmem:s19+$0x5610]  }
0xa8: {  	v2 =	vld [tilespmem:s19+$0x4E40];
	_ =	sdelay $0x5  }
0xa9: {  	v3 =	vpop (erf)  }
0xaa: {  	[tilespmem:s19+$0x5DD0] =	vst v3  }
0xab: {  	v2 =	vld.idx.msk [tilespmem:v2+s6+$0x0], $0xffff  }
0xac: {  	v1 =	vld.idx.msk [tilespmem:v1+s23+$0x0], $0xffff;
	_ =	sdelay $0x5  }
0xad: {  	v1 =	vadd.f32 v1, v2;
	_ =	sdelay $0x1  }
0xae: {  	v2 =	vmul.f32 $2.000000030e-01, v1;
	_ =	sdelay $0x1  }
0xaf: {  	v1 =	vmax.f32 v1, v2  }
0xb0: {  	v1 =	vsub.f32 v1, v0;
	_ =	sdelay $0x1  }
0xb1: {  	v1 =	vmul.f32 $1.442695020e+00, v1;
	_ =	sdelay $0x1  }
0xb2: {  	(erf) = vpow2.f32 v1;
	_ =	sdelay $0x1  }
0xb3: {  	v1 =	vld [tilespmem:s19+$0x5620]  }
0xb4: {  	v2 =	vld [tilespmem:s19+$0x4E50];
	_ =	sdelay $0x5  }
0xb5: {  	v3 =	vpop (erf)  }
0xb6: {  	[tilespmem:s19+$0x5DE0] =	vst v3  }
0xb7: {  	v2 =	vld.idx.msk [tilespmem:v2+s6+$0x0], $0xffff  }
0xb8: {  	v1 =	vld.idx.msk [tilespmem:v1+s23+$0x0], $0xffff;
	_ =	sdelay $0x5  }
0xb9: {  	v1 =	vadd.f32 v1, v2;
	_ =	sdelay $0x1  }
0xba: {  	v2 =	vmul.f32 $2.000000030e-01, v1;
	_ =	sdelay $0x1  }
0xbb: {  	v1 =	vmax.f32 v1, v2  }
0xbc: {  	v1 =	vsub.f32 v1, v0;
	_ =	sdelay $0x1  }
0xbd: {  	v1 =	vmul.f32 $1.442695020e+00, v1;
	_ =	sdelay $0x1  }
0xbe: {  	(erf) = vpow2.f32 v1;
	_ =	sdelay $0x1  }
0xbf: {  	v1 =	vld [tilespmem:s19+$0x5630]  }
0xc0: {  	v2 =	vld [tilespmem:s19+$0x4E60];
	_ =	sdelay $0x5  }
0xc1: {  	v3 =	vpop (erf)  }
0xc2: {  	[tilespmem:s19+$0x5DF0] =	vst v3  }
0xc3: {  	v2 =	vld.idx.msk [tilespmem:v2+s6+$0x0], $0xffff  }
0xc4: {  	v1 =	vld.idx.msk [tilespmem:v1+s23+$0x0], $0xffff;
	_ =	sdelay $0x5  }
0xc5: {  	v1 =	vadd.f32 v1, v2;
	_ =	sdelay $0x1  }
0xc6: {  	v2 =	vmul.f32 $2.000000030e-01, v1;
	_ =	sdelay $0x1  }
0xc7: {  	v1 =	vmax.f32 v1, v2  }
0xc8: {  	v1 =	vsub.f32 v1, v0;
	_ =	sdelay $0x1  }
0xc9: {  	v1 =	vmul.f32 $1.442695020e+00, v1;
	_ =	sdelay $0x1  }
.Ltmp2:
0xca: {  	(erf) = vpow2.f32 v1;
	(pc) =	sbr.rel @p1 .LBB2_3-.Ltmp2, $4  }
0xcb: {  	_ = 	snop  }
0xcc: {  	s25 =	sshra.s32 s21, $0x2  }
0xcd: {  	v1 =	vld [tilespmem:s25+$0x4E20]  }
0xce: {  	v2 =	vld [tilespmem:s25+$0x55F0]  }
0xcf: {  	_ =	sdelay $0x4  }
0xd0: {  	v3 =	vpop (erf)  }
0xd1: {  	[tilespmem:s19+$0x5E00] =	vst v3  }
0xd2: {  	v1 =	vld.idx.msk [tilespmem:v1+s6+$0x0], $0xffff  }
0xd3: {  	v2 =	vld.idx.msk [tilespmem:v2+s23+$0x0], $0xffff;
	_ =	sdelay $0x4  }
0xd4: {  	v1 =	vadd.f32 v2, v1;
	_ =	sdelay $0x1  }
0xd5: {  	v2 =	vmul.f32 $2.000000030e-01, v1;
	_ =	sdelay $0x1  }
0xd6: {  	v1 =	vmax.f32 v1, v2  }
0xd7: {  	v1 =	vsub.f32 v1, v0;
	_ =	sdelay $0x1  }
0xd8: {  	v1 =	vmul.f32 $1.442695020e+00, v1;
	_ =	sdelay $0x1  }
0xd9: {  	(erf) = vpow2.f32 v1;
	_ =	sdelay $0x2  }
0xda: {  	v1 =	vld [tilespmem:s25+$0x4E30]  }
0xdb: {  	v2 =	vld [tilespmem:s25+$0x5600];
	_ =	sdelay $0x4  }
0xdc: {  	v3 =	vpop (erf)  }
0xdd: {  	[tilespmem:s25+$0x5DC0] =	vst v3  }
0xde: {  	v1 =	vld.idx.msk [tilespmem:v1+s6+$0x0], $0xffff  }
0xdf: {  	v2 =	vld.idx.msk [tilespmem:v2+s23+$0x0], $0xffff;
	_ =	sdelay $0x4  }
0xe0: {  	v1 =	vadd.f32 v2, v1;
	_ =	sdelay $0x1  }
0xe1: {  	v2 =	vmul.f32 $2.000000030e-01, v1;
	_ =	sdelay $0x1  }
0xe2: {  	v1 =	vmax.f32 v1, v2  }
0xe3: {  	v1 =	vsub.f32 v1, v0;
	_ =	sdelay $0x1  }
0xe4: {  	v1 =	vmul.f32 $1.442695020e+00, v1;
	_ =	sdelay $0x1  }
0xe5: {  	(erf) = vpow2.f32 v1;
	_ =	sdelay $0x2  }
0xe6: {  	v1 =	vld [tilespmem:s25+$0x4E40]  }
0xe7: {  	v2 =	vld [tilespmem:s25+$0x5610];
	_ =	sdelay $0x4  }
0xe8: {  	v3 =	vpop (erf)  }
0xe9: {  	[tilespmem:s25+$0x5DD0] =	vst v3  }
0xea: {  	v1 =	vld.idx.msk [tilespmem:v1+s6+$0x0], $0xffff  }
0xeb: {  	v2 =	vld.idx.msk [tilespmem:v2+s23+$0x0], $0xffff;
	_ =	sdelay $0x4  }
0xec: {  	v1 =	vadd.f32 v2, v1;
	_ =	sdelay $0x1  }
0xed: {  	v2 =	vmul.f32 $2.000000030e-01, v1;
	_ =	sdelay $0x1  }
0xee: {  	v1 =	vmax.f32 v1, v2  }
0xef: {  	v1 =	vsub.f32 v1, v0;
	_ =	sdelay $0x1  }
0xf0: {  	v1 =	vmul.f32 $1.442695020e+00, v1;
	_ =	sdelay $0x1  }
0xf1: {  	(erf) = vpow2.f32 v1;
	_ =	sdelay $0x2  }
0xf2: {  	v1 =	vld [tilespmem:s25+$0x4E50]  }
0xf3: {  	v2 =	vld [tilespmem:s25+$0x5620];
	_ =	sdelay $0x4  }
0xf4: {  	v3 =	vpop (erf)  }
0xf5: {  	[tilespmem:s25+$0x5DE0] =	vst v3  }
0xf6: {  	v1 =	vld.idx.msk [tilespmem:v1+s6+$0x0], $0xffff  }
0xf7: {  	v2 =	vld.idx.msk [tilespmem:v2+s23+$0x0], $0xffff;
	_ =	sdelay $0x4  }
0xf8: {  	v1 =	vadd.f32 v2, v1;
	_ =	sdelay $0x1  }
0xf9: {  	v2 =	vmul.f32 $2.000000030e-01, v1;
	_ =	sdelay $0x1  }
0xfa: {  	v1 =	vmax.f32 v1, v2  }
0xfb: {  	v1 =	vsub.f32 v1, v0;
	_ =	sdelay $0x1  }
0xfc: {  	v1 =	vmul.f32 $1.442695020e+00, v1;
	_ =	sdelay $0x1  }
0xfd: {  	(erf) = vpow2.f32 v1;
	_ =	sdelay $0x2  }
0xfe: {  	v1 =	vld [tilespmem:s25+$0x4E60]  }
0xff: {  	v2 =	vld [tilespmem:s25+$0x5630];
	_ =	sdelay $0x4  }
0x100: {  	v3 =	vpop (erf)  }
0x101: {  	[tilespmem:s25+$0x5DF0] =	vst v3  }
0x102: {  	v1 =	vld.idx.msk [tilespmem:v1+s6+$0x0], $0xffff  }
0x103: {  	v2 =	vld.idx.msk [tilespmem:v2+s23+$0x0], $0xffff;
	_ =	sdelay $0x4  }
0x104: {  	v1 =	vadd.f32 v2, v1;
	_ =	sdelay $0x1  }
0x105: {  	v2 =	vmul.f32 $2.000000030e-01, v1;
	_ =	sdelay $0x1  }
0x106: {  	v1 =	vmax.f32 v1, v2  }
0x107: {  	v1 =	vsub.f32 v1, v0;
	_ =	sdelay $0x1  }
0x108: {  	v1 =	vmul.f32 $1.442695020e+00, v1;
	_ =	sdelay $0x1  }
0x109: {  	(erf) = vpow2.f32 v1;
	_ =	sdelay $0x6  }
0x10a: {  	p1 =	sgt.u32 s17, $0x4  }
0x10b: {  	s18 =	sadd.s32 @!p1 s16, s18  }
0x10c: {  	s18 =	sshrl.u32 @!p1 s18, $0x3;
	v1 =	vpop (erf)  }
0x10d: {  	s20 =	simm.s32 @!p1 $0x5DC0;
	s18 =	sadd.s32 @!p1 s13, s18;
	s19 =	simm.s32 @!p1 $0x0;
	[tilespmem:s25+$0x5E00] =	vst v1  }
0x10e: {  	[hbm4b:s18+s19] =	stream.linear.scatter @!p1 [tilespmem:s20], [sflag:$0x6], $0x7D0, $0x38;
	[tilespmem:$0x1F098] =	vst v63  }
0x10f: {  	s18 =	simm.s32 @!p1 $0x6  }
0x110: {  	_ =	swait.ge @!p1 [sflag:s18], $0x7D0  }
0x111: {  	[sflag:s18] =	ssyncset.done @!p1 $0x0  }
0x112: {  	[sflag:s18] =	ssyncadd.s32 @!p1 $0xFFFFF830  }
0x113: {  	[spmem:s4] =	stream.indirect.scatter.add.f32 [tilespmem:s30], [sflag:$0x1], $0x1, s28, s29, $0xb8;
	[tilespmem:$0x1F098] =	vst v63  }
0x114: {  	s31 =	simm.s32 $0x5E10;
	s25 =	simm.s32 $0x5640  }
0x115: {  	[spmem:s4] =	stream.indirect.scatter.add.f32 [tilespmem:s31], [sflag:$0x1], $0x1, s25, s29, $0xb8;
	[tilespmem:$0x1F098] =	vst v63  }
0x116: {  	s21 =	simm.s32 $0x5E60;
	s20 =	simm.s32 $0x5690  }
0x117: {  	[spmem:s4] =	stream.indirect.scatter.add.f32 [tilespmem:s21], [sflag:$0x1], $0x1, s20, s29, $0xb8;
	[tilespmem:$0x1F098] =	vst v63  }
0x118: {  	s25 =	simm.s32 $0x56E0;
	s31 =	simm.s32 $0x5EB0  }
0x119: {  	[spmem:s4] =	stream.indirect.scatter.add.f32 [tilespmem:s31], [sflag:$0x1], $0x1, s25, s29, $0xb8;
	[tilespmem:$0x1F098] =	vst v63  }
0x11a: {  	s20 =	simm.s32 $0x5730;
	s21 =	simm.s32 $0x5F00  }
0x11b: {  	[spmem:s4] =	stream.indirect.scatter.add.f32 [tilespmem:s21], [sflag:$0x1], $0x1, s20, s29, $0xb8;
	[tilespmem:$0x1F098] =	vst v63  }
0x11c: {  	s25 =	simm.s32 $0x5780;
	s31 =	simm.s32 $0x5F50  }
0x11d: {  	[spmem:s4] =	stream.indirect.scatter.add.f32 [tilespmem:s31], [sflag:$0x1], $0x1, s25, s29, $0xb8;
	[tilespmem:$0x1F098] =	vst v63  }
0x11e: {  	s20 =	simm.s32 $0x57D0;
	s21 =	simm.s32 $0x5FA0  }
0x11f: {  	[spmem:s4] =	stream.indirect.scatter.add.f32 [tilespmem:s21], [sflag:$0x1], $0x1, s20, s29, $0xb8;
	[tilespmem:$0x1F098] =	vst v63  }
0x120: {  	s25 =	simm.s32 $0x5820;
	s31 =	simm.s32 $0x5FF0  }
0x121: {  	[spmem:s4] =	stream.indirect.scatter.add.f32 [tilespmem:s31], [sflag:$0x1], $0x1, s25, s29, $0xb8;
	[tilespmem:$0x1F098] =	vst v63  }
0x122: {  	s20 =	simm.s32 $0x5870;
	s21 =	simm.s32 $0x6040  }
0x123: {  	[spmem:s4] =	stream.indirect.scatter.add.f32 [tilespmem:s21], [sflag:$0x1], $0x1, s20, s29, $0xb8;
	[tilespmem:$0x1F098] =	vst v63  }
0x124: {  	s25 =	simm.s32 $0x58C0;
	s31 =	simm.s32 $0x6090  }
0x125: {  	[spmem:s4] =	stream.indirect.scatter.add.f32 [tilespmem:s31], [sflag:$0x1], $0x1, s25, s29, $0xb8;
	[tilespmem:$0x1F098] =	vst v63  }
0x126: {  	s20 =	simm.s32 $0x5910;
	s21 =	simm.s32 $0x60E0  }
0x127: {  	[spmem:s4] =	stream.indirect.scatter.add.f32 [tilespmem:s21], [sflag:$0x1], $0x1, s20, s29, $0xb8;
	[tilespmem:$0x1F098] =	vst v63  }
0x128: {  	s25 =	simm.s32 $0x5960;
	s31 =	simm.s32 $0x6130  }
0x129: {  	[spmem:s4] =	stream.indirect.scatter.add.f32 [tilespmem:s31], [sflag:$0x1], $0x1, s25, s29, $0xb8;
	[tilespmem:$0x1F098] =	vst v63  }
0x12a: {  	s20 =	simm.s32 $0x59B0;
	s21 =	simm.s32 $0x6180  }
0x12b: {  	[spmem:s4] =	stream.indirect.scatter.add.f32 [tilespmem:s21], [sflag:$0x1], $0x1, s20, s29, $0xb8;
	[tilespmem:$0x1F098] =	vst v63  }
0x12c: {  	s25 =	simm.s32 $0x5A00;
	s31 =	simm.s32 $0x61D0  }
0x12d: {  	[spmem:s4] =	stream.indirect.scatter.add.f32 [tilespmem:s31], [sflag:$0x1], $0x1, s25, s29, $0xb8;
	[tilespmem:$0x1F098] =	vst v63  }
0x12e: {  	s20 =	simm.s32 $0x5A50;
	s21 =	simm.s32 $0x6220  }
0x12f: {  	[spmem:s4] =	stream.indirect.scatter.add.f32 [tilespmem:s21], [sflag:$0x1], $0x1, s20, s29, $0xb8;
	[tilespmem:$0x1F098] =	vst v63  }
0x130: {  	s25 =	simm.s32 $0x5AA0;
	s31 =	simm.s32 $0x6270  }
0x131: {  	[spmem:s4] =	stream.indirect.scatter.add.f32 [tilespmem:s31], [sflag:$0x1], $0x1, s25, s29, $0xb8;
	[tilespmem:$0x1F098] =	vst v63  }
0x132: {  	s20 =	simm.s32 $0x5AF0;
	s21 =	simm.s32 $0x62C0  }
0x133: {  	[spmem:s4] =	stream.indirect.scatter.add.f32 [tilespmem:s21], [sflag:$0x1], $0x1, s20, s29, $0xb8;
	[tilespmem:$0x1F098] =	vst v63  }
0x134: {  	s25 =	simm.s32 $0x5B40;
	s31 =	simm.s32 $0x6310  }
0x135: {  	[spmem:s4] =	stream.indirect.scatter.add.f32 [tilespmem:s31], [sflag:$0x1], $0x1, s25, s29, $0xb8;
	[tilespmem:$0x1F098] =	vst v63  }
0x136: {  	s20 =	simm.s32 $0x5B90;
	s21 =	simm.s32 $0x6360  }
0x137: {  	[spmem:s4] =	stream.indirect.scatter.add.f32 [tilespmem:s21], [sflag:$0x1], $0x1, s20, s29, $0xb8;
	[tilespmem:$0x1F098] =	vst v63  }
0x138: {  	s25 =	simm.s32 $0x5BE0;
	s31 =	simm.s32 $0x63B0  }
0x139: {  	[spmem:s4] =	stream.indirect.scatter.add.f32 [tilespmem:s31], [sflag:$0x1], $0x1, s25, s29, $0xb8;
	[tilespmem:$0x1F098] =	vst v63  }
0x13a: {  	s20 =	simm.s32 $0x5C30;
	s21 =	simm.s32 $0x6400  }
0x13b: {  	[spmem:s4] =	stream.indirect.scatter.add.f32 [tilespmem:s21], [sflag:$0x1], $0x1, s20, s29, $0xb8;
	[tilespmem:$0x1F098] =	vst v63  }
0x13c: {  	s25 =	simm.s32 $0x5C80;
	s31 =	simm.s32 $0x6450  }
0x13d: {  	[spmem:s4] =	stream.indirect.scatter.add.f32 [tilespmem:s31], [sflag:$0x1], $0x1, s25, s29, $0xb8;
	[tilespmem:$0x1F098] =	vst v63  }
0x13e: {  	s20 =	simm.s32 $0x5CD0;
	s21 =	simm.s32 $0x64A0  }
0x13f: {  	[spmem:s4] =	stream.indirect.scatter.add.f32 [tilespmem:s21], [sflag:$0x1], $0x1, s20, s29, $0xb8;
	[tilespmem:$0x1F098] =	vst v63  }
0x140: {  	s25 =	simm.s32 $0x5D20;
	s31 =	simm.s32 $0x64F0  }
0x141: {  	[spmem:s4] =	stream.indirect.scatter.add.f32 [tilespmem:s31], [sflag:$0x1], $0x1, s25, s29, $0xb8;
	[tilespmem:$0x1F098] =	vst v63  }
0x142: {  	_ = 	snop  }
0x143: {  	[spmem:s4] =	stream.indirect.scatter.add.f32 [tilespmem:s5], [sflag:$0x1], $0x1, s0, s29, $0xb8;
	[tilespmem:$0x1F098] =	vst v63  }
0x144: {  	_ =	swait.ge [sflag:s24], $0x50  }
0x145: {  	[sflag:s24] =	ssyncset.done $0x0  }
0x146: {  	[sflag:s24] =	ssyncadd.s32 $0xFFFFFFB0  }
0x147: {  	_ =	swait.ge [sflag:s24], $0x50  }
0x148: {  	[sflag:s24] =	ssyncset.done $0x0  }
0x149: {  	[sflag:s24] =	ssyncadd.s32 $0xFFFFFFB0  }
0x14a: {  	_ =	swait.ge [sflag:s24], $0x50  }
0x14b: {  	[sflag:s24] =	ssyncset.done $0x0  }
0x14c: {  	[sflag:s24] =	ssyncadd.s32 $0xFFFFFFB0  }
0x14d: {  	_ =	swait.ge [sflag:s24], $0x50  }
0x14e: {  	[sflag:s24] =	ssyncset.done $0x0  }
0x14f: {  	[sflag:s24] =	ssyncadd.s32 $0xFFFFFFB0  }
0x150: {  	_ =	swait.ge [sflag:s24], $0x50  }
0x151: {  	[sflag:s24] =	ssyncset.done $0x0  }
0x152: {  	[sflag:s24] =	ssyncadd.s32 $0xFFFFFFB0  }
0x153: {  	_ =	swait.ge [sflag:s24], $0x50  }
0x154: {  	[sflag:s24] =	ssyncset.done $0x0  }
0x155: {  	[sflag:s24] =	ssyncadd.s32 $0xFFFFFFB0  }
0x156: {  	_ =	swait.ge [sflag:s24], $0x50  }
0x157: {  	[sflag:s24] =	ssyncset.done $0x0  }
0x158: {  	[sflag:s24] =	ssyncadd.s32 $0xFFFFFFB0  }
0x159: {  	_ =	swait.ge [sflag:s24], $0x50  }
0x15a: {  	[sflag:s24] =	ssyncset.done $0x0  }
0x15b: {  	[sflag:s24] =	ssyncadd.s32 $0xFFFFFFB0  }
0x15c: {  	_ =	swait.ge [sflag:s24], $0x50  }
0x15d: {  	[sflag:s24] =	ssyncset.done $0x0  }
0x15e: {  	[sflag:s24] =	ssyncadd.s32 $0xFFFFFFB0  }
0x15f: {  	_ =	swait.ge [sflag:s24], $0x50  }
0x160: {  	[sflag:s24] =	ssyncset.done $0x0  }
0x161: {  	[sflag:s24] =	ssyncadd.s32 $0xFFFFFFB0  }
0x162: {  	_ =	swait.ge [sflag:s24], $0x50  }
0x163: {  	[sflag:s24] =	ssyncset.done $0x0  }
0x164: {  	[sflag:s24] =	ssyncadd.s32 $0xFFFFFFB0  }
0x165: {  	_ =	swait.ge [sflag:s24], $0x50  }
0x166: {  	[sflag:s24] =	ssyncset.done $0x0  }
0x167: {  	[sflag:s24] =	ssyncadd.s32 $0xFFFFFFB0  }
0x168: {  	_ =	swait.ge [sflag:s24], $0x50  }
0x169: {  	[sflag:s24] =	ssyncset.done $0x0  }
0x16a: {  	[sflag:s24] =	ssyncadd.s32 $0xFFFFFFB0  }
0x16b: {  	_ =	swait.ge [sflag:s24], $0x50  }
0x16c: {  	[sflag:s24] =	ssyncset.done $0x0  }
0x16d: {  	[sflag:s24] =	ssyncadd.s32 $0xFFFFFFB0  }
0x16e: {  	_ =	swait.ge [sflag:s24], $0x50  }
0x16f: {  	[sflag:s24] =	ssyncset.done $0x0  }
0x170: {  	[sflag:s24] =	ssyncadd.s32 $0xFFFFFFB0  }
0x171: {  	_ =	swait.ge [sflag:s24], $0x50  }
0x172: {  	[sflag:s24] =	ssyncset.done $0x0  }
0x173: {  	[sflag:s24] =	ssyncadd.s32 $0xFFFFFFB0  }
0x174: {  	_ =	swait.ge [sflag:s24], $0x50  }
0x175: {  	[sflag:s24] =	ssyncset.done $0x0  }
0x176: {  	[sflag:s24] =	ssyncadd.s32 $0xFFFFFFB0  }
0x177: {  	_ =	swait.ge [sflag:s24], $0x50  }
0x178: {  	[sflag:s24] =	ssyncset.done $0x0  }
0x179: {  	[sflag:s24] =	ssyncadd.s32 $0xFFFFFFB0  }
0x17a: {  	_ =	swait.ge [sflag:s24], $0x50  }
0x17b: {  	[sflag:s24] =	ssyncset.done $0x0  }
0x17c: {  	[sflag:s24] =	ssyncadd.s32 $0xFFFFFFB0  }
0x17d: {  	_ =	swait.ge [sflag:s24], $0x50  }
0x17e: {  	[sflag:s24] =	ssyncset.done $0x0  }
0x17f: {  	[sflag:s24] =	ssyncadd.s32 $0xFFFFFFB0  }
0x180: {  	_ =	swait.ge [sflag:s24], $0x50  }
0x181: {  	[sflag:s24] =	ssyncset.done $0x0  }
0x182: {  	[sflag:s24] =	ssyncadd.s32 $0xFFFFFFB0  }
0x183: {  	_ =	swait.ge [sflag:s24], $0x50  }
0x184: {  	[sflag:s24] =	ssyncset.done $0x0  }
0x185: {  	[sflag:s24] =	ssyncadd.s32 $0xFFFFFFB0  }
0x186: {  	_ =	swait.ge [sflag:s24], $0x50  }
0x187: {  	[sflag:s24] =	ssyncset.done $0x0  }
0x188: {  	s17 =	sadd.s32 $0x1, s17;
	[sflag:s24] =	ssyncadd.s32 $0xFFFFFFB0  }
0x189: {  	p1 =	sne.s32 s17, $0xA;
	_ =	swait.ge [sflag:s24], $0x50  }
.Ltmp3:
0x18a: {  	[sflag:s24] =	ssyncset.done $0x0;
	(pc) =	sbr.rel @p1 .LBB2_2-.Ltmp3, $4  }
0x18b: {  	[sflag:s24] =	ssyncadd.s32 $0xFFFFFFB0  }
0x18c: {  	_ =	swait.ge [sflag:s24], $0x50  }
0x18d: {  	[sflag:s24] =	ssyncset.done $0x0  }
0x18e: {  	[sflag:s24] =	ssyncadd.s32 $0xFFFFFFB0  }
.Ltmp4:
0x18f: {  	[bflag:$0x0] =	sbarrier.arrive $0xFFFF;
	s17 =	simm.s32 $0x0;
	(pc) =	sbr.rel .LBB2_6-.Ltmp4, $4  }
0x190: {  	[tilespmem:s17], [sflag:$0x6] =	stream.linear.gather [spmem:s4], $0x2710, $0x38;
	[tilespmem:$0x1F098] =	vst v63  }
0x191: {  	_ =	swait.ge [sflag:s22], $0x2710  }
0x192: {  	[sflag:s22] =	ssyncset.done $0x0  }
0x193: {  	s18 =	simm.s32 $0x0;
	[sflag:s22] =	ssyncadd.s32 $0xFFFFD8F0  }
.LBB2_17:
0x194: {  	s18 =	sadd.s32 $0x1, s18  }
0x195: {  	p1 =	sne.s32 s18, $0x5  }
.Ltmp5:
0x196: {  	_ = 	snop;
	(pc) =	sbr.rel @!p1 .LBB2_18-.Ltmp5, $4  }
0x197: {  	_ = 	snop  }
0x198: {  	_ =	swait.ge [sflag:s10], $0x2800  }
0x199: {  	[sflag:s10] =	ssyncset.done $0x0  }
0x19a: {  	[sflag:s10] =	ssyncadd.s32 $0xFFFFD800  }
.LBB2_6:
0x19b: {  	s19 =	smul.u32 $0x7D0, s18;
	_ =	sdelay $0x1  }
0x19c: {  	s19 =	sadd.s32 s16, s19  }
0x19d: {  	s19 =	sshrl.u32 s19, $0x3  }
0x19e: {  	s20 =	sadd.s32 s9, s19  }
0x19f: {  	[tilespmem:s26], [sflag:$0x6] =	stream.linear.gather [hbm4b:s20+s17], $0x7D0, $0x38;
	[tilespmem:$0x1F098] =	vst v63  }
0x1a0: {  	_ =	swait.ge [sflag:s22], $0x7D0  }
0x1a1: {  	[sflag:s22] =	ssyncset.done $0x0  }
0x1a2: {  	s31 =	sadd.s32 s2, s19;
	[sflag:s22] =	ssyncadd.s32 $0xFFFFF830  }
0x1a3: {  	[tilespmem:s28], [sflag:$0x6] =	stream.linear.gather [hbm4b:s31+s17], $0x7D0, $0x38;
	[tilespmem:$0x1F098] =	vst v63  }
0x1a4: {  	_ =	swait.ge [sflag:s22], $0x7D0  }
0x1a5: {  	[sflag:s22] =	ssyncset.done $0x0  }
0x1a6: {  	s19 =	sadd.s32 s13, s19;
	[sflag:s22] =	ssyncadd.s32 $0xFFFFF830  }
0x1a7: {  	[tilespmem:s30], [sflag:$0x6] =	stream.linear.gather [hbm4b:s19+s17], $0x7D0, $0x38;
	[tilespmem:$0x1F098] =	vst v63  }
0x1a8: {  	_ =	swait.ge [sflag:s22], $0x7D0  }
0x1a9: {  	[sflag:s22] =	ssyncset.done $0x0  }
0x1aa: {  	s19 =	simm.s32 $0x0;
	[sflag:s22] =	ssyncadd.s32 $0xFFFFF830  }
0x1ab: {  	v0 =	vld [tilespmem:s19+$0x55F0];
	_ =	sdelay $0x7  }
0x1ac: {  	v0 =	vld.idx.msk [tilespmem:v0+s6+$0x0], $0xffff;
	_ =	sdelay $0x4  }
0x1ad: {  	v0 =	vadd.f32 $1.000000020e-16, v0;
	_ =	sdelay $0x1  }
0x1ae: {  	(erf) = vrcp.f32 v0;
	_ =	sdelay $0x3  }
0x1af: {  	v1 =	vld [tilespmem:s19+$0x5DC0]  }
0x1b0: {  	v0 =	vld [tilespmem:s19+$0x5600];
	_ =	sdelay $0x3  }
0x1b1: {  	v2 =	vpop (erf)  }
0x1b2: {  	v1 =	vmul.f32 v2, v1;
	_ =	sdelay $0x1  }
0x1b3: {  	[tilespmem:s19+$0x5DC0] =	vst v1  }
0x1b4: {  	v0 =	vld.idx.msk [tilespmem:v0+s6+$0x0], $0xffff;
	_ =	sdelay $0x4  }
0x1b5: {  	v0 =	vadd.f32 $1.000000020e-16, v0;
	_ =	sdelay $0x1  }
0x1b6: {  	(erf) = vrcp.f32 v0;
	_ =	sdelay $0x3  }
0x1b7: {  	v1 =	vld [tilespmem:s19+$0x5DD0]  }
0x1b8: {  	v0 =	vld [tilespmem:s19+$0x5610];
	_ =	sdelay $0x3  }
0x1b9: {  	v2 =	vpop (erf)  }
0x1ba: {  	v1 =	vmul.f32 v2, v1;
	_ =	sdelay $0x1  }
0x1bb: {  	[tilespmem:s19+$0x5DD0] =	vst v1  }
0x1bc: {  	v0 =	vld.idx.msk [tilespmem:v0+s6+$0x0], $0xffff;
	_ =	sdelay $0x4  }
0x1bd: {  	v0 =	vadd.f32 $1.000000020e-16, v0;
	_ =	sdelay $0x1  }
0x1be: {  	(erf) = vrcp.f32 v0;
	_ =	sdelay $0x3  }
0x1bf: {  	v1 =	vld [tilespmem:s19+$0x5DE0]  }
0x1c0: {  	v0 =	vld [tilespmem:s19+$0x5620];
	_ =	sdelay $0x3  }
0x1c1: {  	v2 =	vpop (erf)  }
0x1c2: {  	v1 =	vmul.f32 v2, v1;
	_ =	sdelay $0x1  }
0x1c3: {  	[tilespmem:s19+$0x5DE0] =	vst v1  }
0x1c4: {  	v0 =	vld.idx.msk [tilespmem:v0+s6+$0x0], $0xffff;
	_ =	sdelay $0x4  }
0x1c5: {  	v0 =	vadd.f32 $1.000000020e-16, v0;
	_ =	sdelay $0x1  }
0x1c6: {  	(erf) = vrcp.f32 v0;
	_ =	sdelay $0x3  }
0x1c7: {  	v1 =	vld [tilespmem:s19+$0x5DF0]  }
0x1c8: {  	v0 =	vld [tilespmem:s19+$0x5630];
	_ =	sdelay $0x3  }
0x1c9: {  	v2 =	vpop (erf)  }
0x1ca: {  	v1 =	vmul.f32 v2, v1;
	_ =	sdelay $0x1  }
0x1cb: {  	[tilespmem:s19+$0x5DF0] =	vst v1  }
0x1cc: {  	v0 =	vld.idx.msk [tilespmem:v0+s6+$0x0], $0xffff;
	_ =	sdelay $0x4  }
0x1cd: {  	v0 =	vadd.f32 $1.000000020e-16, v0;
	_ =	sdelay $0x1  }
0x1ce: {  	(erf) = vrcp.f32 v0;
	_ =	sdelay $0x2  }
0x1cf: {  	s21 =	simm.s32 $0x50  }
0x1d0: {  	s20 =	simm.s32 $0x280;
	v0 =	vld [tilespmem:s21+$0x55F0]  }
.LBB2_7:
0x1d1: {  	p1 =	sne.s32 s20, $0x1E00;
	v1 =	vld [tilespmem:s19+$0x5E00];
	_ =	sdelay $0x3  }
0x1d2: {  	v2 =	vpop (erf)  }
0x1d3: {  	v1 =	vmul.f32 v2, v1;
	_ =	sdelay $0x1  }
0x1d4: {  	[tilespmem:s19+$0x5E00] =	vst v1;
	s19 =	smov.u32 s21  }
0x1d5: {  	v0 =	vld.idx.msk [tilespmem:v0+s6+$0x0], $0xffff;
	_ =	sdelay $0x5  }
0x1d6: {  	v0 =	vadd.f32 $1.000000020e-16, v0;
	_ =	sdelay $0x1  }
0x1d7: {  	(erf) = vrcp.f32 v0;
	_ =	sdelay $0x3  }
0x1d8: {  	v0 =	vld [tilespmem:s19+$0x5600]  }
0x1d9: {  	v1 =	vld [tilespmem:s19+$0x5DC0];
	_ =	sdelay $0x3  }
0x1da: {  	v2 =	vpop (erf)  }
0x1db: {  	v1 =	vmul.f32 v2, v1;
	_ =	sdelay $0x1  }
0x1dc: {  	[tilespmem:s19+$0x5DC0] =	vst v1  }
0x1dd: {  	v0 =	vld.idx.msk [tilespmem:v0+s6+$0x0], $0xffff;
	_ =	sdelay $0x5  }
0x1de: {  	v0 =	vadd.f32 $1.000000020e-16, v0;
	_ =	sdelay $0x1  }
0x1df: {  	(erf) = vrcp.f32 v0;
	_ =	sdelay $0x3  }
0x1e0: {  	v0 =	vld [tilespmem:s19+$0x5610]  }
0x1e1: {  	v1 =	vld [tilespmem:s19+$0x5DD0];
	_ =	sdelay $0x3  }
0x1e2: {  	v2 =	vpop (erf)  }
0x1e3: {  	v1 =	vmul.f32 v2, v1;
	_ =	sdelay $0x1  }
0x1e4: {  	[tilespmem:s19+$0x5DD0] =	vst v1  }
0x1e5: {  	v0 =	vld.idx.msk [tilespmem:v0+s6+$0x0], $0xffff;
	_ =	sdelay $0x5  }
0x1e6: {  	v0 =	vadd.f32 $1.000000020e-16, v0;
	_ =	sdelay $0x1  }
0x1e7: {  	(erf) = vrcp.f32 v0;
	_ =	sdelay $0x3  }
0x1e8: {  	v0 =	vld [tilespmem:s19+$0x5620]  }
0x1e9: {  	v1 =	vld [tilespmem:s19+$0x5DE0];
	_ =	sdelay $0x3  }
0x1ea: {  	v2 =	vpop (erf)  }
0x1eb: {  	v1 =	vmul.f32 v2, v1;
	_ =	sdelay $0x1  }
0x1ec: {  	[tilespmem:s19+$0x5DE0] =	vst v1  }
0x1ed: {  	v0 =	vld.idx.msk [tilespmem:v0+s6+$0x0], $0xffff;
	_ =	sdelay $0x5  }
0x1ee: {  	v0 =	vadd.f32 $1.000000020e-16, v0;
	_ =	sdelay $0x1  }
0x1ef: {  	(erf) = vrcp.f32 v0;
	_ =	sdelay $0x3  }
0x1f0: {  	v0 =	vld [tilespmem:s19+$0x5630]  }
0x1f1: {  	v1 =	vld [tilespmem:s19+$0x5DF0];
	_ =	sdelay $0x3  }
0x1f2: {  	v2 =	vpop (erf)  }
0x1f3: {  	v1 =	vmul.f32 v2, v1;
	_ =	sdelay $0x1  }
0x1f4: {  	[tilespmem:s19+$0x5DF0] =	vst v1  }
0x1f5: {  	v0 =	vld.idx.msk [tilespmem:v0+s6+$0x0], $0xffff;
	_ =	sdelay $0x5  }
0x1f6: {  	v0 =	vadd.f32 $1.000000020e-16, v0;
	_ =	sdelay $0x1  }
.Ltmp6:
0x1f7: {  	(erf) = vrcp.f32 v0;
	(pc) =	sbr.rel @p1 .LBB2_7-.Ltmp6, $3  }
0x1f8: {  	_ =	sdelay $0x1  }
0x1f9: {  	s21 =	sshra.s32 s20, $0x2  }
0x1fa: {  	s20 =	sadd.s32 $0x140, s20;
	v0 =	vld [tilespmem:s21+$0x55F0]  }
0x1fb: {  	v1 =	vld [tilespmem:s19+$0x5E00];
	_ =	sdelay $0x3  }
0x1fc: {  	v2 =	vpop (erf)  }
0x1fd: {  	v1 =	vmul.f32 v2, v1;
	_ =	sdelay $0x1  }
0x1fe: {  	[tilespmem:s19+$0x5E00] =	vst v1  }
0x1ff: {  	v0 =	vld.idx.msk [tilespmem:v0+s6+$0x0], $0xffff;
	_ =	sdelay $0x4  }
0x200: {  	v0 =	vadd.f32 $1.000000020e-16, v0;
	_ =	sdelay $0x1  }
0x201: {  	(erf) = vrcp.f32 v0;
	_ =	sdelay $0x3  }
0x202: {  	v51 =	vld [tilespmem:s21+$0x5600]  }
0x203: {  	v1 =	vld [tilespmem:s21+$0x5DC0];
	_ =	sdelay $0x3  }
0x204: {  	v52 =	vpop (erf)  }
0x205: {  	v1 =	vmul.f32 v52, v1;
	_ =	sdelay $0x1  }
0x206: {  	[tilespmem:s21+$0x5DC0] =	vst v1  }
0x207: {  	v0 =	vld.idx.msk [tilespmem:v51+s6+$0x0], $0xffff;
	_ =	sdelay $0x4  }
0x208: {  	v0 =	vadd.f32 $1.000000020e-16, v0;
	_ =	sdelay $0x1  }
0x209: {  	(erf) = vrcp.f32 v0;
	_ =	sdelay $0x3  }
0x20a: {  	v53 =	vld [tilespmem:s21+$0x5610]  }
0x20b: {  	v54 =	vld [tilespmem:s21+$0x5DD0];
	_ =	sdelay $0x3  }
0x20c: {  	v55 =	vpop (erf)  }
0x20d: {  	v1 =	vmul.f32 v55, v54;
	_ =	sdelay $0x1  }
0x20e: {  	[tilespmem:s21+$0x5DD0] =	vst v1  }
0x20f: {  	v0 =	vld.idx.msk [tilespmem:v53+s6+$0x0], $0xffff;
	_ =	sdelay $0x4  }
0x210: {  	v0 =	vadd.f32 $1.000000020e-16, v0;
	_ =	sdelay $0x1  }
0x211: {  	(erf) = vrcp.f32 v0;
	_ =	sdelay $0x3  }
0x212: {  	v56 =	vld [tilespmem:s21+$0x5620]  }
0x213: {  	v57 =	vld [tilespmem:s21+$0x5DE0];
	_ =	sdelay $0x3  }
0x214: {  	v58 =	vpop (erf)  }
0x215: {  	v1 =	vmul.f32 v58, v57;
	_ =	sdelay $0x1  }
0x216: {  	[tilespmem:s21+$0x5DE0] =	vst v1  }
0x217: {  	v0 =	vld.idx.msk [tilespmem:v56+s6+$0x0], $0xffff;
	_ =	sdelay $0x4  }
0x218: {  	v0 =	vadd.f32 $1.000000020e-16, v0;
	_ =	sdelay $0x1  }
0x219: {  	(erf) = vrcp.f32 v0;
	_ =	sdelay $0x3  }
0x21a: {  	v59 =	vld [tilespmem:s21+$0x5630]  }
0x21b: {  	v60 =	vld [tilespmem:s21+$0x5DF0];
	_ =	sdelay $0x3  }
0x21c: {  	v61 =	vpop (erf)  }
0x21d: {  	v1 =	vmul.f32 v61, v60;
	_ =	sdelay $0x1  }
0x21e: {  	[tilespmem:s21+$0x5DF0] =	vst v1  }
0x21f: {  	v0 =	vld.idx.msk [tilespmem:v59+s6+$0x0], $0xffff;
	_ =	sdelay $0x4  }
0x220: {  	v0 =	vadd.f32 $1.000000020e-16, v0;
	_ =	sdelay $0x1  }
0x221: {  	(erf) = vrcp.f32 v0;
	_ =	sdelay $0x4  }
0x222: {  	v62 =	vld [tilespmem:s21+$0x5E00];
	_ =	sdelay $0x3  }
.Ltmp7:
0x223: {  	v63 =	vpop (erf);
	(pc) =	sbr.rel .LBB2_9-.Ltmp7, $3  }
0x224: {  	v0 =	vmul.f32 v63, v62;
	_ =	sdelay $0x1  }
0x225: {  	s20 =	simm.s32 $0x0;
	[tilespmem:s21+$0x5E00] =	vst v0  }
0x226: {  	[tilespmem:s7], [sflag:$0x2] =	stream.indirect.gather [hbm4b:s1+s29], $0x80, s26, s29, $0xb8;
	[tilespmem:$0x1F098] =	vst v63  }
.LBB2_16:
0x227: {  	s20 =	sadd.s32 $0x1, s20  }
0x228: {  	p1 =	sne.s32 s20, $0x19  }
.Ltmp8:
0x229: {  	_ = 	snop;
	(pc) =	sbr.rel @!p1 .LBB2_17-.Ltmp8, $1  }
0x22a: {  	_ =	sdelay $0x3  }
.LBB2_9:
0x22b: {  	s21 =	sand.u32 $0x1, s20  }
0x22c: {  	p1 =	seq.s32 s21, $0x1  }
.Ltmp9:
0x22d: {  	_ = 	snop;
	(pc) =	sbr.rel @p1 .LBB2_13-.Ltmp9, $1  }
0x22e: {  	_ =	sdelay $0x3  }
0x22f: {  	_ =	swait.ge [sflag:s12], $0x2800  }
0x230: {  	p1 =	seq.s32 s20, $0x0;
	[sflag:s12] =	ssyncset.done $0x0  }
0x231: {  	s19 =	simm.s32 @!p1 $0x5;
	[sflag:s12] =	ssyncadd.s32 $0xFFFFD800  }
0x232: {  	_ =	swait.ge @!p1 [sflag:s19], $0x2800  }
0x233: {  	p2 =	seq.s32 @!p1 s20, $0x18;
	[sflag:s19] =	ssyncset.done @!p1 $0x0  }
0x234: {  	p2 =	por p1, !p2;
	[sflag:s19] =	ssyncadd.s32 @!p1 $0xFFFFD800;
	s19 =	simm.s32 @!p1 $0x1E00  }
0x235: {  	s19 =	smul.u32 @p2 $0x140, s20;
	_ =	sdelay $0x1  }
0x236: {  	s25 =	sshra.s32 @p2 s19, $0x2  }
0x237: {  	s25 =	sadd.s32 @p2 $0x4E70, s25  }
0x238: {  	[tilespmem:s11], [sflag:$0x3] =	stream.indirect.gather @p2 [hbm4b:s1+s29], $0x80, s25, s29, $0xb8;
	[tilespmem:$0x1F098] =	vst v63  }
0x239: {  	s25 =	sshra.s32 s19, $0x2  }
0x23a: {  	s31 =	sadd.s32 $0x5DC0, s25  }
0x23b: {  	v0 =	vmov s31;
	_ =	sdelay $0x1  }
0x23c: {  	s19 =	simm.s32 $0x0  }
.LBB2_11:
0x23d: {  	s31 =	sshll.u32 s19, $0x4  }
0x23e: {  	s31 =	sand.u32 $0x3FFFFFF0, s31  }
0x23f: {  	v1 =	vld.idx.msk [tilespmem:v0+s31+$0x0 ss:$0x1], $0xffff;
	s31 =	sshll.u32 s19, $0xB  }
0x240: {  	s31 =	sand.u32 $0x3FFFF800, s31  }
0x241: {  	v2 =	vld [tilespmem:s31+$0x65A0]  }
0x242: {  	v3 =	vld [tilespmem:s31+$0x65B0]  }
0x243: {  	v4 =	vld [tilespmem:s31+$0x65C0]  }
0x244: {  	v6 =	vld [tilespmem:s31+$0x65D0];
	v5 =	vbroadcast v1, $0x0  }
0x245: {  	v7 =	vld [tilespmem:s31+$0x65E0]  }
0x246: {  	v8 =	vld [tilespmem:s31+$0x65F0];
	v2 =	vmul.f32 v5, v2  }
0x247: {  	v9 =	vld [tilespmem:s31+$0x6600];
	v3 =	vmul.f32 v3, v5  }
0x248: {  	v34 =	vld [tilespmem:s31+$0x6610];
	[tilespmem:s31+$0x65A0] =	vst v2;
	v2 =	vmul.f32 v4, v5  }
0x249: {  	v35 =	vld [tilespmem:s31+$0x6620];
	[tilespmem:s31+$0x65B0] =	vst v3;
	v3 =	vmul.f32 v6, v5  }
0x24a: {  	v36 =	vld [tilespmem:s31+$0x6630];
	[tilespmem:s31+$0x65C0] =	vst v2;
	v2 =	vmul.f32 v7, v5  }
0x24b: {  	v37 =	vld [tilespmem:s31+$0x6640];
	[tilespmem:s31+$0x65D0] =	vst v3;
	v3 =	vmul.f32 v8, v5  }
0x24c: {  	v10 =	vld [tilespmem:s31+$0x6650];
	v38 =	vbroadcast v1, $0x1;
	[tilespmem:s31+$0x65E0] =	vst v2;
	v2 =	vmul.f32 v9, v5  }
0x24d: {  	v39 =	vld [tilespmem:s31+$0x6660];
	[tilespmem:s31+$0x65F0] =	vst v3;
	v3 =	vmul.f32 v34, v5  }
0x24e: {  	v40 =	vld [tilespmem:s31+$0x6670];
	[tilespmem:s31+$0x6600] =	vst v2;
	v2 =	vmul.f32 v35, v38  }
0x24f: {  	v41 =	vld [tilespmem:s31+$0x6680];
	[tilespmem:s31+$0x6610] =	vst v3;
	v3 =	vmul.f32 v36, v38  }
0x250: {  	v42 =	vld [tilespmem:s31+$0x6690];
	[tilespmem:s31+$0x6620] =	vst v2;
	v2 =	vmul.f32 v37, v38  }
0x251: {  	v43 =	vld [tilespmem:s31+$0x66A0];
	[tilespmem:s31+$0x6630] =	vst v3;
	v3 =	vmul.f32 v10, v38  }
0x252: {  	v44 =	vld [tilespmem:s31+$0x66B0];
	[tilespmem:s31+$0x6640] =	vst v2;
	v2 =	vmul.f32 v39, v38  }
0x253: {  	v45 =	vld [tilespmem:s31+$0x66C0];
	[tilespmem:s31+$0x6650] =	vst v3;
	v3 =	vmul.f32 v40, v38  }
0x254: {  	v47 =	vld [tilespmem:s31+$0x66D0];
	v46 =	vbroadcast v1, $0x2;
	[tilespmem:s31+$0x6660] =	vst v2;
	v2 =	vmul.f32 v41, v38  }
0x255: {  	v48 =	vld [tilespmem:s31+$0x66E0];
	[tilespmem:s31+$0x6670] =	vst v3;
	v3 =	vmul.f32 v42, v38  }
0x256: {  	v49 =	vld [tilespmem:s31+$0x66F0];
	[tilespmem:s31+$0x6680] =	vst v2;
	v2 =	vmul.f32 v43, v46  }
0x257: {  	v50 =	vld [tilespmem:s31+$0x6700];
	[tilespmem:s31+$0x6690] =	vst v3;
	v3 =	vmul.f32 v44, v46  }
0x258: {  	v51 =	vld [tilespmem:s31+$0x6710];
	[tilespmem:s31+$0x66A0] =	vst v2;
	v2 =	vmul.f32 v45, v46  }
0x259: {  	v52 =	vld [tilespmem:s31+$0x6720];
	[tilespmem:s31+$0x66B0] =	vst v3;
	v3 =	vmul.f32 v47, v46  }
0x25a: {  	v53 =	vld [tilespmem:s31+$0x6730];
	[tilespmem:s31+$0x66C0] =	vst v2;
	v2 =	vmul.f32 v48, v46  }
0x25b: {  	v54 =	vld [tilespmem:s31+$0x6740];
	[tilespmem:s31+$0x66D0] =	vst v3;
	v3 =	vmul.f32 v49, v46  }
0x25c: {  	v56 =	vld [tilespmem:s31+$0x6750];
	v55 =	vbroadcast v1, $0x3;
	[tilespmem:s31+$0x66E0] =	vst v2;
	v2 =	vmul.f32 v50, v46  }
0x25d: {  	v57 =	vld [tilespmem:s31+$0x6760];
	[tilespmem:s31+$0x66F0] =	vst v3;
	v3 =	vmul.f32 v51, v46  }
0x25e: {  	v58 =	vld [tilespmem:s31+$0x6770];
	[tilespmem:s31+$0x6700] =	vst v2;
	v2 =	vmul.f32 v52, v55  }
0x25f: {  	v59 =	vld [tilespmem:s31+$0x6780];
	[tilespmem:s31+$0x6710] =	vst v3;
	v3 =	vmul.f32 v53, v55  }
0x260: {  	v60 =	vld [tilespmem:s31+$0x6790];
	[tilespmem:s31+$0x6720] =	vst v2;
	v2 =	vmul.f32 v54, v55  }
0x261: {  	v61 =	vld [tilespmem:s31+$0x67A0];
	[tilespmem:s31+$0x6730] =	vst v3;
	v3 =	vmul.f32 v56, v55  }
0x262: {  	v62 =	vld [tilespmem:s31+$0x67B0];
	[tilespmem:s31+$0x6740] =	vst v2;
	v2 =	vmul.f32 v57, v55  }
0x263: {  	v63 =	vld [tilespmem:s31+$0x67C0];
	[tilespmem:s31+$0x6750] =	vst v3;
	v3 =	vmul.f32 v58, v55  }
0x264: {  	v13 =	vld [tilespmem:s31+$0x67D0];
	v12 =	vbroadcast v1, $0x4;
	[tilespmem:s31+$0x6760] =	vst v2;
	v2 =	vmul.f32 v59, v55  }
0x265: {  	v14 =	vld [tilespmem:s31+$0x67E0];
	[tilespmem:s31+$0x6770] =	vst v3;
	v3 =	vmul.f32 v60, v55  }
0x266: {  	v15 =	vld [tilespmem:s31+$0x67F0];
	[tilespmem:s31+$0x6780] =	vst v2;
	v2 =	vmul.f32 v61, v12  }
0x267: {  	v16 =	vld [tilespmem:s31+$0x6800];
	[tilespmem:s31+$0x6790] =	vst v3;
	v3 =	vmul.f32 v62, v12  }
0x268: {  	v17 =	vld [tilespmem:s31+$0x6810];
	[tilespmem:s31+$0x67A0] =	vst v2;
	v2 =	vmul.f32 v63, v12  }
0x269: {  	v18 =	vld [tilespmem:s31+$0x6820];
	[tilespmem:s31+$0x67B0] =	vst v3;
	v3 =	vmul.f32 v13, v12  }
0x26a: {  	v19 =	vld [tilespmem:s31+$0x6830];
	[tilespmem:s31+$0x67C0] =	vst v2;
	v2 =	vmul.f32 v14, v12  }
0x26b: {  	v20 =	vld [tilespmem:s31+$0x6840];
	[tilespmem:s31+$0x67D0] =	vst v3;
	v3 =	vmul.f32 v15, v12  }
0x26c: {  	v22 =	vld [tilespmem:s31+$0x6850];
	v21 =	vbroadcast v1, $0x5;
	[tilespmem:s31+$0x67E0] =	vst v2;
	v2 =	vmul.f32 v16, v12  }
0x26d: {  	v23 =	vld [tilespmem:s31+$0x6860];
	[tilespmem:s31+$0x67F0] =	vst v3;
	v3 =	vmul.f32 v17, v12  }
0x26e: {  	v24 =	vld [tilespmem:s31+$0x6870];
	[tilespmem:s31+$0x6800] =	vst v2;
	v2 =	vmul.f32 v18, v21  }
0x26f: {  	v25 =	vld [tilespmem:s31+$0x6880];
	[tilespmem:s31+$0x6810] =	vst v3;
	v3 =	vmul.f32 v19, v21  }
0x270: {  	v26 =	vld [tilespmem:s31+$0x6890];
	[tilespmem:s31+$0x6820] =	vst v2;
	v2 =	vmul.f32 v20, v21  }
0x271: {  	v27 =	vld [tilespmem:s31+$0x68A0];
	[tilespmem:s31+$0x6830] =	vst v3;
	v3 =	vmul.f32 v22, v21  }
0x272: {  	v28 =	vld [tilespmem:s31+$0x68B0];
	[tilespmem:s31+$0x6840] =	vst v2;
	v2 =	vmul.f32 v23, v21  }
0x273: {  	v29 =	vld [tilespmem:s31+$0x68C0];
	[tilespmem:s31+$0x6850] =	vst v3;
	v3 =	vmul.f32 v24, v21  }
0x274: {  	v31 =	vld [tilespmem:s31+$0x68D0];
	v30 =	vbroadcast v1, $0x6;
	[tilespmem:s31+$0x6860] =	vst v2;
	v2 =	vmul.f32 v25, v21  }
0x275: {  	v32 =	vld [tilespmem:s31+$0x68E0];
	[tilespmem:s31+$0x6870] =	vst v3;
	v3 =	vmul.f32 v26, v21  }
0x276: {  	v33 =	vld [tilespmem:s31+$0x68F0];
	[tilespmem:s31+$0x6880] =	vst v2;
	v2 =	vmul.f32 v27, v30  }
0x277: {  	v34 =	vld [tilespmem:s31+$0x6900];
	[tilespmem:s31+$0x6890] =	vst v3;
	v3 =	vmul.f32 v28, v30  }
0x278: {  	v35 =	vld [tilespmem:s31+$0x6910];
	[tilespmem:s31+$0x68A0] =	vst v2;
	v2 =	vmul.f32 v29, v30  }
0x279: {  	v36 =	vld [tilespmem:s31+$0x6920];
	[tilespmem:s31+$0x68B0] =	vst v3;
	v3 =	vmul.f32 v31, v30  }
0x27a: {  	v37 =	vld [tilespmem:s31+$0x6930];
	[tilespmem:s31+$0x68C0] =	vst v2;
	v2 =	vmul.f32 v32, v30  }
0x27b: {  	v38 =	vld [tilespmem:s31+$0x6940];
	[tilespmem:s31+$0x68D0] =	vst v3;
	v3 =	vmul.f32 v33, v30  }
0x27c: {  	v39 =	vbroadcast v1, $0x7;
	v40 =	vld [tilespmem:s31+$0x6950];
	[tilespmem:s31+$0x68E0] =	vst v2;
	v2 =	vmul.f32 v34, v30  }
0x27d: {  	v41 =	vld [tilespmem:s31+$0x6960];
	[tilespmem:s31+$0x68F0] =	vst v3;
	v3 =	vmul.f32 v35, v30  }
0x27e: {  	v42 =	vld [tilespmem:s31+$0x6970];
	[tilespmem:s31+$0x6900] =	vst v2;
	v2 =	vmul.f32 v36, v39  }
0x27f: {  	v43 =	vld [tilespmem:s31+$0x6980];
	[tilespmem:s31+$0x6910] =	vst v3;
	v3 =	vmul.f32 v37, v39  }
0x280: {  	v44 =	vld [tilespmem:s31+$0x6990];
	[tilespmem:s31+$0x6920] =	vst v2;
	v2 =	vmul.f32 v38, v39  }
0x281: {  	v45 =	vld [tilespmem:s31+$0x69A0];
	[tilespmem:s31+$0x6930] =	vst v3;
	v3 =	vmul.f32 v40, v39  }
0x282: {  	v46 =	vld [tilespmem:s31+$0x69B0];
	[tilespmem:s31+$0x6940] =	vst v2;
	v2 =	vmul.f32 v41, v39  }
0x283: {  	v47 =	vld [tilespmem:s31+$0x69C0];
	[tilespmem:s31+$0x6950] =	vst v3;
	v3 =	vmul.f32 v42, v39  }
0x284: {  	v48 =	vbroadcast v1, $0x8;
	v49 =	vld [tilespmem:s31+$0x69D0];
	[tilespmem:s31+$0x6960] =	vst v2;
	v2 =	vmul.f32 v43, v39  }
0x285: {  	v50 =	vld [tilespmem:s31+$0x69E0];
	[tilespmem:s31+$0x6970] =	vst v3;
	v3 =	vmul.f32 v44, v39  }
0x286: {  	v51 =	vld [tilespmem:s31+$0x69F0];
	[tilespmem:s31+$0x6980] =	vst v2;
	v2 =	vmul.f32 v45, v48  }
0x287: {  	v52 =	vld [tilespmem:s31+$0x6A00];
	[tilespmem:s31+$0x6990] =	vst v3;
	v3 =	vmul.f32 v46, v48  }
0x288: {  	v53 =	vld [tilespmem:s31+$0x6A10];
	[tilespmem:s31+$0x69A0] =	vst v2;
	v2 =	vmul.f32 v47, v48  }
0x289: {  	v54 =	vld [tilespmem:s31+$0x6A20];
	[tilespmem:s31+$0x69B0] =	vst v3;
	v3 =	vmul.f32 v49, v48  }
0x28a: {  	v55 =	vld [tilespmem:s31+$0x6A30];
	[tilespmem:s31+$0x69C0] =	vst v2;
	v2 =	vmul.f32 v50, v48  }
0x28b: {  	v56 =	vld [tilespmem:s31+$0x6A40];
	[tilespmem:s31+$0x69D0] =	vst v3;
	v3 =	vmul.f32 v51, v48  }
0x28c: {  	v57 =	vbroadcast v1, $0x9;
	v58 =	vld [tilespmem:s31+$0x6A50];
	[tilespmem:s31+$0x69E0] =	vst v2;
	v2 =	vmul.f32 v52, v48  }
0x28d: {  	v59 =	vld [tilespmem:s31+$0x6A60];
	[tilespmem:s31+$0x69F0] =	vst v3;
	v3 =	vmul.f32 v53, v48  }
0x28e: {  	v60 =	vld [tilespmem:s31+$0x6A70];
	[tilespmem:s31+$0x6A00] =	vst v2;
	v2 =	vmul.f32 v54, v57  }
0x28f: {  	v61 =	vld [tilespmem:s31+$0x6A80];
	[tilespmem:s31+$0x6A10] =	vst v3;
	v3 =	vmul.f32 v55, v57  }
0x290: {  	v62 =	vld [tilespmem:s31+$0x6A90];
	[tilespmem:s31+$0x6A20] =	vst v2;
	v2 =	vmul.f32 v56, v57  }
0x291: {  	v63 =	vld [tilespmem:s31+$0x6AA0];
	[tilespmem:s31+$0x6A30] =	vst v3;
	v3 =	vmul.f32 v58, v57  }
0x292: {  	v12 =	vld [tilespmem:s31+$0x6AB0];
	[tilespmem:s31+$0x6A40] =	vst v2;
	v2 =	vmul.f32 v59, v57  }
0x293: {  	v13 =	vld [tilespmem:s31+$0x6AC0];
	[tilespmem:s31+$0x6A50] =	vst v3;
	v3 =	vmul.f32 v60, v57  }
0x294: {  	v14 =	vbroadcast v1, $0xA;
	v15 =	vld [tilespmem:s31+$0x6AD0];
	[tilespmem:s31+$0x6A60] =	vst v2;
	v2 =	vmul.f32 v61, v57  }
0x295: {  	v16 =	vld [tilespmem:s31+$0x6AE0];
	[tilespmem:s31+$0x6A70] =	vst v3;
	v3 =	vmul.f32 v62, v57  }
0x296: {  	v17 =	vld [tilespmem:s31+$0x6AF0];
	[tilespmem:s31+$0x6A80] =	vst v2;
	v2 =	vmul.f32 v63, v14  }
0x297: {  	v18 =	vld [tilespmem:s31+$0x6B00];
	[tilespmem:s31+$0x6A90] =	vst v3;
	v3 =	vmul.f32 v12, v14  }
0x298: {  	v19 =	vld [tilespmem:s31+$0x6B10];
	[tilespmem:s31+$0x6AA0] =	vst v2;
	v2 =	vmul.f32 v13, v14  }
0x299: {  	v20 =	vld [tilespmem:s31+$0x6B20];
	[tilespmem:s31+$0x6AB0] =	vst v3;
	v3 =	vmul.f32 v15, v14  }
0x29a: {  	v21 =	vld [tilespmem:s31+$0x6B30];
	[tilespmem:s31+$0x6AC0] =	vst v2;
	v2 =	vmul.f32 v16, v14  }
0x29b: {  	v22 =	vld [tilespmem:s31+$0x6B40];
	[tilespmem:s31+$0x6AD0] =	vst v3;
	v3 =	vmul.f32 v17, v14  }
0x29c: {  	v23 =	vbroadcast v1, $0xB;
	v24 =	vld [tilespmem:s31+$0x6B50];
	[tilespmem:s31+$0x6AE0] =	vst v2;
	v2 =	vmul.f32 v18, v14  }
0x29d: {  	v25 =	vld [tilespmem:s31+$0x6B60];
	[tilespmem:s31+$0x6AF0] =	vst v3;
	v3 =	vmul.f32 v19, v14  }
0x29e: {  	v26 =	vld [tilespmem:s31+$0x6B70];
	[tilespmem:s31+$0x6B00] =	vst v2;
	v2 =	vmul.f32 v20, v23  }
0x29f: {  	v27 =	vld [tilespmem:s31+$0x6B80];
	[tilespmem:s31+$0x6B10] =	vst v3;
	v3 =	vmul.f32 v21, v23  }
0x2a0: {  	v28 =	vld [tilespmem:s31+$0x6B90];
	[tilespmem:s31+$0x6B20] =	vst v2;
	v2 =	vmul.f32 v22, v23  }
0x2a1: {  	v29 =	vld [tilespmem:s31+$0x6BA0];
	[tilespmem:s31+$0x6B30] =	vst v3;
	v3 =	vmul.f32 v24, v23  }
0x2a2: {  	v30 =	vld [tilespmem:s31+$0x6BB0];
	[tilespmem:s31+$0x6B40] =	vst v2;
	v2 =	vmul.f32 v25, v23  }
0x2a3: {  	v31 =	vld [tilespmem:s31+$0x6BC0];
	[tilespmem:s31+$0x6B50] =	vst v3;
	v3 =	vmul.f32 v26, v23  }
0x2a4: {  	v32 =	vbroadcast v1, $0xC;
	v33 =	vld [tilespmem:s31+$0x6BD0];
	[tilespmem:s31+$0x6B60] =	vst v2;
	v2 =	vmul.f32 v27, v23  }
0x2a5: {  	v34 =	vld [tilespmem:s31+$0x6BE0];
	[tilespmem:s31+$0x6B70] =	vst v3;
	v3 =	vmul.f32 v28, v23  }
0x2a6: {  	v35 =	vld [tilespmem:s31+$0x6BF0];
	[tilespmem:s31+$0x6B80] =	vst v2;
	v2 =	vmul.f32 v29, v32  }
0x2a7: {  	v36 =	vld [tilespmem:s31+$0x6C00];
	[tilespmem:s31+$0x6B90] =	vst v3;
	v3 =	vmul.f32 v30, v32  }
0x2a8: {  	v37 =	vld [tilespmem:s31+$0x6C10];
	[tilespmem:s31+$0x6BA0] =	vst v2;
	v2 =	vmul.f32 v31, v32  }
0x2a9: {  	v38 =	vld [tilespmem:s31+$0x6C20];
	[tilespmem:s31+$0x6BB0] =	vst v3;
	v3 =	vmul.f32 v33, v32  }
0x2aa: {  	v39 =	vld [tilespmem:s31+$0x6C30];
	[tilespmem:s31+$0x6BC0] =	vst v2;
	v2 =	vmul.f32 v34, v32  }
0x2ab: {  	v40 =	vld [tilespmem:s31+$0x6C40];
	[tilespmem:s31+$0x6BD0] =	vst v3;
	v3 =	vmul.f32 v35, v32  }
0x2ac: {  	v41 =	vbroadcast v1, $0xD;
	v42 =	vld [tilespmem:s31+$0x6C50];
	[tilespmem:s31+$0x6BE0] =	vst v2;
	v2 =	vmul.f32 v36, v32  }
0x2ad: {  	v43 =	vld [tilespmem:s31+$0x6C60];
	[tilespmem:s31+$0x6BF0] =	vst v3;
	v3 =	vmul.f32 v37, v32  }
0x2ae: {  	v44 =	vld [tilespmem:s31+$0x6C70];
	[tilespmem:s31+$0x6C00] =	vst v2;
	v2 =	vmul.f32 v38, v41  }
0x2af: {  	v45 =	vld [tilespmem:s31+$0x6C80];
	[tilespmem:s31+$0x6C10] =	vst v3;
	v3 =	vmul.f32 v39, v41  }
0x2b0: {  	v46 =	vld [tilespmem:s31+$0x6C90];
	[tilespmem:s31+$0x6C20] =	vst v2;
	v2 =	vmul.f32 v40, v41  }
0x2b1: {  	v47 =	vld [tilespmem:s31+$0x6CA0];
	[tilespmem:s31+$0x6C30] =	vst v3;
	v3 =	vmul.f32 v42, v41  }
0x2b2: {  	v48 =	vld [tilespmem:s31+$0x6CB0];
	[tilespmem:s31+$0x6C40] =	vst v2;
	v2 =	vmul.f32 v43, v41  }
0x2b3: {  	v49 =	vld [tilespmem:s31+$0x6CC0];
	[tilespmem:s31+$0x6C50] =	vst v3;
	v3 =	vmul.f32 v44, v41  }
0x2b4: {  	v50 =	vbroadcast v1, $0xE;
	v51 =	vld [tilespmem:s31+$0x6CD0];
	[tilespmem:s31+$0x6C60] =	vst v2;
	v2 =	vmul.f32 v45, v41  }
0x2b5: {  	v52 =	vld [tilespmem:s31+$0x6CE0];
	[tilespmem:s31+$0x6C70] =	vst v3;
	v3 =	vmul.f32 v46, v41  }
0x2b6: {  	v53 =	vld [tilespmem:s31+$0x6CF0];
	[tilespmem:s31+$0x6C80] =	vst v2;
	v2 =	vmul.f32 v47, v50  }
0x2b7: {  	v54 =	vld [tilespmem:s31+$0x6D00];
	[tilespmem:s31+$0x6C90] =	vst v3;
	v3 =	vmul.f32 v48, v50  }
0x2b8: {  	v55 =	vld [tilespmem:s31+$0x6D10];
	[tilespmem:s31+$0x6CA0] =	vst v2;
	v2 =	vmul.f32 v49, v50  }
0x2b9: {  	v56 =	vld [tilespmem:s31+$0x6D20];
	[tilespmem:s31+$0x6CB0] =	vst v3;
	v3 =	vmul.f32 v51, v50  }
0x2ba: {  	v57 =	vld [tilespmem:s31+$0x6D30];
	[tilespmem:s31+$0x6CC0] =	vst v2;
	v2 =	vmul.f32 v52, v50  }
0x2bb: {  	v58 =	vld [tilespmem:s31+$0x6D40];
	[tilespmem:s31+$0x6CD0] =	vst v3;
	v3 =	vmul.f32 v53, v50  }
0x2bc: {  	v1 =	vbroadcast v1, $0xF;
	v59 =	vld [tilespmem:s31+$0x6D50];
	[tilespmem:s31+$0x6CE0] =	vst v2;
	v2 =	vmul.f32 v54, v50  }
0x2bd: {  	v60 =	vld [tilespmem:s31+$0x6D60];
	[tilespmem:s31+$0x6CF0] =	vst v3;
	v3 =	vmul.f32 v55, v50  }
0x2be: {  	v61 =	vld [tilespmem:s31+$0x6D70];
	[tilespmem:s31+$0x6D00] =	vst v2;
	v2 =	vmul.f32 v56, v1  }
0x2bf: {  	v62 =	vld [tilespmem:s31+$0x6D80];
	[tilespmem:s31+$0x6D10] =	vst v3;
	v3 =	vmul.f32 v57, v1  }
0x2c0: {  	v63 =	vld [tilespmem:s31+$0x6D90];
	[tilespmem:s31+$0x6D20] =	vst v2;
	v2 =	vmul.f32 v58, v1  }
0x2c1: {  	[tilespmem:s31+$0x6D30] =	vst v3;
	v3 =	vmul.f32 v59, v1  }
0x2c2: {  	p1 =	sne.s32 s19, $0x4;
	[tilespmem:s31+$0x6D40] =	vst v2;
	v2 =	vmul.f32 v60, v1  }
.Ltmp10:
0x2c3: {  	[tilespmem:s31+$0x6D50] =	vst v3;
	v3 =	vmul.f32 v61, v1;
	(pc) =	sbr.rel @p1 .LBB2_11-.Ltmp10, $4  }
0x2c4: {  	[tilespmem:s31+$0x6D60] =	vst v2;
	v2 =	vmul.f32 v62, v1  }
0x2c5: {  	[tilespmem:s31+$0x6D70] =	vst v3;
	v1 =	vmul.f32 v63, v1  }
0x2c6: {  	[tilespmem:s31+$0x6D80] =	vst v2  }
0x2c7: {  	s19 =	sadd.s32 $0x1, s19;
	[tilespmem:s31+$0x6D90] =	vst v1  }
0x2c8: {  	p1 =	seq.s32 s21, $0x0  }
.Ltmp11:
0x2c9: {  	_ = 	snop;
	(pc) =	sbr.rel @p1 .LBB2_16-.Ltmp11, $3  }
0x2ca: {  	_ =	sdelay $0x1  }
0x2cb: {  	s19 =	sadd.s32 $0x55F0, s25  }
0x2cc: {  	[spmem:s3] =	stream.indirect.scatter.add.f32 [tilespmem:s7], [sflag:$0x4], $0x80, s19, s29, $0xb8;
	[tilespmem:$0x1F098] =	vst v63  }
.LBB2_13:
0x2cd: {  	_ =	swait.ge [sflag:s8], $0x2800  }
0x2ce: {  	p1 =	seq.s32 s20, $0x18;
	[sflag:s8] =	ssyncset.done $0x0  }
0x2cf: {  	s19 =	smul.u32 @!p1 $0x140, s20;
	[sflag:s8] =	ssyncadd.s32 $0xFFFFD800  }
0x2d0: {  	s25 =	simm.s32 @!p1 $0x50;
	_ =	swait.ge [sflag:s10], $0x2800  }
0x2d1: {  	s31 =	simm.s32 @!p1 $0x65A0;
	s21 =	sshra.s32 @!p1 s19, $0x2;
	[sflag:s10] =	ssyncset.done $0x0  }
0x2d2: {  	s19 =	simm.s32 @p1 $0x1E00;
	s21 =	sadd.s32 @!p1 $0x4E70, s21;
	[sflag:s10] =	ssyncadd.s32 $0xFFFFD800  }
0x2d3: {  	[tilespmem:s31], [sflag:$0x2] =	stream.indirect.gather @!p1 [hbm4b:s1+s25], $0x80, s21, s25, $0xb8;
	[tilespmem:$0x1F098] =	vst v63  }
0x2d4: {  	s21 =	sshra.s32 s19, $0x2  }
0x2d5: {  	s31 =	sadd.s32 $0x5DC0, s21  }
0x2d6: {  	v0 =	vmov s31;
	_ =	sdelay $0x1  }
0x2d7: {  	s19 =	simm.s32 $0x0  }
.LBB2_14:
0x2d8: {  	s25 =	sshll.u32 s19, $0x4  }
0x2d9: {  	s25 =	sand.u32 $0x3FFFFFF0, s25  }
0x2da: {  	s31 =	sshll.u32 s19, $0xB;
	v1 =	vld.idx.msk [tilespmem:v0+s25+$0x0 ss:$0x1], $0xffff  }
0x2db: {  	s25 =	sand.u32 $0x3FFFF800, s31  }
0x2dc: {  	v2 =	vld [tilespmem:s25+$0x8DA0]  }
0x2dd: {  	v3 =	vld [tilespmem:s25+$0x8DB0]  }
0x2de: {  	v4 =	vld [tilespmem:s25+$0x8DC0]  }
0x2df: {  	v6 =	vld [tilespmem:s25+$0x8DD0];
	v5 =	vbroadcast v1, $0x0  }
0x2e0: {  	v7 =	vld [tilespmem:s25+$0x8DE0]  }
0x2e1: {  	v8 =	vld [tilespmem:s25+$0x8DF0];
	v2 =	vmul.f32 v5, v2  }
0x2e2: {  	v9 =	vld [tilespmem:s25+$0x8E00];
	v3 =	vmul.f32 v3, v5  }
0x2e3: {  	v34 =	vld [tilespmem:s25+$0x8E10];
	[tilespmem:s25+$0x8DA0] =	vst v2;
	v2 =	vmul.f32 v4, v5  }
0x2e4: {  	v35 =	vld [tilespmem:s25+$0x8E20];
	[tilespmem:s25+$0x8DB0] =	vst v3;
	v3 =	vmul.f32 v6, v5  }
0x2e5: {  	v36 =	vld [tilespmem:s25+$0x8E30];
	[tilespmem:s25+$0x8DC0] =	vst v2;
	v2 =	vmul.f32 v7, v5  }
0x2e6: {  	v37 =	vld [tilespmem:s25+$0x8E40];
	[tilespmem:s25+$0x8DD0] =	vst v3;
	v3 =	vmul.f32 v8, v5  }
0x2e7: {  	v10 =	vld [tilespmem:s25+$0x8E50];
	v38 =	vbroadcast v1, $0x1;
	[tilespmem:s25+$0x8DE0] =	vst v2;
	v2 =	vmul.f32 v9, v5  }
0x2e8: {  	v39 =	vld [tilespmem:s25+$0x8E60];
	[tilespmem:s25+$0x8DF0] =	vst v3;
	v3 =	vmul.f32 v34, v5  }
0x2e9: {  	v40 =	vld [tilespmem:s25+$0x8E70];
	[tilespmem:s25+$0x8E00] =	vst v2;
	v2 =	vmul.f32 v35, v38  }
0x2ea: {  	v41 =	vld [tilespmem:s25+$0x8E80];
	[tilespmem:s25+$0x8E10] =	vst v3;
	v3 =	vmul.f32 v36, v38  }
0x2eb: {  	v42 =	vld [tilespmem:s25+$0x8E90];
	[tilespmem:s25+$0x8E20] =	vst v2;
	v2 =	vmul.f32 v37, v38  }
0x2ec: {  	v43 =	vld [tilespmem:s25+$0x8EA0];
	[tilespmem:s25+$0x8E30] =	vst v3;
	v3 =	vmul.f32 v10, v38  }
0x2ed: {  	v44 =	vld [tilespmem:s25+$0x8EB0];
	[tilespmem:s25+$0x8E40] =	vst v2;
	v2 =	vmul.f32 v39, v38  }
0x2ee: {  	v45 =	vld [tilespmem:s25+$0x8EC0];
	[tilespmem:s25+$0x8E50] =	vst v3;
	v3 =	vmul.f32 v40, v38  }
0x2ef: {  	v47 =	vld [tilespmem:s25+$0x8ED0];
	v46 =	vbroadcast v1, $0x2;
	[tilespmem:s25+$0x8E60] =	vst v2;
	v2 =	vmul.f32 v41, v38  }
0x2f0: {  	v48 =	vld [tilespmem:s25+$0x8EE0];
	[tilespmem:s25+$0x8E70] =	vst v3;
	v3 =	vmul.f32 v42, v38  }
0x2f1: {  	v49 =	vld [tilespmem:s25+$0x8EF0];
	[tilespmem:s25+$0x8E80] =	vst v2;
	v2 =	vmul.f32 v43, v46  }
0x2f2: {  	v50 =	vld [tilespmem:s25+$0x8F00];
	[tilespmem:s25+$0x8E90] =	vst v3;
	v3 =	vmul.f32 v44, v46  }
0x2f3: {  	v51 =	vld [tilespmem:s25+$0x8F10];
	[tilespmem:s25+$0x8EA0] =	vst v2;
	v2 =	vmul.f32 v45, v46  }
0x2f4: {  	v52 =	vld [tilespmem:s25+$0x8F20];
	[tilespmem:s25+$0x8EB0] =	vst v3;
	v3 =	vmul.f32 v47, v46  }
0x2f5: {  	v53 =	vld [tilespmem:s25+$0x8F30];
	[tilespmem:s25+$0x8EC0] =	vst v2;
	v2 =	vmul.f32 v48, v46  }
0x2f6: {  	v54 =	vld [tilespmem:s25+$0x8F40];
	[tilespmem:s25+$0x8ED0] =	vst v3;
	v3 =	vmul.f32 v49, v46  }
0x2f7: {  	v56 =	vld [tilespmem:s25+$0x8F50];
	v55 =	vbroadcast v1, $0x3;
	[tilespmem:s25+$0x8EE0] =	vst v2;
	v2 =	vmul.f32 v50, v46  }
0x2f8: {  	v57 =	vld [tilespmem:s25+$0x8F60];
	[tilespmem:s25+$0x8EF0] =	vst v3;
	v3 =	vmul.f32 v51, v46  }
0x2f9: {  	v58 =	vld [tilespmem:s25+$0x8F70];
	[tilespmem:s25+$0x8F00] =	vst v2;
	v2 =	vmul.f32 v52, v55  }
0x2fa: {  	v59 =	vld [tilespmem:s25+$0x8F80];
	[tilespmem:s25+$0x8F10] =	vst v3;
	v3 =	vmul.f32 v53, v55  }
0x2fb: {  	v60 =	vld [tilespmem:s25+$0x8F90];
	[tilespmem:s25+$0x8F20] =	vst v2;
	v2 =	vmul.f32 v54, v55  }
0x2fc: {  	v61 =	vld [tilespmem:s25+$0x8FA0];
	[tilespmem:s25+$0x8F30] =	vst v3;
	v3 =	vmul.f32 v56, v55  }
0x2fd: {  	v62 =	vld [tilespmem:s25+$0x8FB0];
	[tilespmem:s25+$0x8F40] =	vst v2;
	v2 =	vmul.f32 v57, v55  }
0x2fe: {  	v63 =	vld [tilespmem:s25+$0x8FC0];
	[tilespmem:s25+$0x8F50] =	vst v3;
	v3 =	vmul.f32 v58, v55  }
0x2ff: {  	v13 =	vld [tilespmem:s25+$0x8FD0];
	v12 =	vbroadcast v1, $0x4;
	[tilespmem:s25+$0x8F60] =	vst v2;
	v2 =	vmul.f32 v59, v55  }
0x300: {  	v14 =	vld [tilespmem:s25+$0x8FE0];
	[tilespmem:s25+$0x8F70] =	vst v3;
	v3 =	vmul.f32 v60, v55  }
0x301: {  	v15 =	vld [tilespmem:s25+$0x8FF0];
	[tilespmem:s25+$0x8F80] =	vst v2;
	v2 =	vmul.f32 v61, v12  }
0x302: {  	v16 =	vld [tilespmem:s25+$0x9000];
	[tilespmem:s25+$0x8F90] =	vst v3;
	v3 =	vmul.f32 v62, v12  }
0x303: {  	v17 =	vld [tilespmem:s25+$0x9010];
	[tilespmem:s25+$0x8FA0] =	vst v2;
	v2 =	vmul.f32 v63, v12  }
0x304: {  	v18 =	vld [tilespmem:s25+$0x9020];
	[tilespmem:s25+$0x8FB0] =	vst v3;
	v3 =	vmul.f32 v13, v12  }
0x305: {  	v19 =	vld [tilespmem:s25+$0x9030];
	[tilespmem:s25+$0x8FC0] =	vst v2;
	v2 =	vmul.f32 v14, v12  }
0x306: {  	v20 =	vld [tilespmem:s25+$0x9040];
	[tilespmem:s25+$0x8FD0] =	vst v3;
	v3 =	vmul.f32 v15, v12  }
0x307: {  	v22 =	vld [tilespmem:s25+$0x9050];
	v21 =	vbroadcast v1, $0x5;
	[tilespmem:s25+$0x8FE0] =	vst v2;
	v2 =	vmul.f32 v16, v12  }
0x308: {  	v23 =	vld [tilespmem:s25+$0x9060];
	[tilespmem:s25+$0x8FF0] =	vst v3;
	v3 =	vmul.f32 v17, v12  }
0x309: {  	v24 =	vld [tilespmem:s25+$0x9070];
	[tilespmem:s25+$0x9000] =	vst v2;
	v2 =	vmul.f32 v18, v21  }
0x30a: {  	v25 =	vld [tilespmem:s25+$0x9080];
	[tilespmem:s25+$0x9010] =	vst v3;
	v3 =	vmul.f32 v19, v21  }
0x30b: {  	v26 =	vld [tilespmem:s25+$0x9090];
	[tilespmem:s25+$0x9020] =	vst v2;
	v2 =	vmul.f32 v20, v21  }
0x30c: {  	v27 =	vld [tilespmem:s25+$0x90A0];
	[tilespmem:s25+$0x9030] =	vst v3;
	v3 =	vmul.f32 v22, v21  }
0x30d: {  	v28 =	vld [tilespmem:s25+$0x90B0];
	[tilespmem:s25+$0x9040] =	vst v2;
	v2 =	vmul.f32 v23, v21  }
0x30e: {  	v29 =	vld [tilespmem:s25+$0x90C0];
	[tilespmem:s25+$0x9050] =	vst v3;
	v3 =	vmul.f32 v24, v21  }
0x30f: {  	v31 =	vld [tilespmem:s25+$0x90D0];
	v30 =	vbroadcast v1, $0x6;
	[tilespmem:s25+$0x9060] =	vst v2;
	v2 =	vmul.f32 v25, v21  }
0x310: {  	v32 =	vld [tilespmem:s25+$0x90E0];
	[tilespmem:s25+$0x9070] =	vst v3;
	v3 =	vmul.f32 v26, v21  }
0x311: {  	v33 =	vld [tilespmem:s25+$0x90F0];
	[tilespmem:s25+$0x9080] =	vst v2;
	v2 =	vmul.f32 v27, v30  }
0x312: {  	v34 =	vld [tilespmem:s25+$0x9100];
	[tilespmem:s25+$0x9090] =	vst v3;
	v3 =	vmul.f32 v28, v30  }
0x313: {  	v35 =	vld [tilespmem:s25+$0x9110];
	[tilespmem:s25+$0x90A0] =	vst v2;
	v2 =	vmul.f32 v29, v30  }
0x314: {  	v36 =	vld [tilespmem:s25+$0x9120];
	[tilespmem:s25+$0x90B0] =	vst v3;
	v3 =	vmul.f32 v31, v30  }
0x315: {  	v37 =	vld [tilespmem:s25+$0x9130];
	[tilespmem:s25+$0x90C0] =	vst v2;
	v2 =	vmul.f32 v32, v30  }
0x316: {  	v38 =	vld [tilespmem:s25+$0x9140];
	[tilespmem:s25+$0x90D0] =	vst v3;
	v3 =	vmul.f32 v33, v30  }
0x317: {  	v39 =	vbroadcast v1, $0x7;
	v40 =	vld [tilespmem:s25+$0x9150];
	[tilespmem:s25+$0x90E0] =	vst v2;
	v2 =	vmul.f32 v34, v30  }
0x318: {  	v41 =	vld [tilespmem:s25+$0x9160];
	[tilespmem:s25+$0x90F0] =	vst v3;
	v3 =	vmul.f32 v35, v30  }
0x319: {  	v42 =	vld [tilespmem:s25+$0x9170];
	[tilespmem:s25+$0x9100] =	vst v2;
	v2 =	vmul.f32 v36, v39  }
0x31a: {  	v43 =	vld [tilespmem:s25+$0x9180];
	[tilespmem:s25+$0x9110] =	vst v3;
	v3 =	vmul.f32 v37, v39  }
0x31b: {  	v44 =	vld [tilespmem:s25+$0x9190];
	[tilespmem:s25+$0x9120] =	vst v2;
	v2 =	vmul.f32 v38, v39  }
0x31c: {  	v45 =	vld [tilespmem:s25+$0x91A0];
	[tilespmem:s25+$0x9130] =	vst v3;
	v3 =	vmul.f32 v40, v39  }
0x31d: {  	v46 =	vld [tilespmem:s25+$0x91B0];
	[tilespmem:s25+$0x9140] =	vst v2;
	v2 =	vmul.f32 v41, v39  }
0x31e: {  	v47 =	vld [tilespmem:s25+$0x91C0];
	[tilespmem:s25+$0x9150] =	vst v3;
	v3 =	vmul.f32 v42, v39  }
0x31f: {  	v48 =	vbroadcast v1, $0x8;
	v49 =	vld [tilespmem:s25+$0x91D0];
	[tilespmem:s25+$0x9160] =	vst v2;
	v2 =	vmul.f32 v43, v39  }
0x320: {  	v50 =	vld [tilespmem:s25+$0x91E0];
	[tilespmem:s25+$0x9170] =	vst v3;
	v3 =	vmul.f32 v44, v39  }
0x321: {  	v51 =	vld [tilespmem:s25+$0x91F0];
	[tilespmem:s25+$0x9180] =	vst v2;
	v2 =	vmul.f32 v45, v48  }
0x322: {  	v52 =	vld [tilespmem:s25+$0x9200];
	[tilespmem:s25+$0x9190] =	vst v3;
	v3 =	vmul.f32 v46, v48  }
0x323: {  	v53 =	vld [tilespmem:s25+$0x9210];
	[tilespmem:s25+$0x91A0] =	vst v2;
	v2 =	vmul.f32 v47, v48  }
0x324: {  	v54 =	vld [tilespmem:s25+$0x9220];
	[tilespmem:s25+$0x91B0] =	vst v3;
	v3 =	vmul.f32 v49, v48  }
0x325: {  	v55 =	vld [tilespmem:s25+$0x9230];
	[tilespmem:s25+$0x91C0] =	vst v2;
	v2 =	vmul.f32 v50, v48  }
0x326: {  	v56 =	vld [tilespmem:s25+$0x9240];
	[tilespmem:s25+$0x91D0] =	vst v3;
	v3 =	vmul.f32 v51, v48  }
0x327: {  	v57 =	vbroadcast v1, $0x9;
	v58 =	vld [tilespmem:s25+$0x9250];
	[tilespmem:s25+$0x91E0] =	vst v2;
	v2 =	vmul.f32 v52, v48  }
0x328: {  	v59 =	vld [tilespmem:s25+$0x9260];
	[tilespmem:s25+$0x91F0] =	vst v3;
	v3 =	vmul.f32 v53, v48  }
0x329: {  	v60 =	vld [tilespmem:s25+$0x9270];
	[tilespmem:s25+$0x9200] =	vst v2;
	v2 =	vmul.f32 v54, v57  }
0x32a: {  	v61 =	vld [tilespmem:s25+$0x9280];
	[tilespmem:s25+$0x9210] =	vst v3;
	v3 =	vmul.f32 v55, v57  }
0x32b: {  	v62 =	vld [tilespmem:s25+$0x9290];
	[tilespmem:s25+$0x9220] =	vst v2;
	v2 =	vmul.f32 v56, v57  }
0x32c: {  	v63 =	vld [tilespmem:s25+$0x92A0];
	[tilespmem:s25+$0x9230] =	vst v3;
	v3 =	vmul.f32 v58, v57  }
0x32d: {  	v12 =	vld [tilespmem:s25+$0x92B0];
	[tilespmem:s25+$0x9240] =	vst v2;
	v2 =	vmul.f32 v59, v57  }
0x32e: {  	v13 =	vld [tilespmem:s25+$0x92C0];
	[tilespmem:s25+$0x9250] =	vst v3;
	v3 =	vmul.f32 v60, v57  }
0x32f: {  	v14 =	vbroadcast v1, $0xA;
	v15 =	vld [tilespmem:s25+$0x92D0];
	[tilespmem:s25+$0x9260] =	vst v2;
	v2 =	vmul.f32 v61, v57  }
0x330: {  	v16 =	vld [tilespmem:s25+$0x92E0];
	[tilespmem:s25+$0x9270] =	vst v3;
	v3 =	vmul.f32 v62, v57  }
0x331: {  	v17 =	vld [tilespmem:s25+$0x92F0];
	[tilespmem:s25+$0x9280] =	vst v2;
	v2 =	vmul.f32 v63, v14  }
0x332: {  	v18 =	vld [tilespmem:s25+$0x9300];
	[tilespmem:s25+$0x9290] =	vst v3;
	v3 =	vmul.f32 v12, v14  }
0x333: {  	v19 =	vld [tilespmem:s25+$0x9310];
	[tilespmem:s25+$0x92A0] =	vst v2;
	v2 =	vmul.f32 v13, v14  }
0x334: {  	v20 =	vld [tilespmem:s25+$0x9320];
	[tilespmem:s25+$0x92B0] =	vst v3;
	v3 =	vmul.f32 v15, v14  }
0x335: {  	v21 =	vld [tilespmem:s25+$0x9330];
	[tilespmem:s25+$0x92C0] =	vst v2;
	v2 =	vmul.f32 v16, v14  }
0x336: {  	v22 =	vld [tilespmem:s25+$0x9340];
	[tilespmem:s25+$0x92D0] =	vst v3;
	v3 =	vmul.f32 v17, v14  }
0x337: {  	v23 =	vbroadcast v1, $0xB;
	v24 =	vld [tilespmem:s25+$0x9350];
	[tilespmem:s25+$0x92E0] =	vst v2;
	v2 =	vmul.f32 v18, v14  }
0x338: {  	v25 =	vld [tilespmem:s25+$0x9360];
	[tilespmem:s25+$0x92F0] =	vst v3;
	v3 =	vmul.f32 v19, v14  }
0x339: {  	v26 =	vld [tilespmem:s25+$0x9370];
	[tilespmem:s25+$0x9300] =	vst v2;
	v2 =	vmul.f32 v20, v23  }
0x33a: {  	v27 =	vld [tilespmem:s25+$0x9380];
	[tilespmem:s25+$0x9310] =	vst v3;
	v3 =	vmul.f32 v21, v23  }
0x33b: {  	v28 =	vld [tilespmem:s25+$0x9390];
	[tilespmem:s25+$0x9320] =	vst v2;
	v2 =	vmul.f32 v22, v23  }
0x33c: {  	v29 =	vld [tilespmem:s25+$0x93A0];
	[tilespmem:s25+$0x9330] =	vst v3;
	v3 =	vmul.f32 v24, v23  }
0x33d: {  	v30 =	vld [tilespmem:s25+$0x93B0];
	[tilespmem:s25+$0x9340] =	vst v2;
	v2 =	vmul.f32 v25, v23  }
0x33e: {  	v31 =	vld [tilespmem:s25+$0x93C0];
	[tilespmem:s25+$0x9350] =	vst v3;
	v3 =	vmul.f32 v26, v23  }
0x33f: {  	v32 =	vbroadcast v1, $0xC;
	v33 =	vld [tilespmem:s25+$0x93D0];
	[tilespmem:s25+$0x9360] =	vst v2;
	v2 =	vmul.f32 v27, v23  }
0x340: {  	v34 =	vld [tilespmem:s25+$0x93E0];
	[tilespmem:s25+$0x9370] =	vst v3;
	v3 =	vmul.f32 v28, v23  }
0x341: {  	v35 =	vld [tilespmem:s25+$0x93F0];
	[tilespmem:s25+$0x9380] =	vst v2;
	v2 =	vmul.f32 v29, v32  }
0x342: {  	v36 =	vld [tilespmem:s25+$0x9400];
	[tilespmem:s25+$0x9390] =	vst v3;
	v3 =	vmul.f32 v30, v32  }
0x343: {  	v37 =	vld [tilespmem:s25+$0x9410];
	[tilespmem:s25+$0x93A0] =	vst v2;
	v2 =	vmul.f32 v31, v32  }
0x344: {  	v38 =	vld [tilespmem:s25+$0x9420];
	[tilespmem:s25+$0x93B0] =	vst v3;
	v3 =	vmul.f32 v33, v32  }
0x345: {  	v39 =	vld [tilespmem:s25+$0x9430];
	[tilespmem:s25+$0x93C0] =	vst v2;
	v2 =	vmul.f32 v34, v32  }
0x346: {  	v40 =	vld [tilespmem:s25+$0x9440];
	[tilespmem:s25+$0x93D0] =	vst v3;
	v3 =	vmul.f32 v35, v32  }
0x347: {  	v41 =	vbroadcast v1, $0xD;
	v42 =	vld [tilespmem:s25+$0x9450];
	[tilespmem:s25+$0x93E0] =	vst v2;
	v2 =	vmul.f32 v36, v32  }
0x348: {  	v43 =	vld [tilespmem:s25+$0x9460];
	[tilespmem:s25+$0x93F0] =	vst v3;
	v3 =	vmul.f32 v37, v32  }
0x349: {  	v44 =	vld [tilespmem:s25+$0x9470];
	[tilespmem:s25+$0x9400] =	vst v2;
	v2 =	vmul.f32 v38, v41  }
0x34a: {  	v45 =	vld [tilespmem:s25+$0x9480];
	[tilespmem:s25+$0x9410] =	vst v3;
	v3 =	vmul.f32 v39, v41  }
0x34b: {  	v46 =	vld [tilespmem:s25+$0x9490];
	[tilespmem:s25+$0x9420] =	vst v2;
	v2 =	vmul.f32 v40, v41  }
0x34c: {  	v47 =	vld [tilespmem:s25+$0x94A0];
	[tilespmem:s25+$0x9430] =	vst v3;
	v3 =	vmul.f32 v42, v41  }
0x34d: {  	v48 =	vld [tilespmem:s25+$0x94B0];
	[tilespmem:s25+$0x9440] =	vst v2;
	v2 =	vmul.f32 v43, v41  }
0x34e: {  	v49 =	vld [tilespmem:s25+$0x94C0];
	[tilespmem:s25+$0x9450] =	vst v3;
	v3 =	vmul.f32 v44, v41  }
0x34f: {  	v50 =	vbroadcast v1, $0xE;
	v51 =	vld [tilespmem:s25+$0x94D0];
	[tilespmem:s25+$0x9460] =	vst v2;
	v2 =	vmul.f32 v45, v41  }
0x350: {  	v52 =	vld [tilespmem:s25+$0x94E0];
	[tilespmem:s25+$0x9470] =	vst v3;
	v3 =	vmul.f32 v46, v41  }
0x351: {  	v53 =	vld [tilespmem:s25+$0x94F0];
	[tilespmem:s25+$0x9480] =	vst v2;
	v2 =	vmul.f32 v47, v50  }
0x352: {  	v54 =	vld [tilespmem:s25+$0x9500];
	[tilespmem:s25+$0x9490] =	vst v3;
	v3 =	vmul.f32 v48, v50  }
0x353: {  	v55 =	vld [tilespmem:s25+$0x9510];
	[tilespmem:s25+$0x94A0] =	vst v2;
	v2 =	vmul.f32 v49, v50  }
0x354: {  	v56 =	vld [tilespmem:s25+$0x9520];
	[tilespmem:s25+$0x94B0] =	vst v3;
	v3 =	vmul.f32 v51, v50  }
0x355: {  	v57 =	vld [tilespmem:s25+$0x9530];
	[tilespmem:s25+$0x94C0] =	vst v2;
	v2 =	vmul.f32 v52, v50  }
0x356: {  	v58 =	vld [tilespmem:s25+$0x9540];
	[tilespmem:s25+$0x94D0] =	vst v3;
	v3 =	vmul.f32 v53, v50  }
0x357: {  	v1 =	vbroadcast v1, $0xF;
	v59 =	vld [tilespmem:s25+$0x9550];
	[tilespmem:s25+$0x94E0] =	vst v2;
	v2 =	vmul.f32 v54, v50  }
0x358: {  	v60 =	vld [tilespmem:s25+$0x9560];
	[tilespmem:s25+$0x94F0] =	vst v3;
	v3 =	vmul.f32 v55, v50  }
0x359: {  	v61 =	vld [tilespmem:s25+$0x9570];
	[tilespmem:s25+$0x9500] =	vst v2;
	v2 =	vmul.f32 v56, v1  }
0x35a: {  	v62 =	vld [tilespmem:s25+$0x9580];
	[tilespmem:s25+$0x9510] =	vst v3;
	v3 =	vmul.f32 v57, v1  }
0x35b: {  	v63 =	vld [tilespmem:s25+$0x9590];
	[tilespmem:s25+$0x9520] =	vst v2;
	v2 =	vmul.f32 v58, v1  }
0x35c: {  	[tilespmem:s25+$0x9530] =	vst v3;
	v3 =	vmul.f32 v59, v1  }
0x35d: {  	p1 =	sne.s32 s19, $0x4;
	[tilespmem:s25+$0x9540] =	vst v2;
	v2 =	vmul.f32 v60, v1  }
.Ltmp12:
0x35e: {  	[tilespmem:s25+$0x9550] =	vst v3;
	v3 =	vmul.f32 v61, v1;
	(pc) =	sbr.rel @p1 .LBB2_14-.Ltmp12, $4  }
0x35f: {  	[tilespmem:s25+$0x9560] =	vst v2;
	v2 =	vmul.f32 v62, v1  }
0x360: {  	[tilespmem:s25+$0x9570] =	vst v3;
	v1 =	vmul.f32 v63, v1  }
0x361: {  	[tilespmem:s25+$0x9580] =	vst v2  }
0x362: {  	s19 =	sadd.s32 $0x1, s19;
	[tilespmem:s25+$0x9590] =	vst v1  }
.Ltmp13:
0x363: {  	(pc) =	sbr.rel .LBB2_16-.Ltmp13, $3  }
0x364: {  	_ =	sdelay $0x1  }
0x365: {  	s19 =	sadd.s32 $0x55F0, s21  }
0x366: {  	[spmem:s3] =	stream.indirect.scatter.add.f32 [tilespmem:s11], [sflag:$0x5], $0x80, s19, s29, $0xb8;
	[tilespmem:$0x1F098] =	vst v63  }
.LBB2_19:
0x367: {  	_ =	sfence.sel $0x180000  }
0x368: {  	[bflag:$0x0] =	sbarrier.arrive $0xFFFF  }
0x369: {  	_ =	strace $0x90000047  }
0x36a: {  	s0 =	stileid.u32;
	[bflag:$0x2] =	sbarrier.arrive $0xFFFF  }
0x36b: {  	p0 =	sne.s32 s0, $0x0;
	s0 =	rddreg [dreg:$0x4]  }
0x36c: {  	s0 =	sadd.s32 @!p0 $0x100000, s0  }
0x36d: {  	[sflag:s0] =	ssyncadd.tile.s32 @!p0 $0x1;
	_ =	shalt  }
.Lfunc_end2:
_tile_overlayer_lowered:
.L_overlay_start_2:
0x36e: {  	(tag) =	ssettag $0x2  }
0x36f: {  	s0 =	rddreg [dreg:$0x0];
	s2 =	stileid.u32  }
0x370: {  	s1 =	rddreg [dreg:$0x1];
	p0 =	sne.s32 s2, $0x0  }
0x371: {  	s3 =	rddreg [dreg:$0x2];
	[bflag:$0x3] =	sbarrier.arrive $0xFFFF;
	s2 =	simm.s32 @!p0 $0x1C06  }
0x372: {  	[timem:s3], [sflag:s2] =	dma.local @!p0 [hbm:s0], s1  }
0x373: {  	s0 =	simm.s32 @!p0 $0x6  }
0x374: {  	_ =	swait.ge @!p0 [sflag:s0], s1  }
0x375: {  	s1 =	ssub.s32 @!p0 $0x0, s1;
	[sflag:s0] =	ssyncset.done @!p0 $0x0  }
0x376: {  	[sflag:s0] =	ssyncadd.s32 @!p0 s1  }
0x377: {  	[bflag:$0x3] =	sbarrier.arrive $0xFFFF  }
0x378: {  	_ =	shalt  }

</sc_bundles>
